<compile_context>
chip_gen: v7x
topology: tpu7x:2x2x1
jax: 0.10.2.dev20260603
libtpu: 0.0.44.dev20260713+nightly
codegen_flags: <defaults>
</compile_context>

<pallas_src>
import functools

import jax
import jax.numpy as jnp
from jax import lax
from jax.experimental import pallas as pl
from jax.experimental.pallas import tpu as pltpu
from jax.experimental.pallas import tpu_sc as plsc

B, H, S, D = 8, 16, 2048, 128
L = 16
BH = B * H
RB = 4
NW = 32
ROWS = 256
CH = S // ROWS
PAIRS = BH // NW


def _tc_body(pos_ref, kc, kv, ko):
    ko[...] = kc[...]
    for rb in range(RB):
        for i in range(L):
            r = pos_ref[i]
            ko[rb, pl.ds(r, 1), :] = kv[rb, pl.ds(i, 1), :]


def _tc_call(input_pos, kc, kv):
    grid_spec = pltpu.PrefetchScalarGridSpec(
        num_scalar_prefetch=1,
        grid=(BH // RB,),
        in_specs=[
            pl.BlockSpec((RB, S, D), lambda i, pos: (i, 0, 0)),
            pl.BlockSpec((RB, L, D), lambda i, pos: (i, 0, 0)),
        ],
        out_specs=[
            pl.BlockSpec((RB, S, D), lambda i, pos: (i, 0, 0)),
        ],
    )
    return pl.pallas_call(
        _tc_body,
        grid_spec=grid_spec,
        out_shape=[jax.ShapeDtypeStruct((BH, S, D), jnp.float32)],
    )(input_pos, kc, kv)[0]


def _sc_kernel_body(pos_hbm, vv2, vc2, vo2,
                    buf0, buf1, val_buf, pos_v, idx_v,
                    in_sem, out_sem, g_sem, p_sem):
    wid = lax.axis_index("s") * 2 + lax.axis_index("c")

    pltpu.make_async_copy(pos_hbm, pos_v, p_sem).start()
    pltpu.make_async_copy(pos_hbm, pos_v, p_sem).wait()

    bufs = (buf0, buf1)
    tasks = [(p, c) for p in range(PAIRS) for c in range(CH)]
    ntask = len(tasks)

    def row0(p, c):
        return (wid * PAIRS + p) * S + c * ROWS

    def copy_in(i, b):
        p, c = tasks[i]
        return pltpu.make_async_copy(
            vc2.at[pl.ds(row0(p, c), ROWS), :], bufs[b], in_sem.at[b])

    def copy_out(i, b):
        p, c = tasks[i]
        return pltpu.make_async_copy(
            bufs[b], vo2.at[pl.ds(row0(p, c), ROWS), :], out_sem.at[b])

    copy_in(0, 0).start()
    copy_in(1, 1).start()
    for i in range(ntask):
        b = i & 1
        copy_in(i, b).wait()
        copy_out(i, b).start()
        if i + 2 < ntask:
            copy_out(i, b).wait()
            copy_in(i + 2, b).start()
    copy_out(ntask - 2, (ntask - 2) & 1).wait()
    copy_out(ntask - 1, (ntask - 1) & 1).wait()

    for p in range(PAIRS):
        bh = wid * PAIRS + p
        idx_v[...] = pos_v[...] + bh * S
        pltpu.make_async_copy(
            vv2.at[pl.ds(bh * L, L), :], val_buf, g_sem).start()
        pltpu.make_async_copy(
            vv2.at[pl.ds(bh * L, L), :], val_buf, g_sem).wait()
        pltpu.make_async_copy(val_buf, vo2.at[idx_v], g_sem).start()
        pltpu.make_async_copy(val_buf, vo2.at[idx_v], g_sem).wait()


def _sc_call(input_pos, vc, vv):
    mesh = plsc.VectorSubcoreMesh(core_axis_name="c", subcore_axis_name="s")
    fn = functools.partial(
        pl.kernel,
        mesh=mesh,
        out_type=[jax.ShapeDtypeStruct((BH * S, D), jnp.float32)],
        scratch_types=[
            pltpu.VMEM((ROWS, D), jnp.float32),
            pltpu.VMEM((ROWS, D), jnp.float32),
            pltpu.VMEM((L, D), jnp.float32),
            pltpu.VMEM((L,), jnp.int32),
            pltpu.VMEM((L,), jnp.int32),
            pltpu.SemaphoreType.DMA((2,)),
            pltpu.SemaphoreType.DMA((2,)),
            pltpu.SemaphoreType.DMA,
            pltpu.SemaphoreType.DMA,
        ],
    )(_sc_kernel_body)
    (vo2,) = fn(input_pos, vv.reshape(BH * L, D), vc.reshape(BH * S, D))
    return vo2.reshape(BH, S, D)


@jax.jit
def _run(input_pos, k_val, v_val, k_cache, v_cache):
    kc = k_cache.reshape(BH, S, D)
    vc = v_cache.reshape(BH, S, D)
    kv = k_val.reshape(BH, L, D)
    vv = v_val.reshape(BH, L, D)

    ko = _tc_call(input_pos, kc, kv)
    vo = _sc_call(input_pos, vc, vv)
    return ko.reshape(B, H, S, D), vo.reshape(B, H, S, D)


def kernel(input_pos, k_val, v_val, k_cache, v_cache):
    return _run(input_pos, k_val, v_val, k_cache, v_cache)

# --- scband reference (transcript-rebuilt; emitter-appended) ---
"""Pipeline reference for scband-kvcache-39238821216291 (READ-ONLY COPY).

The authoritative reference and input builder live on the scoring server;
editing this copy changes nothing except your own understanding.
"""

import jax, jax.numpy as jnp
import numpy as np

B, H, S, D = 8, 16, 2048, 128
L = 16


def setup_inputs(seed: int = 0) -> dict:
    key = jax.random.key(seed)
    k1, k2 = jax.random.split(key)
    return {
        "input_pos": jnp.arange(L, dtype=jnp.int32),
        "k_val": jax.random.normal(k1, (B, H, L, D), dtype=jnp.float32),
        "v_val": jax.random.normal(k2, (B, H, L, D), dtype=jnp.float32),
        "k_cache": jnp.zeros((B, H, S, D), dtype=jnp.float32),
        "v_cache": jnp.zeros((B, H, S, D), dtype=jnp.float32),
    }


def reference(input_pos, k_val, v_val, k_cache, v_cache):
    # transpose_cache=True, enable_dynamic_shape=False path:
    # k_out[:, :, input_pos] = k_val  (scatter-overwrite along seq axis)
    k_out = k_cache.at[:, :, input_pos].set(k_val)
    v_out = v_cache.at[:, :, input_pos].set(v_val)
    return (k_out, v_out)

if __name__ == "__main__":
    import jax
    _d = setup_inputs()
    print(jax.jit(kernel)(*tuple(_d.values())))

</pallas_src>

<mosaic_0001>
#map = affine_map<(d0, d1) -> (0)>
#map1 = affine_map<(d0, d1) -> (0, 0)>
module attributes {stable_mosaic.version = 14 : i64} {
  func.func @_sc_kernel_body(%arg0: i32, %arg1: i32, %arg2: memref<16xi32, #tpu.memory_space<hbm>>, %arg3: memref<2048x128xf32, #tpu.memory_space<hbm>>, %arg4: memref<262144x128xf32, #tpu.memory_space<hbm>>, %arg5: memref<262144x128xf32, #tpu.memory_space<hbm>>, %arg6: memref<256x128xf32, #tpu.memory_space<vmem>>, %arg7: memref<256x128xf32, #tpu.memory_space<vmem>>, %arg8: memref<16x128xf32, #tpu.memory_space<vmem>>, %arg9: memref<16xi32, #tpu.memory_space<vmem>>, %arg10: memref<16xi32, #tpu.memory_space<vmem>>, %arg11: memref<2x!tpu.dma_semaphore, #tpu.memory_space<semaphore_mem>>, %arg12: memref<2x!tpu.dma_semaphore, #tpu.memory_space<semaphore_mem>>, %arg13: memref<!tpu.dma_semaphore, #tpu.memory_space<semaphore_mem>>, %arg14: memref<!tpu.dma_semaphore, #tpu.memory_space<semaphore_mem>>) attributes {dimension_semantics = [#tpu.dimension_semantics<core_parallel>, #tpu.dimension_semantics<subcore_parallel>], iteration_bounds = array<i64: 2, 16>, scalar_prefetch = 0 : i64, scratch_operands = 9 : i64, tpu.core_type = #tpu.core_type<sc_vector_subcore>, window_params = [{transform_indices = #map}, {transform_indices = #map1}, {transform_indices = #map1}, {transform_indices = #map1}]} {
    %mul3A = arith.constant 2 : i32
    %mul3A_0 = arith.muli %arg1, %mul3A : i32
    %add3A = arith.addi %mul3A_0, %arg0 : i32
    tpu.enqueue_dma source(%arg2 : memref<16xi32, #tpu.memory_space<hbm>>) target(%arg9 : memref<16xi32, #tpu.memory_space<vmem>>) target_semaphore(%arg14 : memref<!tpu.dma_semaphore, #tpu.memory_space<semaphore_mem>>)
    tpu.wait_dma2 semaphore(%arg14 : memref<!tpu.dma_semaphore, #tpu.memory_space<semaphore_mem>>) src(%arg2 : memref<16xi32, #tpu.memory_space<hbm>>) dst(%arg9 : memref<16xi32, #tpu.memory_space<vmem>>)
    %mul3A_1 = arith.constant 4 : i32
    %mul3A_2 = arith.muli %add3A, %mul3A_1 : i32
    %add3A_3 = arith.constant 0 : i32
    %add3A_4 = arith.addi %mul3A_2, %add3A_3 : i32
    %mul3A_5 = arith.constant 2048 : i32
    %mul3A_6 = arith.muli %add3A_4, %mul3A_5 : i32
    %add3A_7 = arith.constant 0 : i32
    %add3A_8 = arith.addi %mul3A_6, %add3A_7 : i32
    %dma_start3A = arith.constant 0 : i32
    %dma_start3A_9 = arith.constant 0 : i32
    %dma_start3A_10 = tpu.memref_slice %arg4[%add3A_8, %dma_start3A_9] : memref<262144x128xf32, #tpu.memory_space<hbm>> -> memref<256x128xf32, #tpu.memory_space<hbm>>
    %dma_start3A_11 = tpu.memref_slice %arg11[%dma_start3A] : memref<2x!tpu.dma_semaphore, #tpu.memory_space<semaphore_mem>> -> memref<1x!tpu.dma_semaphore, #tpu.memory_space<semaphore_mem>>
    %dma_start3A_12 = tpu.memref_squeeze %dma_start3A_11 : memref<1x!tpu.dma_semaphore, #tpu.memory_space<semaphore_mem>> -> memref<!tpu.dma_semaphore, #tpu.memory_space<semaphore_mem>>
    %dma_start3A_13 = arith.constant 0 : i32
    %dma_start3A_14 = tpu.memref_slice %arg4[%add3A_8, %dma_start3A_13] : memref<262144x128xf32, #tpu.memory_space<hbm>> -> memref<256x128xf32, #tpu.memory_space<hbm>>
    tpu.enqueue_dma source(%dma_start3A_14 : memref<256x128xf32, #tpu.memory_space<hbm>>) target(%arg6 : memref<256x128xf32, #tpu.memory_space<vmem>>) target_semaphore(%dma_start3A_12 : memref<!tpu.dma_semaphore, #tpu.memory_space<semaphore_mem>>)
    %mul3A_15 = arith.constant 4 : i32
    %mul3A_16 = arith.muli %add3A, %mul3A_15 : i32
    %add3A_17 = arith.constant 0 : i32
    %add3A_18 = arith.addi %mul3A_16, %add3A_17 : i32
    %mul3A_19 = arith.constant 2048 : i32
    %mul3A_20 = arith.muli %add3A_18, %mul3A_19 : i32
    %add3A_21 = arith.constant 256 : i32
    %add3A_22 = arith.addi %mul3A_20, %add3A_21 : i32
    %dma_start3A_23 = arith.constant 1 : i32
    %dma_start3A_24 = arith.constant 0 : i32
    %dma_start3A_25 = tpu.memref_slice %arg4[%add3A_22, %dma_start3A_24] : memref<262144x128xf32, #tpu.memory_space<hbm>> -> memref<256x128xf32, #tpu.memory_space<hbm>>
    %dma_start3A_26 = tpu.memref_slice %arg11[%dma_start3A_23] : memref<2x!tpu.dma_semaphore, #tpu.memory_space<semaphore_mem>> -> memref<1x!tpu.dma_semaphore, #tpu.memory_space<semaphore_mem>>
    %dma_start3A_27 = tpu.memref_squeeze %dma_start3A_26 : memref<1x!tpu.dma_semaphore, #tpu.memory_space<semaphore_mem>> -> memref<!tpu.dma_semaphore, #tpu.memory_space<semaphore_mem>>
    %dma_start3A_28 = arith.constant 0 : i32
    %dma_start3A_29 = tpu.memref_slice %arg4[%add3A_22, %dma_start3A_28] : memref<262144x128xf32, #tpu.memory_space<hbm>> -> memref<256x128xf32, #tpu.memory_space<hbm>>
    tpu.enqueue_dma source(%dma_start3A_29 : memref<256x128xf32, #tpu.memory_space<hbm>>) target(%arg7 : memref<256x128xf32, #tpu.memory_space<vmem>>) target_semaphore(%dma_start3A_27 : memref<!tpu.dma_semaphore, #tpu.memory_space<semaphore_mem>>)
    %mul3A_30 = arith.constant 4 : i32
    %mul3A_31 = arith.muli %add3A, %mul3A_30 : i32
    %add3A_32 = arith.constant 0 : i32
    %add3A_33 = arith.addi %mul3A_31, %add3A_32 : i32
    %mul3A_34 = arith.constant 2048 : i32
    %mul3A_35 = arith.muli %add3A_33, %mul3A_34 : i32
    %add3A_36 = arith.constant 0 : i32
    %add3A_37 = arith.addi %mul3A_35, %add3A_36 : i32
    %dma_wait3A = arith.constant 0 : i32
    %dma_wait3A_38 = arith.constant 0 : i32
    %dma_wait3A_39 = tpu.memref_slice %arg4[%add3A_37, %dma_wait3A_38] : memref<262144x128xf32, #tpu.memory_space<hbm>> -> memref<256x128xf32, #tpu.memory_space<hbm>>
    %dma_wait3A_40 = tpu.memref_slice %arg11[%dma_wait3A] : memref<2x!tpu.dma_semaphore, #tpu.memory_space<semaphore_mem>> -> memref<1x!tpu.dma_semaphore, #tpu.memory_space<semaphore_mem>>
    %dma_wait3A_41 = tpu.memref_squeeze %dma_wait3A_40 : memref<1x!tpu.dma_semaphore, #tpu.memory_space<semaphore_mem>> -> memref<!tpu.dma_semaphore, #tpu.memory_space<semaphore_mem>>
    %dma_wait3A_42 = arith.constant 0 : i32
    %dma_wait3A_43 = tpu.memref_slice %arg4[%add3A_37, %dma_wait3A_42] : memref<262144x128xf32, #tpu.memory_space<hbm>> -> memref<256x128xf32, #tpu.memory_space<hbm>>
    tpu.wait_dma2 semaphore(%dma_wait3A_41 : memref<!tpu.dma_semaphore, #tpu.memory_space<semaphore_mem>>) src(%dma_wait3A_43 : memref<256x128xf32, #tpu.memory_space<hbm>>) dst(%arg6 : memref<256x128xf32, #tpu.memory_space<vmem>>)
    %mul3A_44 = arith.constant 4 : i32
    %mul3A_45 = arith.muli %add3A, %mul3A_44 : i32
    %add3A_46 = arith.constant 0 : i32
    %add3A_47 = arith.addi %mul3A_45, %add3A_46 : i32
    %mul3A_48 = arith.constant 2048 : i32
    %mul3A_49 = arith.muli %add3A_47, %mul3A_48 : i32
    %add3A_50 = arith.constant 0 : i32
    %add3A_51 = arith.addi %mul3A_49, %add3A_50 : i32
    %dma_start3A_52 = arith.constant 0 : i32
    %dma_start3A_53 = arith.constant 0 : i32
    %dma_start3A_54 = tpu.memref_slice %arg5[%add3A_51, %dma_start3A_53] : memref<262144x128xf32, #tpu.memory_space<hbm>> -> memref<256x128xf32, #tpu.memory_space<hbm>>
    %dma_start3A_55 = tpu.memref_slice %arg12[%dma_start3A_52] : memref<2x!tpu.dma_semaphore, #tpu.memory_space<semaphore_mem>> -> memref<1x!tpu.dma_semaphore, #tpu.memory_space<semaphore_mem>>
    %dma_start3A_56 = tpu.memref_squeeze %dma_start3A_55 : memref<1x!tpu.dma_semaphore, #tpu.memory_space<semaphore_mem>> -> memref<!tpu.dma_semaphore, #tpu.memory_space<semaphore_mem>>
    %dma_start3A_57 = arith.constant 0 : i32
    %dma_start3A_58 = tpu.memref_slice %arg5[%add3A_51, %dma_start3A_57] : memref<262144x128xf32, #tpu.memory_space<hbm>> -> memref<256x128xf32, #tpu.memory_space<hbm>>
    tpu.enqueue_dma source(%arg6 : memref<256x128xf32, #tpu.memory_space<vmem>>) target(%dma_start3A_58 : memref<256x128xf32, #tpu.memory_space<hbm>>) target_semaphore(%dma_start3A_56 : memref<!tpu.dma_semaphore, #tpu.memory_space<semaphore_mem>>)
    %mul3A_59 = arith.constant 4 : i32
    %mul3A_60 = arith.muli %add3A, %mul3A_59 : i32
    %add3A_61 = arith.constant 0 : i32
    %add3A_62 = arith.addi %mul3A_60, %add3A_61 : i32
    %mul3A_63 = arith.constant 2048 : i32
    %mul3A_64 = arith.muli %add3A_62, %mul3A_63 : i32
    %add3A_65 = arith.constant 0 : i32
    %add3A_66 = arith.addi %mul3A_64, %add3A_65 : i32
    %dma_wait3A_67 = arith.constant 0 : i32
    %dma_wait3A_68 = arith.constant 0 : i32
    %dma_wait3A_69 = tpu.memref_slice %arg5[%add3A_66, %dma_wait3A_68] : memref<262144x128xf32, #tpu.memory_space<hbm>> -> memref<256x128xf32, #tpu.memory_space<hbm>>
    %dma_wait3A_70 = tpu.memref_slice %arg12[%dma_wait3A_67] : memref<2x!tpu.dma_semaphore, #tpu.memory_space<semaphore_mem>> -> memref<1x!tpu.dma_semaphore, #tpu.memory_space<semaphore_mem>>
    %dma_wait3A_71 = tpu.memref_squeeze %dma_wait3A_70 : memref<1x!tpu.dma_semaphore, #tpu.memory_space<semaphore_mem>> -> memref<!tpu.dma_semaphore, #tpu.memory_space<semaphore_mem>>
    %dma_wait3A_72 = arith.constant 0 : i32
    %dma_wait3A_73 = tpu.memref_slice %arg5[%add3A_66, %dma_wait3A_72] : memref<262144x128xf32, #tpu.memory_space<hbm>> -> memref<256x128xf32, #tpu.memory_space<hbm>>
    tpu.wait_dma2 semaphore(%dma_wait3A_71 : memref<!tpu.dma_semaphore, #tpu.memory_space<semaphore_mem>>) src(%arg6 : memref<256x128xf32, #tpu.memory_space<vmem>>) dst(%dma_wait3A_73 : memref<256x128xf32, #tpu.memory_space<hbm>>)
    %mul3A_74 = arith.constant 4 : i32
    %mul3A_75 = arith.muli %add3A, %mul3A_74 : i32
    %add3A_76 = arith.constant 0 : i32
    %add3A_77 = arith.addi %mul3A_75, %add3A_76 : i32
    %mul3A_78 = arith.constant 2048 : i32
    %mul3A_79 = arith.muli %add3A_77, %mul3A_78 : i32
    %add3A_80 = arith.constant 512 : i32
    %add3A_81 = arith.addi %mul3A_79, %add3A_80 : i32
    %dma_start3A_82 = arith.constant 0 : i32
    %dma_start3A_83 = arith.constant 0 : i32
    %dma_start3A_84 = tpu.memref_slice %arg4[%add3A_81, %dma_start3A_83] : memref<262144x128xf32, #tpu.memory_space<hbm>> -> memref<256x128xf32, #tpu.memory_space<hbm>>
    %dma_start3A_85 = tpu.memref_slice %arg11[%dma_start3A_82] : memref<2x!tpu.dma_semaphore, #tpu.memory_space<semaphore_mem>> -> memref<1x!tpu.dma_semaphore, #tpu.memory_space<semaphore_mem>>
    %dma_start3A_86 = tpu.memref_squeeze %dma_start3A_85 : memref<1x!tpu.dma_semaphore, #tpu.memory_space<semaphore_mem>> -> memref<!tpu.dma_semaphore, #tpu.memory_space<semaphore_mem>>
    %dma_start3A_87 = arith.constant 0 : i32
    %dma_start3A_88 = tpu.memref_slice %arg4[%add3A_81, %dma_start3A_87] : memref<262144x128xf32, #tpu.memory_space<hbm>> -> memref<256x128xf32, #tpu.memory_space<hbm>>
    tpu.enqueue_dma source(%dma_start3A_88 : memref<256x128xf32, #tpu.memory_space<hbm>>) target(%arg6 : memref<256x128xf32, #tpu.memory_space<vmem>>) target_semaphore(%dma_start3A_86 : memref<!tpu.dma_semaphore, #tpu.memory_space<semaphore_mem>>)
    %mul3A_89 = arith.constant 4 : i32
    %mul3A_90 = arith.muli %add3A, %mul3A_89 : i32
    %add3A_91 = arith.constant 0 : i32
    %add3A_92 = arith.addi %mul3A_90, %add3A_91 : i32
    %mul3A_93 = arith.constant 2048 : i32
    %mul3A_94 = arith.muli %add3A_92, %mul3A_93 : i32
    %add3A_95 = arith.constant 256 : i32
    %add3A_96 = arith.addi %mul3A_94, %add3A_95 : i32
    %dma_wait3A_97 = arith.constant 1 : i32
    %dma_wait3A_98 = arith.constant 0 : i32
    %dma_wait3A_99 = tpu.memref_slice %arg4[%add3A_96, %dma_wait3A_98] : memref<262144x128xf32, #tpu.memory_space<hbm>> -> memref<256x128xf32, #tpu.memory_space<hbm>>
    %dma_wait3A_100 = tpu.memref_slice %arg11[%dma_wait3A_97] : memref<2x!tpu.dma_semaphore, #tpu.memory_space<semaphore_mem>> -> memref<1x!tpu.dma_semaphore, #tpu.memory_space<semaphore_mem>>
    %dma_wait3A_101 = tpu.memref_squeeze %dma_wait3A_100 : memref<1x!tpu.dma_semaphore, #tpu.memory_space<semaphore_mem>> -> memref<!tpu.dma_semaphore, #tpu.memory_space<semaphore_mem>>
    %dma_wait3A_102 = arith.constant 0 : i32
    %dma_wait3A_103 = tpu.memref_slice %arg4[%add3A_96, %dma_wait3A_102] : memref<262144x128xf32, #tpu.memory_space<hbm>> -> memref<256x128xf32, #tpu.memory_space<hbm>>
    tpu.wait_dma2 semaphore(%dma_wait3A_101 : memref<!tpu.dma_semaphore, #tpu.memory_space<semaphore_mem>>) src(%dma_wait3A_103 : memref<256x128xf32, #tpu.memory_space<hbm>>) dst(%arg7 : memref<256x128xf32, #tpu.memory_space<vmem>>)
    %mul3A_104 = arith.constant 4 : i32
    %mul3A_105 = arith.muli %add3A, %mul3A_104 : i32
    %add3A_106 = arith.constant 0 : i32
    %add3A_107 = arith.addi %mul3A_105, %add3A_106 : i32
    %mul3A_108 = arith.constant 2048 : i32
    %mul3A_109 = arith.muli %add3A_107, %mul3A_108 : i32
    %add3A_110 = arith.constant 256 : i32
    %add3A_111 = arith.addi %mul3A_109, %add3A_110 : i32
    %dma_start3A_112 = arith.constant 1 : i32
    %dma_start3A_113 = arith.constant 0 : i32
    %dma_start3A_114 = tpu.memref_slice %arg5[%add3A_111, %dma_start3A_113] : memref<262144x128xf32, #tpu.memory_space<hbm>> -> memref<256x128xf32, #tpu.memory_space<hbm>>
    %dma_start3A_115 = tpu.memref_slice %arg12[%dma_start3A_112] : memref<2x!tpu.dma_semaphore, #tpu.memory_space<semaphore_mem>> -> memref<1x!tpu.dma_semaphore, #tpu.memory_space<semaphore_mem>>
    %dma_start3A_116 = tpu.memref_squeeze %dma_start3A_115 : memref<1x!tpu.dma_semaphore, #tpu.memory_space<semaphore_mem>> -> memref<!tpu.dma_semaphore, #tpu.memory_space<semaphore_mem>>
    %dma_start3A_117 = arith.constant 0 : i32
    %dma_start3A_118 = tpu.memref_slice %arg5[%add3A_111, %dma_start3A_117] : memref<262144x128xf32, #tpu.memory_space<hbm>> -> memref<256x128xf32, #tpu.memory_space<hbm>>
    tpu.enqueue_dma source(%arg7 : memref<256x128xf32, #tpu.memory_space<vmem>>) target(%dma_start3A_118 : memref<256x128xf32, #tpu.memory_space<hbm>>) target_semaphore(%dma_start3A_116 : memref<!tpu.dma_semaphore, #tpu.memory_space<semaphore_mem>>)
    %mul3A_119 = arith.constant 4 : i32
    %mul3A_120 = arith.muli %add3A, %mul3A_119 : i32
    %add3A_121 = arith.constant 0 : i32
    %add3A_122 = arith.addi %mul3A_120, %add3A_121 : i32
    %mul3A_123 = arith.constant 2048 : i32
    %mul3A_124 = arith.muli %add3A_122, %mul3A_123 : i32
    %add3A_125 = arith.constant 256 : i32
    %add3A_126 = arith.addi %mul3A_124, %add3A_125 : i32
    %dma_wait3A_127 = arith.constant 1 : i32
    %dma_wait3A_128 = arith.constant 0 : i32
    %dma_wait3A_129 = tpu.memref_slice %arg5[%add3A_126, %dma_wait3A_128] : memref<262144x128xf32, #tpu.memory_space<hbm>> -> memref<256x128xf32, #tpu.memory_space<hbm>>
    %dma_wait3A_130 = tpu.memref_slice %arg12[%dma_wait3A_127] : memref<2x!tpu.dma_semaphore, #tpu.memory_space<semaphore_mem>> -> memref<1x!tpu.dma_semaphore, #tpu.memory_space<semaphore_mem>>
    %dma_wait3A_131 = tpu.memref_squeeze %dma_wait3A_130 : memref<1x!tpu.dma_semaphore, #tpu.memory_space<semaphore_mem>> -> memref<!tpu.dma_semaphore, #tpu.memory_space<semaphore_mem>>
    %dma_wait3A_132 = arith.constant 0 : i32
    %dma_wait3A_133 = tpu.memref_slice %arg5[%add3A_126, %dma_wait3A_132] : memref<262144x128xf32, #tpu.memory_space<hbm>> -> memref<256x128xf32, #tpu.memory_space<hbm>>
    tpu.wait_dma2 semaphore(%dma_wait3A_131 : memref<!tpu.dma_semaphore, #tpu.memory_space<semaphore_mem>>) src(%arg7 : memref<256x128xf32, #tpu.memory_space<vmem>>) dst(%dma_wait3A_133 : memref<256x128xf32, #tpu.memory_space<hbm>>)
    %mul3A_134 = arith.constant 4 : i32
    %mul3A_135 = arith.muli %add3A, %mul3A_134 : i32
    %add3A_136 = arith.constant 0 : i32
    %add3A_137 = arith.addi %mul3A_135, %add3A_136 : i32
    %mul3A_138 = arith.constant 2048 : i32
    %mul3A_139 = arith.muli %add3A_137, %mul3A_138 : i32
    %add3A_140 = arith.constant 768 : i32
    %add3A_141 = arith.addi %mul3A_139, %add3A_140 : i32
    %dma_start3A_142 = arith.constant 1 : i32
    %dma_start3A_143 = arith.constant 0 : i32
    %dma_start3A_144 = tpu.memref_slice %arg4[%add3A_141, %dma_start3A_143] : memref<262144x128xf32, #tpu.memory_space<hbm>> -> memref<256x128xf32, #tpu.memory_space<hbm>>
    %dma_start3A_145 = tpu.memref_slice %arg11[%dma_start3A_142] : memref<2x!tpu.dma_semaphore, #tpu.memory_space<semaphore_mem>> -> memref<1x!tpu.dma_semaphore, #tpu.memory_space<semaphore_mem>>
    %dma_start3A_146 = tpu.memref_squeeze %dma_start3A_145 : memref<1x!tpu.dma_semaphore, #tpu.memory_space<semaphore_mem>> -> memref<!tpu.dma_semaphore, #tpu.memory_space<semaphore_mem>>
    %dma_start3A_147 = arith.constant 0 : i32
    %dma_start3A_148 = tpu.memref_slice %arg4[%add3A_141, %dma_start3A_147] : memref<262144x128xf32, #tpu.memory_space<hbm>> -> memref<256x128xf32, #tpu.memory_space<hbm>>
    tpu.enqueue_dma source(%dma_start3A_148 : memref<256x128xf32, #tpu.memory_space<hbm>>) target(%arg7 : memref<256x128xf32, #tpu.memory_space<vmem>>) target_semaphore(%dma_start3A_146 : memref<!tpu.dma_semaphore, #tpu.memory_space<semaphore_mem>>)
    %mul3A_149 = arith.constant 4 : i32
    %mul3A_150 = arith.muli %add3A, %mul3A_149 : i32
    %add3A_151 = arith.constant 0 : i32
    %add3A_152 = arith.addi %mul3A_150, %add3A_151 : i32
    %mul3A_153 = arith.constant 2048 : i32
    %mul3A_154 = arith.muli %add3A_152, %mul3A_153 : i32
    %add3A_155 = arith.constant 512 : i32
    %add3A_156 = arith.addi %mul3A_154, %add3A_155 : i32
    %dma_wait3A_157 = arith.constant 0 : i32
    %dma_wait3A_158 = arith.constant 0 : i32
    %dma_wait3A_159 = tpu.memref_slice %arg4[%add3A_156, %dma_wait3A_158] : memref<262144x128xf32, #tpu.memory_space<hbm>> -> memref<256x128xf32, #tpu.memory_space<hbm>>
    %dma_wait3A_160 = tpu.memref_slice %arg11[%dma_wait3A_157] : memref<2x!tpu.dma_semaphore, #tpu.memory_space<semaphore_mem>> -> memref<1x!tpu.dma_semaphore, #tpu.memory_space<semaphore_mem>>
    %dma_wait3A_161 = tpu.memref_squeeze %dma_wait3A_160 : memref<1x!tpu.dma_semaphore, #tpu.memory_space<semaphore_mem>> -> memref<!tpu.dma_semaphore, #tpu.memory_space<semaphore_mem>>
    %dma_wait3A_162 = arith.constant 0 : i32
    %dma_wait3A_163 = tpu.memref_slice %arg4[%add3A_156, %dma_wait3A_162] : memref<262144x128xf32, #tpu.memory_space<hbm>> -> memref<256x128xf32, #tpu.memory_space<hbm>>
    tpu.wait_dma2 semaphore(%dma_wait3A_161 : memref<!tpu.dma_semaphore, #tpu.memory_space<semaphore_mem>>) src(%dma_wait3A_163 : memref<256x128xf32, #tpu.memory_space<hbm>>) dst(%arg6 : memref<256x128xf32, #tpu.memory_space<vmem>>)
    %mul3A_164 = arith.constant 4 : i32
    %mul3A_165 = arith.muli %add3A, %mul3A_164 : i32
    %add3A_166 = arith.constant 0 : i32
    %add3A_167 = arith.addi %mul3A_165, %add3A_166 : i32
    %mul3A_168 = arith.constant 2048 : i32
    %mul3A_169 = arith.muli %add3A_167, %mul3A_168 : i32
    %add3A_170 = arith.constant 512 : i32
    %add3A_171 = arith.addi %mul3A_169, %add3A_170 : i32
    %dma_start3A_172 = arith.constant 0 : i32
    %dma_start3A_173 = arith.constant 0 : i32
    %dma_start3A_174 = tpu.memref_slice %arg5[%add3A_171, %dma_start3A_173] : memref<262144x128xf32, #tpu.memory_space<hbm>> -> memref<256x128xf32, #tpu.memory_space<hbm>>
    %dma_start3A_175 = tpu.memref_slice %arg12[%dma_start3A_172] : memref<2x!tpu.dma_semaphore, #tpu.memory_space<semaphore_mem>> -> memref<1x!tpu.dma_semaphore, #tpu.memory_space<semaphore_mem>>
    %dma_start3A_176 = tpu.memref_squeeze %dma_start3A_175 : memref<1x!tpu.dma_semaphore, #tpu.memory_space<semaphore_mem>> -> memref<!tpu.dma_semaphore, #tpu.memory_space<semaphore_mem>>
    %dma_start3A_177 = arith.constant 0 : i32
    %dma_start3A_178 = tpu.memref_slice %arg5[%add3A_171, %dma_start3A_177] : memref<262144x128xf32, #tpu.memory_space<hbm>> -> memref<256x128xf32, #tpu.memory_space<hbm>>
    tpu.enqueue_dma source(%arg6 : memref<256x128xf32, #tpu.memory_space<vmem>>) target(%dma_start3A_178 : memref<256x128xf32, #tpu.memory_space<hbm>>) target_semaphore(%dma_start3A_176 : memref<!tpu.dma_semaphore, #tpu.memory_space<semaphore_mem>>)
    %mul3A_179 = arith.constant 4 : i32
    %mul3A_180 = arith.muli %add3A, %mul3A_179 : i32
    %add3A_181 = arith.constant 0 : i32
    %add3A_182 = arith.addi %mul3A_180, %add3A_181 : i32
    %mul3A_183 = arith.constant 2048 : i32
    %mul3A_184 = arith.muli %add3A_182, %mul3A_183 : i32
    %add3A_185 = arith.constant 512 : i32
    %add3A_186 = arith.addi %mul3A_184, %add3A_185 : i32
    %dma_wait3A_187 = arith.constant 0 : i32
    %dma_wait3A_188 = arith.constant 0 : i32
    %dma_wait3A_189 = tpu.memref_slice %arg5[%add3A_186, %dma_wait3A_188] : memref<262144x128xf32, #tpu.memory_space<hbm>> -> memref<256x128xf32, #tpu.memory_space<hbm>>
    %dma_wait3A_190 = tpu.memref_slice %arg12[%dma_wait3A_187] : memref<2x!tpu.dma_semaphore, #tpu.memory_space<semaphore_mem>> -> memref<1x!tpu.dma_semaphore, #tpu.memory_space<semaphore_mem>>
    %dma_wait3A_191 = tpu.memref_squeeze %dma_wait3A_190 : memref<1x!tpu.dma_semaphore, #tpu.memory_space<semaphore_mem>> -> memref<!tpu.dma_semaphore, #tpu.memory_space<semaphore_mem>>
    %dma_wait3A_192 = arith.constant 0 : i32
    %dma_wait3A_193 = tpu.memref_slice %arg5[%add3A_186, %dma_wait3A_192] : memref<262144x128xf32, #tpu.memory_space<hbm>> -> memref<256x128xf32, #tpu.memory_space<hbm>>
    tpu.wait_dma2 semaphore(%dma_wait3A_191 : memref<!tpu.dma_semaphore, #tpu.memory_space<semaphore_mem>>) src(%arg6 : memref<256x128xf32, #tpu.memory_space<vmem>>) dst(%dma_wait3A_193 : memref<256x128xf32, #tpu.memory_space<hbm>>)
    %mul3A_194 = arith.constant 4 : i32
    %mul3A_195 = arith.muli %add3A, %mul3A_194 : i32
    %add3A_196 = arith.constant 0 : i32
    %add3A_197 = arith.addi %mul3A_195, %add3A_196 : i32
    %mul3A_198 = arith.constant 2048 : i32
    %mul3A_199 = arith.muli %add3A_197, %mul3A_198 : i32
    %add3A_200 = arith.constant 1024 : i32
    %add3A_201 = arith.addi %mul3A_199, %add3A_200 : i32
    %dma_start3A_202 = arith.constant 0 : i32
    %dma_start3A_203 = arith.constant 0 : i32
    %dma_start3A_204 = tpu.memref_slice %arg4[%add3A_201, %dma_start3A_203] : memref<262144x128xf32, #tpu.memory_space<hbm>> -> memref<256x128xf32, #tpu.memory_space<hbm>>
    %dma_start3A_205 = tpu.memref_slice %arg11[%dma_start3A_202] : memref<2x!tpu.dma_semaphore, #tpu.memory_space<semaphore_mem>> -> memref<1x!tpu.dma_semaphore, #tpu.memory_space<semaphore_mem>>
    %dma_start3A_206 = tpu.memref_squeeze %dma_start3A_205 : memref<1x!tpu.dma_semaphore, #tpu.memory_space<semaphore_mem>> -> memref<!tpu.dma_semaphore, #tpu.memory_space<semaphore_mem>>
    %dma_start3A_207 = arith.constant 0 : i32
    %dma_start3A_208 = tpu.memref_slice %arg4[%add3A_201, %dma_start3A_207] : memref<262144x128xf32, #tpu.memory_space<hbm>> -> memref<256x128xf32, #tpu.memory_space<hbm>>
    tpu.enqueue_dma source(%dma_start3A_208 : memref<256x128xf32, #tpu.memory_space<hbm>>) target(%arg6 : memref<256x128xf32, #tpu.memory_space<vmem>>) target_semaphore(%dma_start3A_206 : memref<!tpu.dma_semaphore, #tpu.memory_space<semaphore_mem>>)
    %mul3A_209 = arith.constant 4 : i32
    %mul3A_210 = arith.muli %add3A, %mul3A_209 : i32
    %add3A_211 = arith.constant 0 : i32
    %add3A_212 = arith.addi %mul3A_210, %add3A_211 : i32
    %mul3A_213 = arith.constant 2048 : i32
    %mul3A_214 = arith.muli %add3A_212, %mul3A_213 : i32
    %add3A_215 = arith.constant 768 : i32
    %add3A_216 = arith.addi %mul3A_214, %add3A_215 : i32
    %dma_wait3A_217 = arith.constant 1 : i32
    %dma_wait3A_218 = arith.constant 0 : i32
    %dma_wait3A_219 = tpu.memref_slice %arg4[%add3A_216, %dma_wait3A_218] : memref<262144x128xf32, #tpu.memory_space<hbm>> -> memref<256x128xf32, #tpu.memory_space<hbm>>
    %dma_wait3A_220 = tpu.memref_slice %arg11[%dma_wait3A_217] : memref<2x!tpu.dma_semaphore, #tpu.memory_space<semaphore_mem>> -> memref<1x!tpu.dma_semaphore, #tpu.memory_space<semaphore_mem>>
    %dma_wait3A_221 = tpu.memref_squeeze %dma_wait3A_220 : memref<1x!tpu.dma_semaphore, #tpu.memory_space<semaphore_mem>> -> memref<!tpu.dma_semaphore, #tpu.memory_space<semaphore_mem>>
    %dma_wait3A_222 = arith.constant 0 : i32
    %dma_wait3A_223 = tpu.memref_slice %arg4[%add3A_216, %dma_wait3A_222] : memref<262144x128xf32, #tpu.memory_space<hbm>> -> memref<256x128xf32, #tpu.memory_space<hbm>>
    tpu.wait_dma2 semaphore(%dma_wait3A_221 : memref<!tpu.dma_semaphore, #tpu.memory_space<semaphore_mem>>) src(%dma_wait3A_223 : memref<256x128xf32, #tpu.memory_space<hbm>>) dst(%arg7 : memref<256x128xf32, #tpu.memory_space<vmem>>)
    %mul3A_224 = arith.constant 4 : i32
    %mul3A_225 = arith.muli %add3A, %mul3A_224 : i32
    %add3A_226 = arith.constant 0 : i32
    %add3A_227 = arith.addi %mul3A_225, %add3A_226 : i32
    %mul3A_228 = arith.constant 2048 : i32
    %mul3A_229 = arith.muli %add3A_227, %mul3A_228 : i32
    %add3A_230 = arith.constant 768 : i32
    %add3A_231 = arith.addi %mul3A_229, %add3A_230 : i32
    %dma_start3A_232 = arith.constant 1 : i32
    %dma_start3A_233 = arith.constant 0 : i32
    %dma_start3A_234 = tpu.memref_slice %arg5[%add3A_231, %dma_start3A_233] : memref<262144x128xf32, #tpu.memory_space<hbm>> -> memref<256x128xf32, #tpu.memory_space<hbm>>
    %dma_start3A_235 = tpu.memref_slice %arg12[%dma_start3A_232] : memref<2x!tpu.dma_semaphore, #tpu.memory_space<semaphore_mem>> -> memref<1x!tpu.dma_semaphore, #tpu.memory_space<semaphore_mem>>
    %dma_start3A_236 = tpu.memref_squeeze %dma_start3A_235 : memref<1x!tpu.dma_semaphore, #tpu.memory_space<semaphore_mem>> -> memref<!tpu.dma_semaphore, #tpu.memory_space<semaphore_mem>>
    %dma_start3A_237 = arith.constant 0 : i32
    %dma_start3A_238 = tpu.memref_slice %arg5[%add3A_231, %dma_start3A_237] : memref<262144x128xf32, #tpu.memory_space<hbm>> -> memref<256x128xf32, #tpu.memory_space<hbm>>
    tpu.enqueue_dma source(%arg7 : memref<256x128xf32, #tpu.memory_space<vmem>>) target(%dma_start3A_238 : memref<256x128xf32, #tpu.memory_space<hbm>>) target_semaphore(%dma_start3A_236 : memref<!tpu.dma_semaphore, #tpu.memory_space<semaphore_mem>>)
    %mul3A_239 = arith.constant 4 : i32
    %mul3A_240 = arith.muli %add3A, %mul3A_239 : i32
    %add3A_241 = arith.constant 0 : i32
    %add3A_242 = arith.addi %mul3A_240, %add3A_241 : i32
    %mul3A_243 = arith.constant 2048 : i32
    %mul3A_244 = arith.muli %add3A_242, %mul3A_243 : i32
    %add3A_245 = arith.constant 768 : i32
    %add3A_246 = arith.addi %mul3A_244, %add3A_245 : i32
    %dma_wait3A_247 = arith.constant 1 : i32
    %dma_wait3A_248 = arith.constant 0 : i32
    %dma_wait3A_249 = tpu.memref_slice %arg5[%add3A_246, %dma_wait3A_248] : memref<262144x128xf32, #tpu.memory_space<hbm>> -> memref<256x128xf32, #tpu.memory_space<hbm>>
    %dma_wait3A_250 = tpu.memref_slice %arg12[%dma_wait3A_247] : memref<2x!tpu.dma_semaphore, #tpu.memory_space<semaphore_mem>> -> memref<1x!tpu.dma_semaphore, #tpu.memory_space<semaphore_mem>>
    %dma_wait3A_251 = tpu.memref_squeeze %dma_wait3A_250 : memref<1x!tpu.dma_semaphore, #tpu.memory_space<semaphore_mem>> -> memref<!tpu.dma_semaphore, #tpu.memory_space<semaphore_mem>>
    %dma_wait3A_252 = arith.constant 0 : i32
    %dma_wait3A_253 = tpu.memref_slice %arg5[%add3A_246, %dma_wait3A_252] : memref<262144x128xf32, #tpu.memory_space<hbm>> -> memref<256x128xf32, #tpu.memory_space<hbm>>
    tpu.wait_dma2 semaphore(%dma_wait3A_251 : memref<!tpu.dma_semaphore, #tpu.memory_space<semaphore_mem>>) src(%arg7 : memref<256x128xf32, #tpu.memory_space<vmem>>) dst(%dma_wait3A_253 : memref<256x128xf32, #tpu.memory_space<hbm>>)
    %mul3A_254 = arith.constant 4 : i32
    %mul3A_255 = arith.muli %add3A, %mul3A_254 : i32
    %add3A_256 = arith.constant 0 : i32
    %add3A_257 = arith.addi %mul3A_255, %add3A_256 : i32
    %mul3A_258 = arith.constant 2048 : i32
    %mul3A_259 = arith.muli %add3A_257, %mul3A_258 : i32
    %add3A_260 = arith.constant 1280 : i32
    %add3A_261 = arith.addi %mul3A_259, %add3A_260 : i32
    %dma_start3A_262 = arith.constant 1 : i32
    %dma_start3A_263 = arith.constant 0 : i32
    %dma_start3A_264 = tpu.memref_slice %arg4[%add3A_261, %dma_start3A_263] : memref<262144x128xf32, #tpu.memory_space<hbm>> -> memref<256x128xf32, #tpu.memory_space<hbm>>
    %dma_start3A_265 = tpu.memref_slice %arg11[%dma_start3A_262] : memref<2x!tpu.dma_semaphore, #tpu.memory_space<semaphore_mem>> -> memref<1x!tpu.dma_semaphore, #tpu.memory_space<semaphore_mem>>
    %dma_start3A_266 = tpu.memref_squeeze %dma_start3A_265 : memref<1x!tpu.dma_semaphore, #tpu.memory_space<semaphore_mem>> -> memref<!tpu.dma_semaphore, #tpu.memory_space<semaphore_mem>>
    %dma_start3A_267 = arith.constant 0 : i32
    %dma_start3A_268 = tpu.memref_slice %arg4[%add3A_261, %dma_start3A_267] : memref<262144x128xf32, #tpu.memory_space<hbm>> -> memref<256x128xf32, #tpu.memory_space<hbm>>
    tpu.enqueue_dma source(%dma_start3A_268 : memref<256x128xf32, #tpu.memory_space<hbm>>) target(%arg7 : memref<256x128xf32, #tpu.memory_space<vmem>>) target_semaphore(%dma_start3A_266 : memref<!tpu.dma_semaphore, #tpu.memory_space<semaphore_mem>>)
    %mul3A_269 = arith.constant 4 : i32
    %mul3A_270 = arith.muli %add3A, %mul3A_269 : i32
    %add3A_271 = arith.constant 0 : i32
    %add3A_272 = arith.addi %mul3A_270, %add3A_271 : i32
    %mul3A_273 = arith.constant 2048 : i32
    %mul3A_274 = arith.muli %add3A_272, %mul3A_273 : i32
    %add3A_275 = arith.constant 1024 : i32
    %add3A_276 = arith.addi %mul3A_274, %add3A_275 : i32
    %dma_wait3A_277 = arith.constant 0 : i32
    %dma_wait3A_278 = arith.constant 0 : i32
    %dma_wait3A_279 = tpu.memref_slice %arg4[%add3A_276, %dma_wait3A_278] : memref<262144x128xf32, #tpu.memory_space<hbm>> -> memref<256x128xf32, #tpu.memory_space<hbm>>
    %dma_wait3A_280 = tpu.memref_slice %arg11[%dma_wait3A_277] : memref<2x!tpu.dma_semaphore, #tpu.memory_space<semaphore_mem>> -> memref<1x!tpu.dma_semaphore, #tpu.memory_space<semaphore_mem>>
    %dma_wait3A_281 = tpu.memref_squeeze %dma_wait3A_280 : memref<1x!tpu.dma_semaphore, #tpu.memory_space<semaphore_mem>> -> memref<!tpu.dma_semaphore, #tpu.memory_space<semaphore_mem>>
    %dma_wait3A_282 = arith.constant 0 : i32
    %dma_wait3A_283 = tpu.memref_slice %arg4[%add3A_276, %dma_wait3A_282] : memref<262144x128xf32, #tpu.memory_space<hbm>> -> memref<256x128xf32, #tpu.memory_space<hbm>>
    tpu.wait_dma2 semaphore(%dma_wait3A_281 : memref<!tpu.dma_semaphore, #tpu.memory_space<semaphore_mem>>) src(%dma_wait3A_283 : memref<256x128xf32, #tpu.memory_space<hbm>>) dst(%arg6 : memref<256x128xf32, #tpu.memory_space<vmem>>)
    %mul3A_284 = arith.constant 4 : i32
    %mul3A_285 = arith.muli %add3A, %mul3A_284 : i32
    %add3A_286 = arith.constant 0 : i32
    %add3A_287 = arith.addi %mul3A_285, %add3A_286 : i32
    %mul3A_288 = arith.constant 2048 : i32
    %mul3A_289 = arith.muli %add3A_287, %mul3A_288 : i32
    %add3A_290 = arith.constant 1024 : i32
    %add3A_291 = arith.addi %mul3A_289, %add3A_290 : i32
    %dma_start3A_292 = arith.constant 0 : i32
    %dma_start3A_293 = arith.constant 0 : i32
    %dma_start3A_294 = tpu.memref_slice %arg5[%add3A_291, %dma_start3A_293] : memref<262144x128xf32, #tpu.memory_space<hbm>> -> memref<256x128xf32, #tpu.memory_space<hbm>>
    %dma_start3A_295 = tpu.memref_slice %arg12[%dma_start3A_292] : memref<2x!tpu.dma_semaphore, #tpu.memory_space<semaphore_mem>> -> memref<1x!tpu.dma_semaphore, #tpu.memory_space<semaphore_mem>>
    %dma_start3A_296 = tpu.memref_squeeze %dma_start3A_295 : memref<1x!tpu.dma_semaphore, #tpu.memory_space<semaphore_mem>> -> memref<!tpu.dma_semaphore, #tpu.memory_space<semaphore_mem>>
    %dma_start3A_297 = arith.constant 0 : i32
    %dma_start3A_298 = tpu.memref_slice %arg5[%add3A_291, %dma_start3A_297] : memref<262144x128xf32, #tpu.memory_space<hbm>> -> memref<256x128xf32, #tpu.memory_space<hbm>>
    tpu.enqueue_dma source(%arg6 : memref<256x128xf32, #tpu.memory_space<vmem>>) target(%dma_start3A_298 : memref<256x128xf32, #tpu.memory_space<hbm>>) target_semaphore(%dma_start3A_296 : memref<!tpu.dma_semaphore, #tpu.memory_space<semaphore_mem>>)
    %mul3A_299 = arith.constant 4 : i32
    %mul3A_300 = arith.muli %add3A, %mul3A_299 : i32
    %add3A_301 = arith.constant 0 : i32
    %add3A_302 = arith.addi %mul3A_300, %add3A_301 : i32
    %mul3A_303 = arith.constant 2048 : i32
    %mul3A_304 = arith.muli %add3A_302, %mul3A_303 : i32
    %add3A_305 = arith.constant 1024 : i32
    %add3A_306 = arith.addi %mul3A_304, %add3A_305 : i32
    %dma_wait3A_307 = arith.constant 0 : i32
    %dma_wait3A_308 = arith.constant 0 : i32
    %dma_wait3A_309 = tpu.memref_slice %arg5[%add3A_306, %dma_wait3A_308] : memref<262144x128xf32, #tpu.memory_space<hbm>> -> memref<256x128xf32, #tpu.memory_space<hbm>>
    %dma_wait3A_310 = tpu.memref_slice %arg12[%dma_wait3A_307] : memref<2x!tpu.dma_semaphore, #tpu.memory_space<semaphore_mem>> -> memref<1x!tpu.dma_semaphore, #tpu.memory_space<semaphore_mem>>
    %dma_wait3A_311 = tpu.memref_squeeze %dma_wait3A_310 : memref<1x!tpu.dma_semaphore, #tpu.memory_space<semaphore_mem>> -> memref<!tpu.dma_semaphore, #tpu.memory_space<semaphore_mem>>
    %dma_wait3A_312 = arith.constant 0 : i32
    %dma_wait3A_313 = tpu.memref_slice %arg5[%add3A_306, %dma_wait3A_312] : memref<262144x128xf32, #tpu.memory_space<hbm>> -> memref<256x128xf32, #tpu.memory_space<hbm>>
    tpu.wait_dma2 semaphore(%dma_wait3A_311 : memref<!tpu.dma_semaphore, #tpu.memory_space<semaphore_mem>>) src(%arg6 : memref<256x128xf32, #tpu.memory_space<vmem>>) dst(%dma_wait3A_313 : memref<256x128xf32, #tpu.memory_space<hbm>>)
    %mul3A_314 = arith.constant 4 : i32
    %mul3A_315 = arith.muli %add3A, %mul3A_314 : i32
    %add3A_316 = arith.constant 0 : i32
    %add3A_317 = arith.addi %mul3A_315, %add3A_316 : i32
    %mul3A_318 = arith.constant 2048 : i32
    %mul3A_319 = arith.muli %add3A_317, %mul3A_318 : i32
    %add3A_320 = arith.constant 1536 : i32
    %add3A_321 = arith.addi %mul3A_319, %add3A_320 : i32
    %dma_start3A_322 = arith.constant 0 : i32
    %dma_start3A_323 = arith.constant 0 : i32
    %dma_start3A_324 = tpu.memref_slice %arg4[%add3A_321, %dma_start3A_323] : memref<262144x128xf32, #tpu.memory_space<hbm>> -> memref<256x128xf32, #tpu.memory_space<hbm>>
    %dma_start3A_325 = tpu.memref_slice %arg11[%dma_start3A_322] : memref<2x!tpu.dma_semaphore, #tpu.memory_space<semaphore_mem>> -> memref<1x!tpu.dma_semaphore, #tpu.memory_space<semaphore_mem>>
    %dma_start3A_326 = tpu.memref_squeeze %dma_start3A_325 : memref<1x!tpu.dma_semaphore, #tpu.memory_space<semaphore_mem>> -> memref<!tpu.dma_semaphore, #tpu.memory_space<semaphore_mem>>
    %dma_start3A_327 = arith.constant 0 : i32
    %dma_start3A_328 = tpu.memref_slice %arg4[%add3A_321, %dma_start3A_327] : memref<262144x128xf32, #tpu.memory_space<hbm>> -> memref<256x128xf32, #tpu.memory_space<hbm>>
    tpu.enqueue_dma source(%dma_start3A_328 : memref<256x128xf32, #tpu.memory_space<hbm>>) target(%arg6 : memref<256x128xf32, #tpu.memory_space<vmem>>) target_semaphore(%dma_start3A_326 : memref<!tpu.dma_semaphore, #tpu.memory_space<semaphore_mem>>)
    %mul3A_329 = arith.constant 4 : i32
    %mul3A_330 = arith.muli %add3A, %mul3A_329 : i32
    %add3A_331 = arith.constant 0 : i32
    %add3A_332 = arith.addi %mul3A_330, %add3A_331 : i32
    %mul3A_333 = arith.constant 2048 : i32
    %mul3A_334 = arith.muli %add3A_332, %mul3A_333 : i32
    %add3A_335 = arith.constant 1280 : i32
    %add3A_336 = arith.addi %mul3A_334, %add3A_335 : i32
    %dma_wait3A_337 = arith.constant 1 : i32
    %dma_wait3A_338 = arith.constant 0 : i32
    %dma_wait3A_339 = tpu.memref_slice %arg4[%add3A_336, %dma_wait3A_338] : memref<262144x128xf32, #tpu.memory_space<hbm>> -> memref<256x128xf32, #tpu.memory_space<hbm>>
    %dma_wait3A_340 = tpu.memref_slice %arg11[%dma_wait3A_337] : memref<2x!tpu.dma_semaphore, #tpu.memory_space<semaphore_mem>> -> memref<1x!tpu.dma_semaphore, #tpu.memory_space<semaphore_mem>>
    %dma_wait3A_341 = tpu.memref_squeeze %dma_wait3A_340 : memref<1x!tpu.dma_semaphore, #tpu.memory_space<semaphore_mem>> -> memref<!tpu.dma_semaphore, #tpu.memory_space<semaphore_mem>>
    %dma_wait3A_342 = arith.constant 0 : i32
    %dma_wait3A_343 = tpu.memref_slice %arg4[%add3A_336, %dma_wait3A_342] : memref<262144x128xf32, #tpu.memory_space<hbm>> -> memref<256x128xf32, #tpu.memory_space<hbm>>
    tpu.wait_dma2 semaphore(%dma_wait3A_341 : memref<!tpu.dma_semaphore, #tpu.memory_space<semaphore_mem>>) src(%dma_wait3A_343 : memref<256x128xf32, #tpu.memory_space<hbm>>) dst(%arg7 : memref<256x128xf32, #tpu.memory_space<vmem>>)
    %mul3A_344 = arith.constant 4 : i32
    %mul3A_345 = arith.muli %add3A, %mul3A_344 : i32
    %add3A_346 = arith.constant 0 : i32
    %add3A_347 = arith.addi %mul3A_345, %add3A_346 : i32
    %mul3A_348 = arith.constant 2048 : i32
    %mul3A_349 = arith.muli %add3A_347, %mul3A_348 : i32
    %add3A_350 = arith.constant 1280 : i32
    %add3A_351 = arith.addi %mul3A_349, %add3A_350 : i32
    %dma_start3A_352 = arith.constant 1 : i32
    %dma_start3A_353 = arith.constant 0 : i32
    %dma_start3A_354 = tpu.memref_slice %arg5[%add3A_351, %dma_start3A_353] : memref<262144x128xf32, #tpu.memory_space<hbm>> -> memref<256x128xf32, #tpu.memory_space<hbm>>
    %dma_start3A_355 = tpu.memref_slice %arg12[%dma_start3A_352] : memref<2x!tpu.dma_semaphore, #tpu.memory_space<semaphore_mem>> -> memref<1x!tpu.dma_semaphore, #tpu.memory_space<semaphore_mem>>
    %dma_start3A_356 = tpu.memref_squeeze %dma_start3A_355 : memref<1x!tpu.dma_semaphore, #tpu.memory_space<semaphore_mem>> -> memref<!tpu.dma_semaphore, #tpu.memory_space<semaphore_mem>>
    %dma_start3A_357 = arith.constant 0 : i32
    %dma_start3A_358 = tpu.memref_slice %arg5[%add3A_351, %dma_start3A_357] : memref<262144x128xf32, #tpu.memory_space<hbm>> -> memref<256x128xf32, #tpu.memory_space<hbm>>
    tpu.enqueue_dma source(%arg7 : memref<256x128xf32, #tpu.memory_space<vmem>>) target(%dma_start3A_358 : memref<256x128xf32, #tpu.memory_space<hbm>>) target_semaphore(%dma_start3A_356 : memref<!tpu.dma_semaphore, #tpu.memory_space<semaphore_mem>>)
    %mul3A_359 = arith.constant 4 : i32
    %mul3A_360 = arith.muli %add3A, %mul3A_359 : i32
    %add3A_361 = arith.constant 0 : i32
    %add3A_362 = arith.addi %mul3A_360, %add3A_361 : i32
    %mul3A_363 = arith.constant 2048 : i32
    %mul3A_364 = arith.muli %add3A_362, %mul3A_363 : i32
    %add3A_365 = arith.constant 1280 : i32
    %add3A_366 = arith.addi %mul3A_364, %add3A_365 : i32
    %dma_wait3A_367 = arith.constant 1 : i32
    %dma_wait3A_368 = arith.constant 0 : i32
    %dma_wait3A_369 = tpu.memref_slice %arg5[%add3A_366, %dma_wait3A_368] : memref<262144x128xf32, #tpu.memory_space<hbm>> -> memref<256x128xf32, #tpu.memory_space<hbm>>
    %dma_wait3A_370 = tpu.memref_slice %arg12[%dma_wait3A_367] : memref<2x!tpu.dma_semaphore, #tpu.memory_space<semaphore_mem>> -> memref<1x!tpu.dma_semaphore, #tpu.memory_space<semaphore_mem>>
    %dma_wait3A_371 = tpu.memref_squeeze %dma_wait3A_370 : memref<1x!tpu.dma_semaphore, #tpu.memory_space<semaphore_mem>> -> memref<!tpu.dma_semaphore, #tpu.memory_space<semaphore_mem>>
    %dma_wait3A_372 = arith.constant 0 : i32
    %dma_wait3A_373 = tpu.memref_slice %arg5[%add3A_366, %dma_wait3A_372] : memref<262144x128xf32, #tpu.memory_space<hbm>> -> memref<256x128xf32, #tpu.memory_space<hbm>>
    tpu.wait_dma2 semaphore(%dma_wait3A_371 : memref<!tpu.dma_semaphore, #tpu.memory_space<semaphore_mem>>) src(%arg7 : memref<256x128xf32, #tpu.memory_space<vmem>>) dst(%dma_wait3A_373 : memref<256x128xf32, #tpu.memory_space<hbm>>)
    %mul3A_374 = arith.constant 4 : i32
    %mul3A_375 = arith.muli %add3A, %mul3A_374 : i32
    %add3A_376 = arith.constant 0 : i32
    %add3A_377 = arith.addi %mul3A_375, %add3A_376 : i32
    %mul3A_378 = arith.constant 2048 : i32
    %mul3A_379 = arith.muli %add3A_377, %mul3A_378 : i32
    %add3A_380 = arith.constant 1792 : i32
    %add3A_381 = arith.addi %mul3A_379, %add3A_380 : i32
    %dma_start3A_382 = arith.constant 1 : i32
    %dma_start3A_383 = arith.constant 0 : i32
    %dma_start3A_384 = tpu.memref_slice %arg4[%add3A_381, %dma_start3A_383] : memref<262144x128xf32, #tpu.memory_space<hbm>> -> memref<256x128xf32, #tpu.memory_space<hbm>>
    %dma_start3A_385 = tpu.memref_slice %arg11[%dma_start3A_382] : memref<2x!tpu.dma_semaphore, #tpu.memory_space<semaphore_mem>> -> memref<1x!tpu.dma_semaphore, #tpu.memory_space<semaphore_mem>>
    %dma_start3A_386 = tpu.memref_squeeze %dma_start3A_385 : memref<1x!tpu.dma_semaphore, #tpu.memory_space<semaphore_mem>> -> memref<!tpu.dma_semaphore, #tpu.memory_space<semaphore_mem>>
    %dma_start3A_387 = arith.constant 0 : i32
    %dma_start3A_388 = tpu.memref_slice %arg4[%add3A_381, %dma_start3A_387] : memref<262144x128xf32, #tpu.memory_space<hbm>> -> memref<256x128xf32, #tpu.memory_space<hbm>>
    tpu.enqueue_dma source(%dma_start3A_388 : memref<256x128xf32, #tpu.memory_space<hbm>>) target(%arg7 : memref<256x128xf32, #tpu.memory_space<vmem>>) target_semaphore(%dma_start3A_386 : memref<!tpu.dma_semaphore, #tpu.memory_space<semaphore_mem>>)
    %mul3A_389 = arith.constant 4 : i32
    %mul3A_390 = arith.muli %add3A, %mul3A_389 : i32
    %add3A_391 = arith.constant 0 : i32
    %add3A_392 = arith.addi %mul3A_390, %add3A_391 : i32
    %mul3A_393 = arith.constant 2048 : i32
    %mul3A_394 = arith.muli %add3A_392, %mul3A_393 : i32
    %add3A_395 = arith.constant 1536 : i32
    %add3A_396 = arith.addi %mul3A_394, %add3A_395 : i32
    %dma_wait3A_397 = arith.constant 0 : i32
    %dma_wait3A_398 = arith.constant 0 : i32
    %dma_wait3A_399 = tpu.memref_slice %arg4[%add3A_396, %dma_wait3A_398] : memref<262144x128xf32, #tpu.memory_space<hbm>> -> memref<256x128xf32, #tpu.memory_space<hbm>>
    %dma_wait3A_400 = tpu.memref_slice %arg11[%dma_wait3A_397] : memref<2x!tpu.dma_semaphore, #tpu.memory_space<semaphore_mem>> -> memref<1x!tpu.dma_semaphore, #tpu.memory_space<semaphore_mem>>
    %dma_wait3A_401 = tpu.memref_squeeze %dma_wait3A_400 : memref<1x!tpu.dma_semaphore, #tpu.memory_space<semaphore_mem>> -> memref<!tpu.dma_semaphore, #tpu.memory_space<semaphore_mem>>
    %dma_wait3A_402 = arith.constant 0 : i32
    %dma_wait3A_403 = tpu.memref_slice %arg4[%add3A_396, %dma_wait3A_402] : memref<262144x128xf32, #tpu.memory_space<hbm>> -> memref<256x128xf32, #tpu.memory_space<hbm>>
    tpu.wait_dma2 semaphore(%dma_wait3A_401 : memref<!tpu.dma_semaphore, #tpu.memory_space<semaphore_mem>>) src(%dma_wait3A_403 : memref<256x128xf32, #tpu.memory_space<hbm>>) dst(%arg6 : memref<256x128xf32, #tpu.memory_space<vmem>>)
    %mul3A_404 = arith.constant 4 : i32
    %mul3A_405 = arith.muli %add3A, %mul3A_404 : i32
    %add3A_406 = arith.constant 0 : i32
    %add3A_407 = arith.addi %mul3A_405, %add3A_406 : i32
    %mul3A_408 = arith.constant 2048 : i32
    %mul3A_409 = arith.muli %add3A_407, %mul3A_408 : i32
    %add3A_410 = arith.constant 1536 : i32
    %add3A_411 = arith.addi %mul3A_409, %add3A_410 : i32
    %dma_start3A_412 = arith.constant 0 : i32
    %dma_start3A_413 = arith.constant 0 : i32
    %dma_start3A_414 = tpu.memref_slice %arg5[%add3A_411, %dma_start3A_413] : memref<262144x128xf32, #tpu.memory_space<hbm>> -> memref<256x128xf32, #tpu.memory_space<hbm>>
    %dma_start3A_415 = tpu.memref_slice %arg12[%dma_start3A_412] : memref<2x!tpu.dma_semaphore, #tpu.memory_space<semaphore_mem>> -> memref<1x!tpu.dma_semaphore, #tpu.memory_space<semaphore_mem>>
    %dma_start3A_416 = tpu.memref_squeeze %dma_start3A_415 : memref<1x!tpu.dma_semaphore, #tpu.memory_space<semaphore_mem>> -> memref<!tpu.dma_semaphore, #tpu.memory_space<semaphore_mem>>
    %dma_start3A_417 = arith.constant 0 : i32
    %dma_start3A_418 = tpu.memref_slice %arg5[%add3A_411, %dma_start3A_417] : memref<262144x128xf32, #tpu.memory_space<hbm>> -> memref<256x128xf32, #tpu.memory_space<hbm>>
    tpu.enqueue_dma source(%arg6 : memref<256x128xf32, #tpu.memory_space<vmem>>) target(%dma_start3A_418 : memref<256x128xf32, #tpu.memory_space<hbm>>) target_semaphore(%dma_start3A_416 : memref<!tpu.dma_semaphore, #tpu.memory_space<semaphore_mem>>)
    %mul3A_419 = arith.constant 4 : i32
    %mul3A_420 = arith.muli %add3A, %mul3A_419 : i32
    %add3A_421 = arith.constant 0 : i32
    %add3A_422 = arith.addi %mul3A_420, %add3A_421 : i32
    %mul3A_423 = arith.constant 2048 : i32
    %mul3A_424 = arith.muli %add3A_422, %mul3A_423 : i32
    %add3A_425 = arith.constant 1536 : i32
    %add3A_426 = arith.addi %mul3A_424, %add3A_425 : i32
    %dma_wait3A_427 = arith.constant 0 : i32
    %dma_wait3A_428 = arith.constant 0 : i32
    %dma_wait3A_429 = tpu.memref_slice %arg5[%add3A_426, %dma_wait3A_428] : memref<262144x128xf32, #tpu.memory_space<hbm>> -> memref<256x128xf32, #tpu.memory_space<hbm>>
    %dma_wait3A_430 = tpu.memref_slice %arg12[%dma_wait3A_427] : memref<2x!tpu.dma_semaphore, #tpu.memory_space<semaphore_mem>> -> memref<1x!tpu.dma_semaphore, #tpu.memory_space<semaphore_mem>>
    %dma_wait3A_431 = tpu.memref_squeeze %dma_wait3A_430 : memref<1x!tpu.dma_semaphore, #tpu.memory_space<semaphore_mem>> -> memref<!tpu.dma_semaphore, #tpu.memory_space<semaphore_mem>>
    %dma_wait3A_432 = arith.constant 0 : i32
    %dma_wait3A_433 = tpu.memref_slice %arg5[%add3A_426, %dma_wait3A_432] : memref<262144x128xf32, #tpu.memory_space<hbm>> -> memref<256x128xf32, #tpu.memory_space<hbm>>
    tpu.wait_dma2 semaphore(%dma_wait3A_431 : memref<!tpu.dma_semaphore, #tpu.memory_space<semaphore_mem>>) src(%arg6 : memref<256x128xf32, #tpu.memory_space<vmem>>) dst(%dma_wait3A_433 : memref<256x128xf32, #tpu.memory_space<hbm>>)
    %mul3A_434 = arith.constant 4 : i32
    %mul3A_435 = arith.muli %add3A, %mul3A_434 : i32
    %add3A_436 = arith.constant 1 : i32
    %add3A_437 = arith.addi %mul3A_435, %add3A_436 : i32
    %mul3A_438 = arith.constant 2048 : i32
    %mul3A_439 = arith.muli %add3A_437, %mul3A_438 : i32
    %add3A_440 = arith.constant 0 : i32
    %add3A_441 = arith.addi %mul3A_439, %add3A_440 : i32
    %dma_start3A_442 = arith.constant 0 : i32
    %dma_start3A_443 = arith.constant 0 : i32
    %dma_start3A_444 = tpu.memref_slice %arg4[%add3A_441, %dma_start3A_443] : memref<262144x128xf32, #tpu.memory_space<hbm>> -> memref<256x128xf32, #tpu.memory_space<hbm>>
    %dma_start3A_445 = tpu.memref_slice %arg11[%dma_start3A_442] : memref<2x!tpu.dma_semaphore, #tpu.memory_space<semaphore_mem>> -> memref<1x!tpu.dma_semaphore, #tpu.memory_space<semaphore_mem>>
    %dma_start3A_446 = tpu.memref_squeeze %dma_start3A_445 : memref<1x!tpu.dma_semaphore, #tpu.memory_space<semaphore_mem>> -> memref<!tpu.dma_semaphore, #tpu.memory_space<semaphore_mem>>
    %dma_start3A_447 = arith.constant 0 : i32
    %dma_start3A_448 = tpu.memref_slice %arg4[%add3A_441, %dma_start3A_447] : memref<262144x128xf32, #tpu.memory_space<hbm>> -> memref<256x128xf32, #tpu.memory_space<hbm>>
    tpu.enqueue_dma source(%dma_start3A_448 : memref<256x128xf32, #tpu.memory_space<hbm>>) target(%arg6 : memref<256x128xf32, #tpu.memory_space<vmem>>) target_semaphore(%dma_start3A_446 : memref<!tpu.dma_semaphore, #tpu.memory_space<semaphore_mem>>)
    %mul3A_449 = arith.constant 4 : i32
    %mul3A_450 = arith.muli %add3A, %mul3A_449 : i32
    %add3A_451 = arith.constant 0 : i32
    %add3A_452 = arith.addi %mul3A_450, %add3A_451 : i32
    %mul3A_453 = arith.constant 2048 : i32
    %mul3A_454 = arith.muli %add3A_452, %mul3A_453 : i32
    %add3A_455 = arith.constant 1792 : i32
    %add3A_456 = arith.addi %mul3A_454, %add3A_455 : i32
    %dma_wait3A_457 = arith.constant 1 : i32
    %dma_wait3A_458 = arith.constant 0 : i32
    %dma_wait3A_459 = tpu.memref_slice %arg4[%add3A_456, %dma_wait3A_458] : memref<262144x128xf32, #tpu.memory_space<hbm>> -> memref<256x128xf32, #tpu.memory_space<hbm>>
    %dma_wait3A_460 = tpu.memref_slice %arg11[%dma_wait3A_457] : memref<2x!tpu.dma_semaphore, #tpu.memory_space<semaphore_mem>> -> memref<1x!tpu.dma_semaphore, #tpu.memory_space<semaphore_mem>>
    %dma_wait3A_461 = tpu.memref_squeeze %dma_wait3A_460 : memref<1x!tpu.dma_semaphore, #tpu.memory_space<semaphore_mem>> -> memref<!tpu.dma_semaphore, #tpu.memory_space<semaphore_mem>>
    %dma_wait3A_462 = arith.constant 0 : i32
    %dma_wait3A_463 = tpu.memref_slice %arg4[%add3A_456, %dma_wait3A_462] : memref<262144x128xf32, #tpu.memory_space<hbm>> -> memref<256x128xf32, #tpu.memory_space<hbm>>
    tpu.wait_dma2 semaphore(%dma_wait3A_461 : memref<!tpu.dma_semaphore, #tpu.memory_space<semaphore_mem>>) src(%dma_wait3A_463 : memref<256x128xf32, #tpu.memory_space<hbm>>) dst(%arg7 : memref<256x128xf32, #tpu.memory_space<vmem>>)
    %mul3A_464 = arith.constant 4 : i32
    %mul3A_465 = arith.muli %add3A, %mul3A_464 : i32
    %add3A_466 = arith.constant 0 : i32
    %add3A_467 = arith.addi %mul3A_465, %add3A_466 : i32
    %mul3A_468 = arith.constant 2048 : i32
    %mul3A_469 = arith.muli %add3A_467, %mul3A_468 : i32
    %add3A_470 = arith.constant 1792 : i32
    %add3A_471 = arith.addi %mul3A_469, %add3A_470 : i32
    %dma_start3A_472 = arith.constant 1 : i32
    %dma_start3A_473 = arith.constant 0 : i32
    %dma_start3A_474 = tpu.memref_slice %arg5[%add3A_471, %dma_start3A_473] : memref<262144x128xf32, #tpu.memory_space<hbm>> -> memref<256x128xf32, #tpu.memory_space<hbm>>
    %dma_start3A_475 = tpu.memref_slice %arg12[%dma_start3A_472] : memref<2x!tpu.dma_semaphore, #tpu.memory_space<semaphore_mem>> -> memref<1x!tpu.dma_semaphore, #tpu.memory_space<semaphore_mem>>
    %dma_start3A_476 = tpu.memref_squeeze %dma_start3A_475 : memref<1x!tpu.dma_semaphore, #tpu.memory_space<semaphore_mem>> -> memref<!tpu.dma_semaphore, #tpu.memory_space<semaphore_mem>>
    %dma_start3A_477 = arith.constant 0 : i32
    %dma_start3A_478 = tpu.memref_slice %arg5[%add3A_471, %dma_start3A_477] : memref<262144x128xf32, #tpu.memory_space<hbm>> -> memref<256x128xf32, #tpu.memory_space<hbm>>
    tpu.enqueue_dma source(%arg7 : memref<256x128xf32, #tpu.memory_space<vmem>>) target(%dma_start3A_478 : memref<256x128xf32, #tpu.memory_space<hbm>>) target_semaphore(%dma_start3A_476 : memref<!tpu.dma_semaphore, #tpu.memory_space<semaphore_mem>>)
    %mul3A_479 = arith.constant 4 : i32
    %mul3A_480 = arith.muli %add3A, %mul3A_479 : i32
    %add3A_481 = arith.constant 0 : i32
    %add3A_482 = arith.addi %mul3A_480, %add3A_481 : i32
    %mul3A_483 = arith.constant 2048 : i32
    %mul3A_484 = arith.muli %add3A_482, %mul3A_483 : i32
    %add3A_485 = arith.constant 1792 : i32
    %add3A_486 = arith.addi %mul3A_484, %add3A_485 : i32
    %dma_wait3A_487 = arith.constant 1 : i32
    %dma_wait3A_488 = arith.constant 0 : i32
    %dma_wait3A_489 = tpu.memref_slice %arg5[%add3A_486, %dma_wait3A_488] : memref<262144x128xf32, #tpu.memory_space<hbm>> -> memref<256x128xf32, #tpu.memory_space<hbm>>
    %dma_wait3A_490 = tpu.memref_slice %arg12[%dma_wait3A_487] : memref<2x!tpu.dma_semaphore, #tpu.memory_space<semaphore_mem>> -> memref<1x!tpu.dma_semaphore, #tpu.memory_space<semaphore_mem>>
    %dma_wait3A_491 = tpu.memref_squeeze %dma_wait3A_490 : memref<1x!tpu.dma_semaphore, #tpu.memory_space<semaphore_mem>> -> memref<!tpu.dma_semaphore, #tpu.memory_space<semaphore_mem>>
    %dma_wait3A_492 = arith.constant 0 : i32
    %dma_wait3A_493 = tpu.memref_slice %arg5[%add3A_486, %dma_wait3A_492] : memref<262144x128xf32, #tpu.memory_space<hbm>> -> memref<256x128xf32, #tpu.memory_space<hbm>>
    tpu.wait_dma2 semaphore(%dma_wait3A_491 : memref<!tpu.dma_semaphore, #tpu.memory_space<semaphore_mem>>) src(%arg7 : memref<256x128xf32, #tpu.memory_space<vmem>>) dst(%dma_wait3A_493 : memref<256x128xf32, #tpu.memory_space<hbm>>)
    %mul3A_494 = arith.constant 4 : i32
    %mul3A_495 = arith.muli %add3A, %mul3A_494 : i32
    %add3A_496 = arith.constant 1 : i32
    %add3A_497 = arith.addi %mul3A_495, %add3A_496 : i32
    %mul3A_498 = arith.constant 2048 : i32
    %mul3A_499 = arith.muli %add3A_497, %mul3A_498 : i32
    %add3A_500 = arith.constant 256 : i32
    %add3A_501 = arith.addi %mul3A_499, %add3A_500 : i32
    %dma_start3A_502 = arith.constant 1 : i32
    %dma_start3A_503 = arith.constant 0 : i32
    %dma_start3A_504 = tpu.memref_slice %arg4[%add3A_501, %dma_start3A_503] : memref<262144x128xf32, #tpu.memory_space<hbm>> -> memref<256x128xf32, #tpu.memory_space<hbm>>
    %dma_start3A_505 = tpu.memref_slice %arg11[%dma_start3A_502] : memref<2x!tpu.dma_semaphore, #tpu.memory_space<semaphore_mem>> -> memref<1x!tpu.dma_semaphore, #tpu.memory_space<semaphore_mem>>
    %dma_start3A_506 = tpu.memref_squeeze %dma_start3A_505 : memref<1x!tpu.dma_semaphore, #tpu.memory_space<semaphore_mem>> -> memref<!tpu.dma_semaphore, #tpu.memory_space<semaphore_mem>>
    %dma_start3A_507 = arith.constant 0 : i32
    %dma_start3A_508 = tpu.memref_slice %arg4[%add3A_501, %dma_start3A_507] : memref<262144x128xf32, #tpu.memory_space<hbm>> -> memref<256x128xf32, #tpu.memory_space<hbm>>
    tpu.enqueue_dma source(%dma_start3A_508 : memref<256x128xf32, #tpu.memory_space<hbm>>) target(%arg7 : memref<256x128xf32, #tpu.memory_space<vmem>>) target_semaphore(%dma_start3A_506 : memref<!tpu.dma_semaphore, #tpu.memory_space<semaphore_mem>>)
    %mul3A_509 = arith.constant 4 : i32
    %mul3A_510 = arith.muli %add3A, %mul3A_509 : i32
    %add3A_511 = arith.constant 1 : i32
    %add3A_512 = arith.addi %mul3A_510, %add3A_511 : i32
    %mul3A_513 = arith.constant 2048 : i32
    %mul3A_514 = arith.muli %add3A_512, %mul3A_513 : i32
    %add3A_515 = arith.constant 0 : i32
    %add3A_516 = arith.addi %mul3A_514, %add3A_515 : i32
    %dma_wait3A_517 = arith.constant 0 : i32
    %dma_wait3A_518 = arith.constant 0 : i32
    %dma_wait3A_519 = tpu.memref_slice %arg4[%add3A_516, %dma_wait3A_518] : memref<262144x128xf32, #tpu.memory_space<hbm>> -> memref<256x128xf32, #tpu.memory_space<hbm>>
    %dma_wait3A_520 = tpu.memref_slice %arg11[%dma_wait3A_517] : memref<2x!tpu.dma_semaphore, #tpu.memory_space<semaphore_mem>> -> memref<1x!tpu.dma_semaphore, #tpu.memory_space<semaphore_mem>>
    %dma_wait3A_521 = tpu.memref_squeeze %dma_wait3A_520 : memref<1x!tpu.dma_semaphore, #tpu.memory_space<semaphore_mem>> -> memref<!tpu.dma_semaphore, #tpu.memory_space<semaphore_mem>>
    %dma_wait3A_522 = arith.constant 0 : i32
    %dma_wait3A_523 = tpu.memref_slice %arg4[%add3A_516, %dma_wait3A_522] : memref<262144x128xf32, #tpu.memory_space<hbm>> -> memref<256x128xf32, #tpu.memory_space<hbm>>
    tpu.wait_dma2 semaphore(%dma_wait3A_521 : memref<!tpu.dma_semaphore, #tpu.memory_space<semaphore_mem>>) src(%dma_wait3A_523 : memref<256x128xf32, #tpu.memory_space<hbm>>) dst(%arg6 : memref<256x128xf32, #tpu.memory_space<vmem>>)
    %mul3A_524 = arith.constant 4 : i32
    %mul3A_525 = arith.muli %add3A, %mul3A_524 : i32
    %add3A_526 = arith.constant 1 : i32
    %add3A_527 = arith.addi %mul3A_525, %add3A_526 : i32
    %mul3A_528 = arith.constant 2048 : i32
    %mul3A_529 = arith.muli %add3A_527, %mul3A_528 : i32
    %add3A_530 = arith.constant 0 : i32
    %add3A_531 = arith.addi %mul3A_529, %add3A_530 : i32
    %dma_start3A_532 = arith.constant 0 : i32
    %dma_start3A_533 = arith.constant 0 : i32
    %dma_start3A_534 = tpu.memref_slice %arg5[%add3A_531, %dma_start3A_533] : memref<262144x128xf32, #tpu.memory_space<hbm>> -> memref<256x128xf32, #tpu.memory_space<hbm>>
    %dma_start3A_535 = tpu.memref_slice %arg12[%dma_start3A_532] : memref<2x!tpu.dma_semaphore, #tpu.memory_space<semaphore_mem>> -> memref<1x!tpu.dma_semaphore, #tpu.memory_space<semaphore_mem>>
    %dma_start3A_536 = tpu.memref_squeeze %dma_start3A_535 : memref<1x!tpu.dma_semaphore, #tpu.memory_space<semaphore_mem>> -> memref<!tpu.dma_semaphore, #tpu.memory_space<semaphore_mem>>
    %dma_start3A_537 = arith.constant 0 : i32
    %dma_start3A_538 = tpu.memref_slice %arg5[%add3A_531, %dma_start3A_537] : memref<262144x128xf32, #tpu.memory_space<hbm>> -> memref<256x128xf32, #tpu.memory_space<hbm>>
    tpu.enqueue_dma source(%arg6 : memref<256x128xf32, #tpu.memory_space<vmem>>) target(%dma_start3A_538 : memref<256x128xf32, #tpu.memory_space<hbm>>) target_semaphore(%dma_start3A_536 : memref<!tpu.dma_semaphore, #tpu.memory_space<semaphore_mem>>)
    %mul3A_539 = arith.constant 4 : i32
    %mul3A_540 = arith.muli %add3A, %mul3A_539 : i32
    %add3A_541 = arith.constant 1 : i32
    %add3A_542 = arith.addi %mul3A_540, %add3A_541 : i32
    %mul3A_543 = arith.constant 2048 : i32
    %mul3A_544 = arith.muli %add3A_542, %mul3A_543 : i32
    %add3A_545 = arith.constant 0 : i32
    %add3A_546 = arith.addi %mul3A_544, %add3A_545 : i32
    %dma_wait3A_547 = arith.constant 0 : i32
    %dma_wait3A_548 = arith.constant 0 : i32
    %dma_wait3A_549 = tpu.memref_slice %arg5[%add3A_546, %dma_wait3A_548] : memref<262144x128xf32, #tpu.memory_space<hbm>> -> memref<256x128xf32, #tpu.memory_space<hbm>>
    %dma_wait3A_550 = tpu.memref_slice %arg12[%dma_wait3A_547] : memref<2x!tpu.dma_semaphore, #tpu.memory_space<semaphore_mem>> -> memref<1x!tpu.dma_semaphore, #tpu.memory_space<semaphore_mem>>
    %dma_wait3A_551 = tpu.memref_squeeze %dma_wait3A_550 : memref<1x!tpu.dma_semaphore, #tpu.memory_space<semaphore_mem>> -> memref<!tpu.dma_semaphore, #tpu.memory_space<semaphore_mem>>
    %dma_wait3A_552 = arith.constant 0 : i32
    %dma_wait3A_553 = tpu.memref_slice %arg5[%add3A_546, %dma_wait3A_552] : memref<262144x128xf32, #tpu.memory_space<hbm>> -> memref<256x128xf32, #tpu.memory_space<hbm>>
    tpu.wait_dma2 semaphore(%dma_wait3A_551 : memref<!tpu.dma_semaphore, #tpu.memory_space<semaphore_mem>>) src(%arg6 : memref<256x128xf32, #tpu.memory_space<vmem>>) dst(%dma_wait3A_553 : memref<256x128xf32, #tpu.memory_space<hbm>>)
    %mul3A_554 = arith.constant 4 : i32
    %mul3A_555 = arith.muli %add3A, %mul3A_554 : i32
    %add3A_556 = arith.constant 1 : i32
    %add3A_557 = arith.addi %mul3A_555, %add3A_556 : i32
    %mul3A_558 = arith.constant 2048 : i32
    %mul3A_559 = arith.muli %add3A_557, %mul3A_558 : i32
    %add3A_560 = arith.constant 512 : i32
    %add3A_561 = arith.addi %mul3A_559, %add3A_560 : i32
    %dma_start3A_562 = arith.constant 0 : i32
    %dma_start3A_563 = arith.constant 0 : i32
    %dma_start3A_564 = tpu.memref_slice %arg4[%add3A_561, %dma_start3A_563] : memref<262144x128xf32, #tpu.memory_space<hbm>> -> memref<256x128xf32, #tpu.memory_space<hbm>>
    %dma_start3A_565 = tpu.memref_slice %arg11[%dma_start3A_562] : memref<2x!tpu.dma_semaphore, #tpu.memory_space<semaphore_mem>> -> memref<1x!tpu.dma_semaphore, #tpu.memory_space<semaphore_mem>>
    %dma_start3A_566 = tpu.memref_squeeze %dma_start3A_565 : memref<1x!tpu.dma_semaphore, #tpu.memory_space<semaphore_mem>> -> memref<!tpu.dma_semaphore, #tpu.memory_space<semaphore_mem>>
    %dma_start3A_567 = arith.constant 0 : i32
    %dma_start3A_568 = tpu.memref_slice %arg4[%add3A_561, %dma_start3A_567] : memref<262144x128xf32, #tpu.memory_space<hbm>> -> memref<256x128xf32, #tpu.memory_space<hbm>>
    tpu.enqueue_dma source(%dma_start3A_568 : memref<256x128xf32, #tpu.memory_space<hbm>>) target(%arg6 : memref<256x128xf32, #tpu.memory_space<vmem>>) target_semaphore(%dma_start3A_566 : memref<!tpu.dma_semaphore, #tpu.memory_space<semaphore_mem>>)
    %mul3A_569 = arith.constant 4 : i32
    %mul3A_570 = arith.muli %add3A, %mul3A_569 : i32
    %add3A_571 = arith.constant 1 : i32
    %add3A_572 = arith.addi %mul3A_570, %add3A_571 : i32
    %mul3A_573 = arith.constant 2048 : i32
    %mul3A_574 = arith.muli %add3A_572, %mul3A_573 : i32
    %add3A_575 = arith.constant 256 : i32
    %add3A_576 = arith.addi %mul3A_574, %add3A_575 : i32
    %dma_wait3A_577 = arith.constant 1 : i32
    %dma_wait3A_578 = arith.constant 0 : i32
    %dma_wait3A_579 = tpu.memref_slice %arg4[%add3A_576, %dma_wait3A_578] : memref<262144x128xf32, #tpu.memory_space<hbm>> -> memref<256x128xf32, #tpu.memory_space<hbm>>
    %dma_wait3A_580 = tpu.memref_slice %arg11[%dma_wait3A_577] : memref<2x!tpu.dma_semaphore, #tpu.memory_space<semaphore_mem>> -> memref<1x!tpu.dma_semaphore, #tpu.memory_space<semaphore_mem>>
    %dma_wait3A_581 = tpu.memref_squeeze %dma_wait3A_580 : memref<1x!tpu.dma_semaphore, #tpu.memory_space<semaphore_mem>> -> memref<!tpu.dma_semaphore, #tpu.memory_space<semaphore_mem>>
    %dma_wait3A_582 = arith.constant 0 : i32
    %dma_wait3A_583 = tpu.memref_slice %arg4[%add3A_576, %dma_wait3A_582] : memref<262144x128xf32, #tpu.memory_space<hbm>> -> memref<256x128xf32, #tpu.memory_space<hbm>>
    tpu.wait_dma2 semaphore(%dma_wait3A_581 : memref<!tpu.dma_semaphore, #tpu.memory_space<semaphore_mem>>) src(%dma_wait3A_583 : memref<256x128xf32, #tpu.memory_space<hbm>>) dst(%arg7 : memref<256x128xf32, #tpu.memory_space<vmem>>)
    %mul3A_584 = arith.constant 4 : i32
    %mul3A_585 = arith.muli %add3A, %mul3A_584 : i32
    %add3A_586 = arith.constant 1 : i32
    %add3A_587 = arith.addi %mul3A_585, %add3A_586 : i32
    %mul3A_588 = arith.constant 2048 : i32
    %mul3A_589 = arith.muli %add3A_587, %mul3A_588 : i32
    %add3A_590 = arith.constant 256 : i32
    %add3A_591 = arith.addi %mul3A_589, %add3A_590 : i32
    %dma_start3A_592 = arith.constant 1 : i32
    %dma_start3A_593 = arith.constant 0 : i32
    %dma_start3A_594 = tpu.memref_slice %arg5[%add3A_591, %dma_start3A_593] : memref<262144x128xf32, #tpu.memory_space<hbm>> -> memref<256x128xf32, #tpu.memory_space<hbm>>
    %dma_start3A_595 = tpu.memref_slice %arg12[%dma_start3A_592] : memref<2x!tpu.dma_semaphore, #tpu.memory_space<semaphore_mem>> -> memref<1x!tpu.dma_semaphore, #tpu.memory_space<semaphore_mem>>
    %dma_start3A_596 = tpu.memref_squeeze %dma_start3A_595 : memref<1x!tpu.dma_semaphore, #tpu.memory_space<semaphore_mem>> -> memref<!tpu.dma_semaphore, #tpu.memory_space<semaphore_mem>>
    %dma_start3A_597 = arith.constant 0 : i32
    %dma_start3A_598 = tpu.memref_slice %arg5[%add3A_591, %dma_start3A_597] : memref<262144x128xf32, #tpu.memory_space<hbm>> -> memref<256x128xf32, #tpu.memory_space<hbm>>
    tpu.enqueue_dma source(%arg7 : memref<256x128xf32, #tpu.memory_space<vmem>>) target(%dma_start3A_598 : memref<256x128xf32, #tpu.memory_space<hbm>>) target_semaphore(%dma_start3A_596 : memref<!tpu.dma_semaphore, #tpu.memory_space<semaphore_mem>>)
    %mul3A_599 = arith.constant 4 : i32
    %mul3A_600 = arith.muli %add3A, %mul3A_599 : i32
    %add3A_601 = arith.constant 1 : i32
    %add3A_602 = arith.addi %mul3A_600, %add3A_601 : i32
    %mul3A_603 = arith.constant 2048 : i32
    %mul3A_604 = arith.muli %add3A_602, %mul3A_603 : i32
    %add3A_605 = arith.constant 256 : i32
    %add3A_606 = arith.addi %mul3A_604, %add3A_605 : i32
    %dma_wait3A_607 = arith.constant 1 : i32
    %dma_wait3A_608 = arith.constant 0 : i32
    %dma_wait3A_609 = tpu.memref_slice %arg5[%add3A_606, %dma_wait3A_608] : memref<262144x128xf32, #tpu.memory_space<hbm>> -> memref<256x128xf32, #tpu.memory_space<hbm>>
    %dma_wait3A_610 = tpu.memref_slice %arg12[%dma_wait3A_607] : memref<2x!tpu.dma_semaphore, #tpu.memory_space<semaphore_mem>> -> memref<1x!tpu.dma_semaphore, #tpu.memory_space<semaphore_mem>>
    %dma_wait3A_611 = tpu.memref_squeeze %dma_wait3A_610 : memref<1x!tpu.dma_semaphore, #tpu.memory_space<semaphore_mem>> -> memref<!tpu.dma_semaphore, #tpu.memory_space<semaphore_mem>>
    %dma_wait3A_612 = arith.constant 0 : i32
    %dma_wait3A_613 = tpu.memref_slice %arg5[%add3A_606, %dma_wait3A_612] : memref<262144x128xf32, #tpu.memory_space<hbm>> -> memref<256x128xf32, #tpu.memory_space<hbm>>
    tpu.wait_dma2 semaphore(%dma_wait3A_611 : memref<!tpu.dma_semaphore, #tpu.memory_space<semaphore_mem>>) src(%arg7 : memref<256x128xf32, #tpu.memory_space<vmem>>) dst(%dma_wait3A_613 : memref<256x128xf32, #tpu.memory_space<hbm>>)
    %mul3A_614 = arith.constant 4 : i32
    %mul3A_615 = arith.muli %add3A, %mul3A_614 : i32
    %add3A_616 = arith.constant 1 : i32
    %add3A_617 = arith.addi %mul3A_615, %add3A_616 : i32
    %mul3A_618 = arith.constant 2048 : i32
    %mul3A_619 = arith.muli %add3A_617, %mul3A_618 : i32
    %add3A_620 = arith.constant 768 : i32
    %add3A_621 = arith.addi %mul3A_619, %add3A_620 : i32
    %dma_start3A_622 = arith.constant 1 : i32
    %dma_start3A_623 = arith.constant 0 : i32
    %dma_start3A_624 = tpu.memref_slice %arg4[%add3A_621, %dma_start3A_623] : memref<262144x128xf32, #tpu.memory_space<hbm>> -> memref<256x128xf32, #tpu.memory_space<hbm>>
    %dma_start3A_625 = tpu.memref_slice %arg11[%dma_start3A_622] : memref<2x!tpu.dma_semaphore, #tpu.memory_space<semaphore_mem>> -> memref<1x!tpu.dma_semaphore, #tpu.memory_space<semaphore_mem>>
    %dma_start3A_626 = tpu.memref_squeeze %dma_start3A_625 : memref<1x!tpu.dma_semaphore, #tpu.memory_space<semaphore_mem>> -> memref<!tpu.dma_semaphore, #tpu.memory_space<semaphore_mem>>
    %dma_start3A_627 = arith.constant 0 : i32
    %dma_start3A_628 = tpu.memref_slice %arg4[%add3A_621, %dma_start3A_627] : memref<262144x128xf32, #tpu.memory_space<hbm>> -> memref<256x128xf32, #tpu.memory_space<hbm>>
    tpu.enqueue_dma source(%dma_start3A_628 : memref<256x128xf32, #tpu.memory_space<hbm>>) target(%arg7 : memref<256x128xf32, #tpu.memory_space<vmem>>) target_semaphore(%dma_start3A_626 : memref<!tpu.dma_semaphore, #tpu.memory_space<semaphore_mem>>)
    %mul3A_629 = arith.constant 4 : i32
    %mul3A_630 = arith.muli %add3A, %mul3A_629 : i32
    %add3A_631 = arith.constant 1 : i32
    %add3A_632 = arith.addi %mul3A_630, %add3A_631 : i32
    %mul3A_633 = arith.constant 2048 : i32
    %mul3A_634 = arith.muli %add3A_632, %mul3A_633 : i32
    %add3A_635 = arith.constant 512 : i32
    %add3A_636 = arith.addi %mul3A_634, %add3A_635 : i32
    %dma_wait3A_637 = arith.constant 0 : i32
    %dma_wait3A_638 = arith.constant 0 : i32
    %dma_wait3A_639 = tpu.memref_slice %arg4[%add3A_636, %dma_wait3A_638] : memref<262144x128xf32, #tpu.memory_space<hbm>> -> memref<256x128xf32, #tpu.memory_space<hbm>>
    %dma_wait3A_640 = tpu.memref_slice %arg11[%dma_wait3A_637] : memref<2x!tpu.dma_semaphore, #tpu.memory_space<semaphore_mem>> -> memref<1x!tpu.dma_semaphore, #tpu.memory_space<semaphore_mem>>
    %dma_wait3A_641 = tpu.memref_squeeze %dma_wait3A_640 : memref<1x!tpu.dma_semaphore, #tpu.memory_space<semaphore_mem>> -> memref<!tpu.dma_semaphore, #tpu.memory_space<semaphore_mem>>
    %dma_wait3A_642 = arith.constant 0 : i32
    %dma_wait3A_643 = tpu.memref_slice %arg4[%add3A_636, %dma_wait3A_642] : memref<262144x128xf32, #tpu.memory_space<hbm>> -> memref<256x128xf32, #tpu.memory_space<hbm>>
    tpu.wait_dma2 semaphore(%dma_wait3A_641 : memref<!tpu.dma_semaphore, #tpu.memory_space<semaphore_mem>>) src(%dma_wait3A_643 : memref<256x128xf32, #tpu.memory_space<hbm>>) dst(%arg6 : memref<256x128xf32, #tpu.memory_space<vmem>>)
    %mul3A_644 = arith.constant 4 : i32
    %mul3A_645 = arith.muli %add3A, %mul3A_644 : i32
    %add3A_646 = arith.constant 1 : i32
    %add3A_647 = arith.addi %mul3A_645, %add3A_646 : i32
    %mul3A_648 = arith.constant 2048 : i32
    %mul3A_649 = arith.muli %add3A_647, %mul3A_648 : i32
    %add3A_650 = arith.constant 512 : i32
    %add3A_651 = arith.addi %mul3A_649, %add3A_650 : i32
    %dma_start3A_652 = arith.constant 0 : i32
    %dma_start3A_653 = arith.constant 0 : i32
    %dma_start3A_654 = tpu.memref_slice %arg5[%add3A_651, %dma_start3A_653] : memref<262144x128xf32, #tpu.memory_space<hbm>> -> memref<256x128xf32, #tpu.memory_space<hbm>>
    %dma_start3A_655 = tpu.memref_slice %arg12[%dma_start3A_652] : memref<2x!tpu.dma_semaphore, #tpu.memory_space<semaphore_mem>> -> memref<1x!tpu.dma_semaphore, #tpu.memory_space<semaphore_mem>>
    %dma_start3A_656 = tpu.memref_squeeze %dma_start3A_655 : memref<1x!tpu.dma_semaphore, #tpu.memory_space<semaphore_mem>> -> memref<!tpu.dma_semaphore, #tpu.memory_space<semaphore_mem>>
    %dma_start3A_657 = arith.constant 0 : i32
    %dma_start3A_658 = tpu.memref_slice %arg5[%add3A_651, %dma_start3A_657] : memref<262144x128xf32, #tpu.memory_space<hbm>> -> memref<256x128xf32, #tpu.memory_space<hbm>>
    tpu.enqueue_dma source(%arg6 : memref<256x128xf32, #tpu.memory_space<vmem>>) target(%dma_start3A_658 : memref<256x128xf32, #tpu.memory_space<hbm>>) target_semaphore(%dma_start3A_656 : memref<!tpu.dma_semaphore, #tpu.memory_space<semaphore_mem>>)
    %mul3A_659 = arith.constant 4 : i32
    %mul3A_660 = arith.muli %add3A, %mul3A_659 : i32
    %add3A_661 = arith.constant 1 : i32
    %add3A_662 = arith.addi %mul3A_660, %add3A_661 : i32
    %mul3A_663 = arith.constant 2048 : i32
    %mul3A_664 = arith.muli %add3A_662, %mul3A_663 : i32
    %add3A_665 = arith.constant 512 : i32
    %add3A_666 = arith.addi %mul3A_664, %add3A_665 : i32
    %dma_wait3A_667 = arith.constant 0 : i32
    %dma_wait3A_668 = arith.constant 0 : i32
    %dma_wait3A_669 = tpu.memref_slice %arg5[%add3A_666, %dma_wait3A_668] : memref<262144x128xf32, #tpu.memory_space<hbm>> -> memref<256x128xf32, #tpu.memory_space<hbm>>
    %dma_wait3A_670 = tpu.memref_slice %arg12[%dma_wait3A_667] : memref<2x!tpu.dma_semaphore, #tpu.memory_space<semaphore_mem>> -> memref<1x!tpu.dma_semaphore, #tpu.memory_space<semaphore_mem>>
    %dma_wait3A_671 = tpu.memref_squeeze %dma_wait3A_670 : memref<1x!tpu.dma_semaphore, #tpu.memory_space<semaphore_mem>> -> memref<!tpu.dma_semaphore, #tpu.memory_space<semaphore_mem>>
    %dma_wait3A_672 = arith.constant 0 : i32
    %dma_wait3A_673 = tpu.memref_slice %arg5[%add3A_666, %dma_wait3A_672] : memref<262144x128xf32, #tpu.memory_space<hbm>> -> memref<256x128xf32, #tpu.memory_space<hbm>>
    tpu.wait_dma2 semaphore(%dma_wait3A_671 : memref<!tpu.dma_semaphore, #tpu.memory_space<semaphore_mem>>) src(%arg6 : memref<256x128xf32, #tpu.memory_space<vmem>>) dst(%dma_wait3A_673 : memref<256x128xf32, #tpu.memory_space<hbm>>)
    %mul3A_674 = arith.constant 4 : i32
    %mul3A_675 = arith.muli %add3A, %mul3A_674 : i32
    %add3A_676 = arith.constant 1 : i32
    %add3A_677 = arith.addi %mul3A_675, %add3A_676 : i32
    %mul3A_678 = arith.constant 2048 : i32
    %mul3A_679 = arith.muli %add3A_677, %mul3A_678 : i32
    %add3A_680 = arith.constant 1024 : i32
    %add3A_681 = arith.addi %mul3A_679, %add3A_680 : i32
    %dma_start3A_682 = arith.constant 0 : i32
    %dma_start3A_683 = arith.constant 0 : i32
    %dma_start3A_684 = tpu.memref_slice %arg4[%add3A_681, %dma_start3A_683] : memref<262144x128xf32, #tpu.memory_space<hbm>> -> memref<256x128xf32, #tpu.memory_space<hbm>>
    %dma_start3A_685 = tpu.memref_slice %arg11[%dma_start3A_682] : memref<2x!tpu.dma_semaphore, #tpu.memory_space<semaphore_mem>> -> memref<1x!tpu.dma_semaphore, #tpu.memory_space<semaphore_mem>>
    %dma_start3A_686 = tpu.memref_squeeze %dma_start3A_685 : memref<1x!tpu.dma_semaphore, #tpu.memory_space<semaphore_mem>> -> memref<!tpu.dma_semaphore, #tpu.memory_space<semaphore_mem>>
    %dma_start3A_687 = arith.constant 0 : i32
    %dma_start3A_688 = tpu.memref_slice %arg4[%add3A_681, %dma_start3A_687] : memref<262144x128xf32, #tpu.memory_space<hbm>> -> memref<256x128xf32, #tpu.memory_space<hbm>>
    tpu.enqueue_dma source(%dma_start3A_688 : memref<256x128xf32, #tpu.memory_space<hbm>>) target(%arg6 : memref<256x128xf32, #tpu.memory_space<vmem>>) target_semaphore(%dma_start3A_686 : memref<!tpu.dma_semaphore, #tpu.memory_space<semaphore_mem>>)
    %mul3A_689 = arith.constant 4 : i32
    %mul3A_690 = arith.muli %add3A, %mul3A_689 : i32
    %add3A_691 = arith.constant 1 : i32
    %add3A_692 = arith.addi %mul3A_690, %add3A_691 : i32
    %mul3A_693 = arith.constant 2048 : i32
    %mul3A_694 = arith.muli %add3A_692, %mul3A_693 : i32
    %add3A_695 = arith.constant 768 : i32
    %add3A_696 = arith.addi %mul3A_694, %add3A_695 : i32
    %dma_wait3A_697 = arith.constant 1 : i32
    %dma_wait3A_698 = arith.constant 0 : i32
    %dma_wait3A_699 = tpu.memref_slice %arg4[%add3A_696, %dma_wait3A_698] : memref<262144x128xf32, #tpu.memory_space<hbm>> -> memref<256x128xf32, #tpu.memory_space<hbm>>
    %dma_wait3A_700 = tpu.memref_slice %arg11[%dma_wait3A_697] : memref<2x!tpu.dma_semaphore, #tpu.memory_space<semaphore_mem>> -> memref<1x!tpu.dma_semaphore, #tpu.memory_space<semaphore_mem>>
    %dma_wait3A_701 = tpu.memref_squeeze %dma_wait3A_700 : memref<1x!tpu.dma_semaphore, #tpu.memory_space<semaphore_mem>> -> memref<!tpu.dma_semaphore, #tpu.memory_space<semaphore_mem>>
    %dma_wait3A_702 = arith.constant 0 : i32
    %dma_wait3A_703 = tpu.memref_slice %arg4[%add3A_696, %dma_wait3A_702] : memref<262144x128xf32, #tpu.memory_space<hbm>> -> memref<256x128xf32, #tpu.memory_space<hbm>>
    tpu.wait_dma2 semaphore(%dma_wait3A_701 : memref<!tpu.dma_semaphore, #tpu.memory_space<semaphore_mem>>) src(%dma_wait3A_703 : memref<256x128xf32, #tpu.memory_space<hbm>>) dst(%arg7 : memref<256x128xf32, #tpu.memory_space<vmem>>)
    %mul3A_704 = arith.constant 4 : i32
    %mul3A_705 = arith.muli %add3A, %mul3A_704 : i32
    %add3A_706 = arith.constant 1 : i32
    %add3A_707 = arith.addi %mul3A_705, %add3A_706 : i32
    %mul3A_708 = arith.constant 2048 : i32
    %mul3A_709 = arith.muli %add3A_707, %mul3A_708 : i32
    %add3A_710 = arith.constant 768 : i32
    %add3A_711 = arith.addi %mul3A_709, %add3A_710 : i32
    %dma_start3A_712 = arith.constant 1 : i32
    %dma_start3A_713 = arith.constant 0 : i32
    %dma_start3A_714 = tpu.memref_slice %arg5[%add3A_711, %dma_start3A_713] : memref<262144x128xf32, #tpu.memory_space<hbm>> -> memref<256x128xf32, #tpu.memory_space<hbm>>
    %dma_start3A_715 = tpu.memref_slice %arg12[%dma_start3A_712] : memref<2x!tpu.dma_semaphore, #tpu.memory_space<semaphore_mem>> -> memref<1x!tpu.dma_semaphore, #tpu.memory_space<semaphore_mem>>
    %dma_start3A_716 = tpu.memref_squeeze %dma_start3A_715 : memref<1x!tpu.dma_semaphore, #tpu.memory_space<semaphore_mem>> -> memref<!tpu.dma_semaphore, #tpu.memory_space<semaphore_mem>>
    %dma_start3A_717 = arith.constant 0 : i32
    %dma_start3A_718 = tpu.memref_slice %arg5[%add3A_711, %dma_start3A_717] : memref<262144x128xf32, #tpu.memory_space<hbm>> -> memref<256x128xf32, #tpu.memory_space<hbm>>
    tpu.enqueue_dma source(%arg7 : memref<256x128xf32, #tpu.memory_space<vmem>>) target(%dma_start3A_718 : memref<256x128xf32, #tpu.memory_space<hbm>>) target_semaphore(%dma_start3A_716 : memref<!tpu.dma_semaphore, #tpu.memory_space<semaphore_mem>>)
    %mul3A_719 = arith.constant 4 : i32
    %mul3A_720 = arith.muli %add3A, %mul3A_719 : i32
    %add3A_721 = arith.constant 1 : i32
    %add3A_722 = arith.addi %mul3A_720, %add3A_721 : i32
    %mul3A_723 = arith.constant 2048 : i32
    %mul3A_724 = arith.muli %add3A_722, %mul3A_723 : i32
    %add3A_725 = arith.constant 768 : i32
    %add3A_726 = arith.addi %mul3A_724, %add3A_725 : i32
    %dma_wait3A_727 = arith.constant 1 : i32
    %dma_wait3A_728 = arith.constant 0 : i32
    %dma_wait3A_729 = tpu.memref_slice %arg5[%add3A_726, %dma_wait3A_728] : memref<262144x128xf32, #tpu.memory_space<hbm>> -> memref<256x128xf32, #tpu.memory_space<hbm>>
    %dma_wait3A_730 = tpu.memref_slice %arg12[%dma_wait3A_727] : memref<2x!tpu.dma_semaphore, #tpu.memory_space<semaphore_mem>> -> memref<1x!tpu.dma_semaphore, #tpu.memory_space<semaphore_mem>>
    %dma_wait3A_731 = tpu.memref_squeeze %dma_wait3A_730 : memref<1x!tpu.dma_semaphore, #tpu.memory_space<semaphore_mem>> -> memref<!tpu.dma_semaphore, #tpu.memory_space<semaphore_mem>>
    %dma_wait3A_732 = arith.constant 0 : i32
    %dma_wait3A_733 = tpu.memref_slice %arg5[%add3A_726, %dma_wait3A_732] : memref<262144x128xf32, #tpu.memory_space<hbm>> -> memref<256x128xf32, #tpu.memory_space<hbm>>
    tpu.wait_dma2 semaphore(%dma_wait3A_731 : memref<!tpu.dma_semaphore, #tpu.memory_space<semaphore_mem>>) src(%arg7 : memref<256x128xf32, #tpu.memory_space<vmem>>) dst(%dma_wait3A_733 : memref<256x128xf32, #tpu.memory_space<hbm>>)
    %mul3A_734 = arith.constant 4 : i32
    %mul3A_735 = arith.muli %add3A, %mul3A_734 : i32
    %add3A_736 = arith.constant 1 : i32
    %add3A_737 = arith.addi %mul3A_735, %add3A_736 : i32
    %mul3A_738 = arith.constant 2048 : i32
    %mul3A_739 = arith.muli %add3A_737, %mul3A_738 : i32
    %add3A_740 = arith.constant 1280 : i32
    %add3A_741 = arith.addi %mul3A_739, %add3A_740 : i32
    %dma_start3A_742 = arith.constant 1 : i32
    %dma_start3A_743 = arith.constant 0 : i32
    %dma_start3A_744 = tpu.memref_slice %arg4[%add3A_741, %dma_start3A_743] : memref<262144x128xf32, #tpu.memory_space<hbm>> -> memref<256x128xf32, #tpu.memory_space<hbm>>
    %dma_start3A_745 = tpu.memref_slice %arg11[%dma_start3A_742] : memref<2x!tpu.dma_semaphore, #tpu.memory_space<semaphore_mem>> -> memref<1x!tpu.dma_semaphore, #tpu.memory_space<semaphore_mem>>
    %dma_start3A_746 = tpu.memref_squeeze %dma_start3A_745 : memref<1x!tpu.dma_semaphore, #tpu.memory_space<semaphore_mem>> -> memref<!tpu.dma_semaphore, #tpu.memory_space<semaphore_mem>>
    %dma_start3A_747 = arith.constant 0 : i32
    %dma_start3A_748 = tpu.memref_slice %arg4[%add3A_741, %dma_start3A_747] : memref<262144x128xf32, #tpu.memory_space<hbm>> -> memref<256x128xf32, #tpu.memory_space<hbm>>
    tpu.enqueue_dma source(%dma_start3A_748 : memref<256x128xf32, #tpu.memory_space<hbm>>) target(%arg7 : memref<256x128xf32, #tpu.memory_space<vmem>>) target_semaphore(%dma_start3A_746 : memref<!tpu.dma_semaphore, #tpu.memory_space<semaphore_mem>>)
    %mul3A_749 = arith.constant 4 : i32
    %mul3A_750 = arith.muli %add3A, %mul3A_749 : i32
    %add3A_751 = arith.constant 1 : i32
    %add3A_752 = arith.addi %mul3A_750, %add3A_751 : i32
    %mul3A_753 = arith.constant 2048 : i32
    %mul3A_754 = arith.muli %add3A_752, %mul3A_753 : i32
    %add3A_755 = arith.constant 1024 : i32
    %add3A_756 = arith.addi %mul3A_754, %add3A_755 : i32
    %dma_wait3A_757 = arith.constant 0 : i32
    %dma_wait3A_758 = arith.constant 0 : i32
    %dma_wait3A_759 = tpu.memref_slice %arg4[%add3A_756, %dma_wait3A_758] : memref<262144x128xf32, #tpu.memory_space<hbm>> -> memref<256x128xf32, #tpu.memory_space<hbm>>
    %dma_wait3A_760 = tpu.memref_slice %arg11[%dma_wait3A_757] : memref<2x!tpu.dma_semaphore, #tpu.memory_space<semaphore_mem>> -> memref<1x!tpu.dma_semaphore, #tpu.memory_space<semaphore_mem>>
    %dma_wait3A_761 = tpu.memref_squeeze %dma_wait3A_760 : memref<1x!tpu.dma_semaphore, #tpu.memory_space<semaphore_mem>> -> memref<!tpu.dma_semaphore, #tpu.memory_space<semaphore_mem>>
    %dma_wait3A_762 = arith.constant 0 : i32
    %dma_wait3A_763 = tpu.memref_slice %arg4[%add3A_756, %dma_wait3A_762] : memref<262144x128xf32, #tpu.memory_space<hbm>> -> memref<256x128xf32, #tpu.memory_space<hbm>>
    tpu.wait_dma2 semaphore(%dma_wait3A_761 : memref<!tpu.dma_semaphore, #tpu.memory_space<semaphore_mem>>) src(%dma_wait3A_763 : memref<256x128xf32, #tpu.memory_space<hbm>>) dst(%arg6 : memref<256x128xf32, #tpu.memory_space<vmem>>)
    %mul3A_764 = arith.constant 4 : i32
    %mul3A_765 = arith.muli %add3A, %mul3A_764 : i32
    %add3A_766 = arith.constant 1 : i32
    %add3A_767 = arith.addi %mul3A_765, %add3A_766 : i32
    %mul3A_768 = arith.constant 2048 : i32
    %mul3A_769 = arith.muli %add3A_767, %mul3A_768 : i32
    %add3A_770 = arith.constant 1024 : i32
    %add3A_771 = arith.addi %mul3A_769, %add3A_770 : i32
    %dma_start3A_772 = arith.constant 0 : i32
    %dma_start3A_773 = arith.constant 0 : i32
    %dma_start3A_774 = tpu.memref_slice %arg5[%add3A_771, %dma_start3A_773] : memref<262144x128xf32, #tpu.memory_space<hbm>> -> memref<256x128xf32, #tpu.memory_space<hbm>>
    %dma_start3A_775 = tpu.memref_slice %arg12[%dma_start3A_772] : memref<2x!tpu.dma_semaphore, #tpu.memory_space<semaphore_mem>> -> memref<1x!tpu.dma_semaphore, #tpu.memory_space<semaphore_mem>>
    %dma_start3A_776 = tpu.memref_squeeze %dma_start3A_775 : memref<1x!tpu.dma_semaphore, #tpu.memory_space<semaphore_mem>> -> memref<!tpu.dma_semaphore, #tpu.memory_space<semaphore_mem>>
    %dma_start3A_777 = arith.constant 0 : i32
    %dma_start3A_778 = tpu.memref_slice %arg5[%add3A_771, %dma_start3A_777] : memref<262144x128xf32, #tpu.memory_space<hbm>> -> memref<256x128xf32, #tpu.memory_space<hbm>>
    tpu.enqueue_dma source(%arg6 : memref<256x128xf32, #tpu.memory_space<vmem>>) target(%dma_start3A_778 : memref<256x128xf32, #tpu.memory_space<hbm>>) target_semaphore(%dma_start3A_776 : memref<!tpu.dma_semaphore, #tpu.memory_space<semaphore_mem>>)
    %mul3A_779 = arith.constant 4 : i32
    %mul3A_780 = arith.muli %add3A, %mul3A_779 : i32
    %add3A_781 = arith.constant 1 : i32
    %add3A_782 = arith.addi %mul3A_780, %add3A_781 : i32
    %mul3A_783 = arith.constant 2048 : i32
    %mul3A_784 = arith.muli %add3A_782, %mul3A_783 : i32
    %add3A_785 = arith.constant 1024 : i32
    %add3A_786 = arith.addi %mul3A_784, %add3A_785 : i32
    %dma_wait3A_787 = arith.constant 0 : i32
    %dma_wait3A_788 = arith.constant 0 : i32
    %dma_wait3A_789 = tpu.memref_slice %arg5[%add3A_786, %dma_wait3A_788] : memref<262144x128xf32, #tpu.memory_space<hbm>> -> memref<256x128xf32, #tpu.memory_space<hbm>>
    %dma_wait3A_790 = tpu.memref_slice %arg12[%dma_wait3A_787] : memref<2x!tpu.dma_semaphore, #tpu.memory_space<semaphore_mem>> -> memref<1x!tpu.dma_semaphore, #tpu.memory_space<semaphore_mem>>
    %dma_wait3A_791 = tpu.memref_squeeze %dma_wait3A_790 : memref<1x!tpu.dma_semaphore, #tpu.memory_space<semaphore_mem>> -> memref<!tpu.dma_semaphore, #tpu.memory_space<semaphore_mem>>
    %dma_wait3A_792 = arith.constant 0 : i32
    %dma_wait3A_793 = tpu.memref_slice %arg5[%add3A_786, %dma_wait3A_792] : memref<262144x128xf32, #tpu.memory_space<hbm>> -> memref<256x128xf32, #tpu.memory_space<hbm>>
    tpu.wait_dma2 semaphore(%dma_wait3A_791 : memref<!tpu.dma_semaphore, #tpu.memory_space<semaphore_mem>>) src(%arg6 : memref<256x128xf32, #tpu.memory_space<vmem>>) dst(%dma_wait3A_793 : memref<256x128xf32, #tpu.memory_space<hbm>>)
    %mul3A_794 = arith.constant 4 : i32
    %mul3A_795 = arith.muli %add3A, %mul3A_794 : i32
    %add3A_796 = arith.constant 1 : i32
    %add3A_797 = arith.addi %mul3A_795, %add3A_796 : i32
    %mul3A_798 = arith.constant 2048 : i32
    %mul3A_799 = arith.muli %add3A_797, %mul3A_798 : i32
    %add3A_800 = arith.constant 1536 : i32
    %add3A_801 = arith.addi %mul3A_799, %add3A_800 : i32
    %dma_start3A_802 = arith.constant 0 : i32
    %dma_start3A_803 = arith.constant 0 : i32
    %dma_start3A_804 = tpu.memref_slice %arg4[%add3A_801, %dma_start3A_803] : memref<262144x128xf32, #tpu.memory_space<hbm>> -> memref<256x128xf32, #tpu.memory_space<hbm>>
    %dma_start3A_805 = tpu.memref_slice %arg11[%dma_start3A_802] : memref<2x!tpu.dma_semaphore, #tpu.memory_space<semaphore_mem>> -> memref<1x!tpu.dma_semaphore, #tpu.memory_space<semaphore_mem>>
    %dma_start3A_806 = tpu.memref_squeeze %dma_start3A_805 : memref<1x!tpu.dma_semaphore, #tpu.memory_space<semaphore_mem>> -> memref<!tpu.dma_semaphore, #tpu.memory_space<semaphore_mem>>
    %dma_start3A_807 = arith.constant 0 : i32
    %dma_start3A_808 = tpu.memref_slice %arg4[%add3A_801, %dma_start3A_807] : memref<262144x128xf32, #tpu.memory_space<hbm>> -> memref<256x128xf32, #tpu.memory_space<hbm>>
    tpu.enqueue_dma source(%dma_start3A_808 : memref<256x128xf32, #tpu.memory_space<hbm>>) target(%arg6 : memref<256x128xf32, #tpu.memory_space<vmem>>) target_semaphore(%dma_start3A_806 : memref<!tpu.dma_semaphore, #tpu.memory_space<semaphore_mem>>)
    %mul3A_809 = arith.constant 4 : i32
    %mul3A_810 = arith.muli %add3A, %mul3A_809 : i32
    %add3A_811 = arith.constant 1 : i32
    %add3A_812 = arith.addi %mul3A_810, %add3A_811 : i32
    %mul3A_813 = arith.constant 2048 : i32
    %mul3A_814 = arith.muli %add3A_812, %mul3A_813 : i32
    %add3A_815 = arith.constant 1280 : i32
    %add3A_816 = arith.addi %mul3A_814, %add3A_815 : i32
    %dma_wait3A_817 = arith.constant 1 : i32
    %dma_wait3A_818 = arith.constant 0 : i32
    %dma_wait3A_819 = tpu.memref_slice %arg4[%add3A_816, %dma_wait3A_818] : memref<262144x128xf32, #tpu.memory_space<hbm>> -> memref<256x128xf32, #tpu.memory_space<hbm>>
    %dma_wait3A_820 = tpu.memref_slice %arg11[%dma_wait3A_817] : memref<2x!tpu.dma_semaphore, #tpu.memory_space<semaphore_mem>> -> memref<1x!tpu.dma_semaphore, #tpu.memory_space<semaphore_mem>>
    %dma_wait3A_821 = tpu.memref_squeeze %dma_wait3A_820 : memref<1x!tpu.dma_semaphore, #tpu.memory_space<semaphore_mem>> -> memref<!tpu.dma_semaphore, #tpu.memory_space<semaphore_mem>>
    %dma_wait3A_822 = arith.constant 0 : i32
    %dma_wait3A_823 = tpu.memref_slice %arg4[%add3A_816, %dma_wait3A_822] : memref<262144x128xf32, #tpu.memory_space<hbm>> -> memref<256x128xf32, #tpu.memory_space<hbm>>
    tpu.wait_dma2 semaphore(%dma_wait3A_821 : memref<!tpu.dma_semaphore, #tpu.memory_space<semaphore_mem>>) src(%dma_wait3A_823 : memref<256x128xf32, #tpu.memory_space<hbm>>) dst(%arg7 : memref<256x128xf32, #tpu.memory_space<vmem>>)
    %mul3A_824 = arith.constant 4 : i32
    %mul3A_825 = arith.muli %add3A, %mul3A_824 : i32
    %add3A_826 = arith.constant 1 : i32
    %add3A_827 = arith.addi %mul3A_825, %add3A_826 : i32
    %mul3A_828 = arith.constant 2048 : i32
    %mul3A_829 = arith.muli %add3A_827, %mul3A_828 : i32
    %add3A_830 = arith.constant 1280 : i32
    %add3A_831 = arith.addi %mul3A_829, %add3A_830 : i32
    %dma_start3A_832 = arith.constant 1 : i32
    %dma_start3A_833 = arith.constant 0 : i32
    %dma_start3A_834 = tpu.memref_slice %arg5[%add3A_831, %dma_start3A_833] : memref<262144x128xf32, #tpu.memory_space<hbm>> -> memref<256x128xf32, #tpu.memory_space<hbm>>
    %dma_start3A_835 = tpu.memref_slice %arg12[%dma_start3A_832] : memref<2x!tpu.dma_semaphore, #tpu.memory_space<semaphore_mem>> -> memref<1x!tpu.dma_semaphore, #tpu.memory_space<semaphore_mem>>
    %dma_start3A_836 = tpu.memref_squeeze %dma_start3A_835 : memref<1x!tpu.dma_semaphore, #tpu.memory_space<semaphore_mem>> -> memref<!tpu.dma_semaphore, #tpu.memory_space<semaphore_mem>>
    %dma_start3A_837 = arith.constant 0 : i32
    %dma_start3A_838 = tpu.memref_slice %arg5[%add3A_831, %dma_start3A_837] : memref<262144x128xf32, #tpu.memory_space<hbm>> -> memref<256x128xf32, #tpu.memory_space<hbm>>
    tpu.enqueue_dma source(%arg7 : memref<256x128xf32, #tpu.memory_space<vmem>>) target(%dma_start3A_838 : memref<256x128xf32, #tpu.memory_space<hbm>>) target_semaphore(%dma_start3A_836 : memref<!tpu.dma_semaphore, #tpu.memory_space<semaphore_mem>>)
    %mul3A_839 = arith.constant 4 : i32
    %mul3A_840 = arith.muli %add3A, %mul3A_839 : i32
    %add3A_841 = arith.constant 1 : i32
    %add3A_842 = arith.addi %mul3A_840, %add3A_841 : i32
    %mul3A_843 = arith.constant 2048 : i32
    %mul3A_844 = arith.muli %add3A_842, %mul3A_843 : i32
    %add3A_845 = arith.constant 1280 : i32
    %add3A_846 = arith.addi %mul3A_844, %add3A_845 : i32
    %dma_wait3A_847 = arith.constant 1 : i32
    %dma_wait3A_848 = arith.constant 0 : i32
    %dma_wait3A_849 = tpu.memref_slice %arg5[%add3A_846, %dma_wait3A_848] : memref<262144x128xf32, #tpu.memory_space<hbm>> -> memref<256x128xf32, #tpu.memory_space<hbm>>
    %dma_wait3A_850 = tpu.memref_slice %arg12[%dma_wait3A_847] : memref<2x!tpu.dma_semaphore, #tpu.memory_space<semaphore_mem>> -> memref<1x!tpu.dma_semaphore, #tpu.memory_space<semaphore_mem>>
    %dma_wait3A_851 = tpu.memref_squeeze %dma_wait3A_850 : memref<1x!tpu.dma_semaphore, #tpu.memory_space<semaphore_mem>> -> memref<!tpu.dma_semaphore, #tpu.memory_space<semaphore_mem>>
    %dma_wait3A_852 = arith.constant 0 : i32
    %dma_wait3A_853 = tpu.memref_slice %arg5[%add3A_846, %dma_wait3A_852] : memref<262144x128xf32, #tpu.memory_space<hbm>> -> memref<256x128xf32, #tpu.memory_space<hbm>>
    tpu.wait_dma2 semaphore(%dma_wait3A_851 : memref<!tpu.dma_semaphore, #tpu.memory_space<semaphore_mem>>) src(%arg7 : memref<256x128xf32, #tpu.memory_space<vmem>>) dst(%dma_wait3A_853 : memref<256x128xf32, #tpu.memory_space<hbm>>)
    %mul3A_854 = arith.constant 4 : i32
    %mul3A_855 = arith.muli %add3A, %mul3A_854 : i32
    %add3A_856 = arith.constant 1 : i32
    %add3A_857 = arith.addi %mul3A_855, %add3A_856 : i32
    %mul3A_858 = arith.constant 2048 : i32
    %mul3A_859 = arith.muli %add3A_857, %mul3A_858 : i32
    %add3A_860 = arith.constant 1792 : i32
    %add3A_861 = arith.addi %mul3A_859, %add3A_860 : i32
    %dma_start3A_862 = arith.constant 1 : i32
    %dma_start3A_863 = arith.constant 0 : i32
    %dma_start3A_864 = tpu.memref_slice %arg4[%add3A_861, %dma_start3A_863] : memref<262144x128xf32, #tpu.memory_space<hbm>> -> memref<256x128xf32, #tpu.memory_space<hbm>>
    %dma_start3A_865 = tpu.memref_slice %arg11[%dma_start3A_862] : memref<2x!tpu.dma_semaphore, #tpu.memory_space<semaphore_mem>> -> memref<1x!tpu.dma_semaphore, #tpu.memory_space<semaphore_mem>>
    %dma_start3A_866 = tpu.memref_squeeze %dma_start3A_865 : memref<1x!tpu.dma_semaphore, #tpu.memory_space<semaphore_mem>> -> memref<!tpu.dma_semaphore, #tpu.memory_space<semaphore_mem>>
    %dma_start3A_867 = arith.constant 0 : i32
    %dma_start3A_868 = tpu.memref_slice %arg4[%add3A_861, %dma_start3A_867] : memref<262144x128xf32, #tpu.memory_space<hbm>> -> memref<256x128xf32, #tpu.memory_space<hbm>>
    tpu.enqueue_dma source(%dma_start3A_868 : memref<256x128xf32, #tpu.memory_space<hbm>>) target(%arg7 : memref<256x128xf32, #tpu.memory_space<vmem>>) target_semaphore(%dma_start3A_866 : memref<!tpu.dma_semaphore, #tpu.memory_space<semaphore_mem>>)
    %mul3A_869 = arith.constant 4 : i32
    %mul3A_870 = arith.muli %add3A, %mul3A_869 : i32
    %add3A_871 = arith.constant 1 : i32
    %add3A_872 = arith.addi %mul3A_870, %add3A_871 : i32
    %mul3A_873 = arith.constant 2048 : i32
    %mul3A_874 = arith.muli %add3A_872, %mul3A_873 : i32
    %add3A_875 = arith.constant 1536 : i32
    %add3A_876 = arith.addi %mul3A_874, %add3A_875 : i32
    %dma_wait3A_877 = arith.constant 0 : i32
    %dma_wait3A_878 = arith.constant 0 : i32
    %dma_wait3A_879 = tpu.memref_slice %arg4[%add3A_876, %dma_wait3A_878] : memref<262144x128xf32, #tpu.memory_space<hbm>> -> memref<256x128xf32, #tpu.memory_space<hbm>>
    %dma_wait3A_880 = tpu.memref_slice %arg11[%dma_wait3A_877] : memref<2x!tpu.dma_semaphore, #tpu.memory_space<semaphore_mem>> -> memref<1x!tpu.dma_semaphore, #tpu.memory_space<semaphore_mem>>
    %dma_wait3A_881 = tpu.memref_squeeze %dma_wait3A_880 : memref<1x!tpu.dma_semaphore, #tpu.memory_space<semaphore_mem>> -> memref<!tpu.dma_semaphore, #tpu.memory_space<semaphore_mem>>
    %dma_wait3A_882 = arith.constant 0 : i32
    %dma_wait3A_883 = tpu.memref_slice %arg4[%add3A_876, %dma_wait3A_882] : memref<262144x128xf32, #tpu.memory_space<hbm>> -> memref<256x128xf32, #tpu.memory_space<hbm>>
    tpu.wait_dma2 semaphore(%dma_wait3A_881 : memref<!tpu.dma_semaphore, #tpu.memory_space<semaphore_mem>>) src(%dma_wait3A_883 : memref<256x128xf32, #tpu.memory_space<hbm>>) dst(%arg6 : memref<256x128xf32, #tpu.memory_space<vmem>>)
    %mul3A_884 = arith.constant 4 : i32
    %mul3A_885 = arith.muli %add3A, %mul3A_884 : i32
    %add3A_886 = arith.constant 1 : i32
    %add3A_887 = arith.addi %mul3A_885, %add3A_886 : i32
    %mul3A_888 = arith.constant 2048 : i32
    %mul3A_889 = arith.muli %add3A_887, %mul3A_888 : i32
    %add3A_890 = arith.constant 1536 : i32
    %add3A_891 = arith.addi %mul3A_889, %add3A_890 : i32
    %dma_start3A_892 = arith.constant 0 : i32
    %dma_start3A_893 = arith.constant 0 : i32
    %dma_start3A_894 = tpu.memref_slice %arg5[%add3A_891, %dma_start3A_893] : memref<262144x128xf32, #tpu.memory_space<hbm>> -> memref<256x128xf32, #tpu.memory_space<hbm>>
    %dma_start3A_895 = tpu.memref_slice %arg12[%dma_start3A_892] : memref<2x!tpu.dma_semaphore, #tpu.memory_space<semaphore_mem>> -> memref<1x!tpu.dma_semaphore, #tpu.memory_space<semaphore_mem>>
    %dma_start3A_896 = tpu.memref_squeeze %dma_start3A_895 : memref<1x!tpu.dma_semaphore, #tpu.memory_space<semaphore_mem>> -> memref<!tpu.dma_semaphore, #tpu.memory_space<semaphore_mem>>
    %dma_start3A_897 = arith.constant 0 : i32
    %dma_start3A_898 = tpu.memref_slice %arg5[%add3A_891, %dma_start3A_897] : memref<262144x128xf32, #tpu.memory_space<hbm>> -> memref<256x128xf32, #tpu.memory_space<hbm>>
    tpu.enqueue_dma source(%arg6 : memref<256x128xf32, #tpu.memory_space<vmem>>) target(%dma_start3A_898 : memref<256x128xf32, #tpu.memory_space<hbm>>) target_semaphore(%dma_start3A_896 : memref<!tpu.dma_semaphore, #tpu.memory_space<semaphore_mem>>)
    %mul3A_899 = arith.constant 4 : i32
    %mul3A_900 = arith.muli %add3A, %mul3A_899 : i32
    %add3A_901 = arith.constant 1 : i32
    %add3A_902 = arith.addi %mul3A_900, %add3A_901 : i32
    %mul3A_903 = arith.constant 2048 : i32
    %mul3A_904 = arith.muli %add3A_902, %mul3A_903 : i32
    %add3A_905 = arith.constant 1536 : i32
    %add3A_906 = arith.addi %mul3A_904, %add3A_905 : i32
    %dma_wait3A_907 = arith.constant 0 : i32
    %dma_wait3A_908 = arith.constant 0 : i32
    %dma_wait3A_909 = tpu.memref_slice %arg5[%add3A_906, %dma_wait3A_908] : memref<262144x128xf32, #tpu.memory_space<hbm>> -> memref<256x128xf32, #tpu.memory_space<hbm>>
    %dma_wait3A_910 = tpu.memref_slice %arg12[%dma_wait3A_907] : memref<2x!tpu.dma_semaphore, #tpu.memory_space<semaphore_mem>> -> memref<1x!tpu.dma_semaphore, #tpu.memory_space<semaphore_mem>>
    %dma_wait3A_911 = tpu.memref_squeeze %dma_wait3A_910 : memref<1x!tpu.dma_semaphore, #tpu.memory_space<semaphore_mem>> -> memref<!tpu.dma_semaphore, #tpu.memory_space<semaphore_mem>>
    %dma_wait3A_912 = arith.constant 0 : i32
    %dma_wait3A_913 = tpu.memref_slice %arg5[%add3A_906, %dma_wait3A_912] : memref<262144x128xf32, #tpu.memory_space<hbm>> -> memref<256x128xf32, #tpu.memory_space<hbm>>
    tpu.wait_dma2 semaphore(%dma_wait3A_911 : memref<!tpu.dma_semaphore, #tpu.memory_space<semaphore_mem>>) src(%arg6 : memref<256x128xf32, #tpu.memory_space<vmem>>) dst(%dma_wait3A_913 : memref<256x128xf32, #tpu.memory_space<hbm>>)
    %mul3A_914 = arith.constant 4 : i32
    %mul3A_915 = arith.muli %add3A, %mul3A_914 : i32
    %add3A_916 = arith.constant 2 : i32
    %add3A_917 = arith.addi %mul3A_915, %add3A_916 : i32
    %mul3A_918 = arith.constant 2048 : i32
    %mul3A_919 = arith.muli %add3A_917, %mul3A_918 : i32
    %add3A_920 = arith.constant 0 : i32
    %add3A_921 = arith.addi %mul3A_919, %add3A_920 : i32
    %dma_start3A_922 = arith.constant 0 : i32
    %dma_start3A_923 = arith.constant 0 : i32
    %dma_start3A_924 = tpu.memref_slice %arg4[%add3A_921, %dma_start3A_923] : memref<262144x128xf32, #tpu.memory_space<hbm>> -> memref<256x128xf32, #tpu.memory_space<hbm>>
    %dma_start3A_925 = tpu.memref_slice %arg11[%dma_start3A_922] : memref<2x!tpu.dma_semaphore, #tpu.memory_space<semaphore_mem>> -> memref<1x!tpu.dma_semaphore, #tpu.memory_space<semaphore_mem>>
    %dma_start3A_926 = tpu.memref_squeeze %dma_start3A_925 : memref<1x!tpu.dma_semaphore, #tpu.memory_space<semaphore_mem>> -> memref<!tpu.dma_semaphore, #tpu.memory_space<semaphore_mem>>
    %dma_start3A_927 = arith.constant 0 : i32
    %dma_start3A_928 = tpu.memref_slice %arg4[%add3A_921, %dma_start3A_927] : memref<262144x128xf32, #tpu.memory_space<hbm>> -> memref<256x128xf32, #tpu.memory_space<hbm>>
    tpu.enqueue_dma source(%dma_start3A_928 : memref<256x128xf32, #tpu.memory_space<hbm>>) target(%arg6 : memref<256x128xf32, #tpu.memory_space<vmem>>) target_semaphore(%dma_start3A_926 : memref<!tpu.dma_semaphore, #tpu.memory_space<semaphore_mem>>)
    %mul3A_929 = arith.constant 4 : i32
    %mul3A_930 = arith.muli %add3A, %mul3A_929 : i32
    %add3A_931 = arith.constant 1 : i32
    %add3A_932 = arith.addi %mul3A_930, %add3A_931 : i32
    %mul3A_933 = arith.constant 2048 : i32
    %mul3A_934 = arith.muli %add3A_932, %mul3A_933 : i32
    %add3A_935 = arith.constant 1792 : i32
    %add3A_936 = arith.addi %mul3A_934, %add3A_935 : i32
    %dma_wait3A_937 = arith.constant 1 : i32
    %dma_wait3A_938 = arith.constant 0 : i32
    %dma_wait3A_939 = tpu.memref_slice %arg4[%add3A_936, %dma_wait3A_938] : memref<262144x128xf32, #tpu.memory_space<hbm>> -> memref<256x128xf32, #tpu.memory_space<hbm>>
    %dma_wait3A_940 = tpu.memref_slice %arg11[%dma_wait3A_937] : memref<2x!tpu.dma_semaphore, #tpu.memory_space<semaphore_mem>> -> memref<1x!tpu.dma_semaphore, #tpu.memory_space<semaphore_mem>>
    %dma_wait3A_941 = tpu.memref_squeeze %dma_wait3A_940 : memref<1x!tpu.dma_semaphore, #tpu.memory_space<semaphore_mem>> -> memref<!tpu.dma_semaphore, #tpu.memory_space<semaphore_mem>>
    %dma_wait3A_942 = arith.constant 0 : i32
    %dma_wait3A_943 = tpu.memref_slice %arg4[%add3A_936, %dma_wait3A_942] : memref<262144x128xf32, #tpu.memory_space<hbm>> -> memref<256x128xf32, #tpu.memory_space<hbm>>
    tpu.wait_dma2 semaphore(%dma_wait3A_941 : memref<!tpu.dma_semaphore, #tpu.memory_space<semaphore_mem>>) src(%dma_wait3A_943 : memref<256x128xf32, #tpu.memory_space<hbm>>) dst(%arg7 : memref<256x128xf32, #tpu.memory_space<vmem>>)
    %mul3A_944 = arith.constant 4 : i32
    %mul3A_945 = arith.muli %add3A, %mul3A_944 : i32
    %add3A_946 = arith.constant 1 : i32
    %add3A_947 = arith.addi %mul3A_945, %add3A_946 : i32
    %mul3A_948 = arith.constant 2048 : i32
    %mul3A_949 = arith.muli %add3A_947, %mul3A_948 : i32
    %add3A_950 = arith.constant 1792 : i32
    %add3A_951 = arith.addi %mul3A_949, %add3A_950 : i32
    %dma_start3A_952 = arith.constant 1 : i32
    %dma_start3A_953 = arith.constant 0 : i32
    %dma_start3A_954 = tpu.memref_slice %arg5[%add3A_951, %dma_start3A_953] : memref<262144x128xf32, #tpu.memory_space<hbm>> -> memref<256x128xf32, #tpu.memory_space<hbm>>
    %dma_start3A_955 = tpu.memref_slice %arg12[%dma_start3A_952] : memref<2x!tpu.dma_semaphore, #tpu.memory_space<semaphore_mem>> -> memref<1x!tpu.dma_semaphore, #tpu.memory_space<semaphore_mem>>
    %dma_start3A_956 = tpu.memref_squeeze %dma_start3A_955 : memref<1x!tpu.dma_semaphore, #tpu.memory_space<semaphore_mem>> -> memref<!tpu.dma_semaphore, #tpu.memory_space<semaphore_mem>>
    %dma_start3A_957 = arith.constant 0 : i32
    %dma_start3A_958 = tpu.memref_slice %arg5[%add3A_951, %dma_start3A_957] : memref<262144x128xf32, #tpu.memory_space<hbm>> -> memref<256x128xf32, #tpu.memory_space<hbm>>
    tpu.enqueue_dma source(%arg7 : memref<256x128xf32, #tpu.memory_space<vmem>>) target(%dma_start3A_958 : memref<256x128xf32, #tpu.memory_space<hbm>>) target_semaphore(%dma_start3A_956 : memref<!tpu.dma_semaphore, #tpu.memory_space<semaphore_mem>>)
    %mul3A_959 = arith.constant 4 : i32
    %mul3A_960 = arith.muli %add3A, %mul3A_959 : i32
    %add3A_961 = arith.constant 1 : i32
    %add3A_962 = arith.addi %mul3A_960, %add3A_961 : i32
    %mul3A_963 = arith.constant 2048 : i32
    %mul3A_964 = arith.muli %add3A_962, %mul3A_963 : i32
    %add3A_965 = arith.constant 1792 : i32
    %add3A_966 = arith.addi %mul3A_964, %add3A_965 : i32
    %dma_wait3A_967 = arith.constant 1 : i32
    %dma_wait3A_968 = arith.constant 0 : i32
    %dma_wait3A_969 = tpu.memref_slice %arg5[%add3A_966, %dma_wait3A_968] : memref<262144x128xf32, #tpu.memory_space<hbm>> -> memref<256x128xf32, #tpu.memory_space<hbm>>
    %dma_wait3A_970 = tpu.memref_slice %arg12[%dma_wait3A_967] : memref<2x!tpu.dma_semaphore, #tpu.memory_space<semaphore_mem>> -> memref<1x!tpu.dma_semaphore, #tpu.memory_space<semaphore_mem>>
    %dma_wait3A_971 = tpu.memref_squeeze %dma_wait3A_970 : memref<1x!tpu.dma_semaphore, #tpu.memory_space<semaphore_mem>> -> memref<!tpu.dma_semaphore, #tpu.memory_space<semaphore_mem>>
    %dma_wait3A_972 = arith.constant 0 : i32
    %dma_wait3A_973 = tpu.memref_slice %arg5[%add3A_966, %dma_wait3A_972] : memref<262144x128xf32, #tpu.memory_space<hbm>> -> memref<256x128xf32, #tpu.memory_space<hbm>>
    tpu.wait_dma2 semaphore(%dma_wait3A_971 : memref<!tpu.dma_semaphore, #tpu.memory_space<semaphore_mem>>) src(%arg7 : memref<256x128xf32, #tpu.memory_space<vmem>>) dst(%dma_wait3A_973 : memref<256x128xf32, #tpu.memory_space<hbm>>)
    %mul3A_974 = arith.constant 4 : i32
    %mul3A_975 = arith.muli %add3A, %mul3A_974 : i32
    %add3A_976 = arith.constant 2 : i32
    %add3A_977 = arith.addi %mul3A_975, %add3A_976 : i32
    %mul3A_978 = arith.constant 2048 : i32
    %mul3A_979 = arith.muli %add3A_977, %mul3A_978 : i32
    %add3A_980 = arith.constant 256 : i32
    %add3A_981 = arith.addi %mul3A_979, %add3A_980 : i32
    %dma_start3A_982 = arith.constant 1 : i32
    %dma_start3A_983 = arith.constant 0 : i32
    %dma_start3A_984 = tpu.memref_slice %arg4[%add3A_981, %dma_start3A_983] : memref<262144x128xf32, #tpu.memory_space<hbm>> -> memref<256x128xf32, #tpu.memory_space<hbm>>
    %dma_start3A_985 = tpu.memref_slice %arg11[%dma_start3A_982] : memref<2x!tpu.dma_semaphore, #tpu.memory_space<semaphore_mem>> -> memref<1x!tpu.dma_semaphore, #tpu.memory_space<semaphore_mem>>
    %dma_start3A_986 = tpu.memref_squeeze %dma_start3A_985 : memref<1x!tpu.dma_semaphore, #tpu.memory_space<semaphore_mem>> -> memref<!tpu.dma_semaphore, #tpu.memory_space<semaphore_mem>>
    %dma_start3A_987 = arith.constant 0 : i32
    %dma_start3A_988 = tpu.memref_slice %arg4[%add3A_981, %dma_start3A_987] : memref<262144x128xf32, #tpu.memory_space<hbm>> -> memref<256x128xf32, #tpu.memory_space<hbm>>
    tpu.enqueue_dma source(%dma_start3A_988 : memref<256x128xf32, #tpu.memory_space<hbm>>) target(%arg7 : memref<256x128xf32, #tpu.memory_space<vmem>>) target_semaphore(%dma_start3A_986 : memref<!tpu.dma_semaphore, #tpu.memory_space<semaphore_mem>>)
    %mul3A_989 = arith.constant 4 : i32
    %mul3A_990 = arith.muli %add3A, %mul3A_989 : i32
    %add3A_991 = arith.constant 2 : i32
    %add3A_992 = arith.addi %mul3A_990, %add3A_991 : i32
    %mul3A_993 = arith.constant 2048 : i32
    %mul3A_994 = arith.muli %add3A_992, %mul3A_993 : i32
    %add3A_995 = arith.constant 0 : i32
    %add3A_996 = arith.addi %mul3A_994, %add3A_995 : i32
    %dma_wait3A_997 = arith.constant 0 : i32
    %dma_wait3A_998 = arith.constant 0 : i32
    %dma_wait3A_999 = tpu.memref_slice %arg4[%add3A_996, %dma_wait3A_998] : memref<262144x128xf32, #tpu.memory_space<hbm>> -> memref<256x128xf32, #tpu.memory_space<hbm>>
    %dma_wait3A_1000 = tpu.memref_slice %arg11[%dma_wait3A_997] : memref<2x!tpu.dma_semaphore, #tpu.memory_space<semaphore_mem>> -> memref<1x!tpu.dma_semaphore, #tpu.memory_space<semaphore_mem>>
    %dma_wait3A_1001 = tpu.memref_squeeze %dma_wait3A_1000 : memref<1x!tpu.dma_semaphore, #tpu.memory_space<semaphore_mem>> -> memref<!tpu.dma_semaphore, #tpu.memory_space<semaphore_mem>>
    %dma_wait3A_1002 = arith.constant 0 : i32
    %dma_wait3A_1003 = tpu.memref_slice %arg4[%add3A_996, %dma_wait3A_1002] : memref<262144x128xf32, #tpu.memory_space<hbm>> -> memref<256x128xf32, #tpu.memory_space<hbm>>
    tpu.wait_dma2 semaphore(%dma_wait3A_1001 : memref<!tpu.dma_semaphore, #tpu.memory_space<semaphore_mem>>) src(%dma_wait3A_1003 : memref<256x128xf32, #tpu.memory_space<hbm>>) dst(%arg6 : memref<256x128xf32, #tpu.memory_space<vmem>>)
    %mul3A_1004 = arith.constant 4 : i32
    %mul3A_1005 = arith.muli %add3A, %mul3A_1004 : i32
    %add3A_1006 = arith.constant 2 : i32
    %add3A_1007 = arith.addi %mul3A_1005, %add3A_1006 : i32
    %mul3A_1008 = arith.constant 2048 : i32
    %mul3A_1009 = arith.muli %add3A_1007, %mul3A_1008 : i32
    %add3A_1010 = arith.constant 0 : i32
    %add3A_1011 = arith.addi %mul3A_1009, %add3A_1010 : i32
    %dma_start3A_1012 = arith.constant 0 : i32
    %dma_start3A_1013 = arith.constant 0 : i32
    %dma_start3A_1014 = tpu.memref_slice %arg5[%add3A_1011, %dma_start3A_1013] : memref<262144x128xf32, #tpu.memory_space<hbm>> -> memref<256x128xf32, #tpu.memory_space<hbm>>
    %dma_start3A_1015 = tpu.memref_slice %arg12[%dma_start3A_1012] : memref<2x!tpu.dma_semaphore, #tpu.memory_space<semaphore_mem>> -> memref<1x!tpu.dma_semaphore, #tpu.memory_space<semaphore_mem>>
    %dma_start3A_1016 = tpu.memref_squeeze %dma_start3A_1015 : memref<1x!tpu.dma_semaphore, #tpu.memory_space<semaphore_mem>> -> memref<!tpu.dma_semaphore, #tpu.memory_space<semaphore_mem>>
    %dma_start3A_1017 = arith.constant 0 : i32
    %dma_start3A_1018 = tpu.memref_slice %arg5[%add3A_1011, %dma_start3A_1017] : memref<262144x128xf32, #tpu.memory_space<hbm>> -> memref<256x128xf32, #tpu.memory_space<hbm>>
    tpu.enqueue_dma source(%arg6 : memref<256x128xf32, #tpu.memory_space<vmem>>) target(%dma_start3A_1018 : memref<256x128xf32, #tpu.memory_space<hbm>>) target_semaphore(%dma_start3A_1016 : memref<!tpu.dma_semaphore, #tpu.memory_space<semaphore_mem>>)
    %mul3A_1019 = arith.constant 4 : i32
    %mul3A_1020 = arith.muli %add3A, %mul3A_1019 : i32
    %add3A_1021 = arith.constant 2 : i32
    %add3A_1022 = arith.addi %mul3A_1020, %add3A_1021 : i32
    %mul3A_1023 = arith.constant 2048 : i32
    %mul3A_1024 = arith.muli %add3A_1022, %mul3A_1023 : i32
    %add3A_1025 = arith.constant 0 : i32
    %add3A_1026 = arith.addi %mul3A_1024, %add3A_1025 : i32
    %dma_wait3A_1027 = arith.constant 0 : i32
    %dma_wait3A_1028 = arith.constant 0 : i32
    %dma_wait3A_1029 = tpu.memref_slice %arg5[%add3A_1026, %dma_wait3A_1028] : memref<262144x128xf32, #tpu.memory_space<hbm>> -> memref<256x128xf32, #tpu.memory_space<hbm>>
    %dma_wait3A_1030 = tpu.memref_slice %arg12[%dma_wait3A_1027] : memref<2x!tpu.dma_semaphore, #tpu.memory_space<semaphore_mem>> -> memref<1x!tpu.dma_semaphore, #tpu.memory_space<semaphore_mem>>
    %dma_wait3A_1031 = tpu.memref_squeeze %dma_wait3A_1030 : memref<1x!tpu.dma_semaphore, #tpu.memory_space<semaphore_mem>> -> memref<!tpu.dma_semaphore, #tpu.memory_space<semaphore_mem>>
    %dma_wait3A_1032 = arith.constant 0 : i32
    %dma_wait3A_1033 = tpu.memref_slice %arg5[%add3A_1026, %dma_wait3A_1032] : memref<262144x128xf32, #tpu.memory_space<hbm>> -> memref<256x128xf32, #tpu.memory_space<hbm>>
    tpu.wait_dma2 semaphore(%dma_wait3A_1031 : memref<!tpu.dma_semaphore, #tpu.memory_space<semaphore_mem>>) src(%arg6 : memref<256x128xf32, #tpu.memory_space<vmem>>) dst(%dma_wait3A_1033 : memref<256x128xf32, #tpu.memory_space<hbm>>)
    %mul3A_1034 = arith.constant 4 : i32
    %mul3A_1035 = arith.muli %add3A, %mul3A_1034 : i32
    %add3A_1036 = arith.constant 2 : i32
    %add3A_1037 = arith.addi %mul3A_1035, %add3A_1036 : i32
    %mul3A_1038 = arith.constant 2048 : i32
    %mul3A_1039 = arith.muli %add3A_1037, %mul3A_1038 : i32
    %add3A_1040 = arith.constant 512 : i32
    %add3A_1041 = arith.addi %mul3A_1039, %add3A_1040 : i32
    %dma_start3A_1042 = arith.constant 0 : i32
    %dma_start3A_1043 = arith.constant 0 : i32
    %dma_start3A_1044 = tpu.memref_slice %arg4[%add3A_1041, %dma_start3A_1043] : memref<262144x128xf32, #tpu.memory_space<hbm>> -> memref<256x128xf32, #tpu.memory_space<hbm>>
    %dma_start3A_1045 = tpu.memref_slice %arg11[%dma_start3A_1042] : memref<2x!tpu.dma_semaphore, #tpu.memory_space<semaphore_mem>> -> memref<1x!tpu.dma_semaphore, #tpu.memory_space<semaphore_mem>>
    %dma_start3A_1046 = tpu.memref_squeeze %dma_start3A_1045 : memref<1x!tpu.dma_semaphore, #tpu.memory_space<semaphore_mem>> -> memref<!tpu.dma_semaphore, #tpu.memory_space<semaphore_mem>>
    %dma_start3A_1047 = arith.constant 0 : i32
    %dma_start3A_1048 = tpu.memref_slice %arg4[%add3A_1041, %dma_start3A_1047] : memref<262144x128xf32, #tpu.memory_space<hbm>> -> memref<256x128xf32, #tpu.memory_space<hbm>>
    tpu.enqueue_dma source(%dma_start3A_1048 : memref<256x128xf32, #tpu.memory_space<hbm>>) target(%arg6 : memref<256x128xf32, #tpu.memory_space<vmem>>) target_semaphore(%dma_start3A_1046 : memref<!tpu.dma_semaphore, #tpu.memory_space<semaphore_mem>>)
    %mul3A_1049 = arith.constant 4 : i32
    %mul3A_1050 = arith.muli %add3A, %mul3A_1049 : i32
    %add3A_1051 = arith.constant 2 : i32
    %add3A_1052 = arith.addi %mul3A_1050, %add3A_1051 : i32
    %mul3A_1053 = arith.constant 2048 : i32
    %mul3A_1054 = arith.muli %add3A_1052, %mul3A_1053 : i32
    %add3A_1055 = arith.constant 256 : i32
    %add3A_1056 = arith.addi %mul3A_1054, %add3A_1055 : i32
    %dma_wait3A_1057 = arith.constant 1 : i32
    %dma_wait3A_1058 = arith.constant 0 : i32
    %dma_wait3A_1059 = tpu.memref_slice %arg4[%add3A_1056, %dma_wait3A_1058] : memref<262144x128xf32, #tpu.memory_space<hbm>> -> memref<256x128xf32, #tpu.memory_space<hbm>>
    %dma_wait3A_1060 = tpu.memref_slice %arg11[%dma_wait3A_1057] : memref<2x!tpu.dma_semaphore, #tpu.memory_space<semaphore_mem>> -> memref<1x!tpu.dma_semaphore, #tpu.memory_space<semaphore_mem>>
    %dma_wait3A_1061 = tpu.memref_squeeze %dma_wait3A_1060 : memref<1x!tpu.dma_semaphore, #tpu.memory_space<semaphore_mem>> -> memref<!tpu.dma_semaphore, #tpu.memory_space<semaphore_mem>>
    %dma_wait3A_1062 = arith.constant 0 : i32
    %dma_wait3A_1063 = tpu.memref_slice %arg4[%add3A_1056, %dma_wait3A_1062] : memref<262144x128xf32, #tpu.memory_space<hbm>> -> memref<256x128xf32, #tpu.memory_space<hbm>>
    tpu.wait_dma2 semaphore(%dma_wait3A_1061 : memref<!tpu.dma_semaphore, #tpu.memory_space<semaphore_mem>>) src(%dma_wait3A_1063 : memref<256x128xf32, #tpu.memory_space<hbm>>) dst(%arg7 : memref<256x128xf32, #tpu.memory_space<vmem>>)
    %mul3A_1064 = arith.constant 4 : i32
    %mul3A_1065 = arith.muli %add3A, %mul3A_1064 : i32
    %add3A_1066 = arith.constant 2 : i32
    %add3A_1067 = arith.addi %mul3A_1065, %add3A_1066 : i32
    %mul3A_1068 = arith.constant 2048 : i32
    %mul3A_1069 = arith.muli %add3A_1067, %mul3A_1068 : i32
    %add3A_1070 = arith.constant 256 : i32
    %add3A_1071 = arith.addi %mul3A_1069, %add3A_1070 : i32
    %dma_start3A_1072 = arith.constant 1 : i32
    %dma_start3A_1073 = arith.constant 0 : i32
    %dma_start3A_1074 = tpu.memref_slice %arg5[%add3A_1071, %dma_start3A_1073] : memref<262144x128xf32, #tpu.memory_space<hbm>> -> memref<256x128xf32, #tpu.memory_space<hbm>>
    %dma_start3A_1075 = tpu.memref_slice %arg12[%dma_start3A_1072] : memref<2x!tpu.dma_semaphore, #tpu.memory_space<semaphore_mem>> -> memref<1x!tpu.dma_semaphore, #tpu.memory_space<semaphore_mem>>
    %dma_start3A_1076 = tpu.memref_squeeze %dma_start3A_1075 : memref<1x!tpu.dma_semaphore, #tpu.memory_space<semaphore_mem>> -> memref<!tpu.dma_semaphore, #tpu.memory_space<semaphore_mem>>
    %dma_start3A_1077 = arith.constant 0 : i32
    %dma_start3A_1078 = tpu.memref_slice %arg5[%add3A_1071, %dma_start3A_1077] : memref<262144x128xf32, #tpu.memory_space<hbm>> -> memref<256x128xf32, #tpu.memory_space<hbm>>
    tpu.enqueue_dma source(%arg7 : memref<256x128xf32, #tpu.memory_space<vmem>>) target(%dma_start3A_1078 : memref<256x128xf32, #tpu.memory_space<hbm>>) target_semaphore(%dma_start3A_1076 : memref<!tpu.dma_semaphore, #tpu.memory_space<semaphore_mem>>)
    %mul3A_1079 = arith.constant 4 : i32
    %mul3A_1080 = arith.muli %add3A, %mul3A_1079 : i32
    %add3A_1081 = arith.constant 2 : i32
    %add3A_1082 = arith.addi %mul3A_1080, %add3A_1081 : i32
    %mul3A_1083 = arith.constant 2048 : i32
    %mul3A_1084 = arith.muli %add3A_1082, %mul3A_1083 : i32
    %add3A_1085 = arith.constant 256 : i32
    %add3A_1086 = arith.addi %mul3A_1084, %add3A_1085 : i32
    %dma_wait3A_1087 = arith.constant 1 : i32
    %dma_wait3A_1088 = arith.constant 0 : i32
    %dma_wait3A_1089 = tpu.memref_slice %arg5[%add3A_1086, %dma_wait3A_1088] : memref<262144x128xf32, #tpu.memory_space<hbm>> -> memref<256x128xf32, #tpu.memory_space<hbm>>
    %dma_wait3A_1090 = tpu.memref_slice %arg12[%dma_wait3A_1087] : memref<2x!tpu.dma_semaphore, #tpu.memory_space<semaphore_mem>> -> memref<1x!tpu.dma_semaphore, #tpu.memory_space<semaphore_mem>>
    %dma_wait3A_1091 = tpu.memref_squeeze %dma_wait3A_1090 : memref<1x!tpu.dma_semaphore, #tpu.memory_space<semaphore_mem>> -> memref<!tpu.dma_semaphore, #tpu.memory_space<semaphore_mem>>
    %dma_wait3A_1092 = arith.constant 0 : i32
    %dma_wait3A_1093 = tpu.memref_slice %arg5[%add3A_1086, %dma_wait3A_1092] : memref<262144x128xf32, #tpu.memory_space<hbm>> -> memref<256x128xf32, #tpu.memory_space<hbm>>
    tpu.wait_dma2 semaphore(%dma_wait3A_1091 : memref<!tpu.dma_semaphore, #tpu.memory_space<semaphore_mem>>) src(%arg7 : memref<256x128xf32, #tpu.memory_space<vmem>>) dst(%dma_wait3A_1093 : memref<256x128xf32, #tpu.memory_space<hbm>>)
    %mul3A_1094 = arith.constant 4 : i32
    %mul3A_1095 = arith.muli %add3A, %mul3A_1094 : i32
    %add3A_1096 = arith.constant 2 : i32
    %add3A_1097 = arith.addi %mul3A_1095, %add3A_1096 : i32
    %mul3A_1098 = arith.constant 2048 : i32
    %mul3A_1099 = arith.muli %add3A_1097, %mul3A_1098 : i32
    %add3A_1100 = arith.constant 768 : i32
    %add3A_1101 = arith.addi %mul3A_1099, %add3A_1100 : i32
    %dma_start3A_1102 = arith.constant 1 : i32
    %dma_start3A_1103 = arith.constant 0 : i32
    %dma_start3A_1104 = tpu.memref_slice %arg4[%add3A_1101, %dma_start3A_1103] : memref<262144x128xf32, #tpu.memory_space<hbm>> -> memref<256x128xf32, #tpu.memory_space<hbm>>
    %dma_start3A_1105 = tpu.memref_slice %arg11[%dma_start3A_1102] : memref<2x!tpu.dma_semaphore, #tpu.memory_space<semaphore_mem>> -> memref<1x!tpu.dma_semaphore, #tpu.memory_space<semaphore_mem>>
    %dma_start3A_1106 = tpu.memref_squeeze %dma_start3A_1105 : memref<1x!tpu.dma_semaphore, #tpu.memory_space<semaphore_mem>> -> memref<!tpu.dma_semaphore, #tpu.memory_space<semaphore_mem>>
    %dma_start3A_1107 = arith.constant 0 : i32
    %dma_start3A_1108 = tpu.memref_slice %arg4[%add3A_1101, %dma_start3A_1107] : memref<262144x128xf32, #tpu.memory_space<hbm>> -> memref<256x128xf32, #tpu.memory_space<hbm>>
    tpu.enqueue_dma source(%dma_start3A_1108 : memref<256x128xf32, #tpu.memory_space<hbm>>) target(%arg7 : memref<256x128xf32, #tpu.memory_space<vmem>>) target_semaphore(%dma_start3A_1106 : memref<!tpu.dma_semaphore, #tpu.memory_space<semaphore_mem>>)
    %mul3A_1109 = arith.constant 4 : i32
    %mul3A_1110 = arith.muli %add3A, %mul3A_1109 : i32
    %add3A_1111 = arith.constant 2 : i32
    %add3A_1112 = arith.addi %mul3A_1110, %add3A_1111 : i32
    %mul3A_1113 = arith.constant 2048 : i32
    %mul3A_1114 = arith.muli %add3A_1112, %mul3A_1113 : i32
    %add3A_1115 = arith.constant 512 : i32
    %add3A_1116 = arith.addi %mul3A_1114, %add3A_1115 : i32
    %dma_wait3A_1117 = arith.constant 0 : i32
    %dma_wait3A_1118 = arith.constant 0 : i32
    %dma_wait3A_1119 = tpu.memref_slice %arg4[%add3A_1116, %dma_wait3A_1118] : memref<262144x128xf32, #tpu.memory_space<hbm>> -> memref<256x128xf32, #tpu.memory_space<hbm>>
    %dma_wait3A_1120 = tpu.memref_slice %arg11[%dma_wait3A_1117] : memref<2x!tpu.dma_semaphore, #tpu.memory_space<semaphore_mem>> -> memref<1x!tpu.dma_semaphore, #tpu.memory_space<semaphore_mem>>
    %dma_wait3A_1121 = tpu.memref_squeeze %dma_wait3A_1120 : memref<1x!tpu.dma_semaphore, #tpu.memory_space<semaphore_mem>> -> memref<!tpu.dma_semaphore, #tpu.memory_space<semaphore_mem>>
    %dma_wait3A_1122 = arith.constant 0 : i32
    %dma_wait3A_1123 = tpu.memref_slice %arg4[%add3A_1116, %dma_wait3A_1122] : memref<262144x128xf32, #tpu.memory_space<hbm>> -> memref<256x128xf32, #tpu.memory_space<hbm>>
    tpu.wait_dma2 semaphore(%dma_wait3A_1121 : memref<!tpu.dma_semaphore, #tpu.memory_space<semaphore_mem>>) src(%dma_wait3A_1123 : memref<256x128xf32, #tpu.memory_space<hbm>>) dst(%arg6 : memref<256x128xf32, #tpu.memory_space<vmem>>)
    %mul3A_1124 = arith.constant 4 : i32
    %mul3A_1125 = arith.muli %add3A, %mul3A_1124 : i32
    %add3A_1126 = arith.constant 2 : i32
    %add3A_1127 = arith.addi %mul3A_1125, %add3A_1126 : i32
    %mul3A_1128 = arith.constant 2048 : i32
    %mul3A_1129 = arith.muli %add3A_1127, %mul3A_1128 : i32
    %add3A_1130 = arith.constant 512 : i32
    %add3A_1131 = arith.addi %mul3A_1129, %add3A_1130 : i32
    %dma_start3A_1132 = arith.constant 0 : i32
    %dma_start3A_1133 = arith.constant 0 : i32
    %dma_start3A_1134 = tpu.memref_slice %arg5[%add3A_1131, %dma_start3A_1133] : memref<262144x128xf32, #tpu.memory_space<hbm>> -> memref<256x128xf32, #tpu.memory_space<hbm>>
    %dma_start3A_1135 = tpu.memref_slice %arg12[%dma_start3A_1132] : memref<2x!tpu.dma_semaphore, #tpu.memory_space<semaphore_mem>> -> memref<1x!tpu.dma_semaphore, #tpu.memory_space<semaphore_mem>>
    %dma_start3A_1136 = tpu.memref_squeeze %dma_start3A_1135 : memref<1x!tpu.dma_semaphore, #tpu.memory_space<semaphore_mem>> -> memref<!tpu.dma_semaphore, #tpu.memory_space<semaphore_mem>>
    %dma_start3A_1137 = arith.constant 0 : i32
    %dma_start3A_1138 = tpu.memref_slice %arg5[%add3A_1131, %dma_start3A_1137] : memref<262144x128xf32, #tpu.memory_space<hbm>> -> memref<256x128xf32, #tpu.memory_space<hbm>>
    tpu.enqueue_dma source(%arg6 : memref<256x128xf32, #tpu.memory_space<vmem>>) target(%dma_start3A_1138 : memref<256x128xf32, #tpu.memory_space<hbm>>) target_semaphore(%dma_start3A_1136 : memref<!tpu.dma_semaphore, #tpu.memory_space<semaphore_mem>>)
    %mul3A_1139 = arith.constant 4 : i32
    %mul3A_1140 = arith.muli %add3A, %mul3A_1139 : i32
    %add3A_1141 = arith.constant 2 : i32
    %add3A_1142 = arith.addi %mul3A_1140, %add3A_1141 : i32
    %mul3A_1143 = arith.constant 2048 : i32
    %mul3A_1144 = arith.muli %add3A_1142, %mul3A_1143 : i32
    %add3A_1145 = arith.constant 512 : i32
    %add3A_1146 = arith.addi %mul3A_1144, %add3A_1145 : i32
    %dma_wait3A_1147 = arith.constant 0 : i32
    %dma_wait3A_1148 = arith.constant 0 : i32
    %dma_wait3A_1149 = tpu.memref_slice %arg5[%add3A_1146, %dma_wait3A_1148] : memref<262144x128xf32, #tpu.memory_space<hbm>> -> memref<256x128xf32, #tpu.memory_space<hbm>>
    %dma_wait3A_1150 = tpu.memref_slice %arg12[%dma_wait3A_1147] : memref<2x!tpu.dma_semaphore, #tpu.memory_space<semaphore_mem>> -> memref<1x!tpu.dma_semaphore, #tpu.memory_space<semaphore_mem>>
    %dma_wait3A_1151 = tpu.memref_squeeze %dma_wait3A_1150 : memref<1x!tpu.dma_semaphore, #tpu.memory_space<semaphore_mem>> -> memref<!tpu.dma_semaphore, #tpu.memory_space<semaphore_mem>>
    %dma_wait3A_1152 = arith.constant 0 : i32
    %dma_wait3A_1153 = tpu.memref_slice %arg5[%add3A_1146, %dma_wait3A_1152] : memref<262144x128xf32, #tpu.memory_space<hbm>> -> memref<256x128xf32, #tpu.memory_space<hbm>>
    tpu.wait_dma2 semaphore(%dma_wait3A_1151 : memref<!tpu.dma_semaphore, #tpu.memory_space<semaphore_mem>>) src(%arg6 : memref<256x128xf32, #tpu.memory_space<vmem>>) dst(%dma_wait3A_1153 : memref<256x128xf32, #tpu.memory_space<hbm>>)
    %mul3A_1154 = arith.constant 4 : i32
    %mul3A_1155 = arith.muli %add3A, %mul3A_1154 : i32
    %add3A_1156 = arith.constant 2 : i32
    %add3A_1157 = arith.addi %mul3A_1155, %add3A_1156 : i32
    %mul3A_1158 = arith.constant 2048 : i32
    %mul3A_1159 = arith.muli %add3A_1157, %mul3A_1158 : i32
    %add3A_1160 = arith.constant 1024 : i32
    %add3A_1161 = arith.addi %mul3A_1159, %add3A_1160 : i32
    %dma_start3A_1162 = arith.constant 0 : i32
    %dma_start3A_1163 = arith.constant 0 : i32
    %dma_start3A_1164 = tpu.memref_slice %arg4[%add3A_1161, %dma_start3A_1163] : memref<262144x128xf32, #tpu.memory_space<hbm>> -> memref<256x128xf32, #tpu.memory_space<hbm>>
    %dma_start3A_1165 = tpu.memref_slice %arg11[%dma_start3A_1162] : memref<2x!tpu.dma_semaphore, #tpu.memory_space<semaphore_mem>> -> memref<1x!tpu.dma_semaphore, #tpu.memory_space<semaphore_mem>>
    %dma_start3A_1166 = tpu.memref_squeeze %dma_start3A_1165 : memref<1x!tpu.dma_semaphore, #tpu.memory_space<semaphore_mem>> -> memref<!tpu.dma_semaphore, #tpu.memory_space<semaphore_mem>>
    %dma_start3A_1167 = arith.constant 0 : i32
    %dma_start3A_1168 = tpu.memref_slice %arg4[%add3A_1161, %dma_start3A_1167] : memref<262144x128xf32, #tpu.memory_space<hbm>> -> memref<256x128xf32, #tpu.memory_space<hbm>>
    tpu.enqueue_dma source(%dma_start3A_1168 : memref<256x128xf32, #tpu.memory_space<hbm>>) target(%arg6 : memref<256x128xf32, #tpu.memory_space<vmem>>) target_semaphore(%dma_start3A_1166 : memref<!tpu.dma_semaphore, #tpu.memory_space<semaphore_mem>>)
    %mul3A_1169 = arith.constant 4 : i32
    %mul3A_1170 = arith.muli %add3A, %mul3A_1169 : i32
    %add3A_1171 = arith.constant 2 : i32
    %add3A_1172 = arith.addi %mul3A_1170, %add3A_1171 : i32
    %mul3A_1173 = arith.constant 2048 : i32
    %mul3A_1174 = arith.muli %add3A_1172, %mul3A_1173 : i32
    %add3A_1175 = arith.constant 768 : i32
    %add3A_1176 = arith.addi %mul3A_1174, %add3A_1175 : i32
    %dma_wait3A_1177 = arith.constant 1 : i32
    %dma_wait3A_1178 = arith.constant 0 : i32
    %dma_wait3A_1179 = tpu.memref_slice %arg4[%add3A_1176, %dma_wait3A_1178] : memref<262144x128xf32, #tpu.memory_space<hbm>> -> memref<256x128xf32, #tpu.memory_space<hbm>>
    %dma_wait3A_1180 = tpu.memref_slice %arg11[%dma_wait3A_1177] : memref<2x!tpu.dma_semaphore, #tpu.memory_space<semaphore_mem>> -> memref<1x!tpu.dma_semaphore, #tpu.memory_space<semaphore_mem>>
    %dma_wait3A_1181 = tpu.memref_squeeze %dma_wait3A_1180 : memref<1x!tpu.dma_semaphore, #tpu.memory_space<semaphore_mem>> -> memref<!tpu.dma_semaphore, #tpu.memory_space<semaphore_mem>>
    %dma_wait3A_1182 = arith.constant 0 : i32
    %dma_wait3A_1183 = tpu.memref_slice %arg4[%add3A_1176, %dma_wait3A_1182] : memref<262144x128xf32, #tpu.memory_space<hbm>> -> memref<256x128xf32, #tpu.memory_space<hbm>>
    tpu.wait_dma2 semaphore(%dma_wait3A_1181 : memref<!tpu.dma_semaphore, #tpu.memory_space<semaphore_mem>>) src(%dma_wait3A_1183 : memref<256x128xf32, #tpu.memory_space<hbm>>) dst(%arg7 : memref<256x128xf32, #tpu.memory_space<vmem>>)
    %mul3A_1184 = arith.constant 4 : i32
    %mul3A_1185 = arith.muli %add3A, %mul3A_1184 : i32
    %add3A_1186 = arith.constant 2 : i32
    %add3A_1187 = arith.addi %mul3A_1185, %add3A_1186 : i32
    %mul3A_1188 = arith.constant 2048 : i32
    %mul3A_1189 = arith.muli %add3A_1187, %mul3A_1188 : i32
    %add3A_1190 = arith.constant 768 : i32
    %add3A_1191 = arith.addi %mul3A_1189, %add3A_1190 : i32
    %dma_start3A_1192 = arith.constant 1 : i32
    %dma_start3A_1193 = arith.constant 0 : i32
    %dma_start3A_1194 = tpu.memref_slice %arg5[%add3A_1191, %dma_start3A_1193] : memref<262144x128xf32, #tpu.memory_space<hbm>> -> memref<256x128xf32, #tpu.memory_space<hbm>>
    %dma_start3A_1195 = tpu.memref_slice %arg12[%dma_start3A_1192] : memref<2x!tpu.dma_semaphore, #tpu.memory_space<semaphore_mem>> -> memref<1x!tpu.dma_semaphore, #tpu.memory_space<semaphore_mem>>
    %dma_start3A_1196 = tpu.memref_squeeze %dma_start3A_1195 : memref<1x!tpu.dma_semaphore, #tpu.memory_space<semaphore_mem>> -> memref<!tpu.dma_semaphore, #tpu.memory_space<semaphore_mem>>
    %dma_start3A_1197 = arith.constant 0 : i32
    %dma_start3A_1198 = tpu.memref_slice %arg5[%add3A_1191, %dma_start3A_1197] : memref<262144x128xf32, #tpu.memory_space<hbm>> -> memref<256x128xf32, #tpu.memory_space<hbm>>
    tpu.enqueue_dma source(%arg7 : memref<256x128xf32, #tpu.memory_space<vmem>>) target(%dma_start3A_1198 : memref<256x128xf32, #tpu.memory_space<hbm>>) target_semaphore(%dma_start3A_1196 : memref<!tpu.dma_semaphore, #tpu.memory_space<semaphore_mem>>)
    %mul3A_1199 = arith.constant 4 : i32
    %mul3A_1200 = arith.muli %add3A, %mul3A_1199 : i32
    %add3A_1201 = arith.constant 2 : i32
    %add3A_1202 = arith.addi %mul3A_1200, %add3A_1201 : i32
    %mul3A_1203 = arith.constant 2048 : i32
    %mul3A_1204 = arith.muli %add3A_1202, %mul3A_1203 : i32
    %add3A_1205 = arith.constant 768 : i32
    %add3A_1206 = arith.addi %mul3A_1204, %add3A_1205 : i32
    %dma_wait3A_1207 = arith.constant 1 : i32
    %dma_wait3A_1208 = arith.constant 0 : i32
    %dma_wait3A_1209 = tpu.memref_slice %arg5[%add3A_1206, %dma_wait3A_1208] : memref<262144x128xf32, #tpu.memory_space<hbm>> -> memref<256x128xf32, #tpu.memory_space<hbm>>
    %dma_wait3A_1210 = tpu.memref_slice %arg12[%dma_wait3A_1207] : memref<2x!tpu.dma_semaphore, #tpu.memory_space<semaphore_mem>> -> memref<1x!tpu.dma_semaphore, #tpu.memory_space<semaphore_mem>>
    %dma_wait3A_1211 = tpu.memref_squeeze %dma_wait3A_1210 : memref<1x!tpu.dma_semaphore, #tpu.memory_space<semaphore_mem>> -> memref<!tpu.dma_semaphore, #tpu.memory_space<semaphore_mem>>
    %dma_wait3A_1212 = arith.constant 0 : i32
    %dma_wait3A_1213 = tpu.memref_slice %arg5[%add3A_1206, %dma_wait3A_1212] : memref<262144x128xf32, #tpu.memory_space<hbm>> -> memref<256x128xf32, #tpu.memory_space<hbm>>
    tpu.wait_dma2 semaphore(%dma_wait3A_1211 : memref<!tpu.dma_semaphore, #tpu.memory_space<semaphore_mem>>) src(%arg7 : memref<256x128xf32, #tpu.memory_space<vmem>>) dst(%dma_wait3A_1213 : memref<256x128xf32, #tpu.memory_space<hbm>>)
    %mul3A_1214 = arith.constant 4 : i32
    %mul3A_1215 = arith.muli %add3A, %mul3A_1214 : i32
    %add3A_1216 = arith.constant 2 : i32
    %add3A_1217 = arith.addi %mul3A_1215, %add3A_1216 : i32
    %mul3A_1218 = arith.constant 2048 : i32
    %mul3A_1219 = arith.muli %add3A_1217, %mul3A_1218 : i32
    %add3A_1220 = arith.constant 1280 : i32
    %add3A_1221 = arith.addi %mul3A_1219, %add3A_1220 : i32
    %dma_start3A_1222 = arith.constant 1 : i32
    %dma_start3A_1223 = arith.constant 0 : i32
    %dma_start3A_1224 = tpu.memref_slice %arg4[%add3A_1221, %dma_start3A_1223] : memref<262144x128xf32, #tpu.memory_space<hbm>> -> memref<256x128xf32, #tpu.memory_space<hbm>>
    %dma_start3A_1225 = tpu.memref_slice %arg11[%dma_start3A_1222] : memref<2x!tpu.dma_semaphore, #tpu.memory_space<semaphore_mem>> -> memref<1x!tpu.dma_semaphore, #tpu.memory_space<semaphore_mem>>
    %dma_start3A_1226 = tpu.memref_squeeze %dma_start3A_1225 : memref<1x!tpu.dma_semaphore, #tpu.memory_space<semaphore_mem>> -> memref<!tpu.dma_semaphore, #tpu.memory_space<semaphore_mem>>
    %dma_start3A_1227 = arith.constant 0 : i32
    %dma_start3A_1228 = tpu.memref_slice %arg4[%add3A_1221, %dma_start3A_1227] : memref<262144x128xf32, #tpu.memory_space<hbm>> -> memref<256x128xf32, #tpu.memory_space<hbm>>
    tpu.enqueue_dma source(%dma_start3A_1228 : memref<256x128xf32, #tpu.memory_space<hbm>>) target(%arg7 : memref<256x128xf32, #tpu.memory_space<vmem>>) target_semaphore(%dma_start3A_1226 : memref<!tpu.dma_semaphore, #tpu.memory_space<semaphore_mem>>)
    %mul3A_1229 = arith.constant 4 : i32
    %mul3A_1230 = arith.muli %add3A, %mul3A_1229 : i32
    %add3A_1231 = arith.constant 2 : i32
    %add3A_1232 = arith.addi %mul3A_1230, %add3A_1231 : i32
    %mul3A_1233 = arith.constant 2048 : i32
    %mul3A_1234 = arith.muli %add3A_1232, %mul3A_1233 : i32
    %add3A_1235 = arith.constant 1024 : i32
    %add3A_1236 = arith.addi %mul3A_1234, %add3A_1235 : i32
    %dma_wait3A_1237 = arith.constant 0 : i32
    %dma_wait3A_1238 = arith.constant 0 : i32
    %dma_wait3A_1239 = tpu.memref_slice %arg4[%add3A_1236, %dma_wait3A_1238] : memref<262144x128xf32, #tpu.memory_space<hbm>> -> memref<256x128xf32, #tpu.memory_space<hbm>>
    %dma_wait3A_1240 = tpu.memref_slice %arg11[%dma_wait3A_1237] : memref<2x!tpu.dma_semaphore, #tpu.memory_space<semaphore_mem>> -> memref<1x!tpu.dma_semaphore, #tpu.memory_space<semaphore_mem>>
    %dma_wait3A_1241 = tpu.memref_squeeze %dma_wait3A_1240 : memref<1x!tpu.dma_semaphore, #tpu.memory_space<semaphore_mem>> -> memref<!tpu.dma_semaphore, #tpu.memory_space<semaphore_mem>>
    %dma_wait3A_1242 = arith.constant 0 : i32
    %dma_wait3A_1243 = tpu.memref_slice %arg4[%add3A_1236, %dma_wait3A_1242] : memref<262144x128xf32, #tpu.memory_space<hbm>> -> memref<256x128xf32, #tpu.memory_space<hbm>>
    tpu.wait_dma2 semaphore(%dma_wait3A_1241 : memref<!tpu.dma_semaphore, #tpu.memory_space<semaphore_mem>>) src(%dma_wait3A_1243 : memref<256x128xf32, #tpu.memory_space<hbm>>) dst(%arg6 : memref<256x128xf32, #tpu.memory_space<vmem>>)
    %mul3A_1244 = arith.constant 4 : i32
    %mul3A_1245 = arith.muli %add3A, %mul3A_1244 : i32
    %add3A_1246 = arith.constant 2 : i32
    %add3A_1247 = arith.addi %mul3A_1245, %add3A_1246 : i32
    %mul3A_1248 = arith.constant 2048 : i32
    %mul3A_1249 = arith.muli %add3A_1247, %mul3A_1248 : i32
    %add3A_1250 = arith.constant 1024 : i32
    %add3A_1251 = arith.addi %mul3A_1249, %add3A_1250 : i32
    %dma_start3A_1252 = arith.constant 0 : i32
    %dma_start3A_1253 = arith.constant 0 : i32
    %dma_start3A_1254 = tpu.memref_slice %arg5[%add3A_1251, %dma_start3A_1253] : memref<262144x128xf32, #tpu.memory_space<hbm>> -> memref<256x128xf32, #tpu.memory_space<hbm>>
    %dma_start3A_1255 = tpu.memref_slice %arg12[%dma_start3A_1252] : memref<2x!tpu.dma_semaphore, #tpu.memory_space<semaphore_mem>> -> memref<1x!tpu.dma_semaphore, #tpu.memory_space<semaphore_mem>>
    %dma_start3A_1256 = tpu.memref_squeeze %dma_start3A_1255 : memref<1x!tpu.dma_semaphore, #tpu.memory_space<semaphore_mem>> -> memref<!tpu.dma_semaphore, #tpu.memory_space<semaphore_mem>>
    %dma_start3A_1257 = arith.constant 0 : i32
    %dma_start3A_1258 = tpu.memref_slice %arg5[%add3A_1251, %dma_start3A_1257] : memref<262144x128xf32, #tpu.memory_space<hbm>> -> memref<256x128xf32, #tpu.memory_space<hbm>>
    tpu.enqueue_dma source(%arg6 : memref<256x128xf32, #tpu.memory_space<vmem>>) target(%dma_start3A_1258 : memref<256x128xf32, #tpu.memory_space<hbm>>) target_semaphore(%dma_start3A_1256 : memref<!tpu.dma_semaphore, #tpu.memory_space<semaphore_mem>>)
    %mul3A_1259 = arith.constant 4 : i32
    %mul3A_1260 = arith.muli %add3A, %mul3A_1259 : i32
    %add3A_1261 = arith.constant 2 : i32
    %add3A_1262 = arith.addi %mul3A_1260, %add3A_1261 : i32
    %mul3A_1263 = arith.constant 2048 : i32
    %mul3A_1264 = arith.muli %add3A_1262, %mul3A_1263 : i32
    %add3A_1265 = arith.constant 1024 : i32
    %add3A_1266 = arith.addi %mul3A_1264, %add3A_1265 : i32
    %dma_wait3A_1267 = arith.constant 0 : i32
    %dma_wait3A_1268 = arith.constant 0 : i32
    %dma_wait3A_1269 = tpu.memref_slice %arg5[%add3A_1266, %dma_wait3A_1268] : memref<262144x128xf32, #tpu.memory_space<hbm>> -> memref<256x128xf32, #tpu.memory_space<hbm>>
    %dma_wait3A_1270 = tpu.memref_slice %arg12[%dma_wait3A_1267] : memref<2x!tpu.dma_semaphore, #tpu.memory_space<semaphore_mem>> -> memref<1x!tpu.dma_semaphore, #tpu.memory_space<semaphore_mem>>
    %dma_wait3A_1271 = tpu.memref_squeeze %dma_wait3A_1270 : memref<1x!tpu.dma_semaphore, #tpu.memory_space<semaphore_mem>> -> memref<!tpu.dma_semaphore, #tpu.memory_space<semaphore_mem>>
    %dma_wait3A_1272 = arith.constant 0 : i32
    %dma_wait3A_1273 = tpu.memref_slice %arg5[%add3A_1266, %dma_wait3A_1272] : memref<262144x128xf32, #tpu.memory_space<hbm>> -> memref<256x128xf32, #tpu.memory_space<hbm>>
    tpu.wait_dma2 semaphore(%dma_wait3A_1271 : memref<!tpu.dma_semaphore, #tpu.memory_space<semaphore_mem>>) src(%arg6 : memref<256x128xf32, #tpu.memory_space<vmem>>) dst(%dma_wait3A_1273 : memref<256x128xf32, #tpu.memory_space<hbm>>)
    %mul3A_1274 = arith.constant 4 : i32
    %mul3A_1275 = arith.muli %add3A, %mul3A_1274 : i32
    %add3A_1276 = arith.constant 2 : i32
    %add3A_1277 = arith.addi %mul3A_1275, %add3A_1276 : i32
    %mul3A_1278 = arith.constant 2048 : i32
    %mul3A_1279 = arith.muli %add3A_1277, %mul3A_1278 : i32
    %add3A_1280 = arith.constant 1536 : i32
    %add3A_1281 = arith.addi %mul3A_1279, %add3A_1280 : i32
    %dma_start3A_1282 = arith.constant 0 : i32
    %dma_start3A_1283 = arith.constant 0 : i32
    %dma_start3A_1284 = tpu.memref_slice %arg4[%add3A_1281, %dma_start3A_1283] : memref<262144x128xf32, #tpu.memory_space<hbm>> -> memref<256x128xf32, #tpu.memory_space<hbm>>
    %dma_start3A_1285 = tpu.memref_slice %arg11[%dma_start3A_1282] : memref<2x!tpu.dma_semaphore, #tpu.memory_space<semaphore_mem>> -> memref<1x!tpu.dma_semaphore, #tpu.memory_space<semaphore_mem>>
    %dma_start3A_1286 = tpu.memref_squeeze %dma_start3A_1285 : memref<1x!tpu.dma_semaphore, #tpu.memory_space<semaphore_mem>> -> memref<!tpu.dma_semaphore, #tpu.memory_space<semaphore_mem>>
    %dma_start3A_1287 = arith.constant 0 : i32
    %dma_start3A_1288 = tpu.memref_slice %arg4[%add3A_1281, %dma_start3A_1287] : memref<262144x128xf32, #tpu.memory_space<hbm>> -> memref<256x128xf32, #tpu.memory_space<hbm>>
    tpu.enqueue_dma source(%dma_start3A_1288 : memref<256x128xf32, #tpu.memory_space<hbm>>) target(%arg6 : memref<256x128xf32, #tpu.memory_space<vmem>>) target_semaphore(%dma_start3A_1286 : memref<!tpu.dma_semaphore, #tpu.memory_space<semaphore_mem>>)
    %mul3A_1289 = arith.constant 4 : i32
    %mul3A_1290 = arith.muli %add3A, %mul3A_1289 : i32
    %add3A_1291 = arith.constant 2 : i32
    %add3A_1292 = arith.addi %mul3A_1290, %add3A_1291 : i32
    %mul3A_1293 = arith.constant 2048 : i32
    %mul3A_1294 = arith.muli %add3A_1292, %mul3A_1293 : i32
    %add3A_1295 = arith.constant 1280 : i32
    %add3A_1296 = arith.addi %mul3A_1294, %add3A_1295 : i32
    %dma_wait3A_1297 = arith.constant 1 : i32
    %dma_wait3A_1298 = arith.constant 0 : i32
    %dma_wait3A_1299 = tpu.memref_slice %arg4[%add3A_1296, %dma_wait3A_1298] : memref<262144x128xf32, #tpu.memory_space<hbm>> -> memref<256x128xf32, #tpu.memory_space<hbm>>
    %dma_wait3A_1300 = tpu.memref_slice %arg11[%dma_wait3A_1297] : memref<2x!tpu.dma_semaphore, #tpu.memory_space<semaphore_mem>> -> memref<1x!tpu.dma_semaphore, #tpu.memory_space<semaphore_mem>>
    %dma_wait3A_1301 = tpu.memref_squeeze %dma_wait3A_1300 : memref<1x!tpu.dma_semaphore, #tpu.memory_space<semaphore_mem>> -> memref<!tpu.dma_semaphore, #tpu.memory_space<semaphore_mem>>
    %dma_wait3A_1302 = arith.constant 0 : i32
    %dma_wait3A_1303 = tpu.memref_slice %arg4[%add3A_1296, %dma_wait3A_1302] : memref<262144x128xf32, #tpu.memory_space<hbm>> -> memref<256x128xf32, #tpu.memory_space<hbm>>
    tpu.wait_dma2 semaphore(%dma_wait3A_1301 : memref<!tpu.dma_semaphore, #tpu.memory_space<semaphore_mem>>) src(%dma_wait3A_1303 : memref<256x128xf32, #tpu.memory_space<hbm>>) dst(%arg7 : memref<256x128xf32, #tpu.memory_space<vmem>>)
    %mul3A_1304 = arith.constant 4 : i32
    %mul3A_1305 = arith.muli %add3A, %mul3A_1304 : i32
    %add3A_1306 = arith.constant 2 : i32
    %add3A_1307 = arith.addi %mul3A_1305, %add3A_1306 : i32
    %mul3A_1308 = arith.constant 2048 : i32
    %mul3A_1309 = arith.muli %add3A_1307, %mul3A_1308 : i32
    %add3A_1310 = arith.constant 1280 : i32
    %add3A_1311 = arith.addi %mul3A_1309, %add3A_1310 : i32
    %dma_start3A_1312 = arith.constant 1 : i32
    %dma_start3A_1313 = arith.constant 0 : i32
    %dma_start3A_1314 = tpu.memref_slice %arg5[%add3A_1311, %dma_start3A_1313] : memref<262144x128xf32, #tpu.memory_space<hbm>> -> memref<256x128xf32, #tpu.memory_space<hbm>>
    %dma_start3A_1315 = tpu.memref_slice %arg12[%dma_start3A_1312] : memref<2x!tpu.dma_semaphore, #tpu.memory_space<semaphore_mem>> -> memref<1x!tpu.dma_semaphore, #tpu.memory_space<semaphore_mem>>
    %dma_start3A_1316 = tpu.memref_squeeze %dma_start3A_1315 : memref<1x!tpu.dma_semaphore, #tpu.memory_space<semaphore_mem>> -> memref<!tpu.dma_semaphore, #tpu.memory_space<semaphore_mem>>
    %dma_start3A_1317 = arith.constant 0 : i32
    %dma_start3A_1318 = tpu.memref_slice %arg5[%add3A_1311, %dma_start3A_1317] : memref<262144x128xf32, #tpu.memory_space<hbm>> -> memref<256x128xf32, #tpu.memory_space<hbm>>
    tpu.enqueue_dma source(%arg7 : memref<256x128xf32, #tpu.memory_space<vmem>>) target(%dma_start3A_1318 : memref<256x128xf32, #tpu.memory_space<hbm>>) target_semaphore(%dma_start3A_1316 : memref<!tpu.dma_semaphore, #tpu.memory_space<semaphore_mem>>)
    %mul3A_1319 = arith.constant 4 : i32
    %mul3A_1320 = arith.muli %add3A, %mul3A_1319 : i32
    %add3A_1321 = arith.constant 2 : i32
    %add3A_1322 = arith.addi %mul3A_1320, %add3A_1321 : i32
    %mul3A_1323 = arith.constant 2048 : i32
    %mul3A_1324 = arith.muli %add3A_1322, %mul3A_1323 : i32
    %add3A_1325 = arith.constant 1280 : i32
    %add3A_1326 = arith.addi %mul3A_1324, %add3A_1325 : i32
    %dma_wait3A_1327 = arith.constant 1 : i32
    %dma_wait3A_1328 = arith.constant 0 : i32
    %dma_wait3A_1329 = tpu.memref_slice %arg5[%add3A_1326, %dma_wait3A_1328] : memref<262144x128xf32, #tpu.memory_space<hbm>> -> memref<256x128xf32, #tpu.memory_space<hbm>>
    %dma_wait3A_1330 = tpu.memref_slice %arg12[%dma_wait3A_1327] : memref<2x!tpu.dma_semaphore, #tpu.memory_space<semaphore_mem>> -> memref<1x!tpu.dma_semaphore, #tpu.memory_space<semaphore_mem>>
    %dma_wait3A_1331 = tpu.memref_squeeze %dma_wait3A_1330 : memref<1x!tpu.dma_semaphore, #tpu.memory_space<semaphore_mem>> -> memref<!tpu.dma_semaphore, #tpu.memory_space<semaphore_mem>>
    %dma_wait3A_1332 = arith.constant 0 : i32
    %dma_wait3A_1333 = tpu.memref_slice %arg5[%add3A_1326, %dma_wait3A_1332] : memref<262144x128xf32, #tpu.memory_space<hbm>> -> memref<256x128xf32, #tpu.memory_space<hbm>>
    tpu.wait_dma2 semaphore(%dma_wait3A_1331 : memref<!tpu.dma_semaphore, #tpu.memory_space<semaphore_mem>>) src(%arg7 : memref<256x128xf32, #tpu.memory_space<vmem>>) dst(%dma_wait3A_1333 : memref<256x128xf32, #tpu.memory_space<hbm>>)
    %mul3A_1334 = arith.constant 4 : i32
    %mul3A_1335 = arith.muli %add3A, %mul3A_1334 : i32
    %add3A_1336 = arith.constant 2 : i32
    %add3A_1337 = arith.addi %mul3A_1335, %add3A_1336 : i32
    %mul3A_1338 = arith.constant 2048 : i32
    %mul3A_1339 = arith.muli %add3A_1337, %mul3A_1338 : i32
    %add3A_1340 = arith.constant 1792 : i32
    %add3A_1341 = arith.addi %mul3A_1339, %add3A_1340 : i32
    %dma_start3A_1342 = arith.constant 1 : i32
    %dma_start3A_1343 = arith.constant 0 : i32
    %dma_start3A_1344 = tpu.memref_slice %arg4[%add3A_1341, %dma_start3A_1343] : memref<262144x128xf32, #tpu.memory_space<hbm>> -> memref<256x128xf32, #tpu.memory_space<hbm>>
    %dma_start3A_1345 = tpu.memref_slice %arg11[%dma_start3A_1342] : memref<2x!tpu.dma_semaphore, #tpu.memory_space<semaphore_mem>> -> memref<1x!tpu.dma_semaphore, #tpu.memory_space<semaphore_mem>>
    %dma_start3A_1346 = tpu.memref_squeeze %dma_start3A_1345 : memref<1x!tpu.dma_semaphore, #tpu.memory_space<semaphore_mem>> -> memref<!tpu.dma_semaphore, #tpu.memory_space<semaphore_mem>>
    %dma_start3A_1347 = arith.constant 0 : i32
    %dma_start3A_1348 = tpu.memref_slice %arg4[%add3A_1341, %dma_start3A_1347] : memref<262144x128xf32, #tpu.memory_space<hbm>> -> memref<256x128xf32, #tpu.memory_space<hbm>>
    tpu.enqueue_dma source(%dma_start3A_1348 : memref<256x128xf32, #tpu.memory_space<hbm>>) target(%arg7 : memref<256x128xf32, #tpu.memory_space<vmem>>) target_semaphore(%dma_start3A_1346 : memref<!tpu.dma_semaphore, #tpu.memory_space<semaphore_mem>>)
    %mul3A_1349 = arith.constant 4 : i32
    %mul3A_1350 = arith.muli %add3A, %mul3A_1349 : i32
    %add3A_1351 = arith.constant 2 : i32
    %add3A_1352 = arith.addi %mul3A_1350, %add3A_1351 : i32
    %mul3A_1353 = arith.constant 2048 : i32
    %mul3A_1354 = arith.muli %add3A_1352, %mul3A_1353 : i32
    %add3A_1355 = arith.constant 1536 : i32
    %add3A_1356 = arith.addi %mul3A_1354, %add3A_1355 : i32
    %dma_wait3A_1357 = arith.constant 0 : i32
    %dma_wait3A_1358 = arith.constant 0 : i32
    %dma_wait3A_1359 = tpu.memref_slice %arg4[%add3A_1356, %dma_wait3A_1358] : memref<262144x128xf32, #tpu.memory_space<hbm>> -> memref<256x128xf32, #tpu.memory_space<hbm>>
    %dma_wait3A_1360 = tpu.memref_slice %arg11[%dma_wait3A_1357] : memref<2x!tpu.dma_semaphore, #tpu.memory_space<semaphore_mem>> -> memref<1x!tpu.dma_semaphore, #tpu.memory_space<semaphore_mem>>
    %dma_wait3A_1361 = tpu.memref_squeeze %dma_wait3A_1360 : memref<1x!tpu.dma_semaphore, #tpu.memory_space<semaphore_mem>> -> memref<!tpu.dma_semaphore, #tpu.memory_space<semaphore_mem>>
    %dma_wait3A_1362 = arith.constant 0 : i32
    %dma_wait3A_1363 = tpu.memref_slice %arg4[%add3A_1356, %dma_wait3A_1362] : memref<262144x128xf32, #tpu.memory_space<hbm>> -> memref<256x128xf32, #tpu.memory_space<hbm>>
    tpu.wait_dma2 semaphore(%dma_wait3A_1361 : memref<!tpu.dma_semaphore, #tpu.memory_space<semaphore_mem>>) src(%dma_wait3A_1363 : memref<256x128xf32, #tpu.memory_space<hbm>>) dst(%arg6 : memref<256x128xf32, #tpu.memory_space<vmem>>)
    %mul3A_1364 = arith.constant 4 : i32
    %mul3A_1365 = arith.muli %add3A, %mul3A_1364 : i32
    %add3A_1366 = arith.constant 2 : i32
    %add3A_1367 = arith.addi %mul3A_1365, %add3A_1366 : i32
    %mul3A_1368 = arith.constant 2048 : i32
    %mul3A_1369 = arith.muli %add3A_1367, %mul3A_1368 : i32
    %add3A_1370 = arith.constant 1536 : i32
    %add3A_1371 = arith.addi %mul3A_1369, %add3A_1370 : i32
    %dma_start3A_1372 = arith.constant 0 : i32
    %dma_start3A_1373 = arith.constant 0 : i32
    %dma_start3A_1374 = tpu.memref_slice %arg5[%add3A_1371, %dma_start3A_1373] : memref<262144x128xf32, #tpu.memory_space<hbm>> -> memref<256x128xf32, #tpu.memory_space<hbm>>
    %dma_start3A_1375 = tpu.memref_slice %arg12[%dma_start3A_1372] : memref<2x!tpu.dma_semaphore, #tpu.memory_space<semaphore_mem>> -> memref<1x!tpu.dma_semaphore, #tpu.memory_space<semaphore_mem>>
    %dma_start3A_1376 = tpu.memref_squeeze %dma_start3A_1375 : memref<1x!tpu.dma_semaphore, #tpu.memory_space<semaphore_mem>> -> memref<!tpu.dma_semaphore, #tpu.memory_space<semaphore_mem>>
    %dma_start3A_1377 = arith.constant 0 : i32
    %dma_start3A_1378 = tpu.memref_slice %arg5[%add3A_1371, %dma_start3A_1377] : memref<262144x128xf32, #tpu.memory_space<hbm>> -> memref<256x128xf32, #tpu.memory_space<hbm>>
    tpu.enqueue_dma source(%arg6 : memref<256x128xf32, #tpu.memory_space<vmem>>) target(%dma_start3A_1378 : memref<256x128xf32, #tpu.memory_space<hbm>>) target_semaphore(%dma_start3A_1376 : memref<!tpu.dma_semaphore, #tpu.memory_space<semaphore_mem>>)
    %mul3A_1379 = arith.constant 4 : i32
    %mul3A_1380 = arith.muli %add3A, %mul3A_1379 : i32
    %add3A_1381 = arith.constant 2 : i32
    %add3A_1382 = arith.addi %mul3A_1380, %add3A_1381 : i32
    %mul3A_1383 = arith.constant 2048 : i32
    %mul3A_1384 = arith.muli %add3A_1382, %mul3A_1383 : i32
    %add3A_1385 = arith.constant 1536 : i32
    %add3A_1386 = arith.addi %mul3A_1384, %add3A_1385 : i32
    %dma_wait3A_1387 = arith.constant 0 : i32
    %dma_wait3A_1388 = arith.constant 0 : i32
    %dma_wait3A_1389 = tpu.memref_slice %arg5[%add3A_1386, %dma_wait3A_1388] : memref<262144x128xf32, #tpu.memory_space<hbm>> -> memref<256x128xf32, #tpu.memory_space<hbm>>
    %dma_wait3A_1390 = tpu.memref_slice %arg12[%dma_wait3A_1387] : memref<2x!tpu.dma_semaphore, #tpu.memory_space<semaphore_mem>> -> memref<1x!tpu.dma_semaphore, #tpu.memory_space<semaphore_mem>>
    %dma_wait3A_1391 = tpu.memref_squeeze %dma_wait3A_1390 : memref<1x!tpu.dma_semaphore, #tpu.memory_space<semaphore_mem>> -> memref<!tpu.dma_semaphore, #tpu.memory_space<semaphore_mem>>
    %dma_wait3A_1392 = arith.constant 0 : i32
    %dma_wait3A_1393 = tpu.memref_slice %arg5[%add3A_1386, %dma_wait3A_1392] : memref<262144x128xf32, #tpu.memory_space<hbm>> -> memref<256x128xf32, #tpu.memory_space<hbm>>
    tpu.wait_dma2 semaphore(%dma_wait3A_1391 : memref<!tpu.dma_semaphore, #tpu.memory_space<semaphore_mem>>) src(%arg6 : memref<256x128xf32, #tpu.memory_space<vmem>>) dst(%dma_wait3A_1393 : memref<256x128xf32, #tpu.memory_space<hbm>>)
    %mul3A_1394 = arith.constant 4 : i32
    %mul3A_1395 = arith.muli %add3A, %mul3A_1394 : i32
    %add3A_1396 = arith.constant 3 : i32
    %add3A_1397 = arith.addi %mul3A_1395, %add3A_1396 : i32
    %mul3A_1398 = arith.constant 2048 : i32
    %mul3A_1399 = arith.muli %add3A_1397, %mul3A_1398 : i32
    %add3A_1400 = arith.constant 0 : i32
    %add3A_1401 = arith.addi %mul3A_1399, %add3A_1400 : i32
    %dma_start3A_1402 = arith.constant 0 : i32
    %dma_start3A_1403 = arith.constant 0 : i32
    %dma_start3A_1404 = tpu.memref_slice %arg4[%add3A_1401, %dma_start3A_1403] : memref<262144x128xf32, #tpu.memory_space<hbm>> -> memref<256x128xf32, #tpu.memory_space<hbm>>
    %dma_start3A_1405 = tpu.memref_slice %arg11[%dma_start3A_1402] : memref<2x!tpu.dma_semaphore, #tpu.memory_space<semaphore_mem>> -> memref<1x!tpu.dma_semaphore, #tpu.memory_space<semaphore_mem>>
    %dma_start3A_1406 = tpu.memref_squeeze %dma_start3A_1405 : memref<1x!tpu.dma_semaphore, #tpu.memory_space<semaphore_mem>> -> memref<!tpu.dma_semaphore, #tpu.memory_space<semaphore_mem>>
    %dma_start3A_1407 = arith.constant 0 : i32
    %dma_start3A_1408 = tpu.memref_slice %arg4[%add3A_1401, %dma_start3A_1407] : memref<262144x128xf32, #tpu.memory_space<hbm>> -> memref<256x128xf32, #tpu.memory_space<hbm>>
    tpu.enqueue_dma source(%dma_start3A_1408 : memref<256x128xf32, #tpu.memory_space<hbm>>) target(%arg6 : memref<256x128xf32, #tpu.memory_space<vmem>>) target_semaphore(%dma_start3A_1406 : memref<!tpu.dma_semaphore, #tpu.memory_space<semaphore_mem>>)
    %mul3A_1409 = arith.constant 4 : i32
    %mul3A_1410 = arith.muli %add3A, %mul3A_1409 : i32
    %add3A_1411 = arith.constant 2 : i32
    %add3A_1412 = arith.addi %mul3A_1410, %add3A_1411 : i32
    %mul3A_1413 = arith.constant 2048 : i32
    %mul3A_1414 = arith.muli %add3A_1412, %mul3A_1413 : i32
    %add3A_1415 = arith.constant 1792 : i32
    %add3A_1416 = arith.addi %mul3A_1414, %add3A_1415 : i32
    %dma_wait3A_1417 = arith.constant 1 : i32
    %dma_wait3A_1418 = arith.constant 0 : i32
    %dma_wait3A_1419 = tpu.memref_slice %arg4[%add3A_1416, %dma_wait3A_1418] : memref<262144x128xf32, #tpu.memory_space<hbm>> -> memref<256x128xf32, #tpu.memory_space<hbm>>
    %dma_wait3A_1420 = tpu.memref_slice %arg11[%dma_wait3A_1417] : memref<2x!tpu.dma_semaphore, #tpu.memory_space<semaphore_mem>> -> memref<1x!tpu.dma_semaphore, #tpu.memory_space<semaphore_mem>>
    %dma_wait3A_1421 = tpu.memref_squeeze %dma_wait3A_1420 : memref<1x!tpu.dma_semaphore, #tpu.memory_space<semaphore_mem>> -> memref<!tpu.dma_semaphore, #tpu.memory_space<semaphore_mem>>
    %dma_wait3A_1422 = arith.constant 0 : i32
    %dma_wait3A_1423 = tpu.memref_slice %arg4[%add3A_1416, %dma_wait3A_1422] : memref<262144x128xf32, #tpu.memory_space<hbm>> -> memref<256x128xf32, #tpu.memory_space<hbm>>
    tpu.wait_dma2 semaphore(%dma_wait3A_1421 : memref<!tpu.dma_semaphore, #tpu.memory_space<semaphore_mem>>) src(%dma_wait3A_1423 : memref<256x128xf32, #tpu.memory_space<hbm>>) dst(%arg7 : memref<256x128xf32, #tpu.memory_space<vmem>>)
    %mul3A_1424 = arith.constant 4 : i32
    %mul3A_1425 = arith.muli %add3A, %mul3A_1424 : i32
    %add3A_1426 = arith.constant 2 : i32
    %add3A_1427 = arith.addi %mul3A_1425, %add3A_1426 : i32
    %mul3A_1428 = arith.constant 2048 : i32
    %mul3A_1429 = arith.muli %add3A_1427, %mul3A_1428 : i32
    %add3A_1430 = arith.constant 1792 : i32
    %add3A_1431 = arith.addi %mul3A_1429, %add3A_1430 : i32
    %dma_start3A_1432 = arith.constant 1 : i32
    %dma_start3A_1433 = arith.constant 0 : i32
    %dma_start3A_1434 = tpu.memref_slice %arg5[%add3A_1431, %dma_start3A_1433] : memref<262144x128xf32, #tpu.memory_space<hbm>> -> memref<256x128xf32, #tpu.memory_space<hbm>>
    %dma_start3A_1435 = tpu.memref_slice %arg12[%dma_start3A_1432] : memref<2x!tpu.dma_semaphore, #tpu.memory_space<semaphore_mem>> -> memref<1x!tpu.dma_semaphore, #tpu.memory_space<semaphore_mem>>
    %dma_start3A_1436 = tpu.memref_squeeze %dma_start3A_1435 : memref<1x!tpu.dma_semaphore, #tpu.memory_space<semaphore_mem>> -> memref<!tpu.dma_semaphore, #tpu.memory_space<semaphore_mem>>
    %dma_start3A_1437 = arith.constant 0 : i32
    %dma_start3A_1438 = tpu.memref_slice %arg5[%add3A_1431, %dma_start3A_1437] : memref<262144x128xf32, #tpu.memory_space<hbm>> -> memref<256x128xf32, #tpu.memory_space<hbm>>
    tpu.enqueue_dma source(%arg7 : memref<256x128xf32, #tpu.memory_space<vmem>>) target(%dma_start3A_1438 : memref<256x128xf32, #tpu.memory_space<hbm>>) target_semaphore(%dma_start3A_1436 : memref<!tpu.dma_semaphore, #tpu.memory_space<semaphore_mem>>)
    %mul3A_1439 = arith.constant 4 : i32
    %mul3A_1440 = arith.muli %add3A, %mul3A_1439 : i32
    %add3A_1441 = arith.constant 2 : i32
    %add3A_1442 = arith.addi %mul3A_1440, %add3A_1441 : i32
    %mul3A_1443 = arith.constant 2048 : i32
    %mul3A_1444 = arith.muli %add3A_1442, %mul3A_1443 : i32
    %add3A_1445 = arith.constant 1792 : i32
    %add3A_1446 = arith.addi %mul3A_1444, %add3A_1445 : i32
    %dma_wait3A_1447 = arith.constant 1 : i32
    %dma_wait3A_1448 = arith.constant 0 : i32
    %dma_wait3A_1449 = tpu.memref_slice %arg5[%add3A_1446, %dma_wait3A_1448] : memref<262144x128xf32, #tpu.memory_space<hbm>> -> memref<256x128xf32, #tpu.memory_space<hbm>>
    %dma_wait3A_1450 = tpu.memref_slice %arg12[%dma_wait3A_1447] : memref<2x!tpu.dma_semaphore, #tpu.memory_space<semaphore_mem>> -> memref<1x!tpu.dma_semaphore, #tpu.memory_space<semaphore_mem>>
    %dma_wait3A_1451 = tpu.memref_squeeze %dma_wait3A_1450 : memref<1x!tpu.dma_semaphore, #tpu.memory_space<semaphore_mem>> -> memref<!tpu.dma_semaphore, #tpu.memory_space<semaphore_mem>>
    %dma_wait3A_1452 = arith.constant 0 : i32
    %dma_wait3A_1453 = tpu.memref_slice %arg5[%add3A_1446, %dma_wait3A_1452] : memref<262144x128xf32, #tpu.memory_space<hbm>> -> memref<256x128xf32, #tpu.memory_space<hbm>>
    tpu.wait_dma2 semaphore(%dma_wait3A_1451 : memref<!tpu.dma_semaphore, #tpu.memory_space<semaphore_mem>>) src(%arg7 : memref<256x128xf32, #tpu.memory_space<vmem>>) dst(%dma_wait3A_1453 : memref<256x128xf32, #tpu.memory_space<hbm>>)
    %mul3A_1454 = arith.constant 4 : i32
    %mul3A_1455 = arith.muli %add3A, %mul3A_1454 : i32
    %add3A_1456 = arith.constant 3 : i32
    %add3A_1457 = arith.addi %mul3A_1455, %add3A_1456 : i32
    %mul3A_1458 = arith.constant 2048 : i32
    %mul3A_1459 = arith.muli %add3A_1457, %mul3A_1458 : i32
    %add3A_1460 = arith.constant 256 : i32
    %add3A_1461 = arith.addi %mul3A_1459, %add3A_1460 : i32
    %dma_start3A_1462 = arith.constant 1 : i32
    %dma_start3A_1463 = arith.constant 0 : i32
    %dma_start3A_1464 = tpu.memref_slice %arg4[%add3A_1461, %dma_start3A_1463] : memref<262144x128xf32, #tpu.memory_space<hbm>> -> memref<256x128xf32, #tpu.memory_space<hbm>>
    %dma_start3A_1465 = tpu.memref_slice %arg11[%dma_start3A_1462] : memref<2x!tpu.dma_semaphore, #tpu.memory_space<semaphore_mem>> -> memref<1x!tpu.dma_semaphore, #tpu.memory_space<semaphore_mem>>
    %dma_start3A_1466 = tpu.memref_squeeze %dma_start3A_1465 : memref<1x!tpu.dma_semaphore, #tpu.memory_space<semaphore_mem>> -> memref<!tpu.dma_semaphore, #tpu.memory_space<semaphore_mem>>
    %dma_start3A_1467 = arith.constant 0 : i32
    %dma_start3A_1468 = tpu.memref_slice %arg4[%add3A_1461, %dma_start3A_1467] : memref<262144x128xf32, #tpu.memory_space<hbm>> -> memref<256x128xf32, #tpu.memory_space<hbm>>
    tpu.enqueue_dma source(%dma_start3A_1468 : memref<256x128xf32, #tpu.memory_space<hbm>>) target(%arg7 : memref<256x128xf32, #tpu.memory_space<vmem>>) target_semaphore(%dma_start3A_1466 : memref<!tpu.dma_semaphore, #tpu.memory_space<semaphore_mem>>)
    %mul3A_1469 = arith.constant 4 : i32
    %mul3A_1470 = arith.muli %add3A, %mul3A_1469 : i32
    %add3A_1471 = arith.constant 3 : i32
    %add3A_1472 = arith.addi %mul3A_1470, %add3A_1471 : i32
    %mul3A_1473 = arith.constant 2048 : i32
    %mul3A_1474 = arith.muli %add3A_1472, %mul3A_1473 : i32
    %add3A_1475 = arith.constant 0 : i32
    %add3A_1476 = arith.addi %mul3A_1474, %add3A_1475 : i32
    %dma_wait3A_1477 = arith.constant 0 : i32
    %dma_wait3A_1478 = arith.constant 0 : i32
    %dma_wait3A_1479 = tpu.memref_slice %arg4[%add3A_1476, %dma_wait3A_1478] : memref<262144x128xf32, #tpu.memory_space<hbm>> -> memref<256x128xf32, #tpu.memory_space<hbm>>
    %dma_wait3A_1480 = tpu.memref_slice %arg11[%dma_wait3A_1477] : memref<2x!tpu.dma_semaphore, #tpu.memory_space<semaphore_mem>> -> memref<1x!tpu.dma_semaphore, #tpu.memory_space<semaphore_mem>>
    %dma_wait3A_1481 = tpu.memref_squeeze %dma_wait3A_1480 : memref<1x!tpu.dma_semaphore, #tpu.memory_space<semaphore_mem>> -> memref<!tpu.dma_semaphore, #tpu.memory_space<semaphore_mem>>
    %dma_wait3A_1482 = arith.constant 0 : i32
    %dma_wait3A_1483 = tpu.memref_slice %arg4[%add3A_1476, %dma_wait3A_1482] : memref<262144x128xf32, #tpu.memory_space<hbm>> -> memref<256x128xf32, #tpu.memory_space<hbm>>
    tpu.wait_dma2 semaphore(%dma_wait3A_1481 : memref<!tpu.dma_semaphore, #tpu.memory_space<semaphore_mem>>) src(%dma_wait3A_1483 : memref<256x128xf32, #tpu.memory_space<hbm>>) dst(%arg6 : memref<256x128xf32, #tpu.memory_space<vmem>>)
    %mul3A_1484 = arith.constant 4 : i32
    %mul3A_1485 = arith.muli %add3A, %mul3A_1484 : i32
    %add3A_1486 = arith.constant 3 : i32
    %add3A_1487 = arith.addi %mul3A_1485, %add3A_1486 : i32
    %mul3A_1488 = arith.constant 2048 : i32
    %mul3A_1489 = arith.muli %add3A_1487, %mul3A_1488 : i32
    %add3A_1490 = arith.constant 0 : i32
    %add3A_1491 = arith.addi %mul3A_1489, %add3A_1490 : i32
    %dma_start3A_1492 = arith.constant 0 : i32
    %dma_start3A_1493 = arith.constant 0 : i32
    %dma_start3A_1494 = tpu.memref_slice %arg5[%add3A_1491, %dma_start3A_1493] : memref<262144x128xf32, #tpu.memory_space<hbm>> -> memref<256x128xf32, #tpu.memory_space<hbm>>
    %dma_start3A_1495 = tpu.memref_slice %arg12[%dma_start3A_1492] : memref<2x!tpu.dma_semaphore, #tpu.memory_space<semaphore_mem>> -> memref<1x!tpu.dma_semaphore, #tpu.memory_space<semaphore_mem>>
    %dma_start3A_1496 = tpu.memref_squeeze %dma_start3A_1495 : memref<1x!tpu.dma_semaphore, #tpu.memory_space<semaphore_mem>> -> memref<!tpu.dma_semaphore, #tpu.memory_space<semaphore_mem>>
    %dma_start3A_1497 = arith.constant 0 : i32
    %dma_start3A_1498 = tpu.memref_slice %arg5[%add3A_1491, %dma_start3A_1497] : memref<262144x128xf32, #tpu.memory_space<hbm>> -> memref<256x128xf32, #tpu.memory_space<hbm>>
    tpu.enqueue_dma source(%arg6 : memref<256x128xf32, #tpu.memory_space<vmem>>) target(%dma_start3A_1498 : memref<256x128xf32, #tpu.memory_space<hbm>>) target_semaphore(%dma_start3A_1496 : memref<!tpu.dma_semaphore, #tpu.memory_space<semaphore_mem>>)
    %mul3A_1499 = arith.constant 4 : i32
    %mul3A_1500 = arith.muli %add3A, %mul3A_1499 : i32
    %add3A_1501 = arith.constant 3 : i32
    %add3A_1502 = arith.addi %mul3A_1500, %add3A_1501 : i32
    %mul3A_1503 = arith.constant 2048 : i32
    %mul3A_1504 = arith.muli %add3A_1502, %mul3A_1503 : i32
    %add3A_1505 = arith.constant 0 : i32
    %add3A_1506 = arith.addi %mul3A_1504, %add3A_1505 : i32
    %dma_wait3A_1507 = arith.constant 0 : i32
    %dma_wait3A_1508 = arith.constant 0 : i32
    %dma_wait3A_1509 = tpu.memref_slice %arg5[%add3A_1506, %dma_wait3A_1508] : memref<262144x128xf32, #tpu.memory_space<hbm>> -> memref<256x128xf32, #tpu.memory_space<hbm>>
    %dma_wait3A_1510 = tpu.memref_slice %arg12[%dma_wait3A_1507] : memref<2x!tpu.dma_semaphore, #tpu.memory_space<semaphore_mem>> -> memref<1x!tpu.dma_semaphore, #tpu.memory_space<semaphore_mem>>
    %dma_wait3A_1511 = tpu.memref_squeeze %dma_wait3A_1510 : memref<1x!tpu.dma_semaphore, #tpu.memory_space<semaphore_mem>> -> memref<!tpu.dma_semaphore, #tpu.memory_space<semaphore_mem>>
    %dma_wait3A_1512 = arith.constant 0 : i32
    %dma_wait3A_1513 = tpu.memref_slice %arg5[%add3A_1506, %dma_wait3A_1512] : memref<262144x128xf32, #tpu.memory_space<hbm>> -> memref<256x128xf32, #tpu.memory_space<hbm>>
    tpu.wait_dma2 semaphore(%dma_wait3A_1511 : memref<!tpu.dma_semaphore, #tpu.memory_space<semaphore_mem>>) src(%arg6 : memref<256x128xf32, #tpu.memory_space<vmem>>) dst(%dma_wait3A_1513 : memref<256x128xf32, #tpu.memory_space<hbm>>)
    %mul3A_1514 = arith.constant 4 : i32
    %mul3A_1515 = arith.muli %add3A, %mul3A_1514 : i32
    %add3A_1516 = arith.constant 3 : i32
    %add3A_1517 = arith.addi %mul3A_1515, %add3A_1516 : i32
    %mul3A_1518 = arith.constant 2048 : i32
    %mul3A_1519 = arith.muli %add3A_1517, %mul3A_1518 : i32
    %add3A_1520 = arith.constant 512 : i32
    %add3A_1521 = arith.addi %mul3A_1519, %add3A_1520 : i32
    %dma_start3A_1522 = arith.constant 0 : i32
    %dma_start3A_1523 = arith.constant 0 : i32
    %dma_start3A_1524 = tpu.memref_slice %arg4[%add3A_1521, %dma_start3A_1523] : memref<262144x128xf32, #tpu.memory_space<hbm>> -> memref<256x128xf32, #tpu.memory_space<hbm>>
    %dma_start3A_1525 = tpu.memref_slice %arg11[%dma_start3A_1522] : memref<2x!tpu.dma_semaphore, #tpu.memory_space<semaphore_mem>> -> memref<1x!tpu.dma_semaphore, #tpu.memory_space<semaphore_mem>>
    %dma_start3A_1526 = tpu.memref_squeeze %dma_start3A_1525 : memref<1x!tpu.dma_semaphore, #tpu.memory_space<semaphore_mem>> -> memref<!tpu.dma_semaphore, #tpu.memory_space<semaphore_mem>>
    %dma_start3A_1527 = arith.constant 0 : i32
    %dma_start3A_1528 = tpu.memref_slice %arg4[%add3A_1521, %dma_start3A_1527] : memref<262144x128xf32, #tpu.memory_space<hbm>> -> memref<256x128xf32, #tpu.memory_space<hbm>>
    tpu.enqueue_dma source(%dma_start3A_1528 : memref<256x128xf32, #tpu.memory_space<hbm>>) target(%arg6 : memref<256x128xf32, #tpu.memory_space<vmem>>) target_semaphore(%dma_start3A_1526 : memref<!tpu.dma_semaphore, #tpu.memory_space<semaphore_mem>>)
    %mul3A_1529 = arith.constant 4 : i32
    %mul3A_1530 = arith.muli %add3A, %mul3A_1529 : i32
    %add3A_1531 = arith.constant 3 : i32
    %add3A_1532 = arith.addi %mul3A_1530, %add3A_1531 : i32
    %mul3A_1533 = arith.constant 2048 : i32
    %mul3A_1534 = arith.muli %add3A_1532, %mul3A_1533 : i32
    %add3A_1535 = arith.constant 256 : i32
    %add3A_1536 = arith.addi %mul3A_1534, %add3A_1535 : i32
    %dma_wait3A_1537 = arith.constant 1 : i32
    %dma_wait3A_1538 = arith.constant 0 : i32
    %dma_wait3A_1539 = tpu.memref_slice %arg4[%add3A_1536, %dma_wait3A_1538] : memref<262144x128xf32, #tpu.memory_space<hbm>> -> memref<256x128xf32, #tpu.memory_space<hbm>>
    %dma_wait3A_1540 = tpu.memref_slice %arg11[%dma_wait3A_1537] : memref<2x!tpu.dma_semaphore, #tpu.memory_space<semaphore_mem>> -> memref<1x!tpu.dma_semaphore, #tpu.memory_space<semaphore_mem>>
    %dma_wait3A_1541 = tpu.memref_squeeze %dma_wait3A_1540 : memref<1x!tpu.dma_semaphore, #tpu.memory_space<semaphore_mem>> -> memref<!tpu.dma_semaphore, #tpu.memory_space<semaphore_mem>>
    %dma_wait3A_1542 = arith.constant 0 : i32
    %dma_wait3A_1543 = tpu.memref_slice %arg4[%add3A_1536, %dma_wait3A_1542] : memref<262144x128xf32, #tpu.memory_space<hbm>> -> memref<256x128xf32, #tpu.memory_space<hbm>>
    tpu.wait_dma2 semaphore(%dma_wait3A_1541 : memref<!tpu.dma_semaphore, #tpu.memory_space<semaphore_mem>>) src(%dma_wait3A_1543 : memref<256x128xf32, #tpu.memory_space<hbm>>) dst(%arg7 : memref<256x128xf32, #tpu.memory_space<vmem>>)
    %mul3A_1544 = arith.constant 4 : i32
    %mul3A_1545 = arith.muli %add3A, %mul3A_1544 : i32
    %add3A_1546 = arith.constant 3 : i32
    %add3A_1547 = arith.addi %mul3A_1545, %add3A_1546 : i32
    %mul3A_1548 = arith.constant 2048 : i32
    %mul3A_1549 = arith.muli %add3A_1547, %mul3A_1548 : i32
    %add3A_1550 = arith.constant 256 : i32
    %add3A_1551 = arith.addi %mul3A_1549, %add3A_1550 : i32
    %dma_start3A_1552 = arith.constant 1 : i32
    %dma_start3A_1553 = arith.constant 0 : i32
    %dma_start3A_1554 = tpu.memref_slice %arg5[%add3A_1551, %dma_start3A_1553] : memref<262144x128xf32, #tpu.memory_space<hbm>> -> memref<256x128xf32, #tpu.memory_space<hbm>>
    %dma_start3A_1555 = tpu.memref_slice %arg12[%dma_start3A_1552] : memref<2x!tpu.dma_semaphore, #tpu.memory_space<semaphore_mem>> -> memref<1x!tpu.dma_semaphore, #tpu.memory_space<semaphore_mem>>
    %dma_start3A_1556 = tpu.memref_squeeze %dma_start3A_1555 : memref<1x!tpu.dma_semaphore, #tpu.memory_space<semaphore_mem>> -> memref<!tpu.dma_semaphore, #tpu.memory_space<semaphore_mem>>
    %dma_start3A_1557 = arith.constant 0 : i32
    %dma_start3A_1558 = tpu.memref_slice %arg5[%add3A_1551, %dma_start3A_1557] : memref<262144x128xf32, #tpu.memory_space<hbm>> -> memref<256x128xf32, #tpu.memory_space<hbm>>
    tpu.enqueue_dma source(%arg7 : memref<256x128xf32, #tpu.memory_space<vmem>>) target(%dma_start3A_1558 : memref<256x128xf32, #tpu.memory_space<hbm>>) target_semaphore(%dma_start3A_1556 : memref<!tpu.dma_semaphore, #tpu.memory_space<semaphore_mem>>)
    %mul3A_1559 = arith.constant 4 : i32
    %mul3A_1560 = arith.muli %add3A, %mul3A_1559 : i32
    %add3A_1561 = arith.constant 3 : i32
    %add3A_1562 = arith.addi %mul3A_1560, %add3A_1561 : i32
    %mul3A_1563 = arith.constant 2048 : i32
    %mul3A_1564 = arith.muli %add3A_1562, %mul3A_1563 : i32
    %add3A_1565 = arith.constant 256 : i32
    %add3A_1566 = arith.addi %mul3A_1564, %add3A_1565 : i32
    %dma_wait3A_1567 = arith.constant 1 : i32
    %dma_wait3A_1568 = arith.constant 0 : i32
    %dma_wait3A_1569 = tpu.memref_slice %arg5[%add3A_1566, %dma_wait3A_1568] : memref<262144x128xf32, #tpu.memory_space<hbm>> -> memref<256x128xf32, #tpu.memory_space<hbm>>
    %dma_wait3A_1570 = tpu.memref_slice %arg12[%dma_wait3A_1567] : memref<2x!tpu.dma_semaphore, #tpu.memory_space<semaphore_mem>> -> memref<1x!tpu.dma_semaphore, #tpu.memory_space<semaphore_mem>>
    %dma_wait3A_1571 = tpu.memref_squeeze %dma_wait3A_1570 : memref<1x!tpu.dma_semaphore, #tpu.memory_space<semaphore_mem>> -> memref<!tpu.dma_semaphore, #tpu.memory_space<semaphore_mem>>
    %dma_wait3A_1572 = arith.constant 0 : i32
    %dma_wait3A_1573 = tpu.memref_slice %arg5[%add3A_1566, %dma_wait3A_1572] : memref<262144x128xf32, #tpu.memory_space<hbm>> -> memref<256x128xf32, #tpu.memory_space<hbm>>
    tpu.wait_dma2 semaphore(%dma_wait3A_1571 : memref<!tpu.dma_semaphore, #tpu.memory_space<semaphore_mem>>) src(%arg7 : memref<256x128xf32, #tpu.memory_space<vmem>>) dst(%dma_wait3A_1573 : memref<256x128xf32, #tpu.memory_space<hbm>>)
    %mul3A_1574 = arith.constant 4 : i32
    %mul3A_1575 = arith.muli %add3A, %mul3A_1574 : i32
    %add3A_1576 = arith.constant 3 : i32
    %add3A_1577 = arith.addi %mul3A_1575, %add3A_1576 : i32
    %mul3A_1578 = arith.constant 2048 : i32
    %mul3A_1579 = arith.muli %add3A_1577, %mul3A_1578 : i32
    %add3A_1580 = arith.constant 768 : i32
    %add3A_1581 = arith.addi %mul3A_1579, %add3A_1580 : i32
    %dma_start3A_1582 = arith.constant 1 : i32
    %dma_start3A_1583 = arith.constant 0 : i32
    %dma_start3A_1584 = tpu.memref_slice %arg4[%add3A_1581, %dma_start3A_1583] : memref<262144x128xf32, #tpu.memory_space<hbm>> -> memref<256x128xf32, #tpu.memory_space<hbm>>
    %dma_start3A_1585 = tpu.memref_slice %arg11[%dma_start3A_1582] : memref<2x!tpu.dma_semaphore, #tpu.memory_space<semaphore_mem>> -> memref<1x!tpu.dma_semaphore, #tpu.memory_space<semaphore_mem>>
    %dma_start3A_1586 = tpu.memref_squeeze %dma_start3A_1585 : memref<1x!tpu.dma_semaphore, #tpu.memory_space<semaphore_mem>> -> memref<!tpu.dma_semaphore, #tpu.memory_space<semaphore_mem>>
    %dma_start3A_1587 = arith.constant 0 : i32
    %dma_start3A_1588 = tpu.memref_slice %arg4[%add3A_1581, %dma_start3A_1587] : memref<262144x128xf32, #tpu.memory_space<hbm>> -> memref<256x128xf32, #tpu.memory_space<hbm>>
    tpu.enqueue_dma source(%dma_start3A_1588 : memref<256x128xf32, #tpu.memory_space<hbm>>) target(%arg7 : memref<256x128xf32, #tpu.memory_space<vmem>>) target_semaphore(%dma_start3A_1586 : memref<!tpu.dma_semaphore, #tpu.memory_space<semaphore_mem>>)
    %mul3A_1589 = arith.constant 4 : i32
    %mul3A_1590 = arith.muli %add3A, %mul3A_1589 : i32
    %add3A_1591 = arith.constant 3 : i32
    %add3A_1592 = arith.addi %mul3A_1590, %add3A_1591 : i32
    %mul3A_1593 = arith.constant 2048 : i32
    %mul3A_1594 = arith.muli %add3A_1592, %mul3A_1593 : i32
    %add3A_1595 = arith.constant 512 : i32
    %add3A_1596 = arith.addi %mul3A_1594, %add3A_1595 : i32
    %dma_wait3A_1597 = arith.constant 0 : i32
    %dma_wait3A_1598 = arith.constant 0 : i32
    %dma_wait3A_1599 = tpu.memref_slice %arg4[%add3A_1596, %dma_wait3A_1598] : memref<262144x128xf32, #tpu.memory_space<hbm>> -> memref<256x128xf32, #tpu.memory_space<hbm>>
    %dma_wait3A_1600 = tpu.memref_slice %arg11[%dma_wait3A_1597] : memref<2x!tpu.dma_semaphore, #tpu.memory_space<semaphore_mem>> -> memref<1x!tpu.dma_semaphore, #tpu.memory_space<semaphore_mem>>
    %dma_wait3A_1601 = tpu.memref_squeeze %dma_wait3A_1600 : memref<1x!tpu.dma_semaphore, #tpu.memory_space<semaphore_mem>> -> memref<!tpu.dma_semaphore, #tpu.memory_space<semaphore_mem>>
    %dma_wait3A_1602 = arith.constant 0 : i32
    %dma_wait3A_1603 = tpu.memref_slice %arg4[%add3A_1596, %dma_wait3A_1602] : memref<262144x128xf32, #tpu.memory_space<hbm>> -> memref<256x128xf32, #tpu.memory_space<hbm>>
    tpu.wait_dma2 semaphore(%dma_wait3A_1601 : memref<!tpu.dma_semaphore, #tpu.memory_space<semaphore_mem>>) src(%dma_wait3A_1603 : memref<256x128xf32, #tpu.memory_space<hbm>>) dst(%arg6 : memref<256x128xf32, #tpu.memory_space<vmem>>)
    %mul3A_1604 = arith.constant 4 : i32
    %mul3A_1605 = arith.muli %add3A, %mul3A_1604 : i32
    %add3A_1606 = arith.constant 3 : i32
    %add3A_1607 = arith.addi %mul3A_1605, %add3A_1606 : i32
    %mul3A_1608 = arith.constant 2048 : i32
    %mul3A_1609 = arith.muli %add3A_1607, %mul3A_1608 : i32
    %add3A_1610 = arith.constant 512 : i32
    %add3A_1611 = arith.addi %mul3A_1609, %add3A_1610 : i32
    %dma_start3A_1612 = arith.constant 0 : i32
    %dma_start3A_1613 = arith.constant 0 : i32
    %dma_start3A_1614 = tpu.memref_slice %arg5[%add3A_1611, %dma_start3A_1613] : memref<262144x128xf32, #tpu.memory_space<hbm>> -> memref<256x128xf32, #tpu.memory_space<hbm>>
    %dma_start3A_1615 = tpu.memref_slice %arg12[%dma_start3A_1612] : memref<2x!tpu.dma_semaphore, #tpu.memory_space<semaphore_mem>> -> memref<1x!tpu.dma_semaphore, #tpu.memory_space<semaphore_mem>>
    %dma_start3A_1616 = tpu.memref_squeeze %dma_start3A_1615 : memref<1x!tpu.dma_semaphore, #tpu.memory_space<semaphore_mem>> -> memref<!tpu.dma_semaphore, #tpu.memory_space<semaphore_mem>>
    %dma_start3A_1617 = arith.constant 0 : i32
    %dma_start3A_1618 = tpu.memref_slice %arg5[%add3A_1611, %dma_start3A_1617] : memref<262144x128xf32, #tpu.memory_space<hbm>> -> memref<256x128xf32, #tpu.memory_space<hbm>>
    tpu.enqueue_dma source(%arg6 : memref<256x128xf32, #tpu.memory_space<vmem>>) target(%dma_start3A_1618 : memref<256x128xf32, #tpu.memory_space<hbm>>) target_semaphore(%dma_start3A_1616 : memref<!tpu.dma_semaphore, #tpu.memory_space<semaphore_mem>>)
    %mul3A_1619 = arith.constant 4 : i32
    %mul3A_1620 = arith.muli %add3A, %mul3A_1619 : i32
    %add3A_1621 = arith.constant 3 : i32
    %add3A_1622 = arith.addi %mul3A_1620, %add3A_1621 : i32
    %mul3A_1623 = arith.constant 2048 : i32
    %mul3A_1624 = arith.muli %add3A_1622, %mul3A_1623 : i32
    %add3A_1625 = arith.constant 512 : i32
    %add3A_1626 = arith.addi %mul3A_1624, %add3A_1625 : i32
    %dma_wait3A_1627 = arith.constant 0 : i32
    %dma_wait3A_1628 = arith.constant 0 : i32
    %dma_wait3A_1629 = tpu.memref_slice %arg5[%add3A_1626, %dma_wait3A_1628] : memref<262144x128xf32, #tpu.memory_space<hbm>> -> memref<256x128xf32, #tpu.memory_space<hbm>>
    %dma_wait3A_1630 = tpu.memref_slice %arg12[%dma_wait3A_1627] : memref<2x!tpu.dma_semaphore, #tpu.memory_space<semaphore_mem>> -> memref<1x!tpu.dma_semaphore, #tpu.memory_space<semaphore_mem>>
    %dma_wait3A_1631 = tpu.memref_squeeze %dma_wait3A_1630 : memref<1x!tpu.dma_semaphore, #tpu.memory_space<semaphore_mem>> -> memref<!tpu.dma_semaphore, #tpu.memory_space<semaphore_mem>>
    %dma_wait3A_1632 = arith.constant 0 : i32
    %dma_wait3A_1633 = tpu.memref_slice %arg5[%add3A_1626, %dma_wait3A_1632] : memref<262144x128xf32, #tpu.memory_space<hbm>> -> memref<256x128xf32, #tpu.memory_space<hbm>>
    tpu.wait_dma2 semaphore(%dma_wait3A_1631 : memref<!tpu.dma_semaphore, #tpu.memory_space<semaphore_mem>>) src(%arg6 : memref<256x128xf32, #tpu.memory_space<vmem>>) dst(%dma_wait3A_1633 : memref<256x128xf32, #tpu.memory_space<hbm>>)
    %mul3A_1634 = arith.constant 4 : i32
    %mul3A_1635 = arith.muli %add3A, %mul3A_1634 : i32
    %add3A_1636 = arith.constant 3 : i32
    %add3A_1637 = arith.addi %mul3A_1635, %add3A_1636 : i32
    %mul3A_1638 = arith.constant 2048 : i32
    %mul3A_1639 = arith.muli %add3A_1637, %mul3A_1638 : i32
    %add3A_1640 = arith.constant 1024 : i32
    %add3A_1641 = arith.addi %mul3A_1639, %add3A_1640 : i32
    %dma_start3A_1642 = arith.constant 0 : i32
    %dma_start3A_1643 = arith.constant 0 : i32
    %dma_start3A_1644 = tpu.memref_slice %arg4[%add3A_1641, %dma_start3A_1643] : memref<262144x128xf32, #tpu.memory_space<hbm>> -> memref<256x128xf32, #tpu.memory_space<hbm>>
    %dma_start3A_1645 = tpu.memref_slice %arg11[%dma_start3A_1642] : memref<2x!tpu.dma_semaphore, #tpu.memory_space<semaphore_mem>> -> memref<1x!tpu.dma_semaphore, #tpu.memory_space<semaphore_mem>>
    %dma_start3A_1646 = tpu.memref_squeeze %dma_start3A_1645 : memref<1x!tpu.dma_semaphore, #tpu.memory_space<semaphore_mem>> -> memref<!tpu.dma_semaphore, #tpu.memory_space<semaphore_mem>>
    %dma_start3A_1647 = arith.constant 0 : i32
    %dma_start3A_1648 = tpu.memref_slice %arg4[%add3A_1641, %dma_start3A_1647] : memref<262144x128xf32, #tpu.memory_space<hbm>> -> memref<256x128xf32, #tpu.memory_space<hbm>>
    tpu.enqueue_dma source(%dma_start3A_1648 : memref<256x128xf32, #tpu.memory_space<hbm>>) target(%arg6 : memref<256x128xf32, #tpu.memory_space<vmem>>) target_semaphore(%dma_start3A_1646 : memref<!tpu.dma_semaphore, #tpu.memory_space<semaphore_mem>>)
    %mul3A_1649 = arith.constant 4 : i32
    %mul3A_1650 = arith.muli %add3A, %mul3A_1649 : i32
    %add3A_1651 = arith.constant 3 : i32
    %add3A_1652 = arith.addi %mul3A_1650, %add3A_1651 : i32
    %mul3A_1653 = arith.constant 2048 : i32
    %mul3A_1654 = arith.muli %add3A_1652, %mul3A_1653 : i32
    %add3A_1655 = arith.constant 768 : i32
    %add3A_1656 = arith.addi %mul3A_1654, %add3A_1655 : i32
    %dma_wait3A_1657 = arith.constant 1 : i32
    %dma_wait3A_1658 = arith.constant 0 : i32
    %dma_wait3A_1659 = tpu.memref_slice %arg4[%add3A_1656, %dma_wait3A_1658] : memref<262144x128xf32, #tpu.memory_space<hbm>> -> memref<256x128xf32, #tpu.memory_space<hbm>>
    %dma_wait3A_1660 = tpu.memref_slice %arg11[%dma_wait3A_1657] : memref<2x!tpu.dma_semaphore, #tpu.memory_space<semaphore_mem>> -> memref<1x!tpu.dma_semaphore, #tpu.memory_space<semaphore_mem>>
    %dma_wait3A_1661 = tpu.memref_squeeze %dma_wait3A_1660 : memref<1x!tpu.dma_semaphore, #tpu.memory_space<semaphore_mem>> -> memref<!tpu.dma_semaphore, #tpu.memory_space<semaphore_mem>>
    %dma_wait3A_1662 = arith.constant 0 : i32
    %dma_wait3A_1663 = tpu.memref_slice %arg4[%add3A_1656, %dma_wait3A_1662] : memref<262144x128xf32, #tpu.memory_space<hbm>> -> memref<256x128xf32, #tpu.memory_space<hbm>>
    tpu.wait_dma2 semaphore(%dma_wait3A_1661 : memref<!tpu.dma_semaphore, #tpu.memory_space<semaphore_mem>>) src(%dma_wait3A_1663 : memref<256x128xf32, #tpu.memory_space<hbm>>) dst(%arg7 : memref<256x128xf32, #tpu.memory_space<vmem>>)
    %mul3A_1664 = arith.constant 4 : i32
    %mul3A_1665 = arith.muli %add3A, %mul3A_1664 : i32
    %add3A_1666 = arith.constant 3 : i32
    %add3A_1667 = arith.addi %mul3A_1665, %add3A_1666 : i32
    %mul3A_1668 = arith.constant 2048 : i32
    %mul3A_1669 = arith.muli %add3A_1667, %mul3A_1668 : i32
    %add3A_1670 = arith.constant 768 : i32
    %add3A_1671 = arith.addi %mul3A_1669, %add3A_1670 : i32
    %dma_start3A_1672 = arith.constant 1 : i32
    %dma_start3A_1673 = arith.constant 0 : i32
    %dma_start3A_1674 = tpu.memref_slice %arg5[%add3A_1671, %dma_start3A_1673] : memref<262144x128xf32, #tpu.memory_space<hbm>> -> memref<256x128xf32, #tpu.memory_space<hbm>>
    %dma_start3A_1675 = tpu.memref_slice %arg12[%dma_start3A_1672] : memref<2x!tpu.dma_semaphore, #tpu.memory_space<semaphore_mem>> -> memref<1x!tpu.dma_semaphore, #tpu.memory_space<semaphore_mem>>
    %dma_start3A_1676 = tpu.memref_squeeze %dma_start3A_1675 : memref<1x!tpu.dma_semaphore, #tpu.memory_space<semaphore_mem>> -> memref<!tpu.dma_semaphore, #tpu.memory_space<semaphore_mem>>
    %dma_start3A_1677 = arith.constant 0 : i32
    %dma_start3A_1678 = tpu.memref_slice %arg5[%add3A_1671, %dma_start3A_1677] : memref<262144x128xf32, #tpu.memory_space<hbm>> -> memref<256x128xf32, #tpu.memory_space<hbm>>
    tpu.enqueue_dma source(%arg7 : memref<256x128xf32, #tpu.memory_space<vmem>>) target(%dma_start3A_1678 : memref<256x128xf32, #tpu.memory_space<hbm>>) target_semaphore(%dma_start3A_1676 : memref<!tpu.dma_semaphore, #tpu.memory_space<semaphore_mem>>)
    %mul3A_1679 = arith.constant 4 : i32
    %mul3A_1680 = arith.muli %add3A, %mul3A_1679 : i32
    %add3A_1681 = arith.constant 3 : i32
    %add3A_1682 = arith.addi %mul3A_1680, %add3A_1681 : i32
    %mul3A_1683 = arith.constant 2048 : i32
    %mul3A_1684 = arith.muli %add3A_1682, %mul3A_1683 : i32
    %add3A_1685 = arith.constant 768 : i32
    %add3A_1686 = arith.addi %mul3A_1684, %add3A_1685 : i32
    %dma_wait3A_1687 = arith.constant 1 : i32
    %dma_wait3A_1688 = arith.constant 0 : i32
    %dma_wait3A_1689 = tpu.memref_slice %arg5[%add3A_1686, %dma_wait3A_1688] : memref<262144x128xf32, #tpu.memory_space<hbm>> -> memref<256x128xf32, #tpu.memory_space<hbm>>
    %dma_wait3A_1690 = tpu.memref_slice %arg12[%dma_wait3A_1687] : memref<2x!tpu.dma_semaphore, #tpu.memory_space<semaphore_mem>> -> memref<1x!tpu.dma_semaphore, #tpu.memory_space<semaphore_mem>>
    %dma_wait3A_1691 = tpu.memref_squeeze %dma_wait3A_1690 : memref<1x!tpu.dma_semaphore, #tpu.memory_space<semaphore_mem>> -> memref<!tpu.dma_semaphore, #tpu.memory_space<semaphore_mem>>
    %dma_wait3A_1692 = arith.constant 0 : i32
    %dma_wait3A_1693 = tpu.memref_slice %arg5[%add3A_1686, %dma_wait3A_1692] : memref<262144x128xf32, #tpu.memory_space<hbm>> -> memref<256x128xf32, #tpu.memory_space<hbm>>
    tpu.wait_dma2 semaphore(%dma_wait3A_1691 : memref<!tpu.dma_semaphore, #tpu.memory_space<semaphore_mem>>) src(%arg7 : memref<256x128xf32, #tpu.memory_space<vmem>>) dst(%dma_wait3A_1693 : memref<256x128xf32, #tpu.memory_space<hbm>>)
    %mul3A_1694 = arith.constant 4 : i32
    %mul3A_1695 = arith.muli %add3A, %mul3A_1694 : i32
    %add3A_1696 = arith.constant 3 : i32
    %add3A_1697 = arith.addi %mul3A_1695, %add3A_1696 : i32
    %mul3A_1698 = arith.constant 2048 : i32
    %mul3A_1699 = arith.muli %add3A_1697, %mul3A_1698 : i32
    %add3A_1700 = arith.constant 1280 : i32
    %add3A_1701 = arith.addi %mul3A_1699, %add3A_1700 : i32
    %dma_start3A_1702 = arith.constant 1 : i32
    %dma_start3A_1703 = arith.constant 0 : i32
    %dma_start3A_1704 = tpu.memref_slice %arg4[%add3A_1701, %dma_start3A_1703] : memref<262144x128xf32, #tpu.memory_space<hbm>> -> memref<256x128xf32, #tpu.memory_space<hbm>>
    %dma_start3A_1705 = tpu.memref_slice %arg11[%dma_start3A_1702] : memref<2x!tpu.dma_semaphore, #tpu.memory_space<semaphore_mem>> -> memref<1x!tpu.dma_semaphore, #tpu.memory_space<semaphore_mem>>
    %dma_start3A_1706 = tpu.memref_squeeze %dma_start3A_1705 : memref<1x!tpu.dma_semaphore, #tpu.memory_space<semaphore_mem>> -> memref<!tpu.dma_semaphore, #tpu.memory_space<semaphore_mem>>
    %dma_start3A_1707 = arith.constant 0 : i32
    %dma_start3A_1708 = tpu.memref_slice %arg4[%add3A_1701, %dma_start3A_1707] : memref<262144x128xf32, #tpu.memory_space<hbm>> -> memref<256x128xf32, #tpu.memory_space<hbm>>
    tpu.enqueue_dma source(%dma_start3A_1708 : memref<256x128xf32, #tpu.memory_space<hbm>>) target(%arg7 : memref<256x128xf32, #tpu.memory_space<vmem>>) target_semaphore(%dma_start3A_1706 : memref<!tpu.dma_semaphore, #tpu.memory_space<semaphore_mem>>)
    %mul3A_1709 = arith.constant 4 : i32
    %mul3A_1710 = arith.muli %add3A, %mul3A_1709 : i32
    %add3A_1711 = arith.constant 3 : i32
    %add3A_1712 = arith.addi %mul3A_1710, %add3A_1711 : i32
    %mul3A_1713 = arith.constant 2048 : i32
    %mul3A_1714 = arith.muli %add3A_1712, %mul3A_1713 : i32
    %add3A_1715 = arith.constant 1024 : i32
    %add3A_1716 = arith.addi %mul3A_1714, %add3A_1715 : i32
    %dma_wait3A_1717 = arith.constant 0 : i32
    %dma_wait3A_1718 = arith.constant 0 : i32
    %dma_wait3A_1719 = tpu.memref_slice %arg4[%add3A_1716, %dma_wait3A_1718] : memref<262144x128xf32, #tpu.memory_space<hbm>> -> memref<256x128xf32, #tpu.memory_space<hbm>>
    %dma_wait3A_1720 = tpu.memref_slice %arg11[%dma_wait3A_1717] : memref<2x!tpu.dma_semaphore, #tpu.memory_space<semaphore_mem>> -> memref<1x!tpu.dma_semaphore, #tpu.memory_space<semaphore_mem>>
    %dma_wait3A_1721 = tpu.memref_squeeze %dma_wait3A_1720 : memref<1x!tpu.dma_semaphore, #tpu.memory_space<semaphore_mem>> -> memref<!tpu.dma_semaphore, #tpu.memory_space<semaphore_mem>>
    %dma_wait3A_1722 = arith.constant 0 : i32
    %dma_wait3A_1723 = tpu.memref_slice %arg4[%add3A_1716, %dma_wait3A_1722] : memref<262144x128xf32, #tpu.memory_space<hbm>> -> memref<256x128xf32, #tpu.memory_space<hbm>>
    tpu.wait_dma2 semaphore(%dma_wait3A_1721 : memref<!tpu.dma_semaphore, #tpu.memory_space<semaphore_mem>>) src(%dma_wait3A_1723 : memref<256x128xf32, #tpu.memory_space<hbm>>) dst(%arg6 : memref<256x128xf32, #tpu.memory_space<vmem>>)
    %mul3A_1724 = arith.constant 4 : i32
    %mul3A_1725 = arith.muli %add3A, %mul3A_1724 : i32
    %add3A_1726 = arith.constant 3 : i32
    %add3A_1727 = arith.addi %mul3A_1725, %add3A_1726 : i32
    %mul3A_1728 = arith.constant 2048 : i32
    %mul3A_1729 = arith.muli %add3A_1727, %mul3A_1728 : i32
    %add3A_1730 = arith.constant 1024 : i32
    %add3A_1731 = arith.addi %mul3A_1729, %add3A_1730 : i32
    %dma_start3A_1732 = arith.constant 0 : i32
    %dma_start3A_1733 = arith.constant 0 : i32
    %dma_start3A_1734 = tpu.memref_slice %arg5[%add3A_1731, %dma_start3A_1733] : memref<262144x128xf32, #tpu.memory_space<hbm>> -> memref<256x128xf32, #tpu.memory_space<hbm>>
    %dma_start3A_1735 = tpu.memref_slice %arg12[%dma_start3A_1732] : memref<2x!tpu.dma_semaphore, #tpu.memory_space<semaphore_mem>> -> memref<1x!tpu.dma_semaphore, #tpu.memory_space<semaphore_mem>>
    %dma_start3A_1736 = tpu.memref_squeeze %dma_start3A_1735 : memref<1x!tpu.dma_semaphore, #tpu.memory_space<semaphore_mem>> -> memref<!tpu.dma_semaphore, #tpu.memory_space<semaphore_mem>>
    %dma_start3A_1737 = arith.constant 0 : i32
    %dma_start3A_1738 = tpu.memref_slice %arg5[%add3A_1731, %dma_start3A_1737] : memref<262144x128xf32, #tpu.memory_space<hbm>> -> memref<256x128xf32, #tpu.memory_space<hbm>>
    tpu.enqueue_dma source(%arg6 : memref<256x128xf32, #tpu.memory_space<vmem>>) target(%dma_start3A_1738 : memref<256x128xf32, #tpu.memory_space<hbm>>) target_semaphore(%dma_start3A_1736 : memref<!tpu.dma_semaphore, #tpu.memory_space<semaphore_mem>>)
    %mul3A_1739 = arith.constant 4 : i32
    %mul3A_1740 = arith.muli %add3A, %mul3A_1739 : i32
    %add3A_1741 = arith.constant 3 : i32
    %add3A_1742 = arith.addi %mul3A_1740, %add3A_1741 : i32
    %mul3A_1743 = arith.constant 2048 : i32
    %mul3A_1744 = arith.muli %add3A_1742, %mul3A_1743 : i32
    %add3A_1745 = arith.constant 1024 : i32
    %add3A_1746 = arith.addi %mul3A_1744, %add3A_1745 : i32
    %dma_wait3A_1747 = arith.constant 0 : i32
    %dma_wait3A_1748 = arith.constant 0 : i32
    %dma_wait3A_1749 = tpu.memref_slice %arg5[%add3A_1746, %dma_wait3A_1748] : memref<262144x128xf32, #tpu.memory_space<hbm>> -> memref<256x128xf32, #tpu.memory_space<hbm>>
    %dma_wait3A_1750 = tpu.memref_slice %arg12[%dma_wait3A_1747] : memref<2x!tpu.dma_semaphore, #tpu.memory_space<semaphore_mem>> -> memref<1x!tpu.dma_semaphore, #tpu.memory_space<semaphore_mem>>
    %dma_wait3A_1751 = tpu.memref_squeeze %dma_wait3A_1750 : memref<1x!tpu.dma_semaphore, #tpu.memory_space<semaphore_mem>> -> memref<!tpu.dma_semaphore, #tpu.memory_space<semaphore_mem>>
    %dma_wait3A_1752 = arith.constant 0 : i32
    %dma_wait3A_1753 = tpu.memref_slice %arg5[%add3A_1746, %dma_wait3A_1752] : memref<262144x128xf32, #tpu.memory_space<hbm>> -> memref<256x128xf32, #tpu.memory_space<hbm>>
    tpu.wait_dma2 semaphore(%dma_wait3A_1751 : memref<!tpu.dma_semaphore, #tpu.memory_space<semaphore_mem>>) src(%arg6 : memref<256x128xf32, #tpu.memory_space<vmem>>) dst(%dma_wait3A_1753 : memref<256x128xf32, #tpu.memory_space<hbm>>)
    %mul3A_1754 = arith.constant 4 : i32
    %mul3A_1755 = arith.muli %add3A, %mul3A_1754 : i32
    %add3A_1756 = arith.constant 3 : i32
    %add3A_1757 = arith.addi %mul3A_1755, %add3A_1756 : i32
    %mul3A_1758 = arith.constant 2048 : i32
    %mul3A_1759 = arith.muli %add3A_1757, %mul3A_1758 : i32
    %add3A_1760 = arith.constant 1536 : i32
    %add3A_1761 = arith.addi %mul3A_1759, %add3A_1760 : i32
    %dma_start3A_1762 = arith.constant 0 : i32
    %dma_start3A_1763 = arith.constant 0 : i32
    %dma_start3A_1764 = tpu.memref_slice %arg4[%add3A_1761, %dma_start3A_1763] : memref<262144x128xf32, #tpu.memory_space<hbm>> -> memref<256x128xf32, #tpu.memory_space<hbm>>
    %dma_start3A_1765 = tpu.memref_slice %arg11[%dma_start3A_1762] : memref<2x!tpu.dma_semaphore, #tpu.memory_space<semaphore_mem>> -> memref<1x!tpu.dma_semaphore, #tpu.memory_space<semaphore_mem>>
    %dma_start3A_1766 = tpu.memref_squeeze %dma_start3A_1765 : memref<1x!tpu.dma_semaphore, #tpu.memory_space<semaphore_mem>> -> memref<!tpu.dma_semaphore, #tpu.memory_space<semaphore_mem>>
    %dma_start3A_1767 = arith.constant 0 : i32
    %dma_start3A_1768 = tpu.memref_slice %arg4[%add3A_1761, %dma_start3A_1767] : memref<262144x128xf32, #tpu.memory_space<hbm>> -> memref<256x128xf32, #tpu.memory_space<hbm>>
    tpu.enqueue_dma source(%dma_start3A_1768 : memref<256x128xf32, #tpu.memory_space<hbm>>) target(%arg6 : memref<256x128xf32, #tpu.memory_space<vmem>>) target_semaphore(%dma_start3A_1766 : memref<!tpu.dma_semaphore, #tpu.memory_space<semaphore_mem>>)
    %mul3A_1769 = arith.constant 4 : i32
    %mul3A_1770 = arith.muli %add3A, %mul3A_1769 : i32
    %add3A_1771 = arith.constant 3 : i32
    %add3A_1772 = arith.addi %mul3A_1770, %add3A_1771 : i32
    %mul3A_1773 = arith.constant 2048 : i32
    %mul3A_1774 = arith.muli %add3A_1772, %mul3A_1773 : i32
    %add3A_1775 = arith.constant 1280 : i32
    %add3A_1776 = arith.addi %mul3A_1774, %add3A_1775 : i32
    %dma_wait3A_1777 = arith.constant 1 : i32
    %dma_wait3A_1778 = arith.constant 0 : i32
    %dma_wait3A_1779 = tpu.memref_slice %arg4[%add3A_1776, %dma_wait3A_1778] : memref<262144x128xf32, #tpu.memory_space<hbm>> -> memref<256x128xf32, #tpu.memory_space<hbm>>
    %dma_wait3A_1780 = tpu.memref_slice %arg11[%dma_wait3A_1777] : memref<2x!tpu.dma_semaphore, #tpu.memory_space<semaphore_mem>> -> memref<1x!tpu.dma_semaphore, #tpu.memory_space<semaphore_mem>>
    %dma_wait3A_1781 = tpu.memref_squeeze %dma_wait3A_1780 : memref<1x!tpu.dma_semaphore, #tpu.memory_space<semaphore_mem>> -> memref<!tpu.dma_semaphore, #tpu.memory_space<semaphore_mem>>
    %dma_wait3A_1782 = arith.constant 0 : i32
    %dma_wait3A_1783 = tpu.memref_slice %arg4[%add3A_1776, %dma_wait3A_1782] : memref<262144x128xf32, #tpu.memory_space<hbm>> -> memref<256x128xf32, #tpu.memory_space<hbm>>
    tpu.wait_dma2 semaphore(%dma_wait3A_1781 : memref<!tpu.dma_semaphore, #tpu.memory_space<semaphore_mem>>) src(%dma_wait3A_1783 : memref<256x128xf32, #tpu.memory_space<hbm>>) dst(%arg7 : memref<256x128xf32, #tpu.memory_space<vmem>>)
    %mul3A_1784 = arith.constant 4 : i32
    %mul3A_1785 = arith.muli %add3A, %mul3A_1784 : i32
    %add3A_1786 = arith.constant 3 : i32
    %add3A_1787 = arith.addi %mul3A_1785, %add3A_1786 : i32
    %mul3A_1788 = arith.constant 2048 : i32
    %mul3A_1789 = arith.muli %add3A_1787, %mul3A_1788 : i32
    %add3A_1790 = arith.constant 1280 : i32
    %add3A_1791 = arith.addi %mul3A_1789, %add3A_1790 : i32
    %dma_start3A_1792 = arith.constant 1 : i32
    %dma_start3A_1793 = arith.constant 0 : i32
    %dma_start3A_1794 = tpu.memref_slice %arg5[%add3A_1791, %dma_start3A_1793] : memref<262144x128xf32, #tpu.memory_space<hbm>> -> memref<256x128xf32, #tpu.memory_space<hbm>>
    %dma_start3A_1795 = tpu.memref_slice %arg12[%dma_start3A_1792] : memref<2x!tpu.dma_semaphore, #tpu.memory_space<semaphore_mem>> -> memref<1x!tpu.dma_semaphore, #tpu.memory_space<semaphore_mem>>
    %dma_start3A_1796 = tpu.memref_squeeze %dma_start3A_1795 : memref<1x!tpu.dma_semaphore, #tpu.memory_space<semaphore_mem>> -> memref<!tpu.dma_semaphore, #tpu.memory_space<semaphore_mem>>
    %dma_start3A_1797 = arith.constant 0 : i32
    %dma_start3A_1798 = tpu.memref_slice %arg5[%add3A_1791, %dma_start3A_1797] : memref<262144x128xf32, #tpu.memory_space<hbm>> -> memref<256x128xf32, #tpu.memory_space<hbm>>
    tpu.enqueue_dma source(%arg7 : memref<256x128xf32, #tpu.memory_space<vmem>>) target(%dma_start3A_1798 : memref<256x128xf32, #tpu.memory_space<hbm>>) target_semaphore(%dma_start3A_1796 : memref<!tpu.dma_semaphore, #tpu.memory_space<semaphore_mem>>)
    %mul3A_1799 = arith.constant 4 : i32
    %mul3A_1800 = arith.muli %add3A, %mul3A_1799 : i32
    %add3A_1801 = arith.constant 3 : i32
    %add3A_1802 = arith.addi %mul3A_1800, %add3A_1801 : i32
    %mul3A_1803 = arith.constant 2048 : i32
    %mul3A_1804 = arith.muli %add3A_1802, %mul3A_1803 : i32
    %add3A_1805 = arith.constant 1280 : i32
    %add3A_1806 = arith.addi %mul3A_1804, %add3A_1805 : i32
    %dma_wait3A_1807 = arith.constant 1 : i32
    %dma_wait3A_1808 = arith.constant 0 : i32
    %dma_wait3A_1809 = tpu.memref_slice %arg5[%add3A_1806, %dma_wait3A_1808] : memref<262144x128xf32, #tpu.memory_space<hbm>> -> memref<256x128xf32, #tpu.memory_space<hbm>>
    %dma_wait3A_1810 = tpu.memref_slice %arg12[%dma_wait3A_1807] : memref<2x!tpu.dma_semaphore, #tpu.memory_space<semaphore_mem>> -> memref<1x!tpu.dma_semaphore, #tpu.memory_space<semaphore_mem>>
    %dma_wait3A_1811 = tpu.memref_squeeze %dma_wait3A_1810 : memref<1x!tpu.dma_semaphore, #tpu.memory_space<semaphore_mem>> -> memref<!tpu.dma_semaphore, #tpu.memory_space<semaphore_mem>>
    %dma_wait3A_1812 = arith.constant 0 : i32
    %dma_wait3A_1813 = tpu.memref_slice %arg5[%add3A_1806, %dma_wait3A_1812] : memref<262144x128xf32, #tpu.memory_space<hbm>> -> memref<256x128xf32, #tpu.memory_space<hbm>>
    tpu.wait_dma2 semaphore(%dma_wait3A_1811 : memref<!tpu.dma_semaphore, #tpu.memory_space<semaphore_mem>>) src(%arg7 : memref<256x128xf32, #tpu.memory_space<vmem>>) dst(%dma_wait3A_1813 : memref<256x128xf32, #tpu.memory_space<hbm>>)
    %mul3A_1814 = arith.constant 4 : i32
    %mul3A_1815 = arith.muli %add3A, %mul3A_1814 : i32
    %add3A_1816 = arith.constant 3 : i32
    %add3A_1817 = arith.addi %mul3A_1815, %add3A_1816 : i32
    %mul3A_1818 = arith.constant 2048 : i32
    %mul3A_1819 = arith.muli %add3A_1817, %mul3A_1818 : i32
    %add3A_1820 = arith.constant 1792 : i32
    %add3A_1821 = arith.addi %mul3A_1819, %add3A_1820 : i32
    %dma_start3A_1822 = arith.constant 1 : i32
    %dma_start3A_1823 = arith.constant 0 : i32
    %dma_start3A_1824 = tpu.memref_slice %arg4[%add3A_1821, %dma_start3A_1823] : memref<262144x128xf32, #tpu.memory_space<hbm>> -> memref<256x128xf32, #tpu.memory_space<hbm>>
    %dma_start3A_1825 = tpu.memref_slice %arg11[%dma_start3A_1822] : memref<2x!tpu.dma_semaphore, #tpu.memory_space<semaphore_mem>> -> memref<1x!tpu.dma_semaphore, #tpu.memory_space<semaphore_mem>>
    %dma_start3A_1826 = tpu.memref_squeeze %dma_start3A_1825 : memref<1x!tpu.dma_semaphore, #tpu.memory_space<semaphore_mem>> -> memref<!tpu.dma_semaphore, #tpu.memory_space<semaphore_mem>>
    %dma_start3A_1827 = arith.constant 0 : i32
    %dma_start3A_1828 = tpu.memref_slice %arg4[%add3A_1821, %dma_start3A_1827] : memref<262144x128xf32, #tpu.memory_space<hbm>> -> memref<256x128xf32, #tpu.memory_space<hbm>>
    tpu.enqueue_dma source(%dma_start3A_1828 : memref<256x128xf32, #tpu.memory_space<hbm>>) target(%arg7 : memref<256x128xf32, #tpu.memory_space<vmem>>) target_semaphore(%dma_start3A_1826 : memref<!tpu.dma_semaphore, #tpu.memory_space<semaphore_mem>>)
    %mul3A_1829 = arith.constant 4 : i32
    %mul3A_1830 = arith.muli %add3A, %mul3A_1829 : i32
    %add3A_1831 = arith.constant 3 : i32
    %add3A_1832 = arith.addi %mul3A_1830, %add3A_1831 : i32
    %mul3A_1833 = arith.constant 2048 : i32
    %mul3A_1834 = arith.muli %add3A_1832, %mul3A_1833 : i32
    %add3A_1835 = arith.constant 1536 : i32
    %add3A_1836 = arith.addi %mul3A_1834, %add3A_1835 : i32
    %dma_wait3A_1837 = arith.constant 0 : i32
    %dma_wait3A_1838 = arith.constant 0 : i32
    %dma_wait3A_1839 = tpu.memref_slice %arg4[%add3A_1836, %dma_wait3A_1838] : memref<262144x128xf32, #tpu.memory_space<hbm>> -> memref<256x128xf32, #tpu.memory_space<hbm>>
    %dma_wait3A_1840 = tpu.memref_slice %arg11[%dma_wait3A_1837] : memref<2x!tpu.dma_semaphore, #tpu.memory_space<semaphore_mem>> -> memref<1x!tpu.dma_semaphore, #tpu.memory_space<semaphore_mem>>
    %dma_wait3A_1841 = tpu.memref_squeeze %dma_wait3A_1840 : memref<1x!tpu.dma_semaphore, #tpu.memory_space<semaphore_mem>> -> memref<!tpu.dma_semaphore, #tpu.memory_space<semaphore_mem>>
    %dma_wait3A_1842 = arith.constant 0 : i32
    %dma_wait3A_1843 = tpu.memref_slice %arg4[%add3A_1836, %dma_wait3A_1842] : memref<262144x128xf32, #tpu.memory_space<hbm>> -> memref<256x128xf32, #tpu.memory_space<hbm>>
    tpu.wait_dma2 semaphore(%dma_wait3A_1841 : memref<!tpu.dma_semaphore, #tpu.memory_space<semaphore_mem>>) src(%dma_wait3A_1843 : memref<256x128xf32, #tpu.memory_space<hbm>>) dst(%arg6 : memref<256x128xf32, #tpu.memory_space<vmem>>)
    %mul3A_1844 = arith.constant 4 : i32
    %mul3A_1845 = arith.muli %add3A, %mul3A_1844 : i32
    %add3A_1846 = arith.constant 3 : i32
    %add3A_1847 = arith.addi %mul3A_1845, %add3A_1846 : i32
    %mul3A_1848 = arith.constant 2048 : i32
    %mul3A_1849 = arith.muli %add3A_1847, %mul3A_1848 : i32
    %add3A_1850 = arith.constant 1536 : i32
    %add3A_1851 = arith.addi %mul3A_1849, %add3A_1850 : i32
    %dma_start3A_1852 = arith.constant 0 : i32
    %dma_start3A_1853 = arith.constant 0 : i32
    %dma_start3A_1854 = tpu.memref_slice %arg5[%add3A_1851, %dma_start3A_1853] : memref<262144x128xf32, #tpu.memory_space<hbm>> -> memref<256x128xf32, #tpu.memory_space<hbm>>
    %dma_start3A_1855 = tpu.memref_slice %arg12[%dma_start3A_1852] : memref<2x!tpu.dma_semaphore, #tpu.memory_space<semaphore_mem>> -> memref<1x!tpu.dma_semaphore, #tpu.memory_space<semaphore_mem>>
    %dma_start3A_1856 = tpu.memref_squeeze %dma_start3A_1855 : memref<1x!tpu.dma_semaphore, #tpu.memory_space<semaphore_mem>> -> memref<!tpu.dma_semaphore, #tpu.memory_space<semaphore_mem>>
    %dma_start3A_1857 = arith.constant 0 : i32
    %dma_start3A_1858 = tpu.memref_slice %arg5[%add3A_1851, %dma_start3A_1857] : memref<262144x128xf32, #tpu.memory_space<hbm>> -> memref<256x128xf32, #tpu.memory_space<hbm>>
    tpu.enqueue_dma source(%arg6 : memref<256x128xf32, #tpu.memory_space<vmem>>) target(%dma_start3A_1858 : memref<256x128xf32, #tpu.memory_space<hbm>>) target_semaphore(%dma_start3A_1856 : memref<!tpu.dma_semaphore, #tpu.memory_space<semaphore_mem>>)
    %mul3A_1859 = arith.constant 4 : i32
    %mul3A_1860 = arith.muli %add3A, %mul3A_1859 : i32
    %add3A_1861 = arith.constant 3 : i32
    %add3A_1862 = arith.addi %mul3A_1860, %add3A_1861 : i32
    %mul3A_1863 = arith.constant 2048 : i32
    %mul3A_1864 = arith.muli %add3A_1862, %mul3A_1863 : i32
    %add3A_1865 = arith.constant 1792 : i32
    %add3A_1866 = arith.addi %mul3A_1864, %add3A_1865 : i32
    %dma_wait3A_1867 = arith.constant 1 : i32
    %dma_wait3A_1868 = arith.constant 0 : i32
    %dma_wait3A_1869 = tpu.memref_slice %arg4[%add3A_1866, %dma_wait3A_1868] : memref<262144x128xf32, #tpu.memory_space<hbm>> -> memref<256x128xf32, #tpu.memory_space<hbm>>
    %dma_wait3A_1870 = tpu.memref_slice %arg11[%dma_wait3A_1867] : memref<2x!tpu.dma_semaphore, #tpu.memory_space<semaphore_mem>> -> memref<1x!tpu.dma_semaphore, #tpu.memory_space<semaphore_mem>>
    %dma_wait3A_1871 = tpu.memref_squeeze %dma_wait3A_1870 : memref<1x!tpu.dma_semaphore, #tpu.memory_space<semaphore_mem>> -> memref<!tpu.dma_semaphore, #tpu.memory_space<semaphore_mem>>
    %dma_wait3A_1872 = arith.constant 0 : i32
    %dma_wait3A_1873 = tpu.memref_slice %arg4[%add3A_1866, %dma_wait3A_1872] : memref<262144x128xf32, #tpu.memory_space<hbm>> -> memref<256x128xf32, #tpu.memory_space<hbm>>
    tpu.wait_dma2 semaphore(%dma_wait3A_1871 : memref<!tpu.dma_semaphore, #tpu.memory_space<semaphore_mem>>) src(%dma_wait3A_1873 : memref<256x128xf32, #tpu.memory_space<hbm>>) dst(%arg7 : memref<256x128xf32, #tpu.memory_space<vmem>>)
    %mul3A_1874 = arith.constant 4 : i32
    %mul3A_1875 = arith.muli %add3A, %mul3A_1874 : i32
    %add3A_1876 = arith.constant 3 : i32
    %add3A_1877 = arith.addi %mul3A_1875, %add3A_1876 : i32
    %mul3A_1878 = arith.constant 2048 : i32
    %mul3A_1879 = arith.muli %add3A_1877, %mul3A_1878 : i32
    %add3A_1880 = arith.constant 1792 : i32
    %add3A_1881 = arith.addi %mul3A_1879, %add3A_1880 : i32
    %dma_start3A_1882 = arith.constant 1 : i32
    %dma_start3A_1883 = arith.constant 0 : i32
    %dma_start3A_1884 = tpu.memref_slice %arg5[%add3A_1881, %dma_start3A_1883] : memref<262144x128xf32, #tpu.memory_space<hbm>> -> memref<256x128xf32, #tpu.memory_space<hbm>>
    %dma_start3A_1885 = tpu.memref_slice %arg12[%dma_start3A_1882] : memref<2x!tpu.dma_semaphore, #tpu.memory_space<semaphore_mem>> -> memref<1x!tpu.dma_semaphore, #tpu.memory_space<semaphore_mem>>
    %dma_start3A_1886 = tpu.memref_squeeze %dma_start3A_1885 : memref<1x!tpu.dma_semaphore, #tpu.memory_space<semaphore_mem>> -> memref<!tpu.dma_semaphore, #tpu.memory_space<semaphore_mem>>
    %dma_start3A_1887 = arith.constant 0 : i32
    %dma_start3A_1888 = tpu.memref_slice %arg5[%add3A_1881, %dma_start3A_1887] : memref<262144x128xf32, #tpu.memory_space<hbm>> -> memref<256x128xf32, #tpu.memory_space<hbm>>
    tpu.enqueue_dma source(%arg7 : memref<256x128xf32, #tpu.memory_space<vmem>>) target(%dma_start3A_1888 : memref<256x128xf32, #tpu.memory_space<hbm>>) target_semaphore(%dma_start3A_1886 : memref<!tpu.dma_semaphore, #tpu.memory_space<semaphore_mem>>)
    %mul3A_1889 = arith.constant 4 : i32
    %mul3A_1890 = arith.muli %add3A, %mul3A_1889 : i32
    %add3A_1891 = arith.constant 3 : i32
    %add3A_1892 = arith.addi %mul3A_1890, %add3A_1891 : i32
    %mul3A_1893 = arith.constant 2048 : i32
    %mul3A_1894 = arith.muli %add3A_1892, %mul3A_1893 : i32
    %add3A_1895 = arith.constant 1536 : i32
    %add3A_1896 = arith.addi %mul3A_1894, %add3A_1895 : i32
    %dma_wait3A_1897 = arith.constant 0 : i32
    %dma_wait3A_1898 = arith.constant 0 : i32
    %dma_wait3A_1899 = tpu.memref_slice %arg5[%add3A_1896, %dma_wait3A_1898] : memref<262144x128xf32, #tpu.memory_space<hbm>> -> memref<256x128xf32, #tpu.memory_space<hbm>>
    %dma_wait3A_1900 = tpu.memref_slice %arg12[%dma_wait3A_1897] : memref<2x!tpu.dma_semaphore, #tpu.memory_space<semaphore_mem>> -> memref<1x!tpu.dma_semaphore, #tpu.memory_space<semaphore_mem>>
    %dma_wait3A_1901 = tpu.memref_squeeze %dma_wait3A_1900 : memref<1x!tpu.dma_semaphore, #tpu.memory_space<semaphore_mem>> -> memref<!tpu.dma_semaphore, #tpu.memory_space<semaphore_mem>>
    %dma_wait3A_1902 = arith.constant 0 : i32
    %dma_wait3A_1903 = tpu.memref_slice %arg5[%add3A_1896, %dma_wait3A_1902] : memref<262144x128xf32, #tpu.memory_space<hbm>> -> memref<256x128xf32, #tpu.memory_space<hbm>>
    tpu.wait_dma2 semaphore(%dma_wait3A_1901 : memref<!tpu.dma_semaphore, #tpu.memory_space<semaphore_mem>>) src(%arg6 : memref<256x128xf32, #tpu.memory_space<vmem>>) dst(%dma_wait3A_1903 : memref<256x128xf32, #tpu.memory_space<hbm>>)
    %mul3A_1904 = arith.constant 4 : i32
    %mul3A_1905 = arith.muli %add3A, %mul3A_1904 : i32
    %add3A_1906 = arith.constant 3 : i32
    %add3A_1907 = arith.addi %mul3A_1905, %add3A_1906 : i32
    %mul3A_1908 = arith.constant 2048 : i32
    %mul3A_1909 = arith.muli %add3A_1907, %mul3A_1908 : i32
    %add3A_1910 = arith.constant 1792 : i32
    %add3A_1911 = arith.addi %mul3A_1909, %add3A_1910 : i32
    %dma_wait3A_1912 = arith.constant 1 : i32
    %dma_wait3A_1913 = arith.constant 0 : i32
    %dma_wait3A_1914 = tpu.memref_slice %arg5[%add3A_1911, %dma_wait3A_1913] : memref<262144x128xf32, #tpu.memory_space<hbm>> -> memref<256x128xf32, #tpu.memory_space<hbm>>
    %dma_wait3A_1915 = tpu.memref_slice %arg12[%dma_wait3A_1912] : memref<2x!tpu.dma_semaphore, #tpu.memory_space<semaphore_mem>> -> memref<1x!tpu.dma_semaphore, #tpu.memory_space<semaphore_mem>>
    %dma_wait3A_1916 = tpu.memref_squeeze %dma_wait3A_1915 : memref<1x!tpu.dma_semaphore, #tpu.memory_space<semaphore_mem>> -> memref<!tpu.dma_semaphore, #tpu.memory_space<semaphore_mem>>
    %dma_wait3A_1917 = arith.constant 0 : i32
    %dma_wait3A_1918 = tpu.memref_slice %arg5[%add3A_1911, %dma_wait3A_1917] : memref<262144x128xf32, #tpu.memory_space<hbm>> -> memref<256x128xf32, #tpu.memory_space<hbm>>
    tpu.wait_dma2 semaphore(%dma_wait3A_1916 : memref<!tpu.dma_semaphore, #tpu.memory_space<semaphore_mem>>) src(%arg7 : memref<256x128xf32, #tpu.memory_space<vmem>>) dst(%dma_wait3A_1918 : memref<256x128xf32, #tpu.memory_space<hbm>>)
    %mul3A_1919 = arith.constant 4 : i32
    %mul3A_1920 = arith.muli %add3A, %mul3A_1919 : i32
    %add3A_1921 = arith.constant 0 : i32
    %add3A_1922 = arith.addi %mul3A_1920, %add3A_1921 : i32
    %get3A = arith.constant 0 : index
    %get3A_1923 = tpu.vector_load %arg9[%get3A] {strides = array<i32>} : memref<16xi32, #tpu.memory_space<vmem>>, vector<16xi32>,
    %get3A_1924 = vector.shape_cast %get3A_1923 : vector<16xi32> to vector<16xi32>
    %mul3A_1925 = arith.constant 2048 : i32
    %mul3A_1926 = arith.muli %add3A_1922, %mul3A_1925 : i32
    %add3A_1927 = vector.broadcast %mul3A_1926 : i32 to vector<16xi32>
    %add3A_1928 = arith.addi %get3A_1924, %add3A_1927 : vector<16xi32>
    %swap3A = arith.constant 0 : index
    %swap3A_1929 = tpu.vector_load %arg10[%swap3A] {strides = array<i32>} : memref<16xi32, #tpu.memory_space<vmem>>, vector<16xi32>,
    %swap3A_1930 = vector.shape_cast %swap3A_1929 : vector<16xi32> to vector<16xi32>
    %swap3A_1931 = vector.shape_cast %add3A_1928 : vector<16xi32> to vector<16xi32>
    tpu.vector_store %arg10[%swap3A], %swap3A_1931 {strides = array<i32>} : memref<16xi32, #tpu.memory_space<vmem>>, vector<16xi32>,
    %mul3A_1932 = arith.constant 16 : i32
    %mul3A_1933 = arith.muli %add3A_1922, %mul3A_1932 : i32
    %dma_start3A_1934 = arith.constant 0 : i32
    %dma_start3A_1935 = tpu.memref_slice %arg3[%mul3A_1933, %dma_start3A_1934] : memref<2048x128xf32, #tpu.memory_space<hbm>> -> memref<16x128xf32, #tpu.memory_space<hbm>>
    %dma_start3A_1936 = arith.constant 0 : i32
    %dma_start3A_1937 = tpu.memref_slice %arg3[%mul3A_1933, %dma_start3A_1936] : memref<2048x128xf32, #tpu.memory_space<hbm>> -> memref<16x128xf32, #tpu.memory_space<hbm>>
    tpu.enqueue_dma source(%dma_start3A_1937 : memref<16x128xf32, #tpu.memory_space<hbm>>) target(%arg8 : memref<16x128xf32, #tpu.memory_space<vmem>>) target_semaphore(%arg13 : memref<!tpu.dma_semaphore, #tpu.memory_space<semaphore_mem>>)
    %mul3A_1938 = arith.constant 16 : i32
    %mul3A_1939 = arith.muli %add3A_1922, %mul3A_1938 : i32
    %dma_wait3A_1940 = arith.constant 0 : i32
    %dma_wait3A_1941 = tpu.memref_slice %arg3[%mul3A_1939, %dma_wait3A_1940] : memref<2048x128xf32, #tpu.memory_space<hbm>> -> memref<16x128xf32, #tpu.memory_space<hbm>>
    %dma_wait3A_1942 = arith.constant 0 : i32
    %dma_wait3A_1943 = tpu.memref_slice %arg3[%mul3A_1939, %dma_wait3A_1942] : memref<2048x128xf32, #tpu.memory_space<hbm>> -> memref<16x128xf32, #tpu.memory_space<hbm>>
    tpu.wait_dma2 semaphore(%arg13 : memref<!tpu.dma_semaphore, #tpu.memory_space<semaphore_mem>>) src(%dma_wait3A_1943 : memref<16x128xf32, #tpu.memory_space<hbm>>) dst(%arg8 : memref<16x128xf32, #tpu.memory_space<vmem>>)
    %dma_start3A_1944 = arith.constant 0 : i32
    %dma_start3A_1945 = arith.constant 0 : i32
    %dma_start3A_1946 = tpu.memref_slice %arg5[%dma_start3A_1944, %dma_start3A_1945] : memref<262144x128xf32, #tpu.memory_space<hbm>> -> memref<262144x128xf32, #tpu.memory_space<hbm>>
    tpu.enqueue_indirect_dma source(%arg8 : memref<16x128xf32, #tpu.memory_space<vmem>>) target(%dma_start3A_1946 : memref<262144x128xf32, #tpu.memory_space<hbm>>) offsets(%arg10 : memref<16xi32, #tpu.memory_space<vmem>>) semaphore(%arg13 : memref<!tpu.dma_semaphore, #tpu.memory_space<semaphore_mem>>)
    %dma_wait3A_1947 = arith.constant 0 : i32
    %dma_wait3A_1948 = arith.constant 0 : i32
    %dma_wait3A_1949 = tpu.memref_slice %arg5[%dma_wait3A_1947, %dma_wait3A_1948] : memref<262144x128xf32, #tpu.memory_space<hbm>> -> memref<262144x128xf32, #tpu.memory_space<hbm>>
    tpu.wait_indirect_dma semaphore(%arg13 : memref<!tpu.dma_semaphore, #tpu.memory_space<semaphore_mem>>) src(%arg8 : memref<16x128xf32, #tpu.memory_space<vmem>>) dst(%dma_wait3A_1949 : memref<262144x128xf32, #tpu.memory_space<hbm>>)
    %mul3A_1950 = arith.constant 4 : i32
    %mul3A_1951 = arith.muli %add3A, %mul3A_1950 : i32
    %add3A_1952 = arith.constant 1 : i32
    %add3A_1953 = arith.addi %mul3A_1951, %add3A_1952 : i32
    %get3A_1954 = arith.constant 0 : index
    %get3A_1955 = tpu.vector_load %arg9[%get3A_1954] {strides = array<i32>} : memref<16xi32, #tpu.memory_space<vmem>>, vector<16xi32>,
    %get3A_1956 = vector.shape_cast %get3A_1955 : vector<16xi32> to vector<16xi32>
    %mul3A_1957 = arith.constant 2048 : i32
    %mul3A_1958 = arith.muli %add3A_1953, %mul3A_1957 : i32
    %add3A_1959 = vector.broadcast %mul3A_1958 : i32 to vector<16xi32>
    %add3A_1960 = arith.addi %get3A_1956, %add3A_1959 : vector<16xi32>
    %swap3A_1961 = arith.constant 0 : index
    %swap3A_1962 = tpu.vector_load %arg10[%swap3A_1961] {strides = array<i32>} : memref<16xi32, #tpu.memory_space<vmem>>, vector<16xi32>,
    %swap3A_1963 = vector.shape_cast %swap3A_1962 : vector<16xi32> to vector<16xi32>
    %swap3A_1964 = vector.shape_cast %add3A_1960 : vector<16xi32> to vector<16xi32>
    tpu.vector_store %arg10[%swap3A_1961], %swap3A_1964 {strides = array<i32>} : memref<16xi32, #tpu.memory_space<vmem>>, vector<16xi32>,
    %mul3A_1965 = arith.constant 16 : i32
    %mul3A_1966 = arith.muli %add3A_1953, %mul3A_1965 : i32
    %dma_start3A_1967 = arith.constant 0 : i32
    %dma_start3A_1968 = tpu.memref_slice %arg3[%mul3A_1966, %dma_start3A_1967] : memref<2048x128xf32, #tpu.memory_space<hbm>> -> memref<16x128xf32, #tpu.memory_space<hbm>>
    %dma_start3A_1969 = arith.constant 0 : i32
    %dma_start3A_1970 = tpu.memref_slice %arg3[%mul3A_1966, %dma_start3A_1969] : memref<2048x128xf32, #tpu.memory_space<hbm>> -> memref<16x128xf32, #tpu.memory_space<hbm>>
    tpu.enqueue_dma source(%dma_start3A_1970 : memref<16x128xf32, #tpu.memory_space<hbm>>) target(%arg8 : memref<16x128xf32, #tpu.memory_space<vmem>>) target_semaphore(%arg13 : memref<!tpu.dma_semaphore, #tpu.memory_space<semaphore_mem>>)
    %mul3A_1971 = arith.constant 16 : i32
    %mul3A_1972 = arith.muli %add3A_1953, %mul3A_1971 : i32
    %dma_wait3A_1973 = arith.constant 0 : i32
    %dma_wait3A_1974 = tpu.memref_slice %arg3[%mul3A_1972, %dma_wait3A_1973] : memref<2048x128xf32, #tpu.memory_space<hbm>> -> memref<16x128xf32, #tpu.memory_space<hbm>>
    %dma_wait3A_1975 = arith.constant 0 : i32
    %dma_wait3A_1976 = tpu.memref_slice %arg3[%mul3A_1972, %dma_wait3A_1975] : memref<2048x128xf32, #tpu.memory_space<hbm>> -> memref<16x128xf32, #tpu.memory_space<hbm>>
    tpu.wait_dma2 semaphore(%arg13 : memref<!tpu.dma_semaphore, #tpu.memory_space<semaphore_mem>>) src(%dma_wait3A_1976 : memref<16x128xf32, #tpu.memory_space<hbm>>) dst(%arg8 : memref<16x128xf32, #tpu.memory_space<vmem>>)
    %dma_start3A_1977 = arith.constant 0 : i32
    %dma_start3A_1978 = arith.constant 0 : i32
    %dma_start3A_1979 = tpu.memref_slice %arg5[%dma_start3A_1977, %dma_start3A_1978] : memref<262144x128xf32, #tpu.memory_space<hbm>> -> memref<262144x128xf32, #tpu.memory_space<hbm>>
    tpu.enqueue_indirect_dma source(%arg8 : memref<16x128xf32, #tpu.memory_space<vmem>>) target(%dma_start3A_1979 : memref<262144x128xf32, #tpu.memory_space<hbm>>) offsets(%arg10 : memref<16xi32, #tpu.memory_space<vmem>>) semaphore(%arg13 : memref<!tpu.dma_semaphore, #tpu.memory_space<semaphore_mem>>)
    %dma_wait3A_1980 = arith.constant 0 : i32
    %dma_wait3A_1981 = arith.constant 0 : i32
    %dma_wait3A_1982 = tpu.memref_slice %arg5[%dma_wait3A_1980, %dma_wait3A_1981] : memref<262144x128xf32, #tpu.memory_space<hbm>> -> memref<262144x128xf32, #tpu.memory_space<hbm>>
    tpu.wait_indirect_dma semaphore(%arg13 : memref<!tpu.dma_semaphore, #tpu.memory_space<semaphore_mem>>) src(%arg8 : memref<16x128xf32, #tpu.memory_space<vmem>>) dst(%dma_wait3A_1982 : memref<262144x128xf32, #tpu.memory_space<hbm>>)
    %mul3A_1983 = arith.constant 4 : i32
    %mul3A_1984 = arith.muli %add3A, %mul3A_1983 : i32
    %add3A_1985 = arith.constant 2 : i32
    %add3A_1986 = arith.addi %mul3A_1984, %add3A_1985 : i32
    %get3A_1987 = arith.constant 0 : index
    %get3A_1988 = tpu.vector_load %arg9[%get3A_1987] {strides = array<i32>} : memref<16xi32, #tpu.memory_space<vmem>>, vector<16xi32>,
    %get3A_1989 = vector.shape_cast %get3A_1988 : vector<16xi32> to vector<16xi32>
    %mul3A_1990 = arith.constant 2048 : i32
    %mul3A_1991 = arith.muli %add3A_1986, %mul3A_1990 : i32
    %add3A_1992 = vector.broadcast %mul3A_1991 : i32 to vector<16xi32>
    %add3A_1993 = arith.addi %get3A_1989, %add3A_1992 : vector<16xi32>
    %swap3A_1994 = arith.constant 0 : index
    %swap3A_1995 = tpu.vector_load %arg10[%swap3A_1994] {strides = array<i32>} : memref<16xi32, #tpu.memory_space<vmem>>, vector<16xi32>,
    %swap3A_1996 = vector.shape_cast %swap3A_1995 : vector<16xi32> to vector<16xi32>
    %swap3A_1997 = vector.shape_cast %add3A_1993 : vector<16xi32> to vector<16xi32>
    tpu.vector_store %arg10[%swap3A_1994], %swap3A_1997 {strides = array<i32>} : memref<16xi32, #tpu.memory_space<vmem>>, vector<16xi32>,
    %mul3A_1998 = arith.constant 16 : i32
    %mul3A_1999 = arith.muli %add3A_1986, %mul3A_1998 : i32
    %dma_start3A_2000 = arith.constant 0 : i32
    %dma_start3A_2001 = tpu.memref_slice %arg3[%mul3A_1999, %dma_start3A_2000] : memref<2048x128xf32, #tpu.memory_space<hbm>> -> memref<16x128xf32, #tpu.memory_space<hbm>>
    %dma_start3A_2002 = arith.constant 0 : i32
    %dma_start3A_2003 = tpu.memref_slice %arg3[%mul3A_1999, %dma_start3A_2002] : memref<2048x128xf32, #tpu.memory_space<hbm>> -> memref<16x128xf32, #tpu.memory_space<hbm>>
    tpu.enqueue_dma source(%dma_start3A_2003 : memref<16x128xf32, #tpu.memory_space<hbm>>) target(%arg8 : memref<16x128xf32, #tpu.memory_space<vmem>>) target_semaphore(%arg13 : memref<!tpu.dma_semaphore, #tpu.memory_space<semaphore_mem>>)
    %mul3A_2004 = arith.constant 16 : i32
    %mul3A_2005 = arith.muli %add3A_1986, %mul3A_2004 : i32
    %dma_wait3A_2006 = arith.constant 0 : i32
    %dma_wait3A_2007 = tpu.memref_slice %arg3[%mul3A_2005, %dma_wait3A_2006] : memref<2048x128xf32, #tpu.memory_space<hbm>> -> memref<16x128xf32, #tpu.memory_space<hbm>>
    %dma_wait3A_2008 = arith.constant 0 : i32
    %dma_wait3A_2009 = tpu.memref_slice %arg3[%mul3A_2005, %dma_wait3A_2008] : memref<2048x128xf32, #tpu.memory_space<hbm>> -> memref<16x128xf32, #tpu.memory_space<hbm>>
    tpu.wait_dma2 semaphore(%arg13 : memref<!tpu.dma_semaphore, #tpu.memory_space<semaphore_mem>>) src(%dma_wait3A_2009 : memref<16x128xf32, #tpu.memory_space<hbm>>) dst(%arg8 : memref<16x128xf32, #tpu.memory_space<vmem>>)
    %dma_start3A_2010 = arith.constant 0 : i32
    %dma_start3A_2011 = arith.constant 0 : i32
    %dma_start3A_2012 = tpu.memref_slice %arg5[%dma_start3A_2010, %dma_start3A_2011] : memref<262144x128xf32, #tpu.memory_space<hbm>> -> memref<262144x128xf32, #tpu.memory_space<hbm>>
    tpu.enqueue_indirect_dma source(%arg8 : memref<16x128xf32, #tpu.memory_space<vmem>>) target(%dma_start3A_2012 : memref<262144x128xf32, #tpu.memory_space<hbm>>) offsets(%arg10 : memref<16xi32, #tpu.memory_space<vmem>>) semaphore(%arg13 : memref<!tpu.dma_semaphore, #tpu.memory_space<semaphore_mem>>)
    %dma_wait3A_2013 = arith.constant 0 : i32
    %dma_wait3A_2014 = arith.constant 0 : i32
    %dma_wait3A_2015 = tpu.memref_slice %arg5[%dma_wait3A_2013, %dma_wait3A_2014] : memref<262144x128xf32, #tpu.memory_space<hbm>> -> memref<262144x128xf32, #tpu.memory_space<hbm>>
    tpu.wait_indirect_dma semaphore(%arg13 : memref<!tpu.dma_semaphore, #tpu.memory_space<semaphore_mem>>) src(%arg8 : memref<16x128xf32, #tpu.memory_space<vmem>>) dst(%dma_wait3A_2015 : memref<262144x128xf32, #tpu.memory_space<hbm>>)
    %mul3A_2016 = arith.constant 4 : i32
    %mul3A_2017 = arith.muli %add3A, %mul3A_2016 : i32
    %add3A_2018 = arith.constant 3 : i32
    %add3A_2019 = arith.addi %mul3A_2017, %add3A_2018 : i32
    %get3A_2020 = arith.constant 0 : index
    %get3A_2021 = tpu.vector_load %arg9[%get3A_2020] {strides = array<i32>} : memref<16xi32, #tpu.memory_space<vmem>>, vector<16xi32>,
    %get3A_2022 = vector.shape_cast %get3A_2021 : vector<16xi32> to vector<16xi32>
    %mul3A_2023 = arith.constant 2048 : i32
    %mul3A_2024 = arith.muli %add3A_2019, %mul3A_2023 : i32
    %add3A_2025 = vector.broadcast %mul3A_2024 : i32 to vector<16xi32>
    %add3A_2026 = arith.addi %get3A_2022, %add3A_2025 : vector<16xi32>
    %swap3A_2027 = arith.constant 0 : index
    %swap3A_2028 = tpu.vector_load %arg10[%swap3A_2027] {strides = array<i32>} : memref<16xi32, #tpu.memory_space<vmem>>, vector<16xi32>,
    %swap3A_2029 = vector.shape_cast %swap3A_2028 : vector<16xi32> to vector<16xi32>
    %swap3A_2030 = vector.shape_cast %add3A_2026 : vector<16xi32> to vector<16xi32>
    tpu.vector_store %arg10[%swap3A_2027], %swap3A_2030 {strides = array<i32>} : memref<16xi32, #tpu.memory_space<vmem>>, vector<16xi32>,
    %mul3A_2031 = arith.constant 16 : i32
    %mul3A_2032 = arith.muli %add3A_2019, %mul3A_2031 : i32
    %dma_start3A_2033 = arith.constant 0 : i32
    %dma_start3A_2034 = tpu.memref_slice %arg3[%mul3A_2032, %dma_start3A_2033] : memref<2048x128xf32, #tpu.memory_space<hbm>> -> memref<16x128xf32, #tpu.memory_space<hbm>>
    %dma_start3A_2035 = arith.constant 0 : i32
    %dma_start3A_2036 = tpu.memref_slice %arg3[%mul3A_2032, %dma_start3A_2035] : memref<2048x128xf32, #tpu.memory_space<hbm>> -> memref<16x128xf32, #tpu.memory_space<hbm>>
    tpu.enqueue_dma source(%dma_start3A_2036 : memref<16x128xf32, #tpu.memory_space<hbm>>) target(%arg8 : memref<16x128xf32, #tpu.memory_space<vmem>>) target_semaphore(%arg13 : memref<!tpu.dma_semaphore, #tpu.memory_space<semaphore_mem>>)
    %mul3A_2037 = arith.constant 16 : i32
    %mul3A_2038 = arith.muli %add3A_2019, %mul3A_2037 : i32
    %dma_wait3A_2039 = arith.constant 0 : i32
    %dma_wait3A_2040 = tpu.memref_slice %arg3[%mul3A_2038, %dma_wait3A_2039] : memref<2048x128xf32, #tpu.memory_space<hbm>> -> memref<16x128xf32, #tpu.memory_space<hbm>>
    %dma_wait3A_2041 = arith.constant 0 : i32
    %dma_wait3A_2042 = tpu.memref_slice %arg3[%mul3A_2038, %dma_wait3A_2041] : memref<2048x128xf32, #tpu.memory_space<hbm>> -> memref<16x128xf32, #tpu.memory_space<hbm>>
    tpu.wait_dma2 semaphore(%arg13 : memref<!tpu.dma_semaphore, #tpu.memory_space<semaphore_mem>>) src(%dma_wait3A_2042 : memref<16x128xf32, #tpu.memory_space<hbm>>) dst(%arg8 : memref<16x128xf32, #tpu.memory_space<vmem>>)
    %dma_start3A_2043 = arith.constant 0 : i32
    %dma_start3A_2044 = arith.constant 0 : i32
    %dma_start3A_2045 = tpu.memref_slice %arg5[%dma_start3A_2043, %dma_start3A_2044] : memref<262144x128xf32, #tpu.memory_space<hbm>> -> memref<262144x128xf32, #tpu.memory_space<hbm>>
    tpu.enqueue_indirect_dma source(%arg8 : memref<16x128xf32, #tpu.memory_space<vmem>>) target(%dma_start3A_2045 : memref<262144x128xf32, #tpu.memory_space<hbm>>) offsets(%arg10 : memref<16xi32, #tpu.memory_space<vmem>>) semaphore(%arg13 : memref<!tpu.dma_semaphore, #tpu.memory_space<semaphore_mem>>)
    %dma_wait3A_2046 = arith.constant 0 : i32
    %dma_wait3A_2047 = arith.constant 0 : i32
    %dma_wait3A_2048 = tpu.memref_slice %arg5[%dma_wait3A_2046, %dma_wait3A_2047] : memref<262144x128xf32, #tpu.memory_space<hbm>> -> memref<262144x128xf32, #tpu.memory_space<hbm>>
    tpu.wait_indirect_dma semaphore(%arg13 : memref<!tpu.dma_semaphore, #tpu.memory_space<semaphore_mem>>) src(%arg8 : memref<16x128xf32, #tpu.memory_space<vmem>>) dst(%dma_wait3A_2048 : memref<262144x128xf32, #tpu.memory_space<hbm>>)
    return
  }
}

module attributes {stable_mosaic.version = 14 : i64} {
  func.func @_tc_body(%arg0: i32, %arg1: memref<16xi32, #tpu.memory_space<smem>>, %arg2: memref<4x2048x128xf32, #tpu.memory_space<vmem>>, %arg3: memref<4x16x128xf32, #tpu.memory_space<vmem>>, %arg4: memref<4x2048x128xf32, #tpu.memory_space<vmem>>) attributes {dimension_semantics = [#tpu.dimension_semantics<arbitrary>], iteration_bounds = array<i64: 32>, scalar_prefetch = 1 : i64, scratch_operands = 0 : i64, tpu.core_type = #tpu.core_type<tc>, window_params = [{transform_indices = @transform_0, window_bounds = array<i64: 4, 2048, 128>}, {transform_indices = @transform_1, window_bounds = array<i64: 4, 16, 128>}, {transform_indices = @transform_2, window_bounds = array<i64: 4, 2048, 128>}]} {
    %get3A = arith.constant 0 : index
    %get3A_0 = arith.constant 0 : index
    %get3A_1 = arith.constant 0 : index
    %get3A_2 = vector.load %arg2[%get3A, %get3A_0, %get3A_1] : memref<4x2048x128xf32, #tpu.memory_space<vmem>>, vector<4x2048x128xf32>
    %swap3A = arith.constant 0 : index
    %swap3A_3 = arith.constant 0 : index
    %swap3A_4 = arith.constant 0 : index
    %swap3A_5 = vector.load %arg4[%swap3A, %swap3A_3, %swap3A_4] : memref<4x2048x128xf32, #tpu.memory_space<vmem>>, vector<4x2048x128xf32>
    tpu.vector_store %arg4[%swap3A, %swap3A_3, %swap3A_4], %get3A_2 {strides = array<i32>} : memref<4x2048x128xf32, #tpu.memory_space<vmem>>, vector<4x2048x128xf32>,
    %get3A_6 = arith.constant 0 : index
    %get3A_7 = memref.load %arg1[%get3A_6] : memref<16xi32, #tpu.memory_space<smem>>
    %get3A_8 = arith.constant 0 : index
    %get3A_9 = arith.constant 0 : index
    %get3A_10 = arith.constant 0 : index
    %get3A_11 = vector.load %arg3[%get3A_8, %get3A_9, %get3A_10] : memref<4x16x128xf32, #tpu.memory_space<vmem>>, vector<1x1x128xf32>
    %get3A_12 = vector.shape_cast %get3A_11 : vector<1x1x128xf32> to vector<1x128xf32>
    %swap3A_13 = arith.constant 0 : index
    %swap3A_14 = arith.index_cast %get3A_7 : i32 to index
    %swap3A_15 = arith.constant 0 : index
    %swap3A_16 = vector.load %arg4[%swap3A_13, %swap3A_14, %swap3A_15] : memref<4x2048x128xf32, #tpu.memory_space<vmem>>, vector<1x1x128xf32>
    %swap3A_17 = vector.shape_cast %swap3A_16 : vector<1x1x128xf32> to vector<1x128xf32>
    %swap3A_18 = vector.shape_cast %get3A_12 : vector<1x128xf32> to vector<1x1x128xf32>
    tpu.vector_store %arg4[%swap3A_13, %swap3A_14, %swap3A_15], %swap3A_18 {strides = array<i32>} : memref<4x2048x128xf32, #tpu.memory_space<vmem>>, vector<1x1x128xf32>,
    %get3A_19 = arith.constant 1 : index
    %get3A_20 = memref.load %arg1[%get3A_19] : memref<16xi32, #tpu.memory_space<smem>>
    %get3A_21 = arith.constant 0 : index
    %get3A_22 = arith.constant 1 : index
    %get3A_23 = arith.constant 0 : index
    %get3A_24 = vector.load %arg3[%get3A_21, %get3A_22, %get3A_23] : memref<4x16x128xf32, #tpu.memory_space<vmem>>, vector<1x1x128xf32>
    %get3A_25 = vector.shape_cast %get3A_24 : vector<1x1x128xf32> to vector<1x128xf32>
    %swap3A_26 = arith.constant 0 : index
    %swap3A_27 = arith.index_cast %get3A_20 : i32 to index
    %swap3A_28 = arith.constant 0 : index
    %swap3A_29 = vector.load %arg4[%swap3A_26, %swap3A_27, %swap3A_28] : memref<4x2048x128xf32, #tpu.memory_space<vmem>>, vector<1x1x128xf32>
    %swap3A_30 = vector.shape_cast %swap3A_29 : vector<1x1x128xf32> to vector<1x128xf32>
    %swap3A_31 = vector.shape_cast %get3A_25 : vector<1x128xf32> to vector<1x1x128xf32>
    tpu.vector_store %arg4[%swap3A_26, %swap3A_27, %swap3A_28], %swap3A_31 {strides = array<i32>} : memref<4x2048x128xf32, #tpu.memory_space<vmem>>, vector<1x1x128xf32>,
    %get3A_32 = arith.constant 2 : index
    %get3A_33 = memref.load %arg1[%get3A_32] : memref<16xi32, #tpu.memory_space<smem>>
    %get3A_34 = arith.constant 0 : index
    %get3A_35 = arith.constant 2 : index
    %get3A_36 = arith.constant 0 : index
    %get3A_37 = vector.load %arg3[%get3A_34, %get3A_35, %get3A_36] : memref<4x16x128xf32, #tpu.memory_space<vmem>>, vector<1x1x128xf32>
    %get3A_38 = vector.shape_cast %get3A_37 : vector<1x1x128xf32> to vector<1x128xf32>
    %swap3A_39 = arith.constant 0 : index
    %swap3A_40 = arith.index_cast %get3A_33 : i32 to index
    %swap3A_41 = arith.constant 0 : index
    %swap3A_42 = vector.load %arg4[%swap3A_39, %swap3A_40, %swap3A_41] : memref<4x2048x128xf32, #tpu.memory_space<vmem>>, vector<1x1x128xf32>
    %swap3A_43 = vector.shape_cast %swap3A_42 : vector<1x1x128xf32> to vector<1x128xf32>
    %swap3A_44 = vector.shape_cast %get3A_38 : vector<1x128xf32> to vector<1x1x128xf32>
    tpu.vector_store %arg4[%swap3A_39, %swap3A_40, %swap3A_41], %swap3A_44 {strides = array<i32>} : memref<4x2048x128xf32, #tpu.memory_space<vmem>>, vector<1x1x128xf32>,
    %get3A_45 = arith.constant 3 : index
    %get3A_46 = memref.load %arg1[%get3A_45] : memref<16xi32, #tpu.memory_space<smem>>
    %get3A_47 = arith.constant 0 : index
    %get3A_48 = arith.constant 3 : index
    %get3A_49 = arith.constant 0 : index
    %get3A_50 = vector.load %arg3[%get3A_47, %get3A_48, %get3A_49] : memref<4x16x128xf32, #tpu.memory_space<vmem>>, vector<1x1x128xf32>
    %get3A_51 = vector.shape_cast %get3A_50 : vector<1x1x128xf32> to vector<1x128xf32>
    %swap3A_52 = arith.constant 0 : index
    %swap3A_53 = arith.index_cast %get3A_46 : i32 to index
    %swap3A_54 = arith.constant 0 : index
    %swap3A_55 = vector.load %arg4[%swap3A_52, %swap3A_53, %swap3A_54] : memref<4x2048x128xf32, #tpu.memory_space<vmem>>, vector<1x1x128xf32>
    %swap3A_56 = vector.shape_cast %swap3A_55 : vector<1x1x128xf32> to vector<1x128xf32>
    %swap3A_57 = vector.shape_cast %get3A_51 : vector<1x128xf32> to vector<1x1x128xf32>
    tpu.vector_store %arg4[%swap3A_52, %swap3A_53, %swap3A_54], %swap3A_57 {strides = array<i32>} : memref<4x2048x128xf32, #tpu.memory_space<vmem>>, vector<1x1x128xf32>,
    %get3A_58 = arith.constant 4 : index
    %get3A_59 = memref.load %arg1[%get3A_58] : memref<16xi32, #tpu.memory_space<smem>>
    %get3A_60 = arith.constant 0 : index
    %get3A_61 = arith.constant 4 : index
    %get3A_62 = arith.constant 0 : index
    %get3A_63 = vector.load %arg3[%get3A_60, %get3A_61, %get3A_62] : memref<4x16x128xf32, #tpu.memory_space<vmem>>, vector<1x1x128xf32>
    %get3A_64 = vector.shape_cast %get3A_63 : vector<1x1x128xf32> to vector<1x128xf32>
    %swap3A_65 = arith.constant 0 : index
    %swap3A_66 = arith.index_cast %get3A_59 : i32 to index
    %swap3A_67 = arith.constant 0 : index
    %swap3A_68 = vector.load %arg4[%swap3A_65, %swap3A_66, %swap3A_67] : memref<4x2048x128xf32, #tpu.memory_space<vmem>>, vector<1x1x128xf32>
    %swap3A_69 = vector.shape_cast %swap3A_68 : vector<1x1x128xf32> to vector<1x128xf32>
    %swap3A_70 = vector.shape_cast %get3A_64 : vector<1x128xf32> to vector<1x1x128xf32>
    tpu.vector_store %arg4[%swap3A_65, %swap3A_66, %swap3A_67], %swap3A_70 {strides = array<i32>} : memref<4x2048x128xf32, #tpu.memory_space<vmem>>, vector<1x1x128xf32>,
    %get3A_71 = arith.constant 5 : index
    %get3A_72 = memref.load %arg1[%get3A_71] : memref<16xi32, #tpu.memory_space<smem>>
    %get3A_73 = arith.constant 0 : index
    %get3A_74 = arith.constant 5 : index
    %get3A_75 = arith.constant 0 : index
    %get3A_76 = vector.load %arg3[%get3A_73, %get3A_74, %get3A_75] : memref<4x16x128xf32, #tpu.memory_space<vmem>>, vector<1x1x128xf32>
    %get3A_77 = vector.shape_cast %get3A_76 : vector<1x1x128xf32> to vector<1x128xf32>
    %swap3A_78 = arith.constant 0 : index
    %swap3A_79 = arith.index_cast %get3A_72 : i32 to index
    %swap3A_80 = arith.constant 0 : index
    %swap3A_81 = vector.load %arg4[%swap3A_78, %swap3A_79, %swap3A_80] : memref<4x2048x128xf32, #tpu.memory_space<vmem>>, vector<1x1x128xf32>
    %swap3A_82 = vector.shape_cast %swap3A_81 : vector<1x1x128xf32> to vector<1x128xf32>
    %swap3A_83 = vector.shape_cast %get3A_77 : vector<1x128xf32> to vector<1x1x128xf32>
    tpu.vector_store %arg4[%swap3A_78, %swap3A_79, %swap3A_80], %swap3A_83 {strides = array<i32>} : memref<4x2048x128xf32, #tpu.memory_space<vmem>>, vector<1x1x128xf32>,
    %get3A_84 = arith.constant 6 : index
    %get3A_85 = memref.load %arg1[%get3A_84] : memref<16xi32, #tpu.memory_space<smem>>
    %get3A_86 = arith.constant 0 : index
    %get3A_87 = arith.constant 6 : index
    %get3A_88 = arith.constant 0 : index
    %get3A_89 = vector.load %arg3[%get3A_86, %get3A_87, %get3A_88] : memref<4x16x128xf32, #tpu.memory_space<vmem>>, vector<1x1x128xf32>
    %get3A_90 = vector.shape_cast %get3A_89 : vector<1x1x128xf32> to vector<1x128xf32>
    %swap3A_91 = arith.constant 0 : index
    %swap3A_92 = arith.index_cast %get3A_85 : i32 to index
    %swap3A_93 = arith.constant 0 : index
    %swap3A_94 = vector.load %arg4[%swap3A_91, %swap3A_92, %swap3A_93] : memref<4x2048x128xf32, #tpu.memory_space<vmem>>, vector<1x1x128xf32>
    %swap3A_95 = vector.shape_cast %swap3A_94 : vector<1x1x128xf32> to vector<1x128xf32>
    %swap3A_96 = vector.shape_cast %get3A_90 : vector<1x128xf32> to vector<1x1x128xf32>
    tpu.vector_store %arg4[%swap3A_91, %swap3A_92, %swap3A_93], %swap3A_96 {strides = array<i32>} : memref<4x2048x128xf32, #tpu.memory_space<vmem>>, vector<1x1x128xf32>,
    %get3A_97 = arith.constant 7 : index
    %get3A_98 = memref.load %arg1[%get3A_97] : memref<16xi32, #tpu.memory_space<smem>>
    %get3A_99 = arith.constant 0 : index
    %get3A_100 = arith.constant 7 : index
    %get3A_101 = arith.constant 0 : index
    %get3A_102 = vector.load %arg3[%get3A_99, %get3A_100, %get3A_101] : memref<4x16x128xf32, #tpu.memory_space<vmem>>, vector<1x1x128xf32>
    %get3A_103 = vector.shape_cast %get3A_102 : vector<1x1x128xf32> to vector<1x128xf32>
    %swap3A_104 = arith.constant 0 : index
    %swap3A_105 = arith.index_cast %get3A_98 : i32 to index
    %swap3A_106 = arith.constant 0 : index
    %swap3A_107 = vector.load %arg4[%swap3A_104, %swap3A_105, %swap3A_106] : memref<4x2048x128xf32, #tpu.memory_space<vmem>>, vector<1x1x128xf32>
    %swap3A_108 = vector.shape_cast %swap3A_107 : vector<1x1x128xf32> to vector<1x128xf32>
    %swap3A_109 = vector.shape_cast %get3A_103 : vector<1x128xf32> to vector<1x1x128xf32>
    tpu.vector_store %arg4[%swap3A_104, %swap3A_105, %swap3A_106], %swap3A_109 {strides = array<i32>} : memref<4x2048x128xf32, #tpu.memory_space<vmem>>, vector<1x1x128xf32>,
    %get3A_110 = arith.constant 8 : index
    %get3A_111 = memref.load %arg1[%get3A_110] : memref<16xi32, #tpu.memory_space<smem>>
    %get3A_112 = arith.constant 0 : index
    %get3A_113 = arith.constant 8 : index
    %get3A_114 = arith.constant 0 : index
    %get3A_115 = vector.load %arg3[%get3A_112, %get3A_113, %get3A_114] : memref<4x16x128xf32, #tpu.memory_space<vmem>>, vector<1x1x128xf32>
    %get3A_116 = vector.shape_cast %get3A_115 : vector<1x1x128xf32> to vector<1x128xf32>
    %swap3A_117 = arith.constant 0 : index
    %swap3A_118 = arith.index_cast %get3A_111 : i32 to index
    %swap3A_119 = arith.constant 0 : index
    %swap3A_120 = vector.load %arg4[%swap3A_117, %swap3A_118, %swap3A_119] : memref<4x2048x128xf32, #tpu.memory_space<vmem>>, vector<1x1x128xf32>
    %swap3A_121 = vector.shape_cast %swap3A_120 : vector<1x1x128xf32> to vector<1x128xf32>
    %swap3A_122 = vector.shape_cast %get3A_116 : vector<1x128xf32> to vector<1x1x128xf32>
    tpu.vector_store %arg4[%swap3A_117, %swap3A_118, %swap3A_119], %swap3A_122 {strides = array<i32>} : memref<4x2048x128xf32, #tpu.memory_space<vmem>>, vector<1x1x128xf32>,
    %get3A_123 = arith.constant 9 : index
    %get3A_124 = memref.load %arg1[%get3A_123] : memref<16xi32, #tpu.memory_space<smem>>
    %get3A_125 = arith.constant 0 : index
    %get3A_126 = arith.constant 9 : index
    %get3A_127 = arith.constant 0 : index
    %get3A_128 = vector.load %arg3[%get3A_125, %get3A_126, %get3A_127] : memref<4x16x128xf32, #tpu.memory_space<vmem>>, vector<1x1x128xf32>
    %get3A_129 = vector.shape_cast %get3A_128 : vector<1x1x128xf32> to vector<1x128xf32>
    %swap3A_130 = arith.constant 0 : index
    %swap3A_131 = arith.index_cast %get3A_124 : i32 to index
    %swap3A_132 = arith.constant 0 : index
    %swap3A_133 = vector.load %arg4[%swap3A_130, %swap3A_131, %swap3A_132] : memref<4x2048x128xf32, #tpu.memory_space<vmem>>, vector<1x1x128xf32>
    %swap3A_134 = vector.shape_cast %swap3A_133 : vector<1x1x128xf32> to vector<1x128xf32>
    %swap3A_135 = vector.shape_cast %get3A_129 : vector<1x128xf32> to vector<1x1x128xf32>
    tpu.vector_store %arg4[%swap3A_130, %swap3A_131, %swap3A_132], %swap3A_135 {strides = array<i32>} : memref<4x2048x128xf32, #tpu.memory_space<vmem>>, vector<1x1x128xf32>,
    %get3A_136 = arith.constant 10 : index
    %get3A_137 = memref.load %arg1[%get3A_136] : memref<16xi32, #tpu.memory_space<smem>>
    %get3A_138 = arith.constant 0 : index
    %get3A_139 = arith.constant 10 : index
    %get3A_140 = arith.constant 0 : index
    %get3A_141 = vector.load %arg3[%get3A_138, %get3A_139, %get3A_140] : memref<4x16x128xf32, #tpu.memory_space<vmem>>, vector<1x1x128xf32>
    %get3A_142 = vector.shape_cast %get3A_141 : vector<1x1x128xf32> to vector<1x128xf32>
    %swap3A_143 = arith.constant 0 : index
    %swap3A_144 = arith.index_cast %get3A_137 : i32 to index
    %swap3A_145 = arith.constant 0 : index
    %swap3A_146 = vector.load %arg4[%swap3A_143, %swap3A_144, %swap3A_145] : memref<4x2048x128xf32, #tpu.memory_space<vmem>>, vector<1x1x128xf32>
    %swap3A_147 = vector.shape_cast %swap3A_146 : vector<1x1x128xf32> to vector<1x128xf32>
    %swap3A_148 = vector.shape_cast %get3A_142 : vector<1x128xf32> to vector<1x1x128xf32>
    tpu.vector_store %arg4[%swap3A_143, %swap3A_144, %swap3A_145], %swap3A_148 {strides = array<i32>} : memref<4x2048x128xf32, #tpu.memory_space<vmem>>, vector<1x1x128xf32>,
    %get3A_149 = arith.constant 11 : index
    %get3A_150 = memref.load %arg1[%get3A_149] : memref<16xi32, #tpu.memory_space<smem>>
    %get3A_151 = arith.constant 0 : index
    %get3A_152 = arith.constant 11 : index
    %get3A_153 = arith.constant 0 : index
    %get3A_154 = vector.load %arg3[%get3A_151, %get3A_152, %get3A_153] : memref<4x16x128xf32, #tpu.memory_space<vmem>>, vector<1x1x128xf32>
    %get3A_155 = vector.shape_cast %get3A_154 : vector<1x1x128xf32> to vector<1x128xf32>
    %swap3A_156 = arith.constant 0 : index
    %swap3A_157 = arith.index_cast %get3A_150 : i32 to index
    %swap3A_158 = arith.constant 0 : index
    %swap3A_159 = vector.load %arg4[%swap3A_156, %swap3A_157, %swap3A_158] : memref<4x2048x128xf32, #tpu.memory_space<vmem>>, vector<1x1x128xf32>
    %swap3A_160 = vector.shape_cast %swap3A_159 : vector<1x1x128xf32> to vector<1x128xf32>
    %swap3A_161 = vector.shape_cast %get3A_155 : vector<1x128xf32> to vector<1x1x128xf32>
    tpu.vector_store %arg4[%swap3A_156, %swap3A_157, %swap3A_158], %swap3A_161 {strides = array<i32>} : memref<4x2048x128xf32, #tpu.memory_space<vmem>>, vector<1x1x128xf32>,
    %get3A_162 = arith.constant 12 : index
    %get3A_163 = memref.load %arg1[%get3A_162] : memref<16xi32, #tpu.memory_space<smem>>
    %get3A_164 = arith.constant 0 : index
    %get3A_165 = arith.constant 12 : index
    %get3A_166 = arith.constant 0 : index
    %get3A_167 = vector.load %arg3[%get3A_164, %get3A_165, %get3A_166] : memref<4x16x128xf32, #tpu.memory_space<vmem>>, vector<1x1x128xf32>
    %get3A_168 = vector.shape_cast %get3A_167 : vector<1x1x128xf32> to vector<1x128xf32>
    %swap3A_169 = arith.constant 0 : index
    %swap3A_170 = arith.index_cast %get3A_163 : i32 to index
    %swap3A_171 = arith.constant 0 : index
    %swap3A_172 = vector.load %arg4[%swap3A_169, %swap3A_170, %swap3A_171] : memref<4x2048x128xf32, #tpu.memory_space<vmem>>, vector<1x1x128xf32>
    %swap3A_173 = vector.shape_cast %swap3A_172 : vector<1x1x128xf32> to vector<1x128xf32>
    %swap3A_174 = vector.shape_cast %get3A_168 : vector<1x128xf32> to vector<1x1x128xf32>
    tpu.vector_store %arg4[%swap3A_169, %swap3A_170, %swap3A_171], %swap3A_174 {strides = array<i32>} : memref<4x2048x128xf32, #tpu.memory_space<vmem>>, vector<1x1x128xf32>,
    %get3A_175 = arith.constant 13 : index
    %get3A_176 = memref.load %arg1[%get3A_175] : memref<16xi32, #tpu.memory_space<smem>>
    %get3A_177 = arith.constant 0 : index
    %get3A_178 = arith.constant 13 : index
    %get3A_179 = arith.constant 0 : index
    %get3A_180 = vector.load %arg3[%get3A_177, %get3A_178, %get3A_179] : memref<4x16x128xf32, #tpu.memory_space<vmem>>, vector<1x1x128xf32>
    %get3A_181 = vector.shape_cast %get3A_180 : vector<1x1x128xf32> to vector<1x128xf32>
    %swap3A_182 = arith.constant 0 : index
    %swap3A_183 = arith.index_cast %get3A_176 : i32 to index
    %swap3A_184 = arith.constant 0 : index
    %swap3A_185 = vector.load %arg4[%swap3A_182, %swap3A_183, %swap3A_184] : memref<4x2048x128xf32, #tpu.memory_space<vmem>>, vector<1x1x128xf32>
    %swap3A_186 = vector.shape_cast %swap3A_185 : vector<1x1x128xf32> to vector<1x128xf32>
    %swap3A_187 = vector.shape_cast %get3A_181 : vector<1x128xf32> to vector<1x1x128xf32>
    tpu.vector_store %arg4[%swap3A_182, %swap3A_183, %swap3A_184], %swap3A_187 {strides = array<i32>} : memref<4x2048x128xf32, #tpu.memory_space<vmem>>, vector<1x1x128xf32>,
    %get3A_188 = arith.constant 14 : index
    %get3A_189 = memref.load %arg1[%get3A_188] : memref<16xi32, #tpu.memory_space<smem>>
    %get3A_190 = arith.constant 0 : index
    %get3A_191 = arith.constant 14 : index
    %get3A_192 = arith.constant 0 : index
    %get3A_193 = vector.load %arg3[%get3A_190, %get3A_191, %get3A_192] : memref<4x16x128xf32, #tpu.memory_space<vmem>>, vector<1x1x128xf32>
    %get3A_194 = vector.shape_cast %get3A_193 : vector<1x1x128xf32> to vector<1x128xf32>
    %swap3A_195 = arith.constant 0 : index
    %swap3A_196 = arith.index_cast %get3A_189 : i32 to index
    %swap3A_197 = arith.constant 0 : index
    %swap3A_198 = vector.load %arg4[%swap3A_195, %swap3A_196, %swap3A_197] : memref<4x2048x128xf32, #tpu.memory_space<vmem>>, vector<1x1x128xf32>
    %swap3A_199 = vector.shape_cast %swap3A_198 : vector<1x1x128xf32> to vector<1x128xf32>
    %swap3A_200 = vector.shape_cast %get3A_194 : vector<1x128xf32> to vector<1x1x128xf32>
    tpu.vector_store %arg4[%swap3A_195, %swap3A_196, %swap3A_197], %swap3A_200 {strides = array<i32>} : memref<4x2048x128xf32, #tpu.memory_space<vmem>>, vector<1x1x128xf32>,
    %get3A_201 = arith.constant 15 : index
    %get3A_202 = memref.load %arg1[%get3A_201] : memref<16xi32, #tpu.memory_space<smem>>
    %get3A_203 = arith.constant 0 : index
    %get3A_204 = arith.constant 15 : index
    %get3A_205 = arith.constant 0 : index
    %get3A_206 = vector.load %arg3[%get3A_203, %get3A_204, %get3A_205] : memref<4x16x128xf32, #tpu.memory_space<vmem>>, vector<1x1x128xf32>
    %get3A_207 = vector.shape_cast %get3A_206 : vector<1x1x128xf32> to vector<1x128xf32>
    %swap3A_208 = arith.constant 0 : index
    %swap3A_209 = arith.index_cast %get3A_202 : i32 to index
    %swap3A_210 = arith.constant 0 : index
    %swap3A_211 = vector.load %arg4[%swap3A_208, %swap3A_209, %swap3A_210] : memref<4x2048x128xf32, #tpu.memory_space<vmem>>, vector<1x1x128xf32>
    %swap3A_212 = vector.shape_cast %swap3A_211 : vector<1x1x128xf32> to vector<1x128xf32>
    %swap3A_213 = vector.shape_cast %get3A_207 : vector<1x128xf32> to vector<1x1x128xf32>
    tpu.vector_store %arg4[%swap3A_208, %swap3A_209, %swap3A_210], %swap3A_213 {strides = array<i32>} : memref<4x2048x128xf32, #tpu.memory_space<vmem>>, vector<1x1x128xf32>,
    %get3A_214 = arith.constant 0 : index
    %get3A_215 = memref.load %arg1[%get3A_214] : memref<16xi32, #tpu.memory_space<smem>>
    %get3A_216 = arith.constant 1 : index
    %get3A_217 = arith.constant 0 : index
    %get3A_218 = arith.constant 0 : index
    %get3A_219 = vector.load %arg3[%get3A_216, %get3A_217, %get3A_218] : memref<4x16x128xf32, #tpu.memory_space<vmem>>, vector<1x1x128xf32>
    %get3A_220 = vector.shape_cast %get3A_219 : vector<1x1x128xf32> to vector<1x128xf32>
    %swap3A_221 = arith.constant 1 : index
    %swap3A_222 = arith.index_cast %get3A_215 : i32 to index
    %swap3A_223 = arith.constant 0 : index
    %swap3A_224 = vector.load %arg4[%swap3A_221, %swap3A_222, %swap3A_223] : memref<4x2048x128xf32, #tpu.memory_space<vmem>>, vector<1x1x128xf32>
    %swap3A_225 = vector.shape_cast %swap3A_224 : vector<1x1x128xf32> to vector<1x128xf32>
    %swap3A_226 = vector.shape_cast %get3A_220 : vector<1x128xf32> to vector<1x1x128xf32>
    tpu.vector_store %arg4[%swap3A_221, %swap3A_222, %swap3A_223], %swap3A_226 {strides = array<i32>} : memref<4x2048x128xf32, #tpu.memory_space<vmem>>, vector<1x1x128xf32>,
    %get3A_227 = arith.constant 1 : index
    %get3A_228 = memref.load %arg1[%get3A_227] : memref<16xi32, #tpu.memory_space<smem>>
    %get3A_229 = arith.constant 1 : index
    %get3A_230 = arith.constant 1 : index
    %get3A_231 = arith.constant 0 : index
    %get3A_232 = vector.load %arg3[%get3A_229, %get3A_230, %get3A_231] : memref<4x16x128xf32, #tpu.memory_space<vmem>>, vector<1x1x128xf32>
    %get3A_233 = vector.shape_cast %get3A_232 : vector<1x1x128xf32> to vector<1x128xf32>
    %swap3A_234 = arith.constant 1 : index
    %swap3A_235 = arith.index_cast %get3A_228 : i32 to index
    %swap3A_236 = arith.constant 0 : index
    %swap3A_237 = vector.load %arg4[%swap3A_234, %swap3A_235, %swap3A_236] : memref<4x2048x128xf32, #tpu.memory_space<vmem>>, vector<1x1x128xf32>
    %swap3A_238 = vector.shape_cast %swap3A_237 : vector<1x1x128xf32> to vector<1x128xf32>
    %swap3A_239 = vector.shape_cast %get3A_233 : vector<1x128xf32> to vector<1x1x128xf32>
    tpu.vector_store %arg4[%swap3A_234, %swap3A_235, %swap3A_236], %swap3A_239 {strides = array<i32>} : memref<4x2048x128xf32, #tpu.memory_space<vmem>>, vector<1x1x128xf32>,
    %get3A_240 = arith.constant 2 : index
    %get3A_241 = memref.load %arg1[%get3A_240] : memref<16xi32, #tpu.memory_space<smem>>
    %get3A_242 = arith.constant 1 : index
    %get3A_243 = arith.constant 2 : index
    %get3A_244 = arith.constant 0 : index
    %get3A_245 = vector.load %arg3[%get3A_242, %get3A_243, %get3A_244] : memref<4x16x128xf32, #tpu.memory_space<vmem>>, vector<1x1x128xf32>
    %get3A_246 = vector.shape_cast %get3A_245 : vector<1x1x128xf32> to vector<1x128xf32>
    %swap3A_247 = arith.constant 1 : index
    %swap3A_248 = arith.index_cast %get3A_241 : i32 to index
    %swap3A_249 = arith.constant 0 : index
    %swap3A_250 = vector.load %arg4[%swap3A_247, %swap3A_248, %swap3A_249] : memref<4x2048x128xf32, #tpu.memory_space<vmem>>, vector<1x1x128xf32>
    %swap3A_251 = vector.shape_cast %swap3A_250 : vector<1x1x128xf32> to vector<1x128xf32>
    %swap3A_252 = vector.shape_cast %get3A_246 : vector<1x128xf32> to vector<1x1x128xf32>
    tpu.vector_store %arg4[%swap3A_247, %swap3A_248, %swap3A_249], %swap3A_252 {strides = array<i32>} : memref<4x2048x128xf32, #tpu.memory_space<vmem>>, vector<1x1x128xf32>,
    %get3A_253 = arith.constant 3 : index
    %get3A_254 = memref.load %arg1[%get3A_253] : memref<16xi32, #tpu.memory_space<smem>>
    %get3A_255 = arith.constant 1 : index
    %get3A_256 = arith.constant 3 : index
    %get3A_257 = arith.constant 0 : index
    %get3A_258 = vector.load %arg3[%get3A_255, %get3A_256, %get3A_257] : memref<4x16x128xf32, #tpu.memory_space<vmem>>, vector<1x1x128xf32>
    %get3A_259 = vector.shape_cast %get3A_258 : vector<1x1x128xf32> to vector<1x128xf32>
    %swap3A_260 = arith.constant 1 : index
    %swap3A_261 = arith.index_cast %get3A_254 : i32 to index
    %swap3A_262 = arith.constant 0 : index
    %swap3A_263 = vector.load %arg4[%swap3A_260, %swap3A_261, %swap3A_262] : memref<4x2048x128xf32, #tpu.memory_space<vmem>>, vector<1x1x128xf32>
    %swap3A_264 = vector.shape_cast %swap3A_263 : vector<1x1x128xf32> to vector<1x128xf32>
    %swap3A_265 = vector.shape_cast %get3A_259 : vector<1x128xf32> to vector<1x1x128xf32>
    tpu.vector_store %arg4[%swap3A_260, %swap3A_261, %swap3A_262], %swap3A_265 {strides = array<i32>} : memref<4x2048x128xf32, #tpu.memory_space<vmem>>, vector<1x1x128xf32>,
    %get3A_266 = arith.constant 4 : index
    %get3A_267 = memref.load %arg1[%get3A_266] : memref<16xi32, #tpu.memory_space<smem>>
    %get3A_268 = arith.constant 1 : index
    %get3A_269 = arith.constant 4 : index
    %get3A_270 = arith.constant 0 : index
    %get3A_271 = vector.load %arg3[%get3A_268, %get3A_269, %get3A_270] : memref<4x16x128xf32, #tpu.memory_space<vmem>>, vector<1x1x128xf32>
    %get3A_272 = vector.shape_cast %get3A_271 : vector<1x1x128xf32> to vector<1x128xf32>
    %swap3A_273 = arith.constant 1 : index
    %swap3A_274 = arith.index_cast %get3A_267 : i32 to index
    %swap3A_275 = arith.constant 0 : index
    %swap3A_276 = vector.load %arg4[%swap3A_273, %swap3A_274, %swap3A_275] : memref<4x2048x128xf32, #tpu.memory_space<vmem>>, vector<1x1x128xf32>
    %swap3A_277 = vector.shape_cast %swap3A_276 : vector<1x1x128xf32> to vector<1x128xf32>
    %swap3A_278 = vector.shape_cast %get3A_272 : vector<1x128xf32> to vector<1x1x128xf32>
    tpu.vector_store %arg4[%swap3A_273, %swap3A_274, %swap3A_275], %swap3A_278 {strides = array<i32>} : memref<4x2048x128xf32, #tpu.memory_space<vmem>>, vector<1x1x128xf32>,
    %get3A_279 = arith.constant 5 : index
    %get3A_280 = memref.load %arg1[%get3A_279] : memref<16xi32, #tpu.memory_space<smem>>
    %get3A_281 = arith.constant 1 : index
    %get3A_282 = arith.constant 5 : index
    %get3A_283 = arith.constant 0 : index
    %get3A_284 = vector.load %arg3[%get3A_281, %get3A_282, %get3A_283] : memref<4x16x128xf32, #tpu.memory_space<vmem>>, vector<1x1x128xf32>
    %get3A_285 = vector.shape_cast %get3A_284 : vector<1x1x128xf32> to vector<1x128xf32>
    %swap3A_286 = arith.constant 1 : index
    %swap3A_287 = arith.index_cast %get3A_280 : i32 to index
    %swap3A_288 = arith.constant 0 : index
    %swap3A_289 = vector.load %arg4[%swap3A_286, %swap3A_287, %swap3A_288] : memref<4x2048x128xf32, #tpu.memory_space<vmem>>, vector<1x1x128xf32>
    %swap3A_290 = vector.shape_cast %swap3A_289 : vector<1x1x128xf32> to vector<1x128xf32>
    %swap3A_291 = vector.shape_cast %get3A_285 : vector<1x128xf32> to vector<1x1x128xf32>
    tpu.vector_store %arg4[%swap3A_286, %swap3A_287, %swap3A_288], %swap3A_291 {strides = array<i32>} : memref<4x2048x128xf32, #tpu.memory_space<vmem>>, vector<1x1x128xf32>,
    %get3A_292 = arith.constant 6 : index
    %get3A_293 = memref.load %arg1[%get3A_292] : memref<16xi32, #tpu.memory_space<smem>>
    %get3A_294 = arith.constant 1 : index
    %get3A_295 = arith.constant 6 : index
    %get3A_296 = arith.constant 0 : index
    %get3A_297 = vector.load %arg3[%get3A_294, %get3A_295, %get3A_296] : memref<4x16x128xf32, #tpu.memory_space<vmem>>, vector<1x1x128xf32>
    %get3A_298 = vector.shape_cast %get3A_297 : vector<1x1x128xf32> to vector<1x128xf32>
    %swap3A_299 = arith.constant 1 : index
    %swap3A_300 = arith.index_cast %get3A_293 : i32 to index
    %swap3A_301 = arith.constant 0 : index
    %swap3A_302 = vector.load %arg4[%swap3A_299, %swap3A_300, %swap3A_301] : memref<4x2048x128xf32, #tpu.memory_space<vmem>>, vector<1x1x128xf32>
    %swap3A_303 = vector.shape_cast %swap3A_302 : vector<1x1x128xf32> to vector<1x128xf32>
    %swap3A_304 = vector.shape_cast %get3A_298 : vector<1x128xf32> to vector<1x1x128xf32>
    tpu.vector_store %arg4[%swap3A_299, %swap3A_300, %swap3A_301], %swap3A_304 {strides = array<i32>} : memref<4x2048x128xf32, #tpu.memory_space<vmem>>, vector<1x1x128xf32>,
    %get3A_305 = arith.constant 7 : index
    %get3A_306 = memref.load %arg1[%get3A_305] : memref<16xi32, #tpu.memory_space<smem>>
    %get3A_307 = arith.constant 1 : index
    %get3A_308 = arith.constant 7 : index
    %get3A_309 = arith.constant 0 : index
    %get3A_310 = vector.load %arg3[%get3A_307, %get3A_308, %get3A_309] : memref<4x16x128xf32, #tpu.memory_space<vmem>>, vector<1x1x128xf32>
    %get3A_311 = vector.shape_cast %get3A_310 : vector<1x1x128xf32> to vector<1x128xf32>
    %swap3A_312 = arith.constant 1 : index
    %swap3A_313 = arith.index_cast %get3A_306 : i32 to index
    %swap3A_314 = arith.constant 0 : index
    %swap3A_315 = vector.load %arg4[%swap3A_312, %swap3A_313, %swap3A_314] : memref<4x2048x128xf32, #tpu.memory_space<vmem>>, vector<1x1x128xf32>
    %swap3A_316 = vector.shape_cast %swap3A_315 : vector<1x1x128xf32> to vector<1x128xf32>
    %swap3A_317 = vector.shape_cast %get3A_311 : vector<1x128xf32> to vector<1x1x128xf32>
    tpu.vector_store %arg4[%swap3A_312, %swap3A_313, %swap3A_314], %swap3A_317 {strides = array<i32>} : memref<4x2048x128xf32, #tpu.memory_space<vmem>>, vector<1x1x128xf32>,
    %get3A_318 = arith.constant 8 : index
    %get3A_319 = memref.load %arg1[%get3A_318] : memref<16xi32, #tpu.memory_space<smem>>
    %get3A_320 = arith.constant 1 : index
    %get3A_321 = arith.constant 8 : index
    %get3A_322 = arith.constant 0 : index
    %get3A_323 = vector.load %arg3[%get3A_320, %get3A_321, %get3A_322] : memref<4x16x128xf32, #tpu.memory_space<vmem>>, vector<1x1x128xf32>
    %get3A_324 = vector.shape_cast %get3A_323 : vector<1x1x128xf32> to vector<1x128xf32>
    %swap3A_325 = arith.constant 1 : index
    %swap3A_326 = arith.index_cast %get3A_319 : i32 to index
    %swap3A_327 = arith.constant 0 : index
    %swap3A_328 = vector.load %arg4[%swap3A_325, %swap3A_326, %swap3A_327] : memref<4x2048x128xf32, #tpu.memory_space<vmem>>, vector<1x1x128xf32>
    %swap3A_329 = vector.shape_cast %swap3A_328 : vector<1x1x128xf32> to vector<1x128xf32>
    %swap3A_330 = vector.shape_cast %get3A_324 : vector<1x128xf32> to vector<1x1x128xf32>
    tpu.vector_store %arg4[%swap3A_325, %swap3A_326, %swap3A_327], %swap3A_330 {strides = array<i32>} : memref<4x2048x128xf32, #tpu.memory_space<vmem>>, vector<1x1x128xf32>,
    %get3A_331 = arith.constant 9 : index
    %get3A_332 = memref.load %arg1[%get3A_331] : memref<16xi32, #tpu.memory_space<smem>>
    %get3A_333 = arith.constant 1 : index
    %get3A_334 = arith.constant 9 : index
    %get3A_335 = arith.constant 0 : index
    %get3A_336 = vector.load %arg3[%get3A_333, %get3A_334, %get3A_335] : memref<4x16x128xf32, #tpu.memory_space<vmem>>, vector<1x1x128xf32>
    %get3A_337 = vector.shape_cast %get3A_336 : vector<1x1x128xf32> to vector<1x128xf32>
    %swap3A_338 = arith.constant 1 : index
    %swap3A_339 = arith.index_cast %get3A_332 : i32 to index
    %swap3A_340 = arith.constant 0 : index
    %swap3A_341 = vector.load %arg4[%swap3A_338, %swap3A_339, %swap3A_340] : memref<4x2048x128xf32, #tpu.memory_space<vmem>>, vector<1x1x128xf32>
    %swap3A_342 = vector.shape_cast %swap3A_341 : vector<1x1x128xf32> to vector<1x128xf32>
    %swap3A_343 = vector.shape_cast %get3A_337 : vector<1x128xf32> to vector<1x1x128xf32>
    tpu.vector_store %arg4[%swap3A_338, %swap3A_339, %swap3A_340], %swap3A_343 {strides = array<i32>} : memref<4x2048x128xf32, #tpu.memory_space<vmem>>, vector<1x1x128xf32>,
    %get3A_344 = arith.constant 10 : index
    %get3A_345 = memref.load %arg1[%get3A_344] : memref<16xi32, #tpu.memory_space<smem>>
    %get3A_346 = arith.constant 1 : index
    %get3A_347 = arith.constant 10 : index
    %get3A_348 = arith.constant 0 : index
    %get3A_349 = vector.load %arg3[%get3A_346, %get3A_347, %get3A_348] : memref<4x16x128xf32, #tpu.memory_space<vmem>>, vector<1x1x128xf32>
    %get3A_350 = vector.shape_cast %get3A_349 : vector<1x1x128xf32> to vector<1x128xf32>
    %swap3A_351 = arith.constant 1 : index
    %swap3A_352 = arith.index_cast %get3A_345 : i32 to index
    %swap3A_353 = arith.constant 0 : index
    %swap3A_354 = vector.load %arg4[%swap3A_351, %swap3A_352, %swap3A_353] : memref<4x2048x128xf32, #tpu.memory_space<vmem>>, vector<1x1x128xf32>
    %swap3A_355 = vector.shape_cast %swap3A_354 : vector<1x1x128xf32> to vector<1x128xf32>
    %swap3A_356 = vector.shape_cast %get3A_350 : vector<1x128xf32> to vector<1x1x128xf32>
    tpu.vector_store %arg4[%swap3A_351, %swap3A_352, %swap3A_353], %swap3A_356 {strides = array<i32>} : memref<4x2048x128xf32, #tpu.memory_space<vmem>>, vector<1x1x128xf32>,
    %get3A_357 = arith.constant 11 : index
    %get3A_358 = memref.load %arg1[%get3A_357] : memref<16xi32, #tpu.memory_space<smem>>
    %get3A_359 = arith.constant 1 : index
    %get3A_360 = arith.constant 11 : index
    %get3A_361 = arith.constant 0 : index
    %get3A_362 = vector.load %arg3[%get3A_359, %get3A_360, %get3A_361] : memref<4x16x128xf32, #tpu.memory_space<vmem>>, vector<1x1x128xf32>
    %get3A_363 = vector.shape_cast %get3A_362 : vector<1x1x128xf32> to vector<1x128xf32>
    %swap3A_364 = arith.constant 1 : index
    %swap3A_365 = arith.index_cast %get3A_358 : i32 to index
    %swap3A_366 = arith.constant 0 : index
    %swap3A_367 = vector.load %arg4[%swap3A_364, %swap3A_365, %swap3A_366] : memref<4x2048x128xf32, #tpu.memory_space<vmem>>, vector<1x1x128xf32>
    %swap3A_368 = vector.shape_cast %swap3A_367 : vector<1x1x128xf32> to vector<1x128xf32>
    %swap3A_369 = vector.shape_cast %get3A_363 : vector<1x128xf32> to vector<1x1x128xf32>
    tpu.vector_store %arg4[%swap3A_364, %swap3A_365, %swap3A_366], %swap3A_369 {strides = array<i32>} : memref<4x2048x128xf32, #tpu.memory_space<vmem>>, vector<1x1x128xf32>,
    %get3A_370 = arith.constant 12 : index
    %get3A_371 = memref.load %arg1[%get3A_370] : memref<16xi32, #tpu.memory_space<smem>>
    %get3A_372 = arith.constant 1 : index
    %get3A_373 = arith.constant 12 : index
    %get3A_374 = arith.constant 0 : index
    %get3A_375 = vector.load %arg3[%get3A_372, %get3A_373, %get3A_374] : memref<4x16x128xf32, #tpu.memory_space<vmem>>, vector<1x1x128xf32>
    %get3A_376 = vector.shape_cast %get3A_375 : vector<1x1x128xf32> to vector<1x128xf32>
    %swap3A_377 = arith.constant 1 : index
    %swap3A_378 = arith.index_cast %get3A_371 : i32 to index
    %swap3A_379 = arith.constant 0 : index
    %swap3A_380 = vector.load %arg4[%swap3A_377, %swap3A_378, %swap3A_379] : memref<4x2048x128xf32, #tpu.memory_space<vmem>>, vector<1x1x128xf32>
    %swap3A_381 = vector.shape_cast %swap3A_380 : vector<1x1x128xf32> to vector<1x128xf32>
    %swap3A_382 = vector.shape_cast %get3A_376 : vector<1x128xf32> to vector<1x1x128xf32>
    tpu.vector_store %arg4[%swap3A_377, %swap3A_378, %swap3A_379], %swap3A_382 {strides = array<i32>} : memref<4x2048x128xf32, #tpu.memory_space<vmem>>, vector<1x1x128xf32>,
    %get3A_383 = arith.constant 13 : index
    %get3A_384 = memref.load %arg1[%get3A_383] : memref<16xi32, #tpu.memory_space<smem>>
    %get3A_385 = arith.constant 1 : index
    %get3A_386 = arith.constant 13 : index
    %get3A_387 = arith.constant 0 : index
    %get3A_388 = vector.load %arg3[%get3A_385, %get3A_386, %get3A_387] : memref<4x16x128xf32, #tpu.memory_space<vmem>>, vector<1x1x128xf32>
    %get3A_389 = vector.shape_cast %get3A_388 : vector<1x1x128xf32> to vector<1x128xf32>
    %swap3A_390 = arith.constant 1 : index
    %swap3A_391 = arith.index_cast %get3A_384 : i32 to index
    %swap3A_392 = arith.constant 0 : index
    %swap3A_393 = vector.load %arg4[%swap3A_390, %swap3A_391, %swap3A_392] : memref<4x2048x128xf32, #tpu.memory_space<vmem>>, vector<1x1x128xf32>
    %swap3A_394 = vector.shape_cast %swap3A_393 : vector<1x1x128xf32> to vector<1x128xf32>
    %swap3A_395 = vector.shape_cast %get3A_389 : vector<1x128xf32> to vector<1x1x128xf32>
    tpu.vector_store %arg4[%swap3A_390, %swap3A_391, %swap3A_392], %swap3A_395 {strides = array<i32>} : memref<4x2048x128xf32, #tpu.memory_space<vmem>>, vector<1x1x128xf32>,
    %get3A_396 = arith.constant 14 : index
    %get3A_397 = memref.load %arg1[%get3A_396] : memref<16xi32, #tpu.memory_space<smem>>
    %get3A_398 = arith.constant 1 : index
    %get3A_399 = arith.constant 14 : index
    %get3A_400 = arith.constant 0 : index
    %get3A_401 = vector.load %arg3[%get3A_398, %get3A_399, %get3A_400] : memref<4x16x128xf32, #tpu.memory_space<vmem>>, vector<1x1x128xf32>
    %get3A_402 = vector.shape_cast %get3A_401 : vector<1x1x128xf32> to vector<1x128xf32>
    %swap3A_403 = arith.constant 1 : index
    %swap3A_404 = arith.index_cast %get3A_397 : i32 to index
    %swap3A_405 = arith.constant 0 : index
    %swap3A_406 = vector.load %arg4[%swap3A_403, %swap3A_404, %swap3A_405] : memref<4x2048x128xf32, #tpu.memory_space<vmem>>, vector<1x1x128xf32>
    %swap3A_407 = vector.shape_cast %swap3A_406 : vector<1x1x128xf32> to vector<1x128xf32>
    %swap3A_408 = vector.shape_cast %get3A_402 : vector<1x128xf32> to vector<1x1x128xf32>
    tpu.vector_store %arg4[%swap3A_403, %swap3A_404, %swap3A_405], %swap3A_408 {strides = array<i32>} : memref<4x2048x128xf32, #tpu.memory_space<vmem>>, vector<1x1x128xf32>,
    %get3A_409 = arith.constant 15 : index
    %get3A_410 = memref.load %arg1[%get3A_409] : memref<16xi32, #tpu.memory_space<smem>>
    %get3A_411 = arith.constant 1 : index
    %get3A_412 = arith.constant 15 : index
    %get3A_413 = arith.constant 0 : index
    %get3A_414 = vector.load %arg3[%get3A_411, %get3A_412, %get3A_413] : memref<4x16x128xf32, #tpu.memory_space<vmem>>, vector<1x1x128xf32>
    %get3A_415 = vector.shape_cast %get3A_414 : vector<1x1x128xf32> to vector<1x128xf32>
    %swap3A_416 = arith.constant 1 : index
    %swap3A_417 = arith.index_cast %get3A_410 : i32 to index
    %swap3A_418 = arith.constant 0 : index
    %swap3A_419 = vector.load %arg4[%swap3A_416, %swap3A_417, %swap3A_418] : memref<4x2048x128xf32, #tpu.memory_space<vmem>>, vector<1x1x128xf32>
    %swap3A_420 = vector.shape_cast %swap3A_419 : vector<1x1x128xf32> to vector<1x128xf32>
    %swap3A_421 = vector.shape_cast %get3A_415 : vector<1x128xf32> to vector<1x1x128xf32>
    tpu.vector_store %arg4[%swap3A_416, %swap3A_417, %swap3A_418], %swap3A_421 {strides = array<i32>} : memref<4x2048x128xf32, #tpu.memory_space<vmem>>, vector<1x1x128xf32>,
    %get3A_422 = arith.constant 0 : index
    %get3A_423 = memref.load %arg1[%get3A_422] : memref<16xi32, #tpu.memory_space<smem>>
    %get3A_424 = arith.constant 2 : index
    %get3A_425 = arith.constant 0 : index
    %get3A_426 = arith.constant 0 : index
    %get3A_427 = vector.load %arg3[%get3A_424, %get3A_425, %get3A_426] : memref<4x16x128xf32, #tpu.memory_space<vmem>>, vector<1x1x128xf32>
    %get3A_428 = vector.shape_cast %get3A_427 : vector<1x1x128xf32> to vector<1x128xf32>
    %swap3A_429 = arith.constant 2 : index
    %swap3A_430 = arith.index_cast %get3A_423 : i32 to index
    %swap3A_431 = arith.constant 0 : index
    %swap3A_432 = vector.load %arg4[%swap3A_429, %swap3A_430, %swap3A_431] : memref<4x2048x128xf32, #tpu.memory_space<vmem>>, vector<1x1x128xf32>
    %swap3A_433 = vector.shape_cast %swap3A_432 : vector<1x1x128xf32> to vector<1x128xf32>
    %swap3A_434 = vector.shape_cast %get3A_428 : vector<1x128xf32> to vector<1x1x128xf32>
    tpu.vector_store %arg4[%swap3A_429, %swap3A_430, %swap3A_431], %swap3A_434 {strides = array<i32>} : memref<4x2048x128xf32, #tpu.memory_space<vmem>>, vector<1x1x128xf32>,
    %get3A_435 = arith.constant 1 : index
    %get3A_436 = memref.load %arg1[%get3A_435] : memref<16xi32, #tpu.memory_space<smem>>
    %get3A_437 = arith.constant 2 : index
    %get3A_438 = arith.constant 1 : index
    %get3A_439 = arith.constant 0 : index
    %get3A_440 = vector.load %arg3[%get3A_437, %get3A_438, %get3A_439] : memref<4x16x128xf32, #tpu.memory_space<vmem>>, vector<1x1x128xf32>
    %get3A_441 = vector.shape_cast %get3A_440 : vector<1x1x128xf32> to vector<1x128xf32>
    %swap3A_442 = arith.constant 2 : index
    %swap3A_443 = arith.index_cast %get3A_436 : i32 to index
    %swap3A_444 = arith.constant 0 : index
    %swap3A_445 = vector.load %arg4[%swap3A_442, %swap3A_443, %swap3A_444] : memref<4x2048x128xf32, #tpu.memory_space<vmem>>, vector<1x1x128xf32>
    %swap3A_446 = vector.shape_cast %swap3A_445 : vector<1x1x128xf32> to vector<1x128xf32>
    %swap3A_447 = vector.shape_cast %get3A_441 : vector<1x128xf32> to vector<1x1x128xf32>
    tpu.vector_store %arg4[%swap3A_442, %swap3A_443, %swap3A_444], %swap3A_447 {strides = array<i32>} : memref<4x2048x128xf32, #tpu.memory_space<vmem>>, vector<1x1x128xf32>,
    %get3A_448 = arith.constant 2 : index
    %get3A_449 = memref.load %arg1[%get3A_448] : memref<16xi32, #tpu.memory_space<smem>>
    %get3A_450 = arith.constant 2 : index
    %get3A_451 = arith.constant 2 : index
    %get3A_452 = arith.constant 0 : index
    %get3A_453 = vector.load %arg3[%get3A_450, %get3A_451, %get3A_452] : memref<4x16x128xf32, #tpu.memory_space<vmem>>, vector<1x1x128xf32>
    %get3A_454 = vector.shape_cast %get3A_453 : vector<1x1x128xf32> to vector<1x128xf32>
    %swap3A_455 = arith.constant 2 : index
    %swap3A_456 = arith.index_cast %get3A_449 : i32 to index
    %swap3A_457 = arith.constant 0 : index
    %swap3A_458 = vector.load %arg4[%swap3A_455, %swap3A_456, %swap3A_457] : memref<4x2048x128xf32, #tpu.memory_space<vmem>>, vector<1x1x128xf32>
    %swap3A_459 = vector.shape_cast %swap3A_458 : vector<1x1x128xf32> to vector<1x128xf32>
    %swap3A_460 = vector.shape_cast %get3A_454 : vector<1x128xf32> to vector<1x1x128xf32>
    tpu.vector_store %arg4[%swap3A_455, %swap3A_456, %swap3A_457], %swap3A_460 {strides = array<i32>} : memref<4x2048x128xf32, #tpu.memory_space<vmem>>, vector<1x1x128xf32>,
    %get3A_461 = arith.constant 3 : index
    %get3A_462 = memref.load %arg1[%get3A_461] : memref<16xi32, #tpu.memory_space<smem>>
    %get3A_463 = arith.constant 2 : index
    %get3A_464 = arith.constant 3 : index
    %get3A_465 = arith.constant 0 : index
    %get3A_466 = vector.load %arg3[%get3A_463, %get3A_464, %get3A_465] : memref<4x16x128xf32, #tpu.memory_space<vmem>>, vector<1x1x128xf32>
    %get3A_467 = vector.shape_cast %get3A_466 : vector<1x1x128xf32> to vector<1x128xf32>
    %swap3A_468 = arith.constant 2 : index
    %swap3A_469 = arith.index_cast %get3A_462 : i32 to index
    %swap3A_470 = arith.constant 0 : index
    %swap3A_471 = vector.load %arg4[%swap3A_468, %swap3A_469, %swap3A_470] : memref<4x2048x128xf32, #tpu.memory_space<vmem>>, vector<1x1x128xf32>
    %swap3A_472 = vector.shape_cast %swap3A_471 : vector<1x1x128xf32> to vector<1x128xf32>
    %swap3A_473 = vector.shape_cast %get3A_467 : vector<1x128xf32> to vector<1x1x128xf32>
    tpu.vector_store %arg4[%swap3A_468, %swap3A_469, %swap3A_470], %swap3A_473 {strides = array<i32>} : memref<4x2048x128xf32, #tpu.memory_space<vmem>>, vector<1x1x128xf32>,
    %get3A_474 = arith.constant 4 : index
    %get3A_475 = memref.load %arg1[%get3A_474] : memref<16xi32, #tpu.memory_space<smem>>
    %get3A_476 = arith.constant 2 : index
    %get3A_477 = arith.constant 4 : index
    %get3A_478 = arith.constant 0 : index
    %get3A_479 = vector.load %arg3[%get3A_476, %get3A_477, %get3A_478] : memref<4x16x128xf32, #tpu.memory_space<vmem>>, vector<1x1x128xf32>
    %get3A_480 = vector.shape_cast %get3A_479 : vector<1x1x128xf32> to vector<1x128xf32>
    %swap3A_481 = arith.constant 2 : index
    %swap3A_482 = arith.index_cast %get3A_475 : i32 to index
    %swap3A_483 = arith.constant 0 : index
    %swap3A_484 = vector.load %arg4[%swap3A_481, %swap3A_482, %swap3A_483] : memref<4x2048x128xf32, #tpu.memory_space<vmem>>, vector<1x1x128xf32>
    %swap3A_485 = vector.shape_cast %swap3A_484 : vector<1x1x128xf32> to vector<1x128xf32>
    %swap3A_486 = vector.shape_cast %get3A_480 : vector<1x128xf32> to vector<1x1x128xf32>
    tpu.vector_store %arg4[%swap3A_481, %swap3A_482, %swap3A_483], %swap3A_486 {strides = array<i32>} : memref<4x2048x128xf32, #tpu.memory_space<vmem>>, vector<1x1x128xf32>,
    %get3A_487 = arith.constant 5 : index
    %get3A_488 = memref.load %arg1[%get3A_487] : memref<16xi32, #tpu.memory_space<smem>>
    %get3A_489 = arith.constant 2 : index
    %get3A_490 = arith.constant 5 : index
    %get3A_491 = arith.constant 0 : index
    %get3A_492 = vector.load %arg3[%get3A_489, %get3A_490, %get3A_491] : memref<4x16x128xf32, #tpu.memory_space<vmem>>, vector<1x1x128xf32>
    %get3A_493 = vector.shape_cast %get3A_492 : vector<1x1x128xf32> to vector<1x128xf32>
    %swap3A_494 = arith.constant 2 : index
    %swap3A_495 = arith.index_cast %get3A_488 : i32 to index
    %swap3A_496 = arith.constant 0 : index
    %swap3A_497 = vector.load %arg4[%swap3A_494, %swap3A_495, %swap3A_496] : memref<4x2048x128xf32, #tpu.memory_space<vmem>>, vector<1x1x128xf32>
    %swap3A_498 = vector.shape_cast %swap3A_497 : vector<1x1x128xf32> to vector<1x128xf32>
    %swap3A_499 = vector.shape_cast %get3A_493 : vector<1x128xf32> to vector<1x1x128xf32>
    tpu.vector_store %arg4[%swap3A_494, %swap3A_495, %swap3A_496], %swap3A_499 {strides = array<i32>} : memref<4x2048x128xf32, #tpu.memory_space<vmem>>, vector<1x1x128xf32>,
    %get3A_500 = arith.constant 6 : index
    %get3A_501 = memref.load %arg1[%get3A_500] : memref<16xi32, #tpu.memory_space<smem>>
    %get3A_502 = arith.constant 2 : index
    %get3A_503 = arith.constant 6 : index
    %get3A_504 = arith.constant 0 : index
    %get3A_505 = vector.load %arg3[%get3A_502, %get3A_503, %get3A_504] : memref<4x16x128xf32, #tpu.memory_space<vmem>>, vector<1x1x128xf32>
    %get3A_506 = vector.shape_cast %get3A_505 : vector<1x1x128xf32> to vector<1x128xf32>
    %swap3A_507 = arith.constant 2 : index
    %swap3A_508 = arith.index_cast %get3A_501 : i32 to index
    %swap3A_509 = arith.constant 0 : index
    %swap3A_510 = vector.load %arg4[%swap3A_507, %swap3A_508, %swap3A_509] : memref<4x2048x128xf32, #tpu.memory_space<vmem>>, vector<1x1x128xf32>
    %swap3A_511 = vector.shape_cast %swap3A_510 : vector<1x1x128xf32> to vector<1x128xf32>
    %swap3A_512 = vector.shape_cast %get3A_506 : vector<1x128xf32> to vector<1x1x128xf32>
    tpu.vector_store %arg4[%swap3A_507, %swap3A_508, %swap3A_509], %swap3A_512 {strides = array<i32>} : memref<4x2048x128xf32, #tpu.memory_space<vmem>>, vector<1x1x128xf32>,
    %get3A_513 = arith.constant 7 : index
    %get3A_514 = memref.load %arg1[%get3A_513] : memref<16xi32, #tpu.memory_space<smem>>
    %get3A_515 = arith.constant 2 : index
    %get3A_516 = arith.constant 7 : index
    %get3A_517 = arith.constant 0 : index
    %get3A_518 = vector.load %arg3[%get3A_515, %get3A_516, %get3A_517] : memref<4x16x128xf32, #tpu.memory_space<vmem>>, vector<1x1x128xf32>
    %get3A_519 = vector.shape_cast %get3A_518 : vector<1x1x128xf32> to vector<1x128xf32>
    %swap3A_520 = arith.constant 2 : index
    %swap3A_521 = arith.index_cast %get3A_514 : i32 to index
    %swap3A_522 = arith.constant 0 : index
    %swap3A_523 = vector.load %arg4[%swap3A_520, %swap3A_521, %swap3A_522] : memref<4x2048x128xf32, #tpu.memory_space<vmem>>, vector<1x1x128xf32>
    %swap3A_524 = vector.shape_cast %swap3A_523 : vector<1x1x128xf32> to vector<1x128xf32>
    %swap3A_525 = vector.shape_cast %get3A_519 : vector<1x128xf32> to vector<1x1x128xf32>
    tpu.vector_store %arg4[%swap3A_520, %swap3A_521, %swap3A_522], %swap3A_525 {strides = array<i32>} : memref<4x2048x128xf32, #tpu.memory_space<vmem>>, vector<1x1x128xf32>,
    %get3A_526 = arith.constant 8 : index
    %get3A_527 = memref.load %arg1[%get3A_526] : memref<16xi32, #tpu.memory_space<smem>>
    %get3A_528 = arith.constant 2 : index
    %get3A_529 = arith.constant 8 : index
    %get3A_530 = arith.constant 0 : index
    %get3A_531 = vector.load %arg3[%get3A_528, %get3A_529, %get3A_530] : memref<4x16x128xf32, #tpu.memory_space<vmem>>, vector<1x1x128xf32>
    %get3A_532 = vector.shape_cast %get3A_531 : vector<1x1x128xf32> to vector<1x128xf32>
    %swap3A_533 = arith.constant 2 : index
    %swap3A_534 = arith.index_cast %get3A_527 : i32 to index
    %swap3A_535 = arith.constant 0 : index
    %swap3A_536 = vector.load %arg4[%swap3A_533, %swap3A_534, %swap3A_535] : memref<4x2048x128xf32, #tpu.memory_space<vmem>>, vector<1x1x128xf32>
    %swap3A_537 = vector.shape_cast %swap3A_536 : vector<1x1x128xf32> to vector<1x128xf32>
    %swap3A_538 = vector.shape_cast %get3A_532 : vector<1x128xf32> to vector<1x1x128xf32>
    tpu.vector_store %arg4[%swap3A_533, %swap3A_534, %swap3A_535], %swap3A_538 {strides = array<i32>} : memref<4x2048x128xf32, #tpu.memory_space<vmem>>, vector<1x1x128xf32>,
    %get3A_539 = arith.constant 9 : index
    %get3A_540 = memref.load %arg1[%get3A_539] : memref<16xi32, #tpu.memory_space<smem>>
    %get3A_541 = arith.constant 2 : index
    %get3A_542 = arith.constant 9 : index
    %get3A_543 = arith.constant 0 : index
    %get3A_544 = vector.load %arg3[%get3A_541, %get3A_542, %get3A_543] : memref<4x16x128xf32, #tpu.memory_space<vmem>>, vector<1x1x128xf32>
    %get3A_545 = vector.shape_cast %get3A_544 : vector<1x1x128xf32> to vector<1x128xf32>
    %swap3A_546 = arith.constant 2 : index
    %swap3A_547 = arith.index_cast %get3A_540 : i32 to index
    %swap3A_548 = arith.constant 0 : index
    %swap3A_549 = vector.load %arg4[%swap3A_546, %swap3A_547, %swap3A_548] : memref<4x2048x128xf32, #tpu.memory_space<vmem>>, vector<1x1x128xf32>
    %swap3A_550 = vector.shape_cast %swap3A_549 : vector<1x1x128xf32> to vector<1x128xf32>
    %swap3A_551 = vector.shape_cast %get3A_545 : vector<1x128xf32> to vector<1x1x128xf32>
    tpu.vector_store %arg4[%swap3A_546, %swap3A_547, %swap3A_548], %swap3A_551 {strides = array<i32>} : memref<4x2048x128xf32, #tpu.memory_space<vmem>>, vector<1x1x128xf32>,
    %get3A_552 = arith.constant 10 : index
    %get3A_553 = memref.load %arg1[%get3A_552] : memref<16xi32, #tpu.memory_space<smem>>
    %get3A_554 = arith.constant 2 : index
    %get3A_555 = arith.constant 10 : index
    %get3A_556 = arith.constant 0 : index
    %get3A_557 = vector.load %arg3[%get3A_554, %get3A_555, %get3A_556] : memref<4x16x128xf32, #tpu.memory_space<vmem>>, vector<1x1x128xf32>
    %get3A_558 = vector.shape_cast %get3A_557 : vector<1x1x128xf32> to vector<1x128xf32>
    %swap3A_559 = arith.constant 2 : index
    %swap3A_560 = arith.index_cast %get3A_553 : i32 to index
    %swap3A_561 = arith.constant 0 : index
    %swap3A_562 = vector.load %arg4[%swap3A_559, %swap3A_560, %swap3A_561] : memref<4x2048x128xf32, #tpu.memory_space<vmem>>, vector<1x1x128xf32>
    %swap3A_563 = vector.shape_cast %swap3A_562 : vector<1x1x128xf32> to vector<1x128xf32>
    %swap3A_564 = vector.shape_cast %get3A_558 : vector<1x128xf32> to vector<1x1x128xf32>
    tpu.vector_store %arg4[%swap3A_559, %swap3A_560, %swap3A_561], %swap3A_564 {strides = array<i32>} : memref<4x2048x128xf32, #tpu.memory_space<vmem>>, vector<1x1x128xf32>,
    %get3A_565 = arith.constant 11 : index
    %get3A_566 = memref.load %arg1[%get3A_565] : memref<16xi32, #tpu.memory_space<smem>>
    %get3A_567 = arith.constant 2 : index
    %get3A_568 = arith.constant 11 : index
    %get3A_569 = arith.constant 0 : index
    %get3A_570 = vector.load %arg3[%get3A_567, %get3A_568, %get3A_569] : memref<4x16x128xf32, #tpu.memory_space<vmem>>, vector<1x1x128xf32>
    %get3A_571 = vector.shape_cast %get3A_570 : vector<1x1x128xf32> to vector<1x128xf32>
    %swap3A_572 = arith.constant 2 : index
    %swap3A_573 = arith.index_cast %get3A_566 : i32 to index
    %swap3A_574 = arith.constant 0 : index
    %swap3A_575 = vector.load %arg4[%swap3A_572, %swap3A_573, %swap3A_574] : memref<4x2048x128xf32, #tpu.memory_space<vmem>>, vector<1x1x128xf32>
    %swap3A_576 = vector.shape_cast %swap3A_575 : vector<1x1x128xf32> to vector<1x128xf32>
    %swap3A_577 = vector.shape_cast %get3A_571 : vector<1x128xf32> to vector<1x1x128xf32>
    tpu.vector_store %arg4[%swap3A_572, %swap3A_573, %swap3A_574], %swap3A_577 {strides = array<i32>} : memref<4x2048x128xf32, #tpu.memory_space<vmem>>, vector<1x1x128xf32>,
    %get3A_578 = arith.constant 12 : index
    %get3A_579 = memref.load %arg1[%get3A_578] : memref<16xi32, #tpu.memory_space<smem>>
    %get3A_580 = arith.constant 2 : index
    %get3A_581 = arith.constant 12 : index
    %get3A_582 = arith.constant 0 : index
    %get3A_583 = vector.load %arg3[%get3A_580, %get3A_581, %get3A_582] : memref<4x16x128xf32, #tpu.memory_space<vmem>>, vector<1x1x128xf32>
    %get3A_584 = vector.shape_cast %get3A_583 : vector<1x1x128xf32> to vector<1x128xf32>
    %swap3A_585 = arith.constant 2 : index
    %swap3A_586 = arith.index_cast %get3A_579 : i32 to index
    %swap3A_587 = arith.constant 0 : index
    %swap3A_588 = vector.load %arg4[%swap3A_585, %swap3A_586, %swap3A_587] : memref<4x2048x128xf32, #tpu.memory_space<vmem>>, vector<1x1x128xf32>
    %swap3A_589 = vector.shape_cast %swap3A_588 : vector<1x1x128xf32> to vector<1x128xf32>
    %swap3A_590 = vector.shape_cast %get3A_584 : vector<1x128xf32> to vector<1x1x128xf32>
    tpu.vector_store %arg4[%swap3A_585, %swap3A_586, %swap3A_587], %swap3A_590 {strides = array<i32>} : memref<4x2048x128xf32, #tpu.memory_space<vmem>>, vector<1x1x128xf32>,
    %get3A_591 = arith.constant 13 : index
    %get3A_592 = memref.load %arg1[%get3A_591] : memref<16xi32, #tpu.memory_space<smem>>
    %get3A_593 = arith.constant 2 : index
    %get3A_594 = arith.constant 13 : index
    %get3A_595 = arith.constant 0 : index
    %get3A_596 = vector.load %arg3[%get3A_593, %get3A_594, %get3A_595] : memref<4x16x128xf32, #tpu.memory_space<vmem>>, vector<1x1x128xf32>
    %get3A_597 = vector.shape_cast %get3A_596 : vector<1x1x128xf32> to vector<1x128xf32>
    %swap3A_598 = arith.constant 2 : index
    %swap3A_599 = arith.index_cast %get3A_592 : i32 to index
    %swap3A_600 = arith.constant 0 : index
    %swap3A_601 = vector.load %arg4[%swap3A_598, %swap3A_599, %swap3A_600] : memref<4x2048x128xf32, #tpu.memory_space<vmem>>, vector<1x1x128xf32>
    %swap3A_602 = vector.shape_cast %swap3A_601 : vector<1x1x128xf32> to vector<1x128xf32>
    %swap3A_603 = vector.shape_cast %get3A_597 : vector<1x128xf32> to vector<1x1x128xf32>
    tpu.vector_store %arg4[%swap3A_598, %swap3A_599, %swap3A_600], %swap3A_603 {strides = array<i32>} : memref<4x2048x128xf32, #tpu.memory_space<vmem>>, vector<1x1x128xf32>,
    %get3A_604 = arith.constant 14 : index
    %get3A_605 = memref.load %arg1[%get3A_604] : memref<16xi32, #tpu.memory_space<smem>>
    %get3A_606 = arith.constant 2 : index
    %get3A_607 = arith.constant 14 : index
    %get3A_608 = arith.constant 0 : index
    %get3A_609 = vector.load %arg3[%get3A_606, %get3A_607, %get3A_608] : memref<4x16x128xf32, #tpu.memory_space<vmem>>, vector<1x1x128xf32>
    %get3A_610 = vector.shape_cast %get3A_609 : vector<1x1x128xf32> to vector<1x128xf32>
    %swap3A_611 = arith.constant 2 : index
    %swap3A_612 = arith.index_cast %get3A_605 : i32 to index
    %swap3A_613 = arith.constant 0 : index
    %swap3A_614 = vector.load %arg4[%swap3A_611, %swap3A_612, %swap3A_613] : memref<4x2048x128xf32, #tpu.memory_space<vmem>>, vector<1x1x128xf32>
    %swap3A_615 = vector.shape_cast %swap3A_614 : vector<1x1x128xf32> to vector<1x128xf32>
    %swap3A_616 = vector.shape_cast %get3A_610 : vector<1x128xf32> to vector<1x1x128xf32>
    tpu.vector_store %arg4[%swap3A_611, %swap3A_612, %swap3A_613], %swap3A_616 {strides = array<i32>} : memref<4x2048x128xf32, #tpu.memory_space<vmem>>, vector<1x1x128xf32>,
    %get3A_617 = arith.constant 15 : index
    %get3A_618 = memref.load %arg1[%get3A_617] : memref<16xi32, #tpu.memory_space<smem>>
    %get3A_619 = arith.constant 2 : index
    %get3A_620 = arith.constant 15 : index
    %get3A_621 = arith.constant 0 : index
    %get3A_622 = vector.load %arg3[%get3A_619, %get3A_620, %get3A_621] : memref<4x16x128xf32, #tpu.memory_space<vmem>>, vector<1x1x128xf32>
    %get3A_623 = vector.shape_cast %get3A_622 : vector<1x1x128xf32> to vector<1x128xf32>
    %swap3A_624 = arith.constant 2 : index
    %swap3A_625 = arith.index_cast %get3A_618 : i32 to index
    %swap3A_626 = arith.constant 0 : index
    %swap3A_627 = vector.load %arg4[%swap3A_624, %swap3A_625, %swap3A_626] : memref<4x2048x128xf32, #tpu.memory_space<vmem>>, vector<1x1x128xf32>
    %swap3A_628 = vector.shape_cast %swap3A_627 : vector<1x1x128xf32> to vector<1x128xf32>
    %swap3A_629 = vector.shape_cast %get3A_623 : vector<1x128xf32> to vector<1x1x128xf32>
    tpu.vector_store %arg4[%swap3A_624, %swap3A_625, %swap3A_626], %swap3A_629 {strides = array<i32>} : memref<4x2048x128xf32, #tpu.memory_space<vmem>>, vector<1x1x128xf32>,
    %get3A_630 = arith.constant 0 : index
    %get3A_631 = memref.load %arg1[%get3A_630] : memref<16xi32, #tpu.memory_space<smem>>
    %get3A_632 = arith.constant 3 : index
    %get3A_633 = arith.constant 0 : index
    %get3A_634 = arith.constant 0 : index
    %get3A_635 = vector.load %arg3[%get3A_632, %get3A_633, %get3A_634] : memref<4x16x128xf32, #tpu.memory_space<vmem>>, vector<1x1x128xf32>
    %get3A_636 = vector.shape_cast %get3A_635 : vector<1x1x128xf32> to vector<1x128xf32>
    %swap3A_637 = arith.constant 3 : index
    %swap3A_638 = arith.index_cast %get3A_631 : i32 to index
    %swap3A_639 = arith.constant 0 : index
    %swap3A_640 = vector.load %arg4[%swap3A_637, %swap3A_638, %swap3A_639] : memref<4x2048x128xf32, #tpu.memory_space<vmem>>, vector<1x1x128xf32>
    %swap3A_641 = vector.shape_cast %swap3A_640 : vector<1x1x128xf32> to vector<1x128xf32>
    %swap3A_642 = vector.shape_cast %get3A_636 : vector<1x128xf32> to vector<1x1x128xf32>
    tpu.vector_store %arg4[%swap3A_637, %swap3A_638, %swap3A_639], %swap3A_642 {strides = array<i32>} : memref<4x2048x128xf32, #tpu.memory_space<vmem>>, vector<1x1x128xf32>,
    %get3A_643 = arith.constant 1 : index
    %get3A_644 = memref.load %arg1[%get3A_643] : memref<16xi32, #tpu.memory_space<smem>>
    %get3A_645 = arith.constant 3 : index
    %get3A_646 = arith.constant 1 : index
    %get3A_647 = arith.constant 0 : index
    %get3A_648 = vector.load %arg3[%get3A_645, %get3A_646, %get3A_647] : memref<4x16x128xf32, #tpu.memory_space<vmem>>, vector<1x1x128xf32>
    %get3A_649 = vector.shape_cast %get3A_648 : vector<1x1x128xf32> to vector<1x128xf32>
    %swap3A_650 = arith.constant 3 : index
    %swap3A_651 = arith.index_cast %get3A_644 : i32 to index
    %swap3A_652 = arith.constant 0 : index
    %swap3A_653 = vector.load %arg4[%swap3A_650, %swap3A_651, %swap3A_652] : memref<4x2048x128xf32, #tpu.memory_space<vmem>>, vector<1x1x128xf32>
    %swap3A_654 = vector.shape_cast %swap3A_653 : vector<1x1x128xf32> to vector<1x128xf32>
    %swap3A_655 = vector.shape_cast %get3A_649 : vector<1x128xf32> to vector<1x1x128xf32>
    tpu.vector_store %arg4[%swap3A_650, %swap3A_651, %swap3A_652], %swap3A_655 {strides = array<i32>} : memref<4x2048x128xf32, #tpu.memory_space<vmem>>, vector<1x1x128xf32>,
    %get3A_656 = arith.constant 2 : index
    %get3A_657 = memref.load %arg1[%get3A_656] : memref<16xi32, #tpu.memory_space<smem>>
    %get3A_658 = arith.constant 3 : index
    %get3A_659 = arith.constant 2 : index
    %get3A_660 = arith.constant 0 : index
    %get3A_661 = vector.load %arg3[%get3A_658, %get3A_659, %get3A_660] : memref<4x16x128xf32, #tpu.memory_space<vmem>>, vector<1x1x128xf32>
    %get3A_662 = vector.shape_cast %get3A_661 : vector<1x1x128xf32> to vector<1x128xf32>
    %swap3A_663 = arith.constant 3 : index
    %swap3A_664 = arith.index_cast %get3A_657 : i32 to index
    %swap3A_665 = arith.constant 0 : index
    %swap3A_666 = vector.load %arg4[%swap3A_663, %swap3A_664, %swap3A_665] : memref<4x2048x128xf32, #tpu.memory_space<vmem>>, vector<1x1x128xf32>
    %swap3A_667 = vector.shape_cast %swap3A_666 : vector<1x1x128xf32> to vector<1x128xf32>
    %swap3A_668 = vector.shape_cast %get3A_662 : vector<1x128xf32> to vector<1x1x128xf32>
    tpu.vector_store %arg4[%swap3A_663, %swap3A_664, %swap3A_665], %swap3A_668 {strides = array<i32>} : memref<4x2048x128xf32, #tpu.memory_space<vmem>>, vector<1x1x128xf32>,
    %get3A_669 = arith.constant 3 : index
    %get3A_670 = memref.load %arg1[%get3A_669] : memref<16xi32, #tpu.memory_space<smem>>
    %get3A_671 = arith.constant 3 : index
    %get3A_672 = arith.constant 3 : index
    %get3A_673 = arith.constant 0 : index
    %get3A_674 = vector.load %arg3[%get3A_671, %get3A_672, %get3A_673] : memref<4x16x128xf32, #tpu.memory_space<vmem>>, vector<1x1x128xf32>
    %get3A_675 = vector.shape_cast %get3A_674 : vector<1x1x128xf32> to vector<1x128xf32>
    %swap3A_676 = arith.constant 3 : index
    %swap3A_677 = arith.index_cast %get3A_670 : i32 to index
    %swap3A_678 = arith.constant 0 : index
    %swap3A_679 = vector.load %arg4[%swap3A_676, %swap3A_677, %swap3A_678] : memref<4x2048x128xf32, #tpu.memory_space<vmem>>, vector<1x1x128xf32>
    %swap3A_680 = vector.shape_cast %swap3A_679 : vector<1x1x128xf32> to vector<1x128xf32>
    %swap3A_681 = vector.shape_cast %get3A_675 : vector<1x128xf32> to vector<1x1x128xf32>
    tpu.vector_store %arg4[%swap3A_676, %swap3A_677, %swap3A_678], %swap3A_681 {strides = array<i32>} : memref<4x2048x128xf32, #tpu.memory_space<vmem>>, vector<1x1x128xf32>,
    %get3A_682 = arith.constant 4 : index
    %get3A_683 = memref.load %arg1[%get3A_682] : memref<16xi32, #tpu.memory_space<smem>>
    %get3A_684 = arith.constant 3 : index
    %get3A_685 = arith.constant 4 : index
    %get3A_686 = arith.constant 0 : index
    %get3A_687 = vector.load %arg3[%get3A_684, %get3A_685, %get3A_686] : memref<4x16x128xf32, #tpu.memory_space<vmem>>, vector<1x1x128xf32>
    %get3A_688 = vector.shape_cast %get3A_687 : vector<1x1x128xf32> to vector<1x128xf32>
    %swap3A_689 = arith.constant 3 : index
    %swap3A_690 = arith.index_cast %get3A_683 : i32 to index
    %swap3A_691 = arith.constant 0 : index
    %swap3A_692 = vector.load %arg4[%swap3A_689, %swap3A_690, %swap3A_691] : memref<4x2048x128xf32, #tpu.memory_space<vmem>>, vector<1x1x128xf32>
    %swap3A_693 = vector.shape_cast %swap3A_692 : vector<1x1x128xf32> to vector<1x128xf32>
    %swap3A_694 = vector.shape_cast %get3A_688 : vector<1x128xf32> to vector<1x1x128xf32>
    tpu.vector_store %arg4[%swap3A_689, %swap3A_690, %swap3A_691], %swap3A_694 {strides = array<i32>} : memref<4x2048x128xf32, #tpu.memory_space<vmem>>, vector<1x1x128xf32>,
    %get3A_695 = arith.constant 5 : index
    %get3A_696 = memref.load %arg1[%get3A_695] : memref<16xi32, #tpu.memory_space<smem>>
    %get3A_697 = arith.constant 3 : index
    %get3A_698 = arith.constant 5 : index
    %get3A_699 = arith.constant 0 : index
    %get3A_700 = vector.load %arg3[%get3A_697, %get3A_698, %get3A_699] : memref<4x16x128xf32, #tpu.memory_space<vmem>>, vector<1x1x128xf32>
    %get3A_701 = vector.shape_cast %get3A_700 : vector<1x1x128xf32> to vector<1x128xf32>
    %swap3A_702 = arith.constant 3 : index
    %swap3A_703 = arith.index_cast %get3A_696 : i32 to index
    %swap3A_704 = arith.constant 0 : index
    %swap3A_705 = vector.load %arg4[%swap3A_702, %swap3A_703, %swap3A_704] : memref<4x2048x128xf32, #tpu.memory_space<vmem>>, vector<1x1x128xf32>
    %swap3A_706 = vector.shape_cast %swap3A_705 : vector<1x1x128xf32> to vector<1x128xf32>
    %swap3A_707 = vector.shape_cast %get3A_701 : vector<1x128xf32> to vector<1x1x128xf32>
    tpu.vector_store %arg4[%swap3A_702, %swap3A_703, %swap3A_704], %swap3A_707 {strides = array<i32>} : memref<4x2048x128xf32, #tpu.memory_space<vmem>>, vector<1x1x128xf32>,
    %get3A_708 = arith.constant 6 : index
    %get3A_709 = memref.load %arg1[%get3A_708] : memref<16xi32, #tpu.memory_space<smem>>
    %get3A_710 = arith.constant 3 : index
    %get3A_711 = arith.constant 6 : index
    %get3A_712 = arith.constant 0 : index
    %get3A_713 = vector.load %arg3[%get3A_710, %get3A_711, %get3A_712] : memref<4x16x128xf32, #tpu.memory_space<vmem>>, vector<1x1x128xf32>
    %get3A_714 = vector.shape_cast %get3A_713 : vector<1x1x128xf32> to vector<1x128xf32>
    %swap3A_715 = arith.constant 3 : index
    %swap3A_716 = arith.index_cast %get3A_709 : i32 to index
    %swap3A_717 = arith.constant 0 : index
    %swap3A_718 = vector.load %arg4[%swap3A_715, %swap3A_716, %swap3A_717] : memref<4x2048x128xf32, #tpu.memory_space<vmem>>, vector<1x1x128xf32>
    %swap3A_719 = vector.shape_cast %swap3A_718 : vector<1x1x128xf32> to vector<1x128xf32>
    %swap3A_720 = vector.shape_cast %get3A_714 : vector<1x128xf32> to vector<1x1x128xf32>
    tpu.vector_store %arg4[%swap3A_715, %swap3A_716, %swap3A_717], %swap3A_720 {strides = array<i32>} : memref<4x2048x128xf32, #tpu.memory_space<vmem>>, vector<1x1x128xf32>,
    %get3A_721 = arith.constant 7 : index
    %get3A_722 = memref.load %arg1[%get3A_721] : memref<16xi32, #tpu.memory_space<smem>>
    %get3A_723 = arith.constant 3 : index
    %get3A_724 = arith.constant 7 : index
    %get3A_725 = arith.constant 0 : index
    %get3A_726 = vector.load %arg3[%get3A_723, %get3A_724, %get3A_725] : memref<4x16x128xf32, #tpu.memory_space<vmem>>, vector<1x1x128xf32>
    %get3A_727 = vector.shape_cast %get3A_726 : vector<1x1x128xf32> to vector<1x128xf32>
    %swap3A_728 = arith.constant 3 : index
    %swap3A_729 = arith.index_cast %get3A_722 : i32 to index
    %swap3A_730 = arith.constant 0 : index
    %swap3A_731 = vector.load %arg4[%swap3A_728, %swap3A_729, %swap3A_730] : memref<4x2048x128xf32, #tpu.memory_space<vmem>>, vector<1x1x128xf32>
    %swap3A_732 = vector.shape_cast %swap3A_731 : vector<1x1x128xf32> to vector<1x128xf32>
    %swap3A_733 = vector.shape_cast %get3A_727 : vector<1x128xf32> to vector<1x1x128xf32>
    tpu.vector_store %arg4[%swap3A_728, %swap3A_729, %swap3A_730], %swap3A_733 {strides = array<i32>} : memref<4x2048x128xf32, #tpu.memory_space<vmem>>, vector<1x1x128xf32>,
    %get3A_734 = arith.constant 8 : index
    %get3A_735 = memref.load %arg1[%get3A_734] : memref<16xi32, #tpu.memory_space<smem>>
    %get3A_736 = arith.constant 3 : index
    %get3A_737 = arith.constant 8 : index
    %get3A_738 = arith.constant 0 : index
    %get3A_739 = vector.load %arg3[%get3A_736, %get3A_737, %get3A_738] : memref<4x16x128xf32, #tpu.memory_space<vmem>>, vector<1x1x128xf32>
    %get3A_740 = vector.shape_cast %get3A_739 : vector<1x1x128xf32> to vector<1x128xf32>
    %swap3A_741 = arith.constant 3 : index
    %swap3A_742 = arith.index_cast %get3A_735 : i32 to index
    %swap3A_743 = arith.constant 0 : index
    %swap3A_744 = vector.load %arg4[%swap3A_741, %swap3A_742, %swap3A_743] : memref<4x2048x128xf32, #tpu.memory_space<vmem>>, vector<1x1x128xf32>
    %swap3A_745 = vector.shape_cast %swap3A_744 : vector<1x1x128xf32> to vector<1x128xf32>
    %swap3A_746 = vector.shape_cast %get3A_740 : vector<1x128xf32> to vector<1x1x128xf32>
    tpu.vector_store %arg4[%swap3A_741, %swap3A_742, %swap3A_743], %swap3A_746 {strides = array<i32>} : memref<4x2048x128xf32, #tpu.memory_space<vmem>>, vector<1x1x128xf32>,
    %get3A_747 = arith.constant 9 : index
    %get3A_748 = memref.load %arg1[%get3A_747] : memref<16xi32, #tpu.memory_space<smem>>
    %get3A_749 = arith.constant 3 : index
    %get3A_750 = arith.constant 9 : index
    %get3A_751 = arith.constant 0 : index
    %get3A_752 = vector.load %arg3[%get3A_749, %get3A_750, %get3A_751] : memref<4x16x128xf32, #tpu.memory_space<vmem>>, vector<1x1x128xf32>
    %get3A_753 = vector.shape_cast %get3A_752 : vector<1x1x128xf32> to vector<1x128xf32>
    %swap3A_754 = arith.constant 3 : index
    %swap3A_755 = arith.index_cast %get3A_748 : i32 to index
    %swap3A_756 = arith.constant 0 : index
    %swap3A_757 = vector.load %arg4[%swap3A_754, %swap3A_755, %swap3A_756] : memref<4x2048x128xf32, #tpu.memory_space<vmem>>, vector<1x1x128xf32>
    %swap3A_758 = vector.shape_cast %swap3A_757 : vector<1x1x128xf32> to vector<1x128xf32>
    %swap3A_759 = vector.shape_cast %get3A_753 : vector<1x128xf32> to vector<1x1x128xf32>
    tpu.vector_store %arg4[%swap3A_754, %swap3A_755, %swap3A_756], %swap3A_759 {strides = array<i32>} : memref<4x2048x128xf32, #tpu.memory_space<vmem>>, vector<1x1x128xf32>,
    %get3A_760 = arith.constant 10 : index
    %get3A_761 = memref.load %arg1[%get3A_760] : memref<16xi32, #tpu.memory_space<smem>>
    %get3A_762 = arith.constant 3 : index
    %get3A_763 = arith.constant 10 : index
    %get3A_764 = arith.constant 0 : index
    %get3A_765 = vector.load %arg3[%get3A_762, %get3A_763, %get3A_764] : memref<4x16x128xf32, #tpu.memory_space<vmem>>, vector<1x1x128xf32>
    %get3A_766 = vector.shape_cast %get3A_765 : vector<1x1x128xf32> to vector<1x128xf32>
    %swap3A_767 = arith.constant 3 : index
    %swap3A_768 = arith.index_cast %get3A_761 : i32 to index
    %swap3A_769 = arith.constant 0 : index
    %swap3A_770 = vector.load %arg4[%swap3A_767, %swap3A_768, %swap3A_769] : memref<4x2048x128xf32, #tpu.memory_space<vmem>>, vector<1x1x128xf32>
    %swap3A_771 = vector.shape_cast %swap3A_770 : vector<1x1x128xf32> to vector<1x128xf32>
    %swap3A_772 = vector.shape_cast %get3A_766 : vector<1x128xf32> to vector<1x1x128xf32>
    tpu.vector_store %arg4[%swap3A_767, %swap3A_768, %swap3A_769], %swap3A_772 {strides = array<i32>} : memref<4x2048x128xf32, #tpu.memory_space<vmem>>, vector<1x1x128xf32>,
    %get3A_773 = arith.constant 11 : index
    %get3A_774 = memref.load %arg1[%get3A_773] : memref<16xi32, #tpu.memory_space<smem>>
    %get3A_775 = arith.constant 3 : index
    %get3A_776 = arith.constant 11 : index
    %get3A_777 = arith.constant 0 : index
    %get3A_778 = vector.load %arg3[%get3A_775, %get3A_776, %get3A_777] : memref<4x16x128xf32, #tpu.memory_space<vmem>>, vector<1x1x128xf32>
    %get3A_779 = vector.shape_cast %get3A_778 : vector<1x1x128xf32> to vector<1x128xf32>
    %swap3A_780 = arith.constant 3 : index
    %swap3A_781 = arith.index_cast %get3A_774 : i32 to index
    %swap3A_782 = arith.constant 0 : index
    %swap3A_783 = vector.load %arg4[%swap3A_780, %swap3A_781, %swap3A_782] : memref<4x2048x128xf32, #tpu.memory_space<vmem>>, vector<1x1x128xf32>
    %swap3A_784 = vector.shape_cast %swap3A_783 : vector<1x1x128xf32> to vector<1x128xf32>
    %swap3A_785 = vector.shape_cast %get3A_779 : vector<1x128xf32> to vector<1x1x128xf32>
    tpu.vector_store %arg4[%swap3A_780, %swap3A_781, %swap3A_782], %swap3A_785 {strides = array<i32>} : memref<4x2048x128xf32, #tpu.memory_space<vmem>>, vector<1x1x128xf32>,
    %get3A_786 = arith.constant 12 : index
    %get3A_787 = memref.load %arg1[%get3A_786] : memref<16xi32, #tpu.memory_space<smem>>
    %get3A_788 = arith.constant 3 : index
    %get3A_789 = arith.constant 12 : index
    %get3A_790 = arith.constant 0 : index
    %get3A_791 = vector.load %arg3[%get3A_788, %get3A_789, %get3A_790] : memref<4x16x128xf32, #tpu.memory_space<vmem>>, vector<1x1x128xf32>
    %get3A_792 = vector.shape_cast %get3A_791 : vector<1x1x128xf32> to vector<1x128xf32>
    %swap3A_793 = arith.constant 3 : index
    %swap3A_794 = arith.index_cast %get3A_787 : i32 to index
    %swap3A_795 = arith.constant 0 : index
    %swap3A_796 = vector.load %arg4[%swap3A_793, %swap3A_794, %swap3A_795] : memref<4x2048x128xf32, #tpu.memory_space<vmem>>, vector<1x1x128xf32>
    %swap3A_797 = vector.shape_cast %swap3A_796 : vector<1x1x128xf32> to vector<1x128xf32>
    %swap3A_798 = vector.shape_cast %get3A_792 : vector<1x128xf32> to vector<1x1x128xf32>
    tpu.vector_store %arg4[%swap3A_793, %swap3A_794, %swap3A_795], %swap3A_798 {strides = array<i32>} : memref<4x2048x128xf32, #tpu.memory_space<vmem>>, vector<1x1x128xf32>,
    %get3A_799 = arith.constant 13 : index
    %get3A_800 = memref.load %arg1[%get3A_799] : memref<16xi32, #tpu.memory_space<smem>>
    %get3A_801 = arith.constant 3 : index
    %get3A_802 = arith.constant 13 : index
    %get3A_803 = arith.constant 0 : index
    %get3A_804 = vector.load %arg3[%get3A_801, %get3A_802, %get3A_803] : memref<4x16x128xf32, #tpu.memory_space<vmem>>, vector<1x1x128xf32>
    %get3A_805 = vector.shape_cast %get3A_804 : vector<1x1x128xf32> to vector<1x128xf32>
    %swap3A_806 = arith.constant 3 : index
    %swap3A_807 = arith.index_cast %get3A_800 : i32 to index
    %swap3A_808 = arith.constant 0 : index
    %swap3A_809 = vector.load %arg4[%swap3A_806, %swap3A_807, %swap3A_808] : memref<4x2048x128xf32, #tpu.memory_space<vmem>>, vector<1x1x128xf32>
    %swap3A_810 = vector.shape_cast %swap3A_809 : vector<1x1x128xf32> to vector<1x128xf32>
    %swap3A_811 = vector.shape_cast %get3A_805 : vector<1x128xf32> to vector<1x1x128xf32>
    tpu.vector_store %arg4[%swap3A_806, %swap3A_807, %swap3A_808], %swap3A_811 {strides = array<i32>} : memref<4x2048x128xf32, #tpu.memory_space<vmem>>, vector<1x1x128xf32>,
    %get3A_812 = arith.constant 14 : index
    %get3A_813 = memref.load %arg1[%get3A_812] : memref<16xi32, #tpu.memory_space<smem>>
    %get3A_814 = arith.constant 3 : index
    %get3A_815 = arith.constant 14 : index
    %get3A_816 = arith.constant 0 : index
    %get3A_817 = vector.load %arg3[%get3A_814, %get3A_815, %get3A_816] : memref<4x16x128xf32, #tpu.memory_space<vmem>>, vector<1x1x128xf32>
    %get3A_818 = vector.shape_cast %get3A_817 : vector<1x1x128xf32> to vector<1x128xf32>
    %swap3A_819 = arith.constant 3 : index
    %swap3A_820 = arith.index_cast %get3A_813 : i32 to index
    %swap3A_821 = arith.constant 0 : index
    %swap3A_822 = vector.load %arg4[%swap3A_819, %swap3A_820, %swap3A_821] : memref<4x2048x128xf32, #tpu.memory_space<vmem>>, vector<1x1x128xf32>
    %swap3A_823 = vector.shape_cast %swap3A_822 : vector<1x1x128xf32> to vector<1x128xf32>
    %swap3A_824 = vector.shape_cast %get3A_818 : vector<1x128xf32> to vector<1x1x128xf32>
    tpu.vector_store %arg4[%swap3A_819, %swap3A_820, %swap3A_821], %swap3A_824 {strides = array<i32>} : memref<4x2048x128xf32, #tpu.memory_space<vmem>>, vector<1x1x128xf32>,
    %get3A_825 = arith.constant 15 : index
    %get3A_826 = memref.load %arg1[%get3A_825] : memref<16xi32, #tpu.memory_space<smem>>
    %get3A_827 = arith.constant 3 : index
    %get3A_828 = arith.constant 15 : index
    %get3A_829 = arith.constant 0 : index
    %get3A_830 = vector.load %arg3[%get3A_827, %get3A_828, %get3A_829] : memref<4x16x128xf32, #tpu.memory_space<vmem>>, vector<1x1x128xf32>
    %get3A_831 = vector.shape_cast %get3A_830 : vector<1x1x128xf32> to vector<1x128xf32>
    %swap3A_832 = arith.constant 3 : index
    %swap3A_833 = arith.index_cast %get3A_826 : i32 to index
    %swap3A_834 = arith.constant 0 : index
    %swap3A_835 = vector.load %arg4[%swap3A_832, %swap3A_833, %swap3A_834] : memref<4x2048x128xf32, #tpu.memory_space<vmem>>, vector<1x1x128xf32>
    %swap3A_836 = vector.shape_cast %swap3A_835 : vector<1x1x128xf32> to vector<1x128xf32>
    %swap3A_837 = vector.shape_cast %get3A_831 : vector<1x128xf32> to vector<1x1x128xf32>
    tpu.vector_store %arg4[%swap3A_832, %swap3A_833, %swap3A_834], %swap3A_837 {strides = array<i32>} : memref<4x2048x128xf32, #tpu.memory_space<vmem>>, vector<1x1x128xf32>,
    return
  }
  func.func @transform_0(%arg0: i32, %arg1: memref<16xi32, #tpu.memory_space<smem>>) -> (i32, i32, i32) {
    %c0_i32 = arith.constant 0 : i32
    %c0_i32_0 = arith.constant 0 : i32
    %c0_i32_1 = arith.constant 0 : i32
    return %arg0, %c0_i32, %c0_i32_0 : i32, i32, i32
  }
  func.func @transform_1(%arg0: i32, %arg1: memref<16xi32, #tpu.memory_space<smem>>) -> (i32, i32, i32) {
    %c0_i32 = arith.constant 0 : i32
    %c0_i32_0 = arith.constant 0 : i32
    %c0_i32_1 = arith.constant 0 : i32
    return %arg0, %c0_i32, %c0_i32_0 : i32, i32, i32
  }
  func.func @transform_2(%arg0: i32, %arg1: memref<16xi32, #tpu.memory_space<smem>>) -> (i32, i32, i32) {
    %c0_i32 = arith.constant 0 : i32
    %c0_i32_0 = arith.constant 0 : i32
    %c0_i32_1 = arith.constant 0 : i32
    return %arg0, %c0_i32, %c0_i32_0 : i32, i32, i32
  }
}

</mosaic_0001>

<sc_bundles>
// kernel: _run.4.cloned.1.call-start
scs
__scs_entry_jumppad:
0x0: {  	(pc) =	sbr.rel $0x88, $3  }
0x1: {  	(tag) =	ssettag $0x0;
	lr =	simm.s32 $0x1  }
0x2: {  	[smem:$0x3F9C] =	sst lr;
	_ =	strace $0xD0000000  }
0x3: {  	_ = 	snop  }
0x4: {  	_ = 	snop  }
0x5: {  	_ = 	snop  }
0x6: {  	_ = 	snop  }
0x7: {  	_ = 	snop  }
__scs_overlays_trampoline_lowered:
0x8: {  	[smem:$0x3FAB] =	sst s0  }
0x9: {  	[smem:$0x3FAC] =	sst s1  }
0xa: {  	[smem:$0x3FAD] =	sst s2  }
0xb: {  	[smem:$0x3FAE] =	sst s3  }
0xc: {  	[smem:$0x3FAF] =	sst s4  }
0xd: {  	[smem:$0x3FB0] =	sst s5  }
0xe: {  	[smem:$0x3FB1] =	sst s6  }
0xf: {  	[smem:$0x3FB2] =	sst s7  }
0x10: {  	[smem:$0x3FB3] =	sst s8  }
0x11: {  	[smem:$0x3FB4] =	sst s9;
	s0 =	simm.s32 @!p0 $0x0  }
0x12: {  	s1 =	sld [smem:$0x3F9A];
	s0 =	simm.s32 @p0 $0x1  }
0x13: {  	[smem:$0x3FB5] =	sst s0;
	s0 =	simm.s32 @!p1 $0x0  }
0x14: {  	s2 =	sld [smem:$0x3F99];
	s0 =	simm.s32 @p1 $0x1  }
0x15: {  	[smem:$0x3FB6] =	sst s0;
	s0 =	simm.s32 @!p2 $0x0  }
0x16: {  	s3 =	sld [smem:$0x3FDB];
	s0 =	simm.s32 @p2 $0x1  }
0x17: {  	s4 =	simm.s32 $0x1BF5;
	[smem:$0x3FB8] =	sst s0  }
0x18: {  	s0 =	sld [smem:$0x3F9B];
	_ =	swait.ge [sflag:s4], $0x0  }
0x19: {  	s7 =	sld [smem:$0x3F9C]  }
0x1a: {  	s8 =	sadd.s32 $0xFFFFE003, lr  }
0x1b: {  	s9 =	sadd.s32 $0xFFFFFEF7, lr;
	s5 =	simm.s32 $0xFFFFFFFF;
	p2 =	slt.u32 s8, $0xFFFFF086  }
0x1c: {  	p1 =	slt.u32 s9, $0xF7A;
	s5 =	simm.s32 @!p2 $0x0  }
0x1d: {  	s5 =	simm.s32 @p1 $0x1;
	p0 =	seq.s32 s7, s2  }
0x1e: {  	s7 =	smul.u32 @!p0 $0xF7A, s2;
	p2 =	seq.s32 @!p0 s5, $0x0  }
0x1f: {  	s9 =	smul.u32 $0xF7A, s1;
	s8 =	simm.s32 @!p0 $0x1BF5;
	p2 =	por !p2, p0  }
0x20: {  	[sflag:s8] =	ssyncset.s32 @!p0 $0xFFFFF086;
	s6 =	sadd.s32 @!p0 s3, s7;
	s7 =	simm.s32 @!p0 $0x108  }
0x21: {  	s3 =	sadd.s32 s3, s9;
	s6 =	sadd.s32 @!p0 $0x88, s6;
	s7 =	simm.s32 @p2 $0x1082  }
0x22: {  	[simem:s7], [sflag:s8] =	dma.local @!p0 [hbm:s6], $0xF7A  }
0x23: {  	s9 =	sor.u32 $0xD0000000, s2;
	s6 =	simm.s32 $0x108;
	_ =	swait.ge @!p0 [sflag:s8], $0x0  }
0x24: {  	s3 =	sadd.s32 $0x88, s3;
	s6 =	simm.s32 @!p1 $0x1082;
	[sflag:s4] =	ssyncset.s32 $0xFFFFF086  }
0x25: {  	[simem:s6], [sflag:s4] =	dma.local [hbm:s3], $0xF7A  }
0x26: {  	[smem:$0x3F9C] =	sst s1;
	(tag) =	ssettag s2;
	_ =	strace s9  }
0x27: {  	s1 =	sld [smem:$0x3FAC]  }
0x28: {  	s2 =	sld [smem:$0x3FAD]  }
0x29: {  	s4 =	sld [smem:$0x3FAF]  }
0x2a: {  	p0 =	seq.s32 s5, $0x0;
	s5 =	sld [smem:$0x3FB0]  }
0x2b: {  	s6 =	sld [smem:$0x3FB1]  }
0x2c: {  	s7 =	sld [smem:$0x3FB2]  }
0x2d: {  	s3 =	simm.s32 $0x108;
	s8 =	sld [smem:$0x3FB3]  }
0x2e: {  	s3 =	simm.s32 @!p0 $0x1082;
	s9 =	sld [smem:$0x3FB4]  }
0x2f: {  	lr =	sadd.s32 s0, s3;
	s0 =	sld [smem:$0x3FAB]  }
0x30: {  	s3 =	sld [smem:$0x3FAE]  }
0x31: {  	[smem:$0x3FB7] =	sst s10  }
0x32: {  	s10 =	sld [smem:$0x3FB5];
	_ =	sdelay $0x3  }
0x33: {  	p0 =	seq.s32 s10, $0x1;
	s10 =	sld [smem:$0x3FB7];
	_ =	sdelay $0x3  }
0x34: {  	[smem:$0x3FB7] =	sst s10  }
0x35: {  	s10 =	sld [smem:$0x3FB6];
	_ =	sdelay $0x3  }
0x36: {  	p1 =	seq.s32 s10, $0x1;
	s10 =	sld [smem:$0x3FB7];
	_ =	sdelay $0x3  }
0x37: {  	[smem:$0x3FB7] =	sst s10  }
0x38: {  	s10 =	sld [smem:$0x3FB8]  }
0x39: {  	_ = 	snop;
	(pc) =	sbr.ind lr, $3  }
0x3a: {  	_ = 	snop  }
0x3b: {  	_ = 	snop  }
0x3c: {  	p2 =	seq.s32 s10, $0x1;
	s10 =	sld [smem:$0x3FB7]  }
0x3d: {  	_ =	shalt  }
0x3e: {  	_ =	shalt  }
0x3f: {  	_ =	shalt  }
0x40: {  	_ =	shalt  }
0x41: {  	_ =	shalt  }
0x42: {  	_ =	shalt  }
0x43: {  	_ =	shalt  }
0x44: {  	_ =	shalt  }
0x45: {  	_ =	shalt  }
0x46: {  	_ =	shalt  }
0x47: {  	_ =	shalt  }
0x48: {  	_ =	shalt  }
0x49: {  	_ =	shalt  }
0x4a: {  	_ =	shalt  }
0x4b: {  	_ =	shalt  }
0x4c: {  	_ =	shalt  }
0x4d: {  	_ =	shalt  }
0x4e: {  	_ =	shalt  }
0x4f: {  	_ =	shalt  }
0x50: {  	_ =	shalt  }
0x51: {  	_ =	shalt  }
0x52: {  	_ =	shalt  }
0x53: {  	_ =	shalt  }
0x54: {  	_ =	shalt  }
0x55: {  	_ =	shalt  }
0x56: {  	_ =	shalt  }
0x57: {  	_ =	shalt  }
0x58: {  	_ =	shalt  }
0x59: {  	_ =	shalt  }
0x5a: {  	_ =	shalt  }
0x5b: {  	_ =	shalt  }
0x5c: {  	_ =	shalt  }
0x5d: {  	_ =	shalt  }
0x5e: {  	_ =	shalt  }
0x5f: {  	_ =	shalt  }
0x60: {  	_ =	shalt  }
0x61: {  	_ =	shalt  }
0x62: {  	_ =	shalt  }
0x63: {  	_ =	shalt  }
0x64: {  	_ =	shalt  }
0x65: {  	_ =	shalt  }
0x66: {  	_ =	shalt  }
0x67: {  	_ =	shalt  }
0x68: {  	_ =	shalt  }
0x69: {  	_ =	shalt  }
0x6a: {  	_ =	shalt  }
0x6b: {  	_ =	shalt  }
0x6c: {  	_ =	shalt  }
0x6d: {  	_ =	shalt  }
0x6e: {  	_ =	shalt  }
0x6f: {  	_ =	shalt  }
0x70: {  	_ =	shalt  }
0x71: {  	_ =	shalt  }
0x72: {  	_ =	shalt  }
0x73: {  	_ =	shalt  }
0x74: {  	_ =	shalt  }
0x75: {  	_ =	shalt  }
0x76: {  	_ =	shalt  }
0x77: {  	_ =	shalt  }
0x78: {  	_ =	shalt  }
0x79: {  	_ =	shalt  }
0x7a: {  	_ =	shalt  }
0x7b: {  	_ =	shalt  }
0x7c: {  	_ =	shalt  }
0x7d: {  	_ =	shalt  }
0x7e: {  	_ =	shalt  }
0x7f: {  	_ =	shalt  }
0x80: {  	_ =	shalt  }
0x81: {  	_ =	shalt  }
0x82: {  	_ =	shalt  }
0x83: {  	_ =	shalt  }
0x84: {  	_ =	shalt  }
0x85: {  	_ =	shalt  }
0x86: {  	_ =	shalt  }
0x87: {  	_ =	shalt  }
.Lfunc_end0:
.L_simem_size_0:
called_computation_lowered:
.L_overlay_start_0:
0x88: {  	s2 =	sld [smem:$0x3FD9]  }
0x89: {  	s3 =	sld [smem:$0x3FFE];
	_ =	sdelay $0x1  }
0x8a: {  	s1 =	srdreg.scid  }
0x8b: {  	s0 =	sand.u32 $0x1, s1  }
0x8c: {  	s15 =	sshll.u32 s0, $0xA;
	s2 =	sadd.s32 s3, s2  }
0x8d: {  	s2 =	sadd.s32 s2, s15  }
0x8e: {  	[smem:$0x3FC3] =	sst s2  }
0x8f: {  	_ = 	snop  }
0x90: {  	s2 =	sld [smem:$0x3FD0]  }
0x91: {  	s16 =	sld [smem:$0x3FC9]  }
0x92: {  	s4 =	sld [smem:$0x3FC7]  }
0x93: {  	s6 =	simm.s32 $0xA;
	s7 =	simm.s32 $0x10;
	s5 =	sld [smem:$0x3FC5]  }
0x94: {  	[smem:s7], [sflag:s6] =	dma.local [hbm:s2], $0x1  }
0x95: {  	_ =	swait.eq [sflag:s6], $0x1  }
0x96: {  	[sflag:s6] =	ssyncset.done $0x0  }
0x97: {  	[sflag:s6] =	ssyncadd.s32 $0xFFFFFFFF  }
0x98: {  	s17 =	sld [smem:$0x11];
	(tm) =	ssettm $0x1  }
0x99: {  	s18 =	sld [smem:$0x3FFB];
	_ =	sdelay $0x3  }
0x9a: {  	_ =	strace s18  }
0x9b: {  	s6 =	sld [smem:$0x3FFC];
	_ =	sdelay $0x3  }
0x9c: {  	_ =	strace s6  }
0x9d: {  	s6 =	sld [smem:$0x3FFD];
	_ =	sdelay $0x3  }
0x9e: {  	_ =	strace s6  }
0x9f: {  	_ =	strace $0x8FFFFFFF  }
0xa0: {  	s19 =	sld [smem:$0x3FDB];
	_ =	sdelay $0x1  }
0xa1: {  	s20 =	simm.s32 $_scs_section_size  }
0xa2: {  	s8 =	simm.s32 $_size__tile_overlayer_lowered;
	s9 =	simm.s32 $_tile_overlayer_lowered  }
0xa3: {  	s23 =	simm.s32 $0x1BFF;
	s22 =	sshll.u32 s9, $0x1;
	s6 =	sadd.s32 s20, s19  }
0xa4: {  	s10 =	simm.s32 $0x0;
	s21 =	sshll.u32 s8, $0x1;
	s8 =	sadd.s32 s22, s6  }
0xa5: {  	[timem:s10], [sflag:s23] =	dma.local [hbm:s8], s21  }
0xa6: {  	_ =	swait.ge [sflag:s23], s21  }
0xa7: {  	s7 =	ssub.s32 $0x0, s21;
	[sflag:s23] =	ssyncset.done $0x0  }
0xa8: {  	[sflag:s23] =	ssyncadd.s32 s7;
	_ =	sdelay $0x1  }
0xa9: {  	s24 =	simm.s32 $0x1B8B  }
0xaa: {  	_ =	swait.ge [sflag:s24], $0x1  }
0xab: {  	[sflag:s24] =	ssyncset.done $0x0  }
0xac: {  	s25 =	simm.s32 $0x1B8E;
	[sflag:s24] =	ssyncadd.s32 $0xFFFFFFFF  }
0xad: {  	s26 =	simm.s32 $execute0_lowered;
	[smem:$0x3FD2] =	sst s25  }
0xae: {  	s7 =	sshll.u32 s26, $0x1;
	_ =	strace $0x80000046;
	[dreg:$0x1] =	wrdreg $0xFFFFFFFF  }
0xaf: {  	s28 =	simm.s32 $_size_execute0_lowered;
	s6 =	sadd.s32 s6, s7;
	[dreg:$0x0] =	wrdreg $0x0  }
0xb0: {  	s7 =	sshll.u32 s28, $0x1;
	[dreg:$0x2] =	wrdreg s6  }
0xb1: {  	[dreg:$0x3] =	wrdreg s7  }
0xb2: {  	[dreg:$0x4] =	wrdreg $0xC0  }
0xb3: {  	_ =	task [dreg:s10], $0x5FFFF  }
0xb4: {  	[dreg:$0x1] =	wrdreg $0xFFFFFFFF  }
0xb5: {  	[dreg:$0x0] =	wrdreg $0x60  }
0xb6: {  	[dreg:$0x2] =	wrdreg s16  }
0xb7: {  	[dreg:$0x3] =	wrdreg s4  }
0xb8: {  	[dreg:$0x4] =	wrdreg s5  }
0xb9: {  	[dreg:$0x5] =	wrdreg s17  }
0xba: {  	[dreg:$0x6] =	wrdreg $0x9  }
0xbb: {  	_ =	task.clear_ibuf [dreg:s10], $0x7FFFF;
	_ =	strace $0x90000046  }
0xbc: {  	s29 =	simm.s32 $0x9;
	_ =	strace $0x80000048  }
0xbd: {  	_ =	swait.ge [sflag:s29], $0x1  }
0xbe: {  	[sflag:s29] =	ssyncadd.s32 $0xFFFFFFFF  }
0xbf: {  	_ =	strace $0x90000048  }
0xc0: {  	_ =	sfence  }
0xc1: {  	s30 =	sld [smem:$0x0];
	_ =	sdelay $0x2  }
0xc2: {  	s31 =	sshll.u32 s1, $0xD;
	s1 =	sshrl.u32 s1, $0x2  }
0xc3: {  	s3 =	sand.u32 $0x4000, s31;
	s1 =	sadd.s32 s1, s30  }
0xc4: {  	s0 =	sor.u32 s3, s0;
	s1 =	sshll.u32 s1, $0x11  }
0xc5: {  	s0 =	sor.u32 s1, s0  }
0xc6: {  	s0 =	sadd.s32 $0x8F2B, s0  }
0xc7: {  	[sflag:s0] =	ssyncadd.remote.s32 $0x1  }
0xc8: {  	_ =	sfence.sel $0xFFFF  }
0xc9: {  	[dreg:$0x0] =	wrdreg $0xFFFFFFFF;
	(pc) =	sbr.abs _section_cstart, $3  }
0xca: {  	[dreg:$0x1] =	wrdreg $0xFFFFFFFF  }
0xcb: {  	_ =	task.clear_ibuf [dreg:s10], $0x2FFFF;
	_ =	strace $0x9FFFFFFF  }
0xcc: {  	(tm) =	ssettm $0x7FFFFFFF  }
0xcd: {  	_ =	shalt  }
tec
execute0_lowered:
.L_overlay_start_1:
0x0: {  	(tag) =	ssettag $0x1  }
0x1: {  	s0 =	rddreg [dreg:$0x0]  }
0x2: {  	s20 =	rddreg [dreg:$0x1]  }
0x3: {  	s23 =	srdreg.scid;
	s30 =	stileid.u32  }
0x4: {  	s4 =	rddreg [dreg:$0x2];
	s7 =	sand.u32 $0x1, s23;
	s24 =	sshll.u32 s30, $0x1  }
0x5: {  	s3 =	simm.s32 $0x0;
	[dreg:$0x5] =	wrdreg s0;
	s5 =	sor.u32 s7, s24  }
0x6: {  	[smem:$0x7FF] =	sst s3;
	s0 =	sshll.u32 s5, $0x11  }
0x7: {  	s2 =	rddreg [dreg:$0x3];
	_ =	strace $0x80000047;
	s6 =	sadd.s32 s4, s0  }
0x8: {  	s8 =	sor.u32 $0x1000, s0;
	s26 =	sadd.s32 s2, s0;
	[dreg:$0x6] =	wrdreg s6  }
0x9: {  	s9 =	sor.u32 $0x2000, s0;
	s25 =	sadd.s32 s4, s8;
	[dreg:$0x8] =	wrdreg s26  }
0xa: {  	s1 =	sadd.s32 s4, s9;
	[dreg:$0x7] =	wrdreg s25  }
0xb: {  	s11 =	sor.u32 $0x3000, s0;
	s10 =	sadd.s32 s2, s8;
	[dreg:$0x9] =	wrdreg s1  }
0xc: {  	s12 =	sadd.s32 s4, s11;
	[dreg:$0xa] =	wrdreg s10  }
0xd: {  	s14 =	sor.u32 $0x4000, s0;
	s13 =	sadd.s32 s2, s9;
	[dreg:$0xb] =	wrdreg s12  }
0xe: {  	s15 =	sadd.s32 s4, s14;
	[dreg:$0xc] =	wrdreg s13  }
0xf: {  	s17 =	sor.u32 $0x5000, s0;
	s16 =	sadd.s32 s2, s11;
	[dreg:$0xd] =	wrdreg s15  }
0x10: {  	s18 =	sadd.s32 s4, s17;
	[dreg:$0xe] =	wrdreg s16  }
0x11: {  	s21 =	sor.u32 $0x6000, s0;
	s19 =	sadd.s32 s2, s14;
	[dreg:$0xf] =	wrdreg s18  }
0x12: {  	s22 =	sadd.s32 s4, s21;
	[dreg:$0x10] =	wrdreg s19  }
0x13: {  	s0 =	sor.u32 $0x7000, s0;
	s23 =	sadd.s32 s2, s17;
	[dreg:$0x11] =	wrdreg s22  }
0x14: {  	s8 =	sshll.u32 s5, $0x2;
	s9 =	sadd.s32 s2, s21;
	[dreg:$0x12] =	wrdreg s23  }
0x15: {  	s10 =	sadd.s32 s4, s0;
	s6 =	sor.u32 $0x1, s8;
	[dreg:$0x14] =	wrdreg s9  }
0x16: {  	s0 =	sadd.s32 s2, s0;
	[dreg:$0x13] =	wrdreg s10;
	s10 =	sshll.u32 s6, $0xF  }
0x17: {  	[dreg:$0x16] =	wrdreg s0;
	s24 =	sadd.s32 s4, s10  }
0x18: {  	s25 =	sor.u32 $0x1000, s10;
	s1 =	sadd.s32 s2, s10;
	[dreg:$0x15] =	wrdreg s24  }
0x19: {  	s11 =	sor.u32 $0x2000, s10;
	s26 =	sadd.s32 s4, s25;
	[dreg:$0x18] =	wrdreg s1  }
0x1a: {  	s12 =	sadd.s32 s4, s11;
	[dreg:$0x17] =	wrdreg s26  }
0x1b: {  	s14 =	sor.u32 $0x3000, s10;
	s13 =	sadd.s32 s2, s25;
	[dreg:$0x19] =	wrdreg s12  }
0x1c: {  	s15 =	sadd.s32 s4, s14;
	[dreg:$0x1a] =	wrdreg s13  }
0x1d: {  	s17 =	sor.u32 $0x4000, s10;
	s16 =	sadd.s32 s2, s11;
	[dreg:$0x1b] =	wrdreg s15  }
0x1e: {  	s18 =	sadd.s32 s4, s17;
	[dreg:$0x1c] =	wrdreg s16  }
0x1f: {  	s21 =	sor.u32 $0x5000, s10;
	s19 =	sadd.s32 s2, s14;
	[dreg:$0x1d] =	wrdreg s18  }
0x20: {  	s22 =	sadd.s32 s4, s21;
	[dreg:$0x1e] =	wrdreg s19  }
0x21: {  	s23 =	sadd.s32 s2, s17;
	s24 =	sor.u32 $0x6000, s10;
	[dreg:$0x1f] =	wrdreg s22  }
0x22: {  	[smem:$0x7E1] =	sst s23;
	s25 =	sadd.s32 s4, s24  }
0x23: {  	s1 =	sor.u32 $0x7000, s10;
	s26 =	sadd.s32 s2, s21;
	[smem:$0x7E2] =	sst s25  }
0x24: {  	s10 =	sadd.s32 s4, s1;
	[smem:$0x7E3] =	sst s26  }
0x25: {  	s8 =	sor.u32 $0x2, s8;
	s12 =	sadd.s32 s2, s24;
	[smem:$0x7E4] =	sst s10  }
0x26: {  	s14 =	sadd.s32 s2, s1;
	s10 =	sshll.u32 s8, $0xF;
	[smem:$0x7E5] =	sst s12  }
0x27: {  	[smem:$0x7E7] =	sst s14;
	s13 =	sadd.s32 s4, s10  }
0x28: {  	s15 =	sor.u32 $0x1000, s10;
	s17 =	sadd.s32 s2, s10;
	[smem:$0x7E6] =	sst s13  }
0x29: {  	s18 =	sor.u32 $0x2000, s10;
	s16 =	sadd.s32 s4, s15;
	[smem:$0x7E9] =	sst s17  }
0x2a: {  	s19 =	sadd.s32 s4, s18;
	[smem:$0x7E8] =	sst s16  }
0x2b: {  	s22 =	sor.u32 $0x3000, s10;
	s21 =	sadd.s32 s2, s15;
	[smem:$0x7EA] =	sst s19  }
0x2c: {  	p0 =	por $0x0, $0x0;
	s23 =	sadd.s32 s4, s22;
	[smem:$0x7EB] =	sst s21  }
0x2d: {  	s25 =	sor.u32 $0x4000, s10;
	s24 =	sadd.s32 s2, s18;
	[smem:$0x7EC] =	sst s23  }
0x2e: {  	s7 =	ssub.s32 $0x2, s7;
	s26 =	sadd.s32 s4, s25;
	[smem:$0x7ED] =	sst s24  }
0x2f: {  	s12 =	sshrl.u32 s7, $0x1;
	s1 =	sadd.s32 s2, s22;
	[smem:$0x7EE] =	sst s26  }
0x30: {  	s11 =	sor.u32 $0x6000, s10;
	s9 =	sadd.s32 s2, s25;
	[smem:$0x7EF] =	sst s1  }
0x31: {  	s18 =	ssub.s32 s7, s12;
	s12 =	sadd.s32 s4, s11;
	[smem:$0x7F1] =	sst s9  }
0x32: {  	s13 =	sor.u32 $0x5000, s10;
	s17 =	sshll.u32 s6, $0xB;
	[smem:$0x7F2] =	sst s12  }
0x33: {  	s31 =	simm.s32 $0x6;
	s7 =	sadd.s32 s4, s13;
	[smem:$0x7FD] =	sst s17  }
0x34: {  	s10 =	sor.u32 $0x7000, s10;
	s1 =	sshll.u32 s5, $0xD;
	[smem:$0x7F0] =	sst s7  }
0x35: {  	s14 =	sadd.s32 s2, s13;
	s15 =	sadd.s32 s4, s10;
	[smem:$0x7FC] =	sst s1  }
0x36: {  	s19 =	sshllo.u32 s5, $0x2;
	s16 =	sadd.s32 s2, s11;
	[smem:$0x7F3] =	sst s14  }
0x37: {  	s22 =	sadd.s32 s2, s10;
	s9 =	sshll.u32 s8, $0xB;
	[smem:$0x7F4] =	sst s15  }
0x38: {  	s10 =	sshll.u32 s6, $0x8;
	s7 =	sshll.u32 s19, $0xF;
	[smem:$0x7F5] =	sst s16  }
0x39: {  	[smem:$0x7F7] =	sst s22;
	s1 =	sshll.u32 s19, $0xB;
	s10 =	sadd.s32 s20, s10  }
0x3a: {  	v1 =	vmov s9;
	s9 =	simm.s32 $0x10880;
	s21 =	sadd.s32 s4, s7;
	s23 =	sor.u32 $0x1000, s7  }
0x3b: {  	s25 =	sadd.s32 s2, s7;
	s26 =	sor.u32 $0x2000, s7;
	s13 =	sor.u32 $0x3000, s7  }
0x3c: {  	s14 =	sor.u32 $0x4000, s7;
	s15 =	sor.u32 $0x5000, s7;
	s6 =	sld [smem:$0x7FC]  }
0x3d: {  	v0 =	vmov s1;
	s1 =	simm.s32 $0x10800;
	[smem:$0x7F6] =	sst s21;
	s24 =	sadd.s32 s4, s23  }
0x3e: {  	[smem:$0x7F9] =	sst s25;
	s12 =	sadd.s32 s4, s26;
	s29 =	sadd.s32 s2, s23  }
0x3f: {  	s28 =	sadd.s32 s4, s13;
	s26 =	sadd.s32 s2, s26;
	s22 =	sadd.s32 s2, s13  }
0x40: {  	s21 =	sadd.s32 s4, s15;
	s17 =	sadd.s32 s2, s14;
	s23 =	sor.u32 $0x6000, s7  }
0x41: {  	s15 =	sadd.s32 s2, s15;
	s25 =	sor.u32 $0x7000, s7;
	s7 =	sshll.u32 s5, $0xA  }
0x42: {  	s5 =	smax.u32 s18, $0x1;
	s18 =	simm.s32 $0x3;
	[smem:$0x7F8] =	sst s24  }
0x43: {  	[smem:$0x7FA] =	sst s12;
	s24 =	sadd.s32 s4, s14;
	s16 =	sadd.s32 s4, s23  }
0x44: {  	s14 =	sadd.s32 s4, s25;
	s13 =	sadd.s32 s2, s23;
	s12 =	sadd.s32 s2, s25  }
0x45: {  	s11 =	sadd.s32 s20, s7;
	s23 =	sshll.u32 s8, $0x8;
	p1 =	sne.s32 s5, $0x1  }
.Ltmp0:
0x46: {  	s25 =	sshll.u32 s19, $0x8;
	s0 =	sadd.s32 $0xFFFFFFFF, s5;
	(pc) =	sbr.rel @!p1 .LBB2_5-.Ltmp0, $4  }
0x47: {  	s19 =	simm.s32 $0x4;
	s5 =	simm.s32 $0x5;
	s8 =	sld [smem:$0x7FD]  }
0x48: {  	s7 =	sadd.s32 s20, s23;
	s4 =	sadd.s32 s20, s25;
	[smem:$0x7FB] =	sst s0  }
0x49: {  	s20 =	simm.s32 $0x8000;
	s25 =	simm.s32 $0x1;
	s23 =	simm.s32 $0x2  }
0x4a: {  	v3 =	vmov s6;
	s6 =	simm.s32 $0x10000;
	s0 =	rddreg [dreg:$0x5];
	v2 =	vmov s8;
	s8 =	simm.s32 $0x10  }
0x4b: {  	[tilespmem:s1], [sflag:$0x6] =	stream.linear.gather [hbm4b:s0+s3], $0x80, $0x38;
	[tilespmem:$0x10900] =	vst v63  }
0x4c: {  	_ =	swait.ge [sflag:s31], $0x80  }
0x4d: {  	[sflag:s31] =	ssyncset.done $0x0  }
0x4e: {  	s1 =	rddreg [dreg:$0x6];
	[sflag:s31] =	ssyncadd.s32 $0xFFFFFF80  }
0x4f: {  	[tilespmem:s3], [sflag:$0x1] =	stream.linear.gather [hbm4b:s1+s3], $0x8000, $0x38;
	[tilespmem:$0x10900] =	vst v63  }
0x50: {  	s30 =	rddreg [dreg:$0x7]  }
0x51: {  	[tilespmem:s20], [sflag:$0x2] =	stream.linear.gather [hbm4b:s30+s3], $0x8000, $0x38;
	[tilespmem:$0x10900] =	vst v63  }
0x52: {  	_ =	swait.ge [sflag:s25], $0x8000  }
0x53: {  	[sflag:s25] =	ssyncset.done $0x0  }
0x54: {  	s30 =	rddreg [dreg:$0x8];
	[sflag:s25] =	ssyncadd.s32 $0xFFFF8000  }
0x55: {  	[hbm4b:s30+s3] =	stream.linear.scatter [tilespmem:s3], [sflag:$0x3], $0x8000, $0x38;
	[tilespmem:$0x10900] =	vst v63  }
0x56: {  	_ =	swait.ge [sflag:s18], $0x8000  }
0x57: {  	[sflag:s18] =	ssyncset.done $0x0  }
0x58: {  	s1 =	rddreg [dreg:$0x9];
	[sflag:s18] =	ssyncadd.s32 $0xFFFF8000  }
0x59: {  	[tilespmem:s3], [sflag:$0x1] =	stream.linear.gather [hbm4b:s1+s3], $0x8000, $0x38;
	[tilespmem:$0x10900] =	vst v63  }
0x5a: {  	_ =	swait.ge [sflag:s23], $0x8000  }
0x5b: {  	[sflag:s23] =	ssyncset.done $0x0  }
0x5c: {  	s30 =	rddreg [dreg:$0xa];
	[sflag:s23] =	ssyncadd.s32 $0xFFFF8000  }
0x5d: {  	[hbm4b:s30+s3] =	stream.linear.scatter [tilespmem:s20], [sflag:$0x4], $0x8000, $0x38;
	[tilespmem:$0x10900] =	vst v63  }
0x5e: {  	_ =	swait.ge [sflag:s19], $0x8000  }
0x5f: {  	[sflag:s19] =	ssyncset.done $0x0  }
0x60: {  	s1 =	rddreg [dreg:$0xb];
	[sflag:s19] =	ssyncadd.s32 $0xFFFF8000  }
0x61: {  	[tilespmem:s20], [sflag:$0x2] =	stream.linear.gather [hbm4b:s1+s3], $0x8000, $0x38;
	[tilespmem:$0x10900] =	vst v63  }
0x62: {  	_ =	swait.ge [sflag:s25], $0x8000  }
0x63: {  	[sflag:s25] =	ssyncset.done $0x0  }
0x64: {  	s30 =	rddreg [dreg:$0xc];
	[sflag:s25] =	ssyncadd.s32 $0xFFFF8000  }
0x65: {  	[hbm4b:s30+s3] =	stream.linear.scatter [tilespmem:s3], [sflag:$0x3], $0x8000, $0x38;
	[tilespmem:$0x10900] =	vst v63  }
0x66: {  	_ =	swait.ge [sflag:s18], $0x8000  }
0x67: {  	[sflag:s18] =	ssyncset.done $0x0  }
0x68: {  	s1 =	rddreg [dreg:$0xd];
	[sflag:s18] =	ssyncadd.s32 $0xFFFF8000  }
0x69: {  	[tilespmem:s3], [sflag:$0x1] =	stream.linear.gather [hbm4b:s1+s3], $0x8000, $0x38;
	[tilespmem:$0x10900] =	vst v63  }
0x6a: {  	_ =	swait.ge [sflag:s23], $0x8000  }
0x6b: {  	[sflag:s23] =	ssyncset.done $0x0  }
0x6c: {  	s30 =	rddreg [dreg:$0xe];
	[sflag:s23] =	ssyncadd.s32 $0xFFFF8000  }
0x6d: {  	[hbm4b:s30+s3] =	stream.linear.scatter [tilespmem:s20], [sflag:$0x4], $0x8000, $0x38;
	[tilespmem:$0x10900] =	vst v63  }
0x6e: {  	_ =	swait.ge [sflag:s19], $0x8000  }
0x6f: {  	[sflag:s19] =	ssyncset.done $0x0  }
0x70: {  	s1 =	rddreg [dreg:$0xf];
	[sflag:s19] =	ssyncadd.s32 $0xFFFF8000  }
0x71: {  	[tilespmem:s20], [sflag:$0x2] =	stream.linear.gather [hbm4b:s1+s3], $0x8000, $0x38;
	[tilespmem:$0x10900] =	vst v63  }
0x72: {  	_ =	swait.ge [sflag:s25], $0x8000  }
0x73: {  	[sflag:s25] =	ssyncset.done $0x0  }
0x74: {  	s30 =	rddreg [dreg:$0x10];
	[sflag:s25] =	ssyncadd.s32 $0xFFFF8000  }
0x75: {  	[hbm4b:s30+s3] =	stream.linear.scatter [tilespmem:s3], [sflag:$0x3], $0x8000, $0x38;
	[tilespmem:$0x10900] =	vst v63  }
0x76: {  	_ =	swait.ge [sflag:s18], $0x8000  }
0x77: {  	[sflag:s18] =	ssyncset.done $0x0  }
0x78: {  	s1 =	rddreg [dreg:$0x11];
	[sflag:s18] =	ssyncadd.s32 $0xFFFF8000  }
0x79: {  	[tilespmem:s3], [sflag:$0x1] =	stream.linear.gather [hbm4b:s1+s3], $0x8000, $0x38;
	[tilespmem:$0x10900] =	vst v63  }
0x7a: {  	_ =	swait.ge [sflag:s23], $0x8000  }
0x7b: {  	[sflag:s23] =	ssyncset.done $0x0  }
0x7c: {  	s30 =	rddreg [dreg:$0x12];
	[sflag:s23] =	ssyncadd.s32 $0xFFFF8000  }
0x7d: {  	[hbm4b:s30+s3] =	stream.linear.scatter [tilespmem:s20], [sflag:$0x4], $0x8000, $0x38;
	[tilespmem:$0x10900] =	vst v63  }
0x7e: {  	_ =	swait.ge [sflag:s19], $0x8000  }
0x7f: {  	[sflag:s19] =	ssyncset.done $0x0  }
0x80: {  	s1 =	rddreg [dreg:$0x13];
	[sflag:s19] =	ssyncadd.s32 $0xFFFF8000  }
0x81: {  	[tilespmem:s20], [sflag:$0x2] =	stream.linear.gather [hbm4b:s1+s3], $0x8000, $0x38;
	[tilespmem:$0x10900] =	vst v63  }
0x82: {  	_ =	swait.ge [sflag:s25], $0x8000  }
0x83: {  	[sflag:s25] =	ssyncset.done $0x0  }
0x84: {  	s30 =	rddreg [dreg:$0x14];
	[sflag:s25] =	ssyncadd.s32 $0xFFFF8000  }
0x85: {  	[hbm4b:s30+s3] =	stream.linear.scatter [tilespmem:s3], [sflag:$0x3], $0x8000, $0x38;
	[tilespmem:$0x10900] =	vst v63  }
0x86: {  	_ =	swait.ge [sflag:s18], $0x8000  }
0x87: {  	[sflag:s18] =	ssyncset.done $0x0  }
0x88: {  	s1 =	rddreg [dreg:$0x15];
	[sflag:s18] =	ssyncadd.s32 $0xFFFF8000  }
0x89: {  	[tilespmem:s3], [sflag:$0x1] =	stream.linear.gather [hbm4b:s1+s3], $0x8000, $0x38;
	[tilespmem:$0x10900] =	vst v63  }
0x8a: {  	_ =	swait.ge [sflag:s23], $0x8000  }
0x8b: {  	[sflag:s23] =	ssyncset.done $0x0  }
0x8c: {  	s30 =	rddreg [dreg:$0x16];
	[sflag:s23] =	ssyncadd.s32 $0xFFFF8000  }
0x8d: {  	[hbm4b:s30+s3] =	stream.linear.scatter [tilespmem:s20], [sflag:$0x4], $0x8000, $0x38;
	[tilespmem:$0x10900] =	vst v63  }
0x8e: {  	_ =	swait.ge [sflag:s19], $0x8000  }
0x8f: {  	[sflag:s19] =	ssyncset.done $0x0  }
0x90: {  	s1 =	rddreg [dreg:$0x17];
	[sflag:s19] =	ssyncadd.s32 $0xFFFF8000  }
0x91: {  	[tilespmem:s20], [sflag:$0x2] =	stream.linear.gather [hbm4b:s1+s3], $0x8000, $0x38;
	[tilespmem:$0x10900] =	vst v63  }
0x92: {  	_ =	swait.ge [sflag:s25], $0x8000  }
0x93: {  	[sflag:s25] =	ssyncset.done $0x0  }
0x94: {  	s30 =	rddreg [dreg:$0x18];
	[sflag:s25] =	ssyncadd.s32 $0xFFFF8000  }
0x95: {  	[hbm4b:s30+s3] =	stream.linear.scatter [tilespmem:s3], [sflag:$0x3], $0x8000, $0x38;
	[tilespmem:$0x10900] =	vst v63  }
0x96: {  	_ =	swait.ge [sflag:s18], $0x8000  }
0x97: {  	[sflag:s18] =	ssyncset.done $0x0  }
0x98: {  	s1 =	rddreg [dreg:$0x19];
	[sflag:s18] =	ssyncadd.s32 $0xFFFF8000  }
0x99: {  	[tilespmem:s3], [sflag:$0x1] =	stream.linear.gather [hbm4b:s1+s3], $0x8000, $0x38;
	[tilespmem:$0x10900] =	vst v63  }
0x9a: {  	_ =	swait.ge [sflag:s23], $0x8000  }
0x9b: {  	[sflag:s23] =	ssyncset.done $0x0  }
0x9c: {  	s30 =	rddreg [dreg:$0x1a];
	[sflag:s23] =	ssyncadd.s32 $0xFFFF8000  }
0x9d: {  	[hbm4b:s30+s3] =	stream.linear.scatter [tilespmem:s20], [sflag:$0x4], $0x8000, $0x38;
	[tilespmem:$0x10900] =	vst v63  }
0x9e: {  	_ =	swait.ge [sflag:s19], $0x8000  }
0x9f: {  	[sflag:s19] =	ssyncset.done $0x0  }
0xa0: {  	s1 =	rddreg [dreg:$0x1b];
	[sflag:s19] =	ssyncadd.s32 $0xFFFF8000  }
0xa1: {  	[tilespmem:s20], [sflag:$0x2] =	stream.linear.gather [hbm4b:s1+s3], $0x8000, $0x38;
	[tilespmem:$0x10900] =	vst v63  }
0xa2: {  	_ =	swait.ge [sflag:s25], $0x8000  }
0xa3: {  	[sflag:s25] =	ssyncset.done $0x0  }
0xa4: {  	s30 =	rddreg [dreg:$0x1c];
	[sflag:s25] =	ssyncadd.s32 $0xFFFF8000  }
0xa5: {  	[hbm4b:s30+s3] =	stream.linear.scatter [tilespmem:s3], [sflag:$0x3], $0x8000, $0x38;
	[tilespmem:$0x10900] =	vst v63  }
0xa6: {  	_ =	swait.ge [sflag:s18], $0x8000  }
0xa7: {  	[sflag:s18] =	ssyncset.done $0x0  }
0xa8: {  	s1 =	rddreg [dreg:$0x1d];
	[sflag:s18] =	ssyncadd.s32 $0xFFFF8000  }
0xa9: {  	[tilespmem:s3], [sflag:$0x1] =	stream.linear.gather [hbm4b:s1+s3], $0x8000, $0x38;
	[tilespmem:$0x10900] =	vst v63  }
0xaa: {  	_ =	swait.ge [sflag:s23], $0x8000  }
0xab: {  	[sflag:s23] =	ssyncset.done $0x0  }
0xac: {  	s30 =	rddreg [dreg:$0x1e];
	[sflag:s23] =	ssyncadd.s32 $0xFFFF8000  }
0xad: {  	[hbm4b:s30+s3] =	stream.linear.scatter [tilespmem:s20], [sflag:$0x4], $0x8000, $0x38;
	[tilespmem:$0x10900] =	vst v63  }
0xae: {  	_ =	swait.ge [sflag:s19], $0x8000  }
0xaf: {  	[sflag:s19] =	ssyncset.done $0x0  }
0xb0: {  	s1 =	rddreg [dreg:$0x1f];
	[sflag:s19] =	ssyncadd.s32 $0xFFFF8000  }
0xb1: {  	[tilespmem:s20], [sflag:$0x2] =	stream.linear.gather [hbm4b:s1+s3], $0x8000, $0x38;
	[tilespmem:$0x10900] =	vst v63  }
0xb2: {  	_ =	swait.ge [sflag:s25], $0x8000  }
0xb3: {  	s30 =	sld [smem:$0x7E1]  }
0xb4: {  	[sflag:s25] =	ssyncset.done $0x0  }
0xb5: {  	[sflag:s25] =	ssyncadd.s32 $0xFFFF8000  }
0xb6: {  	[hbm4b:s30+s3] =	stream.linear.scatter [tilespmem:s3], [sflag:$0x3], $0x8000, $0x38;
	[tilespmem:$0x10900] =	vst v63  }
0xb7: {  	_ =	swait.ge [sflag:s18], $0x8000  }
0xb8: {  	s1 =	sld [smem:$0x7E2]  }
0xb9: {  	[sflag:s18] =	ssyncset.done $0x0  }
0xba: {  	[sflag:s18] =	ssyncadd.s32 $0xFFFF8000  }
0xbb: {  	[tilespmem:s3], [sflag:$0x1] =	stream.linear.gather [hbm4b:s1+s3], $0x8000, $0x38;
	[tilespmem:$0x10900] =	vst v63  }
0xbc: {  	_ =	swait.ge [sflag:s23], $0x8000  }
0xbd: {  	s30 =	sld [smem:$0x7E3]  }
0xbe: {  	[sflag:s23] =	ssyncset.done $0x0  }
0xbf: {  	[sflag:s23] =	ssyncadd.s32 $0xFFFF8000  }
0xc0: {  	[hbm4b:s30+s3] =	stream.linear.scatter [tilespmem:s20], [sflag:$0x4], $0x8000, $0x38;
	[tilespmem:$0x10900] =	vst v63  }
0xc1: {  	_ =	swait.ge [sflag:s19], $0x8000  }
0xc2: {  	s1 =	sld [smem:$0x7E4]  }
0xc3: {  	[sflag:s19] =	ssyncset.done $0x0  }
0xc4: {  	[sflag:s19] =	ssyncadd.s32 $0xFFFF8000  }
0xc5: {  	[tilespmem:s20], [sflag:$0x2] =	stream.linear.gather [hbm4b:s1+s3], $0x8000, $0x38;
	[tilespmem:$0x10900] =	vst v63  }
0xc6: {  	_ =	swait.ge [sflag:s25], $0x8000  }
0xc7: {  	s30 =	sld [smem:$0x7E5]  }
0xc8: {  	[sflag:s25] =	ssyncset.done $0x0  }
0xc9: {  	[sflag:s25] =	ssyncadd.s32 $0xFFFF8000  }
0xca: {  	[hbm4b:s30+s3] =	stream.linear.scatter [tilespmem:s3], [sflag:$0x3], $0x8000, $0x38;
	[tilespmem:$0x10900] =	vst v63  }
0xcb: {  	_ =	swait.ge [sflag:s18], $0x8000  }
0xcc: {  	s1 =	sld [smem:$0x7E6]  }
0xcd: {  	[sflag:s18] =	ssyncset.done $0x0  }
0xce: {  	[sflag:s18] =	ssyncadd.s32 $0xFFFF8000  }
0xcf: {  	[tilespmem:s3], [sflag:$0x1] =	stream.linear.gather [hbm4b:s1+s3], $0x8000, $0x38;
	[tilespmem:$0x10900] =	vst v63  }
0xd0: {  	_ =	swait.ge [sflag:s23], $0x8000  }
0xd1: {  	s30 =	sld [smem:$0x7E7]  }
0xd2: {  	[sflag:s23] =	ssyncset.done $0x0  }
0xd3: {  	[sflag:s23] =	ssyncadd.s32 $0xFFFF8000  }
0xd4: {  	[hbm4b:s30+s3] =	stream.linear.scatter [tilespmem:s20], [sflag:$0x4], $0x8000, $0x38;
	[tilespmem:$0x10900] =	vst v63  }
0xd5: {  	_ =	swait.ge [sflag:s19], $0x8000  }
0xd6: {  	s1 =	sld [smem:$0x7E8]  }
0xd7: {  	[sflag:s19] =	ssyncset.done $0x0  }
0xd8: {  	[sflag:s19] =	ssyncadd.s32 $0xFFFF8000  }
0xd9: {  	[tilespmem:s20], [sflag:$0x2] =	stream.linear.gather [hbm4b:s1+s3], $0x8000, $0x38;
	[tilespmem:$0x10900] =	vst v63  }
0xda: {  	_ =	swait.ge [sflag:s25], $0x8000  }
0xdb: {  	s30 =	sld [smem:$0x7E9]  }
0xdc: {  	[sflag:s25] =	ssyncset.done $0x0  }
0xdd: {  	[sflag:s25] =	ssyncadd.s32 $0xFFFF8000  }
0xde: {  	[hbm4b:s30+s3] =	stream.linear.scatter [tilespmem:s3], [sflag:$0x3], $0x8000, $0x38;
	[tilespmem:$0x10900] =	vst v63  }
0xdf: {  	_ =	swait.ge [sflag:s18], $0x8000  }
0xe0: {  	s1 =	sld [smem:$0x7EA]  }
0xe1: {  	[sflag:s18] =	ssyncset.done $0x0  }
0xe2: {  	[sflag:s18] =	ssyncadd.s32 $0xFFFF8000  }
0xe3: {  	[tilespmem:s3], [sflag:$0x1] =	stream.linear.gather [hbm4b:s1+s3], $0x8000, $0x38;
	[tilespmem:$0x10900] =	vst v63  }
0xe4: {  	_ =	swait.ge [sflag:s23], $0x8000  }
0xe5: {  	s30 =	sld [smem:$0x7EB]  }
0xe6: {  	[sflag:s23] =	ssyncset.done $0x0  }
0xe7: {  	[sflag:s23] =	ssyncadd.s32 $0xFFFF8000  }
0xe8: {  	[hbm4b:s30+s3] =	stream.linear.scatter [tilespmem:s20], [sflag:$0x4], $0x8000, $0x38;
	[tilespmem:$0x10900] =	vst v63  }
0xe9: {  	_ =	swait.ge [sflag:s19], $0x8000  }
0xea: {  	s1 =	sld [smem:$0x7EC]  }
0xeb: {  	[sflag:s19] =	ssyncset.done $0x0  }
0xec: {  	[sflag:s19] =	ssyncadd.s32 $0xFFFF8000  }
0xed: {  	[tilespmem:s20], [sflag:$0x2] =	stream.linear.gather [hbm4b:s1+s3], $0x8000, $0x38;
	[tilespmem:$0x10900] =	vst v63  }
0xee: {  	_ =	swait.ge [sflag:s25], $0x8000  }
0xef: {  	s30 =	sld [smem:$0x7ED]  }
0xf0: {  	[sflag:s25] =	ssyncset.done $0x0  }
0xf1: {  	[sflag:s25] =	ssyncadd.s32 $0xFFFF8000  }
0xf2: {  	[hbm4b:s30+s3] =	stream.linear.scatter [tilespmem:s3], [sflag:$0x3], $0x8000, $0x38;
	[tilespmem:$0x10900] =	vst v63  }
0xf3: {  	_ =	swait.ge [sflag:s18], $0x8000  }
0xf4: {  	s1 =	sld [smem:$0x7EE]  }
0xf5: {  	[sflag:s18] =	ssyncset.done $0x0  }
0xf6: {  	[sflag:s18] =	ssyncadd.s32 $0xFFFF8000  }
0xf7: {  	[tilespmem:s3], [sflag:$0x1] =	stream.linear.gather [hbm4b:s1+s3], $0x8000, $0x38;
	[tilespmem:$0x10900] =	vst v63  }
0xf8: {  	_ =	swait.ge [sflag:s23], $0x8000  }
0xf9: {  	s30 =	sld [smem:$0x7EF]  }
0xfa: {  	[sflag:s23] =	ssyncset.done $0x0  }
0xfb: {  	[sflag:s23] =	ssyncadd.s32 $0xFFFF8000  }
0xfc: {  	[hbm4b:s30+s3] =	stream.linear.scatter [tilespmem:s20], [sflag:$0x4], $0x8000, $0x38;
	[tilespmem:$0x10900] =	vst v63  }
0xfd: {  	_ =	swait.ge [sflag:s19], $0x8000  }
0xfe: {  	s1 =	sld [smem:$0x7F0]  }
0xff: {  	[sflag:s19] =	ssyncset.done $0x0  }
0x100: {  	[sflag:s19] =	ssyncadd.s32 $0xFFFF8000  }
0x101: {  	[tilespmem:s20], [sflag:$0x2] =	stream.linear.gather [hbm4b:s1+s3], $0x8000, $0x38;
	[tilespmem:$0x10900] =	vst v63  }
0x102: {  	_ =	swait.ge [sflag:s25], $0x8000  }
0x103: {  	s30 =	sld [smem:$0x7F1]  }
0x104: {  	[sflag:s25] =	ssyncset.done $0x0  }
0x105: {  	[sflag:s25] =	ssyncadd.s32 $0xFFFF8000  }
0x106: {  	[hbm4b:s30+s3] =	stream.linear.scatter [tilespmem:s3], [sflag:$0x3], $0x8000, $0x38;
	[tilespmem:$0x10900] =	vst v63  }
0x107: {  	_ =	swait.ge [sflag:s18], $0x8000  }
0x108: {  	s1 =	sld [smem:$0x7F2]  }
0x109: {  	[sflag:s18] =	ssyncset.done $0x0  }
0x10a: {  	[sflag:s18] =	ssyncadd.s32 $0xFFFF8000  }
0x10b: {  	[tilespmem:s3], [sflag:$0x1] =	stream.linear.gather [hbm4b:s1+s3], $0x8000, $0x38;
	[tilespmem:$0x10900] =	vst v63  }
0x10c: {  	_ =	swait.ge [sflag:s23], $0x8000  }
0x10d: {  	s30 =	sld [smem:$0x7F3]  }
0x10e: {  	[sflag:s23] =	ssyncset.done $0x0  }
0x10f: {  	[sflag:s23] =	ssyncadd.s32 $0xFFFF8000  }
0x110: {  	[hbm4b:s30+s3] =	stream.linear.scatter [tilespmem:s20], [sflag:$0x4], $0x8000, $0x38;
	[tilespmem:$0x10900] =	vst v63  }
0x111: {  	_ =	swait.ge [sflag:s19], $0x8000  }
0x112: {  	s1 =	sld [smem:$0x7F4]  }
0x113: {  	[sflag:s19] =	ssyncset.done $0x0  }
0x114: {  	[sflag:s19] =	ssyncadd.s32 $0xFFFF8000  }
0x115: {  	[tilespmem:s20], [sflag:$0x2] =	stream.linear.gather [hbm4b:s1+s3], $0x8000, $0x38;
	[tilespmem:$0x10900] =	vst v63  }
0x116: {  	_ =	swait.ge [sflag:s25], $0x8000  }
0x117: {  	s30 =	sld [smem:$0x7F5]  }
0x118: {  	[sflag:s25] =	ssyncset.done $0x0  }
0x119: {  	[sflag:s25] =	ssyncadd.s32 $0xFFFF8000  }
0x11a: {  	[hbm4b:s30+s3] =	stream.linear.scatter [tilespmem:s3], [sflag:$0x3], $0x8000, $0x38;
	[tilespmem:$0x10900] =	vst v63  }
0x11b: {  	_ =	swait.ge [sflag:s18], $0x8000  }
0x11c: {  	s1 =	sld [smem:$0x7F6]  }
0x11d: {  	[sflag:s18] =	ssyncset.done $0x0  }
0x11e: {  	[sflag:s18] =	ssyncadd.s32 $0xFFFF8000  }
0x11f: {  	[tilespmem:s3], [sflag:$0x1] =	stream.linear.gather [hbm4b:s1+s3], $0x8000, $0x38;
	[tilespmem:$0x10900] =	vst v63  }
0x120: {  	_ =	swait.ge [sflag:s23], $0x8000  }
0x121: {  	s30 =	sld [smem:$0x7F7]  }
0x122: {  	[sflag:s23] =	ssyncset.done $0x0  }
0x123: {  	[sflag:s23] =	ssyncadd.s32 $0xFFFF8000  }
0x124: {  	[hbm4b:s30+s3] =	stream.linear.scatter [tilespmem:s20], [sflag:$0x4], $0x8000, $0x38;
	[tilespmem:$0x10900] =	vst v63  }
0x125: {  	_ =	swait.ge [sflag:s19], $0x8000  }
0x126: {  	s1 =	sld [smem:$0x7F8]  }
0x127: {  	[sflag:s19] =	ssyncset.done $0x0  }
0x128: {  	[sflag:s19] =	ssyncadd.s32 $0xFFFF8000  }
0x129: {  	[tilespmem:s20], [sflag:$0x2] =	stream.linear.gather [hbm4b:s1+s3], $0x8000, $0x38;
	[tilespmem:$0x10900] =	vst v63  }
0x12a: {  	_ =	swait.ge [sflag:s25], $0x8000  }
0x12b: {  	s30 =	sld [smem:$0x7F9]  }
0x12c: {  	[sflag:s25] =	ssyncset.done $0x0  }
0x12d: {  	[sflag:s25] =	ssyncadd.s32 $0xFFFF8000  }
0x12e: {  	[hbm4b:s30+s3] =	stream.linear.scatter [tilespmem:s3], [sflag:$0x3], $0x8000, $0x38;
	[tilespmem:$0x10900] =	vst v63  }
0x12f: {  	_ =	swait.ge [sflag:s18], $0x8000  }
0x130: {  	s1 =	sld [smem:$0x7FA]  }
0x131: {  	[sflag:s18] =	ssyncset.done $0x0  }
0x132: {  	[sflag:s18] =	ssyncadd.s32 $0xFFFF8000  }
0x133: {  	[tilespmem:s3], [sflag:$0x1] =	stream.linear.gather [hbm4b:s1+s3], $0x8000, $0x38;
	[tilespmem:$0x10900] =	vst v63  }
0x134: {  	_ =	swait.ge [sflag:s23], $0x8000  }
0x135: {  	[sflag:s23] =	ssyncset.done $0x0  }
0x136: {  	[sflag:s23] =	ssyncadd.s32 $0xFFFF8000  }
0x137: {  	[hbm4b:s29+s3] =	stream.linear.scatter [tilespmem:s20], [sflag:$0x4], $0x8000, $0x38;
	[tilespmem:$0x10900] =	vst v63  }
0x138: {  	_ =	swait.ge [sflag:s19], $0x8000  }
0x139: {  	[sflag:s19] =	ssyncset.done $0x0  }
0x13a: {  	[sflag:s19] =	ssyncadd.s32 $0xFFFF8000  }
0x13b: {  	[tilespmem:s20], [sflag:$0x2] =	stream.linear.gather [hbm4b:s28+s3], $0x8000, $0x38;
	[tilespmem:$0x10900] =	vst v63  }
0x13c: {  	_ =	swait.ge [sflag:s25], $0x8000  }
0x13d: {  	[sflag:s25] =	ssyncset.done $0x0  }
0x13e: {  	[sflag:s25] =	ssyncadd.s32 $0xFFFF8000  }
0x13f: {  	[hbm4b:s26+s3] =	stream.linear.scatter [tilespmem:s3], [sflag:$0x3], $0x8000, $0x38;
	[tilespmem:$0x10900] =	vst v63  }
0x140: {  	_ =	swait.ge [sflag:s18], $0x8000  }
0x141: {  	[sflag:s18] =	ssyncset.done $0x0  }
0x142: {  	[sflag:s18] =	ssyncadd.s32 $0xFFFF8000  }
0x143: {  	[tilespmem:s3], [sflag:$0x1] =	stream.linear.gather [hbm4b:s24+s3], $0x8000, $0x38;
	[tilespmem:$0x10900] =	vst v63  }
0x144: {  	_ =	swait.ge [sflag:s23], $0x8000  }
0x145: {  	[sflag:s23] =	ssyncset.done $0x0  }
0x146: {  	[sflag:s23] =	ssyncadd.s32 $0xFFFF8000  }
0x147: {  	[hbm4b:s22+s3] =	stream.linear.scatter [tilespmem:s20], [sflag:$0x4], $0x8000, $0x38;
	[tilespmem:$0x10900] =	vst v63  }
0x148: {  	_ =	swait.ge [sflag:s19], $0x8000  }
0x149: {  	[sflag:s19] =	ssyncset.done $0x0  }
0x14a: {  	[sflag:s19] =	ssyncadd.s32 $0xFFFF8000  }
0x14b: {  	[tilespmem:s20], [sflag:$0x2] =	stream.linear.gather [hbm4b:s21+s3], $0x8000, $0x38;
	[tilespmem:$0x10900] =	vst v63  }
0x14c: {  	_ =	swait.ge [sflag:s25], $0x8000  }
0x14d: {  	[sflag:s25] =	ssyncset.done $0x0  }
0x14e: {  	[sflag:s25] =	ssyncadd.s32 $0xFFFF8000  }
0x14f: {  	[hbm4b:s17+s3] =	stream.linear.scatter [tilespmem:s3], [sflag:$0x3], $0x8000, $0x38;
	[tilespmem:$0x10900] =	vst v63  }
0x150: {  	_ =	swait.ge [sflag:s18], $0x8000  }
0x151: {  	[sflag:s18] =	ssyncset.done $0x0  }
0x152: {  	[sflag:s18] =	ssyncadd.s32 $0xFFFF8000  }
0x153: {  	[tilespmem:s3], [sflag:$0x1] =	stream.linear.gather [hbm4b:s16+s3], $0x8000, $0x38;
	[tilespmem:$0x10900] =	vst v63  }
0x154: {  	_ =	swait.ge [sflag:s23], $0x8000  }
0x155: {  	[sflag:s23] =	ssyncset.done $0x0  }
0x156: {  	[sflag:s23] =	ssyncadd.s32 $0xFFFF8000  }
0x157: {  	[hbm4b:s15+s3] =	stream.linear.scatter [tilespmem:s20], [sflag:$0x4], $0x8000, $0x38;
	[tilespmem:$0x10900] =	vst v63  }
0x158: {  	_ =	swait.ge [sflag:s19], $0x8000  }
0x159: {  	[sflag:s19] =	ssyncset.done $0x0  }
0x15a: {  	[sflag:s19] =	ssyncadd.s32 $0xFFFF8000  }
0x15b: {  	[tilespmem:s20], [sflag:$0x2] =	stream.linear.gather [hbm4b:s14+s3], $0x8000, $0x38;
	[tilespmem:$0x10900] =	vst v63  }
0x15c: {  	_ =	swait.ge [sflag:s25], $0x8000  }
0x15d: {  	[sflag:s25] =	ssyncset.done $0x0  }
0x15e: {  	[sflag:s25] =	ssyncadd.s32 $0xFFFF8000  }
0x15f: {  	[hbm4b:s13+s3] =	stream.linear.scatter [tilespmem:s3], [sflag:$0x3], $0x8000, $0x38;
	[tilespmem:$0x10900] =	vst v63  }
0x160: {  	_ =	swait.ge [sflag:s23], $0x8000  }
0x161: {  	[sflag:s23] =	ssyncset.done $0x0  }
0x162: {  	[sflag:s23] =	ssyncadd.s32 $0xFFFF8000  }
0x163: {  	[hbm4b:s12+s3] =	stream.linear.scatter [tilespmem:s20], [sflag:$0x4], $0x8000, $0x38;
	[tilespmem:$0x10900] =	vst v63  }
0x164: {  	_ =	swait.ge [sflag:s18], $0x8000  }
0x165: {  	[sflag:s18] =	ssyncset.done $0x0  }
0x166: {  	[sflag:s18] =	ssyncadd.s32 $0xFFFF8000  }
0x167: {  	_ =	swait.ge [sflag:s19], $0x8000  }
0x168: {  	[sflag:s19] =	ssyncset.done $0x0  }
0x169: {  	[sflag:s19] =	ssyncadd.s32 $0xFFFF8000  }
0x16a: {  	v4 =	vld [tilespmem:$0x10800];
	_ =	sdelay $0x4  }
0x16b: {  	v4 =	vadd.s32 v3, v4  }
0x16c: {  	[tilespmem:$0x10880] =	vst v4  }
0x16d: {  	[tilespmem:s6], [sflag:$0x5] =	stream.linear.gather [hbm4b:s11+s3], $0x800, $0x38;
	[tilespmem:$0x10900] =	vst v63  }
0x16e: {  	_ =	swait.ge [sflag:s5], $0x800  }
0x16f: {  	[sflag:s5] =	ssyncset.done $0x0  }
0x170: {  	[sflag:s5] =	ssyncadd.s32 $0xFFFFF800  }
0x171: {  	[hbm4b:s2+s8] =	stream.indirect.scatter [tilespmem:s6], [sflag:$0x5], $0x80, s9, s8, $0xb8;
	[tilespmem:$0x10900] =	vst v63  }
0x172: {  	_ =	swait.ge [sflag:s5], $0x800  }
0x173: {  	[sflag:s5] =	ssyncset.done $0x0  }
0x174: {  	[sflag:s5] =	ssyncadd.s32 $0xFFFFF800  }
0x175: {  	v4 =	vld [tilespmem:$0x10800];
	_ =	sdelay $0x4  }
0x176: {  	v4 =	vadd.s32 v2, v4  }
0x177: {  	[tilespmem:$0x10880] =	vst v4  }
0x178: {  	[tilespmem:s6], [sflag:$0x5] =	stream.linear.gather [hbm4b:s10+s3], $0x800, $0x38;
	[tilespmem:$0x10900] =	vst v63  }
0x179: {  	_ =	swait.ge [sflag:s5], $0x800  }
0x17a: {  	[sflag:s5] =	ssyncset.done $0x0  }
0x17b: {  	[sflag:s5] =	ssyncadd.s32 $0xFFFFF800  }
0x17c: {  	[hbm4b:s2+s8] =	stream.indirect.scatter [tilespmem:s6], [sflag:$0x5], $0x80, s9, s8, $0xb8;
	[tilespmem:$0x10900] =	vst v63  }
0x17d: {  	_ =	swait.ge [sflag:s5], $0x800  }
0x17e: {  	[sflag:s5] =	ssyncset.done $0x0  }
0x17f: {  	[sflag:s5] =	ssyncadd.s32 $0xFFFFF800  }
0x180: {  	v4 =	vld [tilespmem:$0x10800];
	_ =	sdelay $0x4  }
0x181: {  	v4 =	vadd.s32 v1, v4  }
0x182: {  	[tilespmem:$0x10880] =	vst v4  }
0x183: {  	[tilespmem:s6], [sflag:$0x5] =	stream.linear.gather [hbm4b:s7+s3], $0x800, $0x38;
	[tilespmem:$0x10900] =	vst v63  }
0x184: {  	_ =	swait.ge [sflag:s5], $0x800  }
0x185: {  	[sflag:s5] =	ssyncset.done $0x0  }
0x186: {  	[sflag:s5] =	ssyncadd.s32 $0xFFFFF800  }
0x187: {  	[hbm4b:s2+s8] =	stream.indirect.scatter [tilespmem:s6], [sflag:$0x5], $0x80, s9, s8, $0xb8;
	[tilespmem:$0x10900] =	vst v63  }
0x188: {  	_ =	swait.ge [sflag:s5], $0x800  }
0x189: {  	[sflag:s5] =	ssyncset.done $0x0  }
0x18a: {  	[sflag:s5] =	ssyncadd.s32 $0xFFFFF800  }
0x18b: {  	v4 =	vld [tilespmem:$0x10800];
	_ =	sdelay $0x4  }
0x18c: {  	v4 =	vadd.s32 v0, v4  }
0x18d: {  	[tilespmem:$0x10880] =	vst v4  }
0x18e: {  	[tilespmem:s6], [sflag:$0x5] =	stream.linear.gather [hbm4b:s4+s3], $0x800, $0x38;
	[tilespmem:$0x10900] =	vst v63  }
0x18f: {  	_ =	swait.ge [sflag:s5], $0x800  }
0x190: {  	s30 =	sld [smem:$0x7FB];
	_ =	sdelay $0x2  }
0x191: {  	p1 =	sne.s32 s30, $0x1  }
.Ltmp1:
0x192: {  	[sflag:s5] =	ssyncset.done $0x0;
	(pc) =	sbr.rel @!p1 .LBB2_2-.Ltmp1, $4  }
0x193: {  	[sflag:s5] =	ssyncadd.s32 $0xFFFFF800  }
0x194: {  	[hbm4b:s2+s8] =	stream.indirect.scatter [tilespmem:s6], [sflag:$0x5], $0x80, s9, s8, $0xb8;
	[tilespmem:$0x10900] =	vst v63  }
0x195: {  	p0 =	por $0x1, $0x1;
	_ =	swait.ge [sflag:s5], $0x800  }
0x196: {  	s1 =	sadd.s32 $0xFFFFFFFF, s30;
	s0 =	rddreg [dreg:$0x5];
	[sflag:s5] =	ssyncset.done $0x0  }
.LBB2_3:
0x197: {  	[sflag:s5] =	ssyncadd.s32 $0xFFFFF800;
	s30 =	simm.s32 $0x10800  }
0x198: {  	[tilespmem:s30], [sflag:$0x6] =	stream.linear.gather [hbm4b:s0+s3], $0x80, $0x38;
	[tilespmem:$0x10900] =	vst v63  }
0x199: {  	_ =	swait.ge [sflag:s31], $0x80  }
0x19a: {  	[sflag:s31] =	ssyncset.done $0x0  }
0x19b: {  	s0 =	rddreg [dreg:$0x6];
	[sflag:s31] =	ssyncadd.s32 $0xFFFFFF80  }
0x19c: {  	[tilespmem:s3], [sflag:$0x1] =	stream.linear.gather [hbm4b:s0+s3], $0x8000, $0x38;
	[tilespmem:$0x10900] =	vst v63  }
0x19d: {  	s30 =	rddreg [dreg:$0x7]  }
0x19e: {  	[tilespmem:s20], [sflag:$0x2] =	stream.linear.gather [hbm4b:s30+s3], $0x8000, $0x38;
	[tilespmem:$0x10900] =	vst v63  }
0x19f: {  	_ =	swait.ge [sflag:s25], $0x8000  }
0x1a0: {  	[sflag:s25] =	ssyncset.done $0x0  }
0x1a1: {  	s30 =	rddreg [dreg:$0x8];
	[sflag:s25] =	ssyncadd.s32 $0xFFFF8000  }
0x1a2: {  	[hbm4b:s30+s3] =	stream.linear.scatter [tilespmem:s3], [sflag:$0x3], $0x8000, $0x38;
	[tilespmem:$0x10900] =	vst v63  }
0x1a3: {  	_ =	swait.ge [sflag:s18], $0x8000  }
0x1a4: {  	[sflag:s18] =	ssyncset.done $0x0  }
0x1a5: {  	s30 =	rddreg [dreg:$0x9];
	[sflag:s18] =	ssyncadd.s32 $0xFFFF8000  }
0x1a6: {  	[tilespmem:s3], [sflag:$0x1] =	stream.linear.gather [hbm4b:s30+s3], $0x8000, $0x38;
	[tilespmem:$0x10900] =	vst v63  }
0x1a7: {  	_ =	swait.ge [sflag:s23], $0x8000  }
0x1a8: {  	[sflag:s23] =	ssyncset.done $0x0  }
0x1a9: {  	s30 =	rddreg [dreg:$0xa];
	[sflag:s23] =	ssyncadd.s32 $0xFFFF8000  }
0x1aa: {  	[hbm4b:s30+s3] =	stream.linear.scatter [tilespmem:s20], [sflag:$0x4], $0x8000, $0x38;
	[tilespmem:$0x10900] =	vst v63  }
0x1ab: {  	_ =	swait.ge [sflag:s19], $0x8000  }
0x1ac: {  	[sflag:s19] =	ssyncset.done $0x0  }
0x1ad: {  	s30 =	rddreg [dreg:$0xb];
	[sflag:s19] =	ssyncadd.s32 $0xFFFF8000  }
0x1ae: {  	[tilespmem:s20], [sflag:$0x2] =	stream.linear.gather [hbm4b:s30+s3], $0x8000, $0x38;
	[tilespmem:$0x10900] =	vst v63  }
0x1af: {  	_ =	swait.ge [sflag:s25], $0x8000  }
0x1b0: {  	[sflag:s25] =	ssyncset.done $0x0  }
0x1b1: {  	s30 =	rddreg [dreg:$0xc];
	[sflag:s25] =	ssyncadd.s32 $0xFFFF8000  }
0x1b2: {  	[hbm4b:s30+s3] =	stream.linear.scatter [tilespmem:s3], [sflag:$0x3], $0x8000, $0x38;
	[tilespmem:$0x10900] =	vst v63  }
0x1b3: {  	_ =	swait.ge [sflag:s18], $0x8000  }
0x1b4: {  	[sflag:s18] =	ssyncset.done $0x0  }
0x1b5: {  	s30 =	rddreg [dreg:$0xd];
	[sflag:s18] =	ssyncadd.s32 $0xFFFF8000  }
0x1b6: {  	[tilespmem:s3], [sflag:$0x1] =	stream.linear.gather [hbm4b:s30+s3], $0x8000, $0x38;
	[tilespmem:$0x10900] =	vst v63  }
0x1b7: {  	_ =	swait.ge [sflag:s23], $0x8000  }
0x1b8: {  	[sflag:s23] =	ssyncset.done $0x0  }
0x1b9: {  	s30 =	rddreg [dreg:$0xe];
	[sflag:s23] =	ssyncadd.s32 $0xFFFF8000  }
0x1ba: {  	[hbm4b:s30+s3] =	stream.linear.scatter [tilespmem:s20], [sflag:$0x4], $0x8000, $0x38;
	[tilespmem:$0x10900] =	vst v63  }
0x1bb: {  	_ =	swait.ge [sflag:s19], $0x8000  }
0x1bc: {  	[sflag:s19] =	ssyncset.done $0x0  }
0x1bd: {  	s30 =	rddreg [dreg:$0xf];
	[sflag:s19] =	ssyncadd.s32 $0xFFFF8000  }
0x1be: {  	[tilespmem:s20], [sflag:$0x2] =	stream.linear.gather [hbm4b:s30+s3], $0x8000, $0x38;
	[tilespmem:$0x10900] =	vst v63  }
0x1bf: {  	_ =	swait.ge [sflag:s25], $0x8000  }
0x1c0: {  	[sflag:s25] =	ssyncset.done $0x0  }
0x1c1: {  	s30 =	rddreg [dreg:$0x10];
	[sflag:s25] =	ssyncadd.s32 $0xFFFF8000  }
0x1c2: {  	[hbm4b:s30+s3] =	stream.linear.scatter [tilespmem:s3], [sflag:$0x3], $0x8000, $0x38;
	[tilespmem:$0x10900] =	vst v63  }
0x1c3: {  	_ =	swait.ge [sflag:s18], $0x8000  }
0x1c4: {  	[sflag:s18] =	ssyncset.done $0x0  }
0x1c5: {  	s30 =	rddreg [dreg:$0x11];
	[sflag:s18] =	ssyncadd.s32 $0xFFFF8000  }
0x1c6: {  	[tilespmem:s3], [sflag:$0x1] =	stream.linear.gather [hbm4b:s30+s3], $0x8000, $0x38;
	[tilespmem:$0x10900] =	vst v63  }
0x1c7: {  	_ =	swait.ge [sflag:s23], $0x8000  }
0x1c8: {  	[sflag:s23] =	ssyncset.done $0x0  }
0x1c9: {  	s30 =	rddreg [dreg:$0x12];
	[sflag:s23] =	ssyncadd.s32 $0xFFFF8000  }
0x1ca: {  	[hbm4b:s30+s3] =	stream.linear.scatter [tilespmem:s20], [sflag:$0x4], $0x8000, $0x38;
	[tilespmem:$0x10900] =	vst v63  }
0x1cb: {  	_ =	swait.ge [sflag:s19], $0x8000  }
0x1cc: {  	[sflag:s19] =	ssyncset.done $0x0  }
0x1cd: {  	s30 =	rddreg [dreg:$0x13];
	[sflag:s19] =	ssyncadd.s32 $0xFFFF8000  }
0x1ce: {  	[tilespmem:s20], [sflag:$0x2] =	stream.linear.gather [hbm4b:s30+s3], $0x8000, $0x38;
	[tilespmem:$0x10900] =	vst v63  }
0x1cf: {  	_ =	swait.ge [sflag:s25], $0x8000  }
0x1d0: {  	[sflag:s25] =	ssyncset.done $0x0  }
0x1d1: {  	s30 =	rddreg [dreg:$0x14];
	[sflag:s25] =	ssyncadd.s32 $0xFFFF8000  }
0x1d2: {  	[hbm4b:s30+s3] =	stream.linear.scatter [tilespmem:s3], [sflag:$0x3], $0x8000, $0x38;
	[tilespmem:$0x10900] =	vst v63  }
0x1d3: {  	_ =	swait.ge [sflag:s18], $0x8000  }
0x1d4: {  	[sflag:s18] =	ssyncset.done $0x0  }
0x1d5: {  	s30 =	rddreg [dreg:$0x15];
	[sflag:s18] =	ssyncadd.s32 $0xFFFF8000  }
0x1d6: {  	[tilespmem:s3], [sflag:$0x1] =	stream.linear.gather [hbm4b:s30+s3], $0x8000, $0x38;
	[tilespmem:$0x10900] =	vst v63  }
0x1d7: {  	_ =	swait.ge [sflag:s23], $0x8000  }
0x1d8: {  	[sflag:s23] =	ssyncset.done $0x0  }
0x1d9: {  	s30 =	rddreg [dreg:$0x16];
	[sflag:s23] =	ssyncadd.s32 $0xFFFF8000  }
0x1da: {  	[hbm4b:s30+s3] =	stream.linear.scatter [tilespmem:s20], [sflag:$0x4], $0x8000, $0x38;
	[tilespmem:$0x10900] =	vst v63  }
0x1db: {  	_ =	swait.ge [sflag:s19], $0x8000  }
0x1dc: {  	[sflag:s19] =	ssyncset.done $0x0  }
0x1dd: {  	s30 =	rddreg [dreg:$0x17];
	[sflag:s19] =	ssyncadd.s32 $0xFFFF8000  }
0x1de: {  	[tilespmem:s20], [sflag:$0x2] =	stream.linear.gather [hbm4b:s30+s3], $0x8000, $0x38;
	[tilespmem:$0x10900] =	vst v63  }
0x1df: {  	_ =	swait.ge [sflag:s25], $0x8000  }
0x1e0: {  	[sflag:s25] =	ssyncset.done $0x0  }
0x1e1: {  	s30 =	rddreg [dreg:$0x18];
	[sflag:s25] =	ssyncadd.s32 $0xFFFF8000  }
0x1e2: {  	[hbm4b:s30+s3] =	stream.linear.scatter [tilespmem:s3], [sflag:$0x3], $0x8000, $0x38;
	[tilespmem:$0x10900] =	vst v63  }
0x1e3: {  	_ =	swait.ge [sflag:s18], $0x8000  }
0x1e4: {  	[sflag:s18] =	ssyncset.done $0x0  }
0x1e5: {  	s30 =	rddreg [dreg:$0x19];
	[sflag:s18] =	ssyncadd.s32 $0xFFFF8000  }
0x1e6: {  	[tilespmem:s3], [sflag:$0x1] =	stream.linear.gather [hbm4b:s30+s3], $0x8000, $0x38;
	[tilespmem:$0x10900] =	vst v63  }
0x1e7: {  	_ =	swait.ge [sflag:s23], $0x8000  }
0x1e8: {  	[sflag:s23] =	ssyncset.done $0x0  }
0x1e9: {  	s30 =	rddreg [dreg:$0x1a];
	[sflag:s23] =	ssyncadd.s32 $0xFFFF8000  }
0x1ea: {  	[hbm4b:s30+s3] =	stream.linear.scatter [tilespmem:s20], [sflag:$0x4], $0x8000, $0x38;
	[tilespmem:$0x10900] =	vst v63  }
0x1eb: {  	_ =	swait.ge [sflag:s19], $0x8000  }
0x1ec: {  	[sflag:s19] =	ssyncset.done $0x0  }
0x1ed: {  	s30 =	rddreg [dreg:$0x1b];
	[sflag:s19] =	ssyncadd.s32 $0xFFFF8000  }
0x1ee: {  	[tilespmem:s20], [sflag:$0x2] =	stream.linear.gather [hbm4b:s30+s3], $0x8000, $0x38;
	[tilespmem:$0x10900] =	vst v63  }
0x1ef: {  	_ =	swait.ge [sflag:s25], $0x8000  }
0x1f0: {  	[sflag:s25] =	ssyncset.done $0x0  }
0x1f1: {  	s30 =	rddreg [dreg:$0x1c];
	[sflag:s25] =	ssyncadd.s32 $0xFFFF8000  }
0x1f2: {  	[hbm4b:s30+s3] =	stream.linear.scatter [tilespmem:s3], [sflag:$0x3], $0x8000, $0x38;
	[tilespmem:$0x10900] =	vst v63  }
0x1f3: {  	_ =	swait.ge [sflag:s18], $0x8000  }
0x1f4: {  	[sflag:s18] =	ssyncset.done $0x0  }
0x1f5: {  	s30 =	rddreg [dreg:$0x1d];
	[sflag:s18] =	ssyncadd.s32 $0xFFFF8000  }
0x1f6: {  	[tilespmem:s3], [sflag:$0x1] =	stream.linear.gather [hbm4b:s30+s3], $0x8000, $0x38;
	[tilespmem:$0x10900] =	vst v63  }
0x1f7: {  	_ =	swait.ge [sflag:s23], $0x8000  }
0x1f8: {  	[sflag:s23] =	ssyncset.done $0x0  }
0x1f9: {  	s30 =	rddreg [dreg:$0x1e];
	[sflag:s23] =	ssyncadd.s32 $0xFFFF8000  }
0x1fa: {  	[hbm4b:s30+s3] =	stream.linear.scatter [tilespmem:s20], [sflag:$0x4], $0x8000, $0x38;
	[tilespmem:$0x10900] =	vst v63  }
0x1fb: {  	_ =	swait.ge [sflag:s19], $0x8000  }
0x1fc: {  	[sflag:s19] =	ssyncset.done $0x0  }
0x1fd: {  	s30 =	rddreg [dreg:$0x1f];
	[sflag:s19] =	ssyncadd.s32 $0xFFFF8000  }
0x1fe: {  	[tilespmem:s20], [sflag:$0x2] =	stream.linear.gather [hbm4b:s30+s3], $0x8000, $0x38;
	[tilespmem:$0x10900] =	vst v63  }
0x1ff: {  	_ =	swait.ge [sflag:s25], $0x8000  }
0x200: {  	s30 =	sld [smem:$0x7E1]  }
0x201: {  	[sflag:s25] =	ssyncset.done $0x0  }
0x202: {  	[sflag:s25] =	ssyncadd.s32 $0xFFFF8000  }
0x203: {  	[hbm4b:s30+s3] =	stream.linear.scatter [tilespmem:s3], [sflag:$0x3], $0x8000, $0x38;
	[tilespmem:$0x10900] =	vst v63  }
0x204: {  	_ =	swait.ge [sflag:s18], $0x8000  }
0x205: {  	s30 =	sld [smem:$0x7E2]  }
0x206: {  	[sflag:s18] =	ssyncset.done $0x0  }
0x207: {  	[sflag:s18] =	ssyncadd.s32 $0xFFFF8000  }
0x208: {  	[tilespmem:s3], [sflag:$0x1] =	stream.linear.gather [hbm4b:s30+s3], $0x8000, $0x38;
	[tilespmem:$0x10900] =	vst v63  }
0x209: {  	_ =	swait.ge [sflag:s23], $0x8000  }
0x20a: {  	s30 =	sld [smem:$0x7E3]  }
0x20b: {  	[sflag:s23] =	ssyncset.done $0x0  }
0x20c: {  	[sflag:s23] =	ssyncadd.s32 $0xFFFF8000  }
0x20d: {  	[hbm4b:s30+s3] =	stream.linear.scatter [tilespmem:s20], [sflag:$0x4], $0x8000, $0x38;
	[tilespmem:$0x10900] =	vst v63  }
0x20e: {  	_ =	swait.ge [sflag:s19], $0x8000  }
0x20f: {  	s30 =	sld [smem:$0x7E4]  }
0x210: {  	[sflag:s19] =	ssyncset.done $0x0  }
0x211: {  	[sflag:s19] =	ssyncadd.s32 $0xFFFF8000  }
0x212: {  	[tilespmem:s20], [sflag:$0x2] =	stream.linear.gather [hbm4b:s30+s3], $0x8000, $0x38;
	[tilespmem:$0x10900] =	vst v63  }
0x213: {  	_ =	swait.ge [sflag:s25], $0x8000  }
0x214: {  	s30 =	sld [smem:$0x7E5]  }
0x215: {  	[sflag:s25] =	ssyncset.done $0x0  }
0x216: {  	[sflag:s25] =	ssyncadd.s32 $0xFFFF8000  }
0x217: {  	[hbm4b:s30+s3] =	stream.linear.scatter [tilespmem:s3], [sflag:$0x3], $0x8000, $0x38;
	[tilespmem:$0x10900] =	vst v63  }
0x218: {  	_ =	swait.ge [sflag:s18], $0x8000  }
0x219: {  	s30 =	sld [smem:$0x7E6]  }
0x21a: {  	[sflag:s18] =	ssyncset.done $0x0  }
0x21b: {  	[sflag:s18] =	ssyncadd.s32 $0xFFFF8000  }
0x21c: {  	[tilespmem:s3], [sflag:$0x1] =	stream.linear.gather [hbm4b:s30+s3], $0x8000, $0x38;
	[tilespmem:$0x10900] =	vst v63  }
0x21d: {  	_ =	swait.ge [sflag:s23], $0x8000  }
0x21e: {  	s30 =	sld [smem:$0x7E7]  }
0x21f: {  	[sflag:s23] =	ssyncset.done $0x0  }
0x220: {  	[sflag:s23] =	ssyncadd.s32 $0xFFFF8000  }
0x221: {  	[hbm4b:s30+s3] =	stream.linear.scatter [tilespmem:s20], [sflag:$0x4], $0x8000, $0x38;
	[tilespmem:$0x10900] =	vst v63  }
0x222: {  	_ =	swait.ge [sflag:s19], $0x8000  }
0x223: {  	s30 =	sld [smem:$0x7E8]  }
0x224: {  	[sflag:s19] =	ssyncset.done $0x0  }
0x225: {  	[sflag:s19] =	ssyncadd.s32 $0xFFFF8000  }
0x226: {  	[tilespmem:s20], [sflag:$0x2] =	stream.linear.gather [hbm4b:s30+s3], $0x8000, $0x38;
	[tilespmem:$0x10900] =	vst v63  }
0x227: {  	_ =	swait.ge [sflag:s25], $0x8000  }
0x228: {  	s30 =	sld [smem:$0x7E9]  }
0x229: {  	[sflag:s25] =	ssyncset.done $0x0  }
0x22a: {  	[sflag:s25] =	ssyncadd.s32 $0xFFFF8000  }
0x22b: {  	[hbm4b:s30+s3] =	stream.linear.scatter [tilespmem:s3], [sflag:$0x3], $0x8000, $0x38;
	[tilespmem:$0x10900] =	vst v63  }
0x22c: {  	_ =	swait.ge [sflag:s18], $0x8000  }
0x22d: {  	s30 =	sld [smem:$0x7EA]  }
0x22e: {  	[sflag:s18] =	ssyncset.done $0x0  }
0x22f: {  	[sflag:s18] =	ssyncadd.s32 $0xFFFF8000  }
0x230: {  	[tilespmem:s3], [sflag:$0x1] =	stream.linear.gather [hbm4b:s30+s3], $0x8000, $0x38;
	[tilespmem:$0x10900] =	vst v63  }
0x231: {  	_ =	swait.ge [sflag:s23], $0x8000  }
0x232: {  	s30 =	sld [smem:$0x7EB]  }
0x233: {  	[sflag:s23] =	ssyncset.done $0x0  }
0x234: {  	[sflag:s23] =	ssyncadd.s32 $0xFFFF8000  }
0x235: {  	[hbm4b:s30+s3] =	stream.linear.scatter [tilespmem:s20], [sflag:$0x4], $0x8000, $0x38;
	[tilespmem:$0x10900] =	vst v63  }
0x236: {  	_ =	swait.ge [sflag:s19], $0x8000  }
0x237: {  	s30 =	sld [smem:$0x7EC]  }
0x238: {  	[sflag:s19] =	ssyncset.done $0x0  }
0x239: {  	[sflag:s19] =	ssyncadd.s32 $0xFFFF8000  }
0x23a: {  	[tilespmem:s20], [sflag:$0x2] =	stream.linear.gather [hbm4b:s30+s3], $0x8000, $0x38;
	[tilespmem:$0x10900] =	vst v63  }
0x23b: {  	_ =	swait.ge [sflag:s25], $0x8000  }
0x23c: {  	s30 =	sld [smem:$0x7ED]  }
0x23d: {  	[sflag:s25] =	ssyncset.done $0x0  }
0x23e: {  	[sflag:s25] =	ssyncadd.s32 $0xFFFF8000  }
0x23f: {  	[hbm4b:s30+s3] =	stream.linear.scatter [tilespmem:s3], [sflag:$0x3], $0x8000, $0x38;
	[tilespmem:$0x10900] =	vst v63  }
0x240: {  	_ =	swait.ge [sflag:s18], $0x8000  }
0x241: {  	s30 =	sld [smem:$0x7EE]  }
0x242: {  	[sflag:s18] =	ssyncset.done $0x0  }
0x243: {  	[sflag:s18] =	ssyncadd.s32 $0xFFFF8000  }
0x244: {  	[tilespmem:s3], [sflag:$0x1] =	stream.linear.gather [hbm4b:s30+s3], $0x8000, $0x38;
	[tilespmem:$0x10900] =	vst v63  }
0x245: {  	_ =	swait.ge [sflag:s23], $0x8000  }
0x246: {  	s30 =	sld [smem:$0x7EF]  }
0x247: {  	[sflag:s23] =	ssyncset.done $0x0  }
0x248: {  	[sflag:s23] =	ssyncadd.s32 $0xFFFF8000  }
0x249: {  	[hbm4b:s30+s3] =	stream.linear.scatter [tilespmem:s20], [sflag:$0x4], $0x8000, $0x38;
	[tilespmem:$0x10900] =	vst v63  }
0x24a: {  	_ =	swait.ge [sflag:s19], $0x8000  }
0x24b: {  	s30 =	sld [smem:$0x7F0]  }
0x24c: {  	[sflag:s19] =	ssyncset.done $0x0  }
0x24d: {  	[sflag:s19] =	ssyncadd.s32 $0xFFFF8000  }
0x24e: {  	[tilespmem:s20], [sflag:$0x2] =	stream.linear.gather [hbm4b:s30+s3], $0x8000, $0x38;
	[tilespmem:$0x10900] =	vst v63  }
0x24f: {  	_ =	swait.ge [sflag:s25], $0x8000  }
0x250: {  	s30 =	sld [smem:$0x7F1]  }
0x251: {  	[sflag:s25] =	ssyncset.done $0x0  }
0x252: {  	[sflag:s25] =	ssyncadd.s32 $0xFFFF8000  }
0x253: {  	[hbm4b:s30+s3] =	stream.linear.scatter [tilespmem:s3], [sflag:$0x3], $0x8000, $0x38;
	[tilespmem:$0x10900] =	vst v63  }
0x254: {  	_ =	swait.ge [sflag:s18], $0x8000  }
0x255: {  	s30 =	sld [smem:$0x7F2]  }
0x256: {  	[sflag:s18] =	ssyncset.done $0x0  }
0x257: {  	[sflag:s18] =	ssyncadd.s32 $0xFFFF8000  }
0x258: {  	[tilespmem:s3], [sflag:$0x1] =	stream.linear.gather [hbm4b:s30+s3], $0x8000, $0x38;
	[tilespmem:$0x10900] =	vst v63  }
0x259: {  	_ =	swait.ge [sflag:s23], $0x8000  }
0x25a: {  	s30 =	sld [smem:$0x7F3]  }
0x25b: {  	[sflag:s23] =	ssyncset.done $0x0  }
0x25c: {  	[sflag:s23] =	ssyncadd.s32 $0xFFFF8000  }
0x25d: {  	[hbm4b:s30+s3] =	stream.linear.scatter [tilespmem:s20], [sflag:$0x4], $0x8000, $0x38;
	[tilespmem:$0x10900] =	vst v63  }
0x25e: {  	_ =	swait.ge [sflag:s19], $0x8000  }
0x25f: {  	s30 =	sld [smem:$0x7F4]  }
0x260: {  	[sflag:s19] =	ssyncset.done $0x0  }
0x261: {  	[sflag:s19] =	ssyncadd.s32 $0xFFFF8000  }
0x262: {  	[tilespmem:s20], [sflag:$0x2] =	stream.linear.gather [hbm4b:s30+s3], $0x8000, $0x38;
	[tilespmem:$0x10900] =	vst v63  }
0x263: {  	_ =	swait.ge [sflag:s25], $0x8000  }
0x264: {  	s30 =	sld [smem:$0x7F5]  }
0x265: {  	[sflag:s25] =	ssyncset.done $0x0  }
0x266: {  	[sflag:s25] =	ssyncadd.s32 $0xFFFF8000  }
0x267: {  	[hbm4b:s30+s3] =	stream.linear.scatter [tilespmem:s3], [sflag:$0x3], $0x8000, $0x38;
	[tilespmem:$0x10900] =	vst v63  }
0x268: {  	_ =	swait.ge [sflag:s18], $0x8000  }
0x269: {  	s30 =	sld [smem:$0x7F6]  }
0x26a: {  	[sflag:s18] =	ssyncset.done $0x0  }
0x26b: {  	[sflag:s18] =	ssyncadd.s32 $0xFFFF8000  }
0x26c: {  	[tilespmem:s3], [sflag:$0x1] =	stream.linear.gather [hbm4b:s30+s3], $0x8000, $0x38;
	[tilespmem:$0x10900] =	vst v63  }
0x26d: {  	_ =	swait.ge [sflag:s23], $0x8000  }
0x26e: {  	s30 =	sld [smem:$0x7F7]  }
0x26f: {  	[sflag:s23] =	ssyncset.done $0x0  }
0x270: {  	[sflag:s23] =	ssyncadd.s32 $0xFFFF8000  }
0x271: {  	[hbm4b:s30+s3] =	stream.linear.scatter [tilespmem:s20], [sflag:$0x4], $0x8000, $0x38;
	[tilespmem:$0x10900] =	vst v63  }
0x272: {  	_ =	swait.ge [sflag:s19], $0x8000  }
0x273: {  	s30 =	sld [smem:$0x7F8]  }
0x274: {  	[sflag:s19] =	ssyncset.done $0x0  }
0x275: {  	[sflag:s19] =	ssyncadd.s32 $0xFFFF8000  }
0x276: {  	[tilespmem:s20], [sflag:$0x2] =	stream.linear.gather [hbm4b:s30+s3], $0x8000, $0x38;
	[tilespmem:$0x10900] =	vst v63  }
0x277: {  	_ =	swait.ge [sflag:s25], $0x8000  }
0x278: {  	s30 =	sld [smem:$0x7F9]  }
0x279: {  	[sflag:s25] =	ssyncset.done $0x0  }
0x27a: {  	[sflag:s25] =	ssyncadd.s32 $0xFFFF8000  }
0x27b: {  	[hbm4b:s30+s3] =	stream.linear.scatter [tilespmem:s3], [sflag:$0x3], $0x8000, $0x38;
	[tilespmem:$0x10900] =	vst v63  }
0x27c: {  	_ =	swait.ge [sflag:s18], $0x8000  }
0x27d: {  	s30 =	sld [smem:$0x7FA]  }
0x27e: {  	[sflag:s18] =	ssyncset.done $0x0  }
0x27f: {  	[sflag:s18] =	ssyncadd.s32 $0xFFFF8000  }
0x280: {  	[tilespmem:s3], [sflag:$0x1] =	stream.linear.gather [hbm4b:s30+s3], $0x8000, $0x38;
	[tilespmem:$0x10900] =	vst v63  }
0x281: {  	_ =	swait.ge [sflag:s23], $0x8000  }
0x282: {  	[sflag:s23] =	ssyncset.done $0x0  }
0x283: {  	[sflag:s23] =	ssyncadd.s32 $0xFFFF8000  }
0x284: {  	[hbm4b:s29+s3] =	stream.linear.scatter [tilespmem:s20], [sflag:$0x4], $0x8000, $0x38;
	[tilespmem:$0x10900] =	vst v63  }
0x285: {  	_ =	swait.ge [sflag:s19], $0x8000  }
0x286: {  	[sflag:s19] =	ssyncset.done $0x0  }
0x287: {  	[sflag:s19] =	ssyncadd.s32 $0xFFFF8000  }
0x288: {  	[tilespmem:s20], [sflag:$0x2] =	stream.linear.gather [hbm4b:s28+s3], $0x8000, $0x38;
	[tilespmem:$0x10900] =	vst v63  }
0x289: {  	_ =	swait.ge [sflag:s25], $0x8000  }
0x28a: {  	[sflag:s25] =	ssyncset.done $0x0  }
0x28b: {  	[sflag:s25] =	ssyncadd.s32 $0xFFFF8000  }
0x28c: {  	[hbm4b:s26+s3] =	stream.linear.scatter [tilespmem:s3], [sflag:$0x3], $0x8000, $0x38;
	[tilespmem:$0x10900] =	vst v63  }
0x28d: {  	_ =	swait.ge [sflag:s18], $0x8000  }
0x28e: {  	[sflag:s18] =	ssyncset.done $0x0  }
0x28f: {  	[sflag:s18] =	ssyncadd.s32 $0xFFFF8000  }
0x290: {  	[tilespmem:s3], [sflag:$0x1] =	stream.linear.gather [hbm4b:s24+s3], $0x8000, $0x38;
	[tilespmem:$0x10900] =	vst v63  }
0x291: {  	_ =	swait.ge [sflag:s23], $0x8000  }
0x292: {  	[sflag:s23] =	ssyncset.done $0x0  }
0x293: {  	[sflag:s23] =	ssyncadd.s32 $0xFFFF8000  }
0x294: {  	[hbm4b:s22+s3] =	stream.linear.scatter [tilespmem:s20], [sflag:$0x4], $0x8000, $0x38;
	[tilespmem:$0x10900] =	vst v63  }
0x295: {  	_ =	swait.ge [sflag:s19], $0x8000  }
0x296: {  	[sflag:s19] =	ssyncset.done $0x0  }
0x297: {  	[sflag:s19] =	ssyncadd.s32 $0xFFFF8000  }
0x298: {  	[tilespmem:s20], [sflag:$0x2] =	stream.linear.gather [hbm4b:s21+s3], $0x8000, $0x38;
	[tilespmem:$0x10900] =	vst v63  }
0x299: {  	_ =	swait.ge [sflag:s25], $0x8000  }
0x29a: {  	[sflag:s25] =	ssyncset.done $0x0  }
0x29b: {  	[sflag:s25] =	ssyncadd.s32 $0xFFFF8000  }
0x29c: {  	[hbm4b:s17+s3] =	stream.linear.scatter [tilespmem:s3], [sflag:$0x3], $0x8000, $0x38;
	[tilespmem:$0x10900] =	vst v63  }
0x29d: {  	_ =	swait.ge [sflag:s18], $0x8000  }
0x29e: {  	[sflag:s18] =	ssyncset.done $0x0  }
0x29f: {  	[sflag:s18] =	ssyncadd.s32 $0xFFFF8000  }
0x2a0: {  	[tilespmem:s3], [sflag:$0x1] =	stream.linear.gather [hbm4b:s16+s3], $0x8000, $0x38;
	[tilespmem:$0x10900] =	vst v63  }
0x2a1: {  	_ =	swait.ge [sflag:s23], $0x8000  }
0x2a2: {  	[sflag:s23] =	ssyncset.done $0x0  }
0x2a3: {  	[sflag:s23] =	ssyncadd.s32 $0xFFFF8000  }
0x2a4: {  	[hbm4b:s15+s3] =	stream.linear.scatter [tilespmem:s20], [sflag:$0x4], $0x8000, $0x38;
	[tilespmem:$0x10900] =	vst v63  }
0x2a5: {  	_ =	swait.ge [sflag:s19], $0x8000  }
0x2a6: {  	[sflag:s19] =	ssyncset.done $0x0  }
0x2a7: {  	[sflag:s19] =	ssyncadd.s32 $0xFFFF8000  }
0x2a8: {  	[tilespmem:s20], [sflag:$0x2] =	stream.linear.gather [hbm4b:s14+s3], $0x8000, $0x38;
	[tilespmem:$0x10900] =	vst v63  }
0x2a9: {  	_ =	swait.ge [sflag:s25], $0x8000  }
0x2aa: {  	[sflag:s25] =	ssyncset.done $0x0  }
0x2ab: {  	[sflag:s25] =	ssyncadd.s32 $0xFFFF8000  }
0x2ac: {  	[hbm4b:s13+s3] =	stream.linear.scatter [tilespmem:s3], [sflag:$0x3], $0x8000, $0x38;
	[tilespmem:$0x10900] =	vst v63  }
0x2ad: {  	_ =	swait.ge [sflag:s23], $0x8000  }
0x2ae: {  	[sflag:s23] =	ssyncset.done $0x0  }
0x2af: {  	[sflag:s23] =	ssyncadd.s32 $0xFFFF8000  }
0x2b0: {  	[hbm4b:s12+s3] =	stream.linear.scatter [tilespmem:s20], [sflag:$0x4], $0x8000, $0x38;
	[tilespmem:$0x10900] =	vst v63  }
0x2b1: {  	_ =	swait.ge [sflag:s18], $0x8000  }
0x2b2: {  	[sflag:s18] =	ssyncset.done $0x0  }
0x2b3: {  	[sflag:s18] =	ssyncadd.s32 $0xFFFF8000  }
0x2b4: {  	_ =	swait.ge [sflag:s19], $0x8000  }
0x2b5: {  	[sflag:s19] =	ssyncset.done $0x0  }
0x2b6: {  	[sflag:s19] =	ssyncadd.s32 $0xFFFF8000  }
0x2b7: {  	v4 =	vld [tilespmem:$0x10800];
	_ =	sdelay $0x4  }
0x2b8: {  	v4 =	vadd.s32 v3, v4  }
0x2b9: {  	[tilespmem:$0x10880] =	vst v4  }
0x2ba: {  	[tilespmem:s6], [sflag:$0x5] =	stream.linear.gather [hbm4b:s11+s3], $0x800, $0x38;
	[tilespmem:$0x10900] =	vst v63  }
0x2bb: {  	_ =	swait.ge [sflag:s5], $0x800  }
0x2bc: {  	[sflag:s5] =	ssyncset.done $0x0  }
0x2bd: {  	[sflag:s5] =	ssyncadd.s32 $0xFFFFF800  }
0x2be: {  	[hbm4b:s2+s8] =	stream.indirect.scatter [tilespmem:s6], [sflag:$0x5], $0x80, s9, s8, $0xb8;
	[tilespmem:$0x10900] =	vst v63  }
0x2bf: {  	_ =	swait.ge [sflag:s5], $0x800  }
0x2c0: {  	[sflag:s5] =	ssyncset.done $0x0  }
0x2c1: {  	[sflag:s5] =	ssyncadd.s32 $0xFFFFF800  }
0x2c2: {  	v4 =	vld [tilespmem:$0x10800];
	_ =	sdelay $0x4  }
0x2c3: {  	v4 =	vadd.s32 v2, v4  }
0x2c4: {  	[tilespmem:$0x10880] =	vst v4  }
0x2c5: {  	[tilespmem:s6], [sflag:$0x5] =	stream.linear.gather [hbm4b:s10+s3], $0x800, $0x38;
	[tilespmem:$0x10900] =	vst v63  }
0x2c6: {  	_ =	swait.ge [sflag:s5], $0x800  }
0x2c7: {  	[sflag:s5] =	ssyncset.done $0x0  }
0x2c8: {  	[sflag:s5] =	ssyncadd.s32 $0xFFFFF800  }
0x2c9: {  	[hbm4b:s2+s8] =	stream.indirect.scatter [tilespmem:s6], [sflag:$0x5], $0x80, s9, s8, $0xb8;
	[tilespmem:$0x10900] =	vst v63  }
0x2ca: {  	_ =	swait.ge [sflag:s5], $0x800  }
0x2cb: {  	[sflag:s5] =	ssyncset.done $0x0  }
0x2cc: {  	[sflag:s5] =	ssyncadd.s32 $0xFFFFF800  }
0x2cd: {  	v4 =	vld [tilespmem:$0x10800];
	_ =	sdelay $0x4  }
0x2ce: {  	v4 =	vadd.s32 v1, v4  }
0x2cf: {  	[tilespmem:$0x10880] =	vst v4  }
0x2d0: {  	[tilespmem:s6], [sflag:$0x5] =	stream.linear.gather [hbm4b:s7+s3], $0x800, $0x38;
	[tilespmem:$0x10900] =	vst v63  }
0x2d1: {  	_ =	swait.ge [sflag:s5], $0x800  }
0x2d2: {  	[sflag:s5] =	ssyncset.done $0x0  }
0x2d3: {  	[sflag:s5] =	ssyncadd.s32 $0xFFFFF800  }
0x2d4: {  	[hbm4b:s2+s8] =	stream.indirect.scatter [tilespmem:s6], [sflag:$0x5], $0x80, s9, s8, $0xb8;
	[tilespmem:$0x10900] =	vst v63  }
0x2d5: {  	_ =	swait.ge [sflag:s5], $0x800  }
0x2d6: {  	[sflag:s5] =	ssyncset.done $0x0  }
0x2d7: {  	[sflag:s5] =	ssyncadd.s32 $0xFFFFF800  }
0x2d8: {  	v4 =	vld [tilespmem:$0x10800];
	_ =	sdelay $0x4  }
0x2d9: {  	v4 =	vadd.s32 v0, v4  }
0x2da: {  	[tilespmem:$0x10880] =	vst v4  }
0x2db: {  	[tilespmem:s6], [sflag:$0x5] =	stream.linear.gather [hbm4b:s4+s3], $0x800, $0x38;
	[tilespmem:$0x10900] =	vst v63  }
0x2dc: {  	p1 =	sne.s32 s1, $0x1;
	_ =	swait.ge [sflag:s5], $0x800  }
.Ltmp2:
0x2dd: {  	[sflag:s5] =	ssyncset.done $0x0;
	(pc) =	sbr.rel @p1 .LBB2_3-.Ltmp2, $4  }
0x2de: {  	[sflag:s5] =	ssyncadd.s32 $0xFFFFF800  }
0x2df: {  	[hbm4b:s2+s8] =	stream.indirect.scatter [tilespmem:s6], [sflag:$0x5], $0x80, s9, s8, $0xb8;
	[tilespmem:$0x10900] =	vst v63  }
0x2e0: {  	_ =	swait.ge [sflag:s5], $0x800  }
0x2e1: {  	s1 =	sadd.s32 $0xFFFFFFFF, s1;
	s0 =	rddreg [dreg:$0x5];
	[sflag:s5] =	ssyncset.done $0x0  }
0x2e2: {  	s1 =	simm.s32 $0x10800;
	s30 =	stileid.u32  }
.LBB2_5:
0x2e3: {  	[sflag:s5] =	ssyncadd.s32 @p0 $0xFFFFF800  }
0x2e4: {  	[tilespmem:s1], [sflag:$0x6] =	stream.linear.gather [hbm4b:s0+s3], $0x80, $0x38;
	[tilespmem:$0x10900] =	vst v63  }
0x2e5: {  	_ =	swait.ge [sflag:s31], $0x80  }
0x2e6: {  	[sflag:s31] =	ssyncset.done $0x0  }
0x2e7: {  	s1 =	rddreg [dreg:$0x6];
	[sflag:s31] =	ssyncadd.s32 $0xFFFFFF80  }
0x2e8: {  	[tilespmem:s3], [sflag:$0x1] =	stream.linear.gather [hbm4b:s1+s3], $0x8000, $0x38;
	[tilespmem:$0x10900] =	vst v63  }
0x2e9: {  	s31 =	rddreg [dreg:$0x7]  }
0x2ea: {  	[tilespmem:s20], [sflag:$0x2] =	stream.linear.gather [hbm4b:s31+s3], $0x8000, $0x38;
	[tilespmem:$0x10900] =	vst v63  }
0x2eb: {  	_ =	swait.ge [sflag:s25], $0x8000  }
0x2ec: {  	[sflag:s25] =	ssyncset.done $0x0  }
0x2ed: {  	s1 =	rddreg [dreg:$0x8];
	[sflag:s25] =	ssyncadd.s32 $0xFFFF8000  }
0x2ee: {  	[hbm4b:s1+s3] =	stream.linear.scatter [tilespmem:s3], [sflag:$0x3], $0x8000, $0x38;
	[tilespmem:$0x10900] =	vst v63  }
0x2ef: {  	_ =	swait.ge [sflag:s18], $0x8000  }
0x2f0: {  	[sflag:s18] =	ssyncset.done $0x0  }
0x2f1: {  	s31 =	rddreg [dreg:$0x9];
	[sflag:s18] =	ssyncadd.s32 $0xFFFF8000  }
0x2f2: {  	[tilespmem:s3], [sflag:$0x1] =	stream.linear.gather [hbm4b:s31+s3], $0x8000, $0x38;
	[tilespmem:$0x10900] =	vst v63  }
0x2f3: {  	_ =	swait.ge [sflag:s23], $0x8000  }
0x2f4: {  	[sflag:s23] =	ssyncset.done $0x0  }
0x2f5: {  	s1 =	rddreg [dreg:$0xa];
	[sflag:s23] =	ssyncadd.s32 $0xFFFF8000  }
0x2f6: {  	[hbm4b:s1+s3] =	stream.linear.scatter [tilespmem:s20], [sflag:$0x4], $0x8000, $0x38;
	[tilespmem:$0x10900] =	vst v63  }
0x2f7: {  	_ =	swait.ge [sflag:s19], $0x8000  }
0x2f8: {  	[sflag:s19] =	ssyncset.done $0x0  }
0x2f9: {  	s31 =	rddreg [dreg:$0xb];
	[sflag:s19] =	ssyncadd.s32 $0xFFFF8000  }
0x2fa: {  	[tilespmem:s20], [sflag:$0x2] =	stream.linear.gather [hbm4b:s31+s3], $0x8000, $0x38;
	[tilespmem:$0x10900] =	vst v63  }
0x2fb: {  	_ =	swait.ge [sflag:s25], $0x8000  }
0x2fc: {  	[sflag:s25] =	ssyncset.done $0x0  }
0x2fd: {  	s1 =	rddreg [dreg:$0xc];
	[sflag:s25] =	ssyncadd.s32 $0xFFFF8000  }
0x2fe: {  	[hbm4b:s1+s3] =	stream.linear.scatter [tilespmem:s3], [sflag:$0x3], $0x8000, $0x38;
	[tilespmem:$0x10900] =	vst v63  }
0x2ff: {  	_ =	swait.ge [sflag:s18], $0x8000  }
0x300: {  	[sflag:s18] =	ssyncset.done $0x0  }
0x301: {  	s31 =	rddreg [dreg:$0xd];
	[sflag:s18] =	ssyncadd.s32 $0xFFFF8000  }
0x302: {  	[tilespmem:s3], [sflag:$0x1] =	stream.linear.gather [hbm4b:s31+s3], $0x8000, $0x38;
	[tilespmem:$0x10900] =	vst v63  }
0x303: {  	_ =	swait.ge [sflag:s23], $0x8000  }
0x304: {  	[sflag:s23] =	ssyncset.done $0x0  }
0x305: {  	s1 =	rddreg [dreg:$0xe];
	[sflag:s23] =	ssyncadd.s32 $0xFFFF8000  }
0x306: {  	[hbm4b:s1+s3] =	stream.linear.scatter [tilespmem:s20], [sflag:$0x4], $0x8000, $0x38;
	[tilespmem:$0x10900] =	vst v63  }
0x307: {  	_ =	swait.ge [sflag:s19], $0x8000  }
0x308: {  	[sflag:s19] =	ssyncset.done $0x0  }
0x309: {  	s31 =	rddreg [dreg:$0xf];
	[sflag:s19] =	ssyncadd.s32 $0xFFFF8000  }
0x30a: {  	[tilespmem:s20], [sflag:$0x2] =	stream.linear.gather [hbm4b:s31+s3], $0x8000, $0x38;
	[tilespmem:$0x10900] =	vst v63  }
0x30b: {  	_ =	swait.ge [sflag:s25], $0x8000  }
0x30c: {  	[sflag:s25] =	ssyncset.done $0x0  }
0x30d: {  	s1 =	rddreg [dreg:$0x10];
	[sflag:s25] =	ssyncadd.s32 $0xFFFF8000  }
0x30e: {  	[hbm4b:s1+s3] =	stream.linear.scatter [tilespmem:s3], [sflag:$0x3], $0x8000, $0x38;
	[tilespmem:$0x10900] =	vst v63  }
0x30f: {  	_ =	swait.ge [sflag:s18], $0x8000  }
0x310: {  	[sflag:s18] =	ssyncset.done $0x0  }
0x311: {  	s31 =	rddreg [dreg:$0x11];
	[sflag:s18] =	ssyncadd.s32 $0xFFFF8000  }
0x312: {  	[tilespmem:s3], [sflag:$0x1] =	stream.linear.gather [hbm4b:s31+s3], $0x8000, $0x38;
	[tilespmem:$0x10900] =	vst v63  }
0x313: {  	_ =	swait.ge [sflag:s23], $0x8000  }
0x314: {  	[sflag:s23] =	ssyncset.done $0x0  }
0x315: {  	s1 =	rddreg [dreg:$0x12];
	[sflag:s23] =	ssyncadd.s32 $0xFFFF8000  }
0x316: {  	[hbm4b:s1+s3] =	stream.linear.scatter [tilespmem:s20], [sflag:$0x4], $0x8000, $0x38;
	[tilespmem:$0x10900] =	vst v63  }
0x317: {  	_ =	swait.ge [sflag:s19], $0x8000  }
0x318: {  	[sflag:s19] =	ssyncset.done $0x0  }
0x319: {  	s31 =	rddreg [dreg:$0x13];
	[sflag:s19] =	ssyncadd.s32 $0xFFFF8000  }
0x31a: {  	[tilespmem:s20], [sflag:$0x2] =	stream.linear.gather [hbm4b:s31+s3], $0x8000, $0x38;
	[tilespmem:$0x10900] =	vst v63  }
0x31b: {  	_ =	swait.ge [sflag:s25], $0x8000  }
0x31c: {  	[sflag:s25] =	ssyncset.done $0x0  }
0x31d: {  	s1 =	rddreg [dreg:$0x14];
	[sflag:s25] =	ssyncadd.s32 $0xFFFF8000  }
0x31e: {  	[hbm4b:s1+s3] =	stream.linear.scatter [tilespmem:s3], [sflag:$0x3], $0x8000, $0x38;
	[tilespmem:$0x10900] =	vst v63  }
0x31f: {  	_ =	swait.ge [sflag:s18], $0x8000  }
0x320: {  	[sflag:s18] =	ssyncset.done $0x0  }
0x321: {  	s31 =	rddreg [dreg:$0x15];
	[sflag:s18] =	ssyncadd.s32 $0xFFFF8000  }
0x322: {  	[tilespmem:s3], [sflag:$0x1] =	stream.linear.gather [hbm4b:s31+s3], $0x8000, $0x38;
	[tilespmem:$0x10900] =	vst v63  }
0x323: {  	_ =	swait.ge [sflag:s23], $0x8000  }
0x324: {  	[sflag:s23] =	ssyncset.done $0x0  }
0x325: {  	s1 =	rddreg [dreg:$0x16];
	[sflag:s23] =	ssyncadd.s32 $0xFFFF8000  }
0x326: {  	[hbm4b:s1+s3] =	stream.linear.scatter [tilespmem:s20], [sflag:$0x4], $0x8000, $0x38;
	[tilespmem:$0x10900] =	vst v63  }
0x327: {  	_ =	swait.ge [sflag:s19], $0x8000  }
0x328: {  	[sflag:s19] =	ssyncset.done $0x0  }
0x329: {  	s31 =	rddreg [dreg:$0x17];
	[sflag:s19] =	ssyncadd.s32 $0xFFFF8000  }
0x32a: {  	[tilespmem:s20], [sflag:$0x2] =	stream.linear.gather [hbm4b:s31+s3], $0x8000, $0x38;
	[tilespmem:$0x10900] =	vst v63  }
0x32b: {  	_ =	swait.ge [sflag:s25], $0x8000  }
0x32c: {  	[sflag:s25] =	ssyncset.done $0x0  }
0x32d: {  	s1 =	rddreg [dreg:$0x18];
	[sflag:s25] =	ssyncadd.s32 $0xFFFF8000  }
0x32e: {  	[hbm4b:s1+s3] =	stream.linear.scatter [tilespmem:s3], [sflag:$0x3], $0x8000, $0x38;
	[tilespmem:$0x10900] =	vst v63  }
0x32f: {  	_ =	swait.ge [sflag:s18], $0x8000  }
0x330: {  	[sflag:s18] =	ssyncset.done $0x0  }
0x331: {  	s31 =	rddreg [dreg:$0x19];
	[sflag:s18] =	ssyncadd.s32 $0xFFFF8000  }
0x332: {  	[tilespmem:s3], [sflag:$0x1] =	stream.linear.gather [hbm4b:s31+s3], $0x8000, $0x38;
	[tilespmem:$0x10900] =	vst v63  }
0x333: {  	_ =	swait.ge [sflag:s23], $0x8000  }
0x334: {  	[sflag:s23] =	ssyncset.done $0x0  }
0x335: {  	s1 =	rddreg [dreg:$0x1a];
	[sflag:s23] =	ssyncadd.s32 $0xFFFF8000  }
0x336: {  	[hbm4b:s1+s3] =	stream.linear.scatter [tilespmem:s20], [sflag:$0x4], $0x8000, $0x38;
	[tilespmem:$0x10900] =	vst v63  }
0x337: {  	_ =	swait.ge [sflag:s19], $0x8000  }
0x338: {  	[sflag:s19] =	ssyncset.done $0x0  }
0x339: {  	s31 =	rddreg [dreg:$0x1b];
	[sflag:s19] =	ssyncadd.s32 $0xFFFF8000  }
0x33a: {  	[tilespmem:s20], [sflag:$0x2] =	stream.linear.gather [hbm4b:s31+s3], $0x8000, $0x38;
	[tilespmem:$0x10900] =	vst v63  }
0x33b: {  	_ =	swait.ge [sflag:s25], $0x8000  }
0x33c: {  	[sflag:s25] =	ssyncset.done $0x0  }
0x33d: {  	s1 =	rddreg [dreg:$0x1c];
	[sflag:s25] =	ssyncadd.s32 $0xFFFF8000  }
0x33e: {  	[hbm4b:s1+s3] =	stream.linear.scatter [tilespmem:s3], [sflag:$0x3], $0x8000, $0x38;
	[tilespmem:$0x10900] =	vst v63  }
0x33f: {  	_ =	swait.ge [sflag:s18], $0x8000  }
0x340: {  	[sflag:s18] =	ssyncset.done $0x0  }
0x341: {  	s31 =	rddreg [dreg:$0x1d];
	[sflag:s18] =	ssyncadd.s32 $0xFFFF8000  }
0x342: {  	[tilespmem:s3], [sflag:$0x1] =	stream.linear.gather [hbm4b:s31+s3], $0x8000, $0x38;
	[tilespmem:$0x10900] =	vst v63  }
0x343: {  	_ =	swait.ge [sflag:s23], $0x8000  }
0x344: {  	[sflag:s23] =	ssyncset.done $0x0  }
0x345: {  	s1 =	rddreg [dreg:$0x1e];
	[sflag:s23] =	ssyncadd.s32 $0xFFFF8000  }
0x346: {  	[hbm4b:s1+s3] =	stream.linear.scatter [tilespmem:s20], [sflag:$0x4], $0x8000, $0x38;
	[tilespmem:$0x10900] =	vst v63  }
0x347: {  	_ =	swait.ge [sflag:s19], $0x8000  }
0x348: {  	[sflag:s19] =	ssyncset.done $0x0  }
0x349: {  	s31 =	rddreg [dreg:$0x1f];
	[sflag:s19] =	ssyncadd.s32 $0xFFFF8000  }
0x34a: {  	[tilespmem:s20], [sflag:$0x2] =	stream.linear.gather [hbm4b:s31+s3], $0x8000, $0x38;
	[tilespmem:$0x10900] =	vst v63  }
0x34b: {  	_ =	swait.ge [sflag:s25], $0x8000  }
0x34c: {  	s1 =	sld [smem:$0x7E1]  }
0x34d: {  	[sflag:s25] =	ssyncset.done $0x0  }
0x34e: {  	[sflag:s25] =	ssyncadd.s32 $0xFFFF8000  }
0x34f: {  	[hbm4b:s1+s3] =	stream.linear.scatter [tilespmem:s3], [sflag:$0x3], $0x8000, $0x38;
	[tilespmem:$0x10900] =	vst v63  }
0x350: {  	_ =	swait.ge [sflag:s18], $0x8000  }
0x351: {  	s31 =	sld [smem:$0x7E2]  }
0x352: {  	[sflag:s18] =	ssyncset.done $0x0  }
0x353: {  	[sflag:s18] =	ssyncadd.s32 $0xFFFF8000  }
0x354: {  	[tilespmem:s3], [sflag:$0x1] =	stream.linear.gather [hbm4b:s31+s3], $0x8000, $0x38;
	[tilespmem:$0x10900] =	vst v63  }
0x355: {  	_ =	swait.ge [sflag:s23], $0x8000  }
0x356: {  	s1 =	sld [smem:$0x7E3]  }
0x357: {  	[sflag:s23] =	ssyncset.done $0x0  }
0x358: {  	[sflag:s23] =	ssyncadd.s32 $0xFFFF8000  }
0x359: {  	[hbm4b:s1+s3] =	stream.linear.scatter [tilespmem:s20], [sflag:$0x4], $0x8000, $0x38;
	[tilespmem:$0x10900] =	vst v63  }
0x35a: {  	_ =	swait.ge [sflag:s19], $0x8000  }
0x35b: {  	s31 =	sld [smem:$0x7E4]  }
0x35c: {  	[sflag:s19] =	ssyncset.done $0x0  }
0x35d: {  	[sflag:s19] =	ssyncadd.s32 $0xFFFF8000  }
0x35e: {  	[tilespmem:s20], [sflag:$0x2] =	stream.linear.gather [hbm4b:s31+s3], $0x8000, $0x38;
	[tilespmem:$0x10900] =	vst v63  }
0x35f: {  	_ =	swait.ge [sflag:s25], $0x8000  }
0x360: {  	s1 =	sld [smem:$0x7E5]  }
0x361: {  	[sflag:s25] =	ssyncset.done $0x0  }
0x362: {  	[sflag:s25] =	ssyncadd.s32 $0xFFFF8000  }
0x363: {  	[hbm4b:s1+s3] =	stream.linear.scatter [tilespmem:s3], [sflag:$0x3], $0x8000, $0x38;
	[tilespmem:$0x10900] =	vst v63  }
0x364: {  	_ =	swait.ge [sflag:s18], $0x8000  }
0x365: {  	s31 =	sld [smem:$0x7E6]  }
0x366: {  	[sflag:s18] =	ssyncset.done $0x0  }
0x367: {  	[sflag:s18] =	ssyncadd.s32 $0xFFFF8000  }
0x368: {  	[tilespmem:s3], [sflag:$0x1] =	stream.linear.gather [hbm4b:s31+s3], $0x8000, $0x38;
	[tilespmem:$0x10900] =	vst v63  }
0x369: {  	_ =	swait.ge [sflag:s23], $0x8000  }
0x36a: {  	s1 =	sld [smem:$0x7E7]  }
0x36b: {  	[sflag:s23] =	ssyncset.done $0x0  }
0x36c: {  	[sflag:s23] =	ssyncadd.s32 $0xFFFF8000  }
0x36d: {  	[hbm4b:s1+s3] =	stream.linear.scatter [tilespmem:s20], [sflag:$0x4], $0x8000, $0x38;
	[tilespmem:$0x10900] =	vst v63  }
0x36e: {  	_ =	swait.ge [sflag:s19], $0x8000  }
0x36f: {  	s31 =	sld [smem:$0x7E8]  }
0x370: {  	[sflag:s19] =	ssyncset.done $0x0  }
0x371: {  	[sflag:s19] =	ssyncadd.s32 $0xFFFF8000  }
0x372: {  	[tilespmem:s20], [sflag:$0x2] =	stream.linear.gather [hbm4b:s31+s3], $0x8000, $0x38;
	[tilespmem:$0x10900] =	vst v63  }
0x373: {  	_ =	swait.ge [sflag:s25], $0x8000  }
0x374: {  	s1 =	sld [smem:$0x7E9]  }
0x375: {  	[sflag:s25] =	ssyncset.done $0x0  }
0x376: {  	[sflag:s25] =	ssyncadd.s32 $0xFFFF8000  }
0x377: {  	[hbm4b:s1+s3] =	stream.linear.scatter [tilespmem:s3], [sflag:$0x3], $0x8000, $0x38;
	[tilespmem:$0x10900] =	vst v63  }
0x378: {  	_ =	swait.ge [sflag:s18], $0x8000  }
0x379: {  	s31 =	sld [smem:$0x7EA]  }
0x37a: {  	[sflag:s18] =	ssyncset.done $0x0  }
0x37b: {  	[sflag:s18] =	ssyncadd.s32 $0xFFFF8000  }
0x37c: {  	[tilespmem:s3], [sflag:$0x1] =	stream.linear.gather [hbm4b:s31+s3], $0x8000, $0x38;
	[tilespmem:$0x10900] =	vst v63  }
0x37d: {  	_ =	swait.ge [sflag:s23], $0x8000  }
0x37e: {  	s1 =	sld [smem:$0x7EB]  }
0x37f: {  	[sflag:s23] =	ssyncset.done $0x0  }
0x380: {  	[sflag:s23] =	ssyncadd.s32 $0xFFFF8000  }
0x381: {  	[hbm4b:s1+s3] =	stream.linear.scatter [tilespmem:s20], [sflag:$0x4], $0x8000, $0x38;
	[tilespmem:$0x10900] =	vst v63  }
0x382: {  	_ =	swait.ge [sflag:s19], $0x8000  }
0x383: {  	s31 =	sld [smem:$0x7EC]  }
0x384: {  	[sflag:s19] =	ssyncset.done $0x0  }
0x385: {  	[sflag:s19] =	ssyncadd.s32 $0xFFFF8000  }
0x386: {  	[tilespmem:s20], [sflag:$0x2] =	stream.linear.gather [hbm4b:s31+s3], $0x8000, $0x38;
	[tilespmem:$0x10900] =	vst v63  }
0x387: {  	_ =	swait.ge [sflag:s25], $0x8000  }
0x388: {  	s1 =	sld [smem:$0x7ED]  }
0x389: {  	[sflag:s25] =	ssyncset.done $0x0  }
0x38a: {  	[sflag:s25] =	ssyncadd.s32 $0xFFFF8000  }
0x38b: {  	[hbm4b:s1+s3] =	stream.linear.scatter [tilespmem:s3], [sflag:$0x3], $0x8000, $0x38;
	[tilespmem:$0x10900] =	vst v63  }
0x38c: {  	_ =	swait.ge [sflag:s18], $0x8000  }
0x38d: {  	s31 =	sld [smem:$0x7EE]  }
0x38e: {  	[sflag:s18] =	ssyncset.done $0x0  }
0x38f: {  	[sflag:s18] =	ssyncadd.s32 $0xFFFF8000  }
0x390: {  	[tilespmem:s3], [sflag:$0x1] =	stream.linear.gather [hbm4b:s31+s3], $0x8000, $0x38;
	[tilespmem:$0x10900] =	vst v63  }
0x391: {  	_ =	swait.ge [sflag:s23], $0x8000  }
0x392: {  	s1 =	sld [smem:$0x7EF]  }
0x393: {  	[sflag:s23] =	ssyncset.done $0x0  }
0x394: {  	[sflag:s23] =	ssyncadd.s32 $0xFFFF8000  }
0x395: {  	[hbm4b:s1+s3] =	stream.linear.scatter [tilespmem:s20], [sflag:$0x4], $0x8000, $0x38;
	[tilespmem:$0x10900] =	vst v63  }
0x396: {  	_ =	swait.ge [sflag:s19], $0x8000  }
0x397: {  	s31 =	sld [smem:$0x7F0]  }
0x398: {  	[sflag:s19] =	ssyncset.done $0x0  }
0x399: {  	[sflag:s19] =	ssyncadd.s32 $0xFFFF8000  }
0x39a: {  	[tilespmem:s20], [sflag:$0x2] =	stream.linear.gather [hbm4b:s31+s3], $0x8000, $0x38;
	[tilespmem:$0x10900] =	vst v63  }
0x39b: {  	_ =	swait.ge [sflag:s25], $0x8000  }
0x39c: {  	s1 =	sld [smem:$0x7F1]  }
0x39d: {  	[sflag:s25] =	ssyncset.done $0x0  }
0x39e: {  	[sflag:s25] =	ssyncadd.s32 $0xFFFF8000  }
0x39f: {  	[hbm4b:s1+s3] =	stream.linear.scatter [tilespmem:s3], [sflag:$0x3], $0x8000, $0x38;
	[tilespmem:$0x10900] =	vst v63  }
0x3a0: {  	_ =	swait.ge [sflag:s18], $0x8000  }
0x3a1: {  	s31 =	sld [smem:$0x7F2]  }
0x3a2: {  	[sflag:s18] =	ssyncset.done $0x0  }
0x3a3: {  	[sflag:s18] =	ssyncadd.s32 $0xFFFF8000  }
0x3a4: {  	[tilespmem:s3], [sflag:$0x1] =	stream.linear.gather [hbm4b:s31+s3], $0x8000, $0x38;
	[tilespmem:$0x10900] =	vst v63  }
0x3a5: {  	_ =	swait.ge [sflag:s23], $0x8000  }
0x3a6: {  	s1 =	sld [smem:$0x7F3]  }
0x3a7: {  	[sflag:s23] =	ssyncset.done $0x0  }
0x3a8: {  	[sflag:s23] =	ssyncadd.s32 $0xFFFF8000  }
0x3a9: {  	[hbm4b:s1+s3] =	stream.linear.scatter [tilespmem:s20], [sflag:$0x4], $0x8000, $0x38;
	[tilespmem:$0x10900] =	vst v63  }
0x3aa: {  	_ =	swait.ge [sflag:s19], $0x8000  }
0x3ab: {  	s31 =	sld [smem:$0x7F4]  }
0x3ac: {  	[sflag:s19] =	ssyncset.done $0x0  }
0x3ad: {  	[sflag:s19] =	ssyncadd.s32 $0xFFFF8000  }
0x3ae: {  	[tilespmem:s20], [sflag:$0x2] =	stream.linear.gather [hbm4b:s31+s3], $0x8000, $0x38;
	[tilespmem:$0x10900] =	vst v63  }
0x3af: {  	_ =	swait.ge [sflag:s25], $0x8000  }
0x3b0: {  	s1 =	sld [smem:$0x7F5]  }
0x3b1: {  	[sflag:s25] =	ssyncset.done $0x0  }
0x3b2: {  	[sflag:s25] =	ssyncadd.s32 $0xFFFF8000  }
0x3b3: {  	[hbm4b:s1+s3] =	stream.linear.scatter [tilespmem:s3], [sflag:$0x3], $0x8000, $0x38;
	[tilespmem:$0x10900] =	vst v63  }
0x3b4: {  	_ =	swait.ge [sflag:s18], $0x8000  }
0x3b5: {  	s31 =	sld [smem:$0x7F6]  }
0x3b6: {  	[sflag:s18] =	ssyncset.done $0x0  }
0x3b7: {  	[sflag:s18] =	ssyncadd.s32 $0xFFFF8000  }
0x3b8: {  	[tilespmem:s3], [sflag:$0x1] =	stream.linear.gather [hbm4b:s31+s3], $0x8000, $0x38;
	[tilespmem:$0x10900] =	vst v63  }
0x3b9: {  	_ =	swait.ge [sflag:s23], $0x8000  }
0x3ba: {  	s1 =	sld [smem:$0x7F7]  }
0x3bb: {  	[sflag:s23] =	ssyncset.done $0x0  }
0x3bc: {  	[sflag:s23] =	ssyncadd.s32 $0xFFFF8000  }
0x3bd: {  	[hbm4b:s1+s3] =	stream.linear.scatter [tilespmem:s20], [sflag:$0x4], $0x8000, $0x38;
	[tilespmem:$0x10900] =	vst v63  }
0x3be: {  	_ =	swait.ge [sflag:s19], $0x8000  }
0x3bf: {  	s31 =	sld [smem:$0x7F8]  }
0x3c0: {  	[sflag:s19] =	ssyncset.done $0x0  }
0x3c1: {  	[sflag:s19] =	ssyncadd.s32 $0xFFFF8000  }
0x3c2: {  	[tilespmem:s20], [sflag:$0x2] =	stream.linear.gather [hbm4b:s31+s3], $0x8000, $0x38;
	[tilespmem:$0x10900] =	vst v63  }
0x3c3: {  	_ =	swait.ge [sflag:s25], $0x8000  }
0x3c4: {  	s1 =	sld [smem:$0x7F9]  }
0x3c5: {  	[sflag:s25] =	ssyncset.done $0x0  }
0x3c6: {  	[sflag:s25] =	ssyncadd.s32 $0xFFFF8000  }
0x3c7: {  	[hbm4b:s1+s3] =	stream.linear.scatter [tilespmem:s3], [sflag:$0x3], $0x8000, $0x38;
	[tilespmem:$0x10900] =	vst v63  }
0x3c8: {  	_ =	swait.ge [sflag:s18], $0x8000  }
0x3c9: {  	s31 =	sld [smem:$0x7FA]  }
0x3ca: {  	[sflag:s18] =	ssyncset.done $0x0  }
0x3cb: {  	[sflag:s18] =	ssyncadd.s32 $0xFFFF8000  }
0x3cc: {  	[tilespmem:s3], [sflag:$0x1] =	stream.linear.gather [hbm4b:s31+s3], $0x8000, $0x38;
	[tilespmem:$0x10900] =	vst v63  }
0x3cd: {  	_ =	swait.ge [sflag:s23], $0x8000  }
0x3ce: {  	[sflag:s23] =	ssyncset.done $0x0  }
0x3cf: {  	[sflag:s23] =	ssyncadd.s32 $0xFFFF8000  }
0x3d0: {  	[hbm4b:s29+s3] =	stream.linear.scatter [tilespmem:s20], [sflag:$0x4], $0x8000, $0x38;
	[tilespmem:$0x10900] =	vst v63  }
0x3d1: {  	_ =	swait.ge [sflag:s19], $0x8000  }
0x3d2: {  	[sflag:s19] =	ssyncset.done $0x0  }
0x3d3: {  	[sflag:s19] =	ssyncadd.s32 $0xFFFF8000  }
0x3d4: {  	[tilespmem:s20], [sflag:$0x2] =	stream.linear.gather [hbm4b:s28+s3], $0x8000, $0x38;
	[tilespmem:$0x10900] =	vst v63  }
0x3d5: {  	_ =	swait.ge [sflag:s25], $0x8000  }
0x3d6: {  	[sflag:s25] =	ssyncset.done $0x0  }
0x3d7: {  	[sflag:s25] =	ssyncadd.s32 $0xFFFF8000  }
0x3d8: {  	[hbm4b:s26+s3] =	stream.linear.scatter [tilespmem:s3], [sflag:$0x3], $0x8000, $0x38;
	[tilespmem:$0x10900] =	vst v63  }
0x3d9: {  	_ =	swait.ge [sflag:s18], $0x8000  }
0x3da: {  	[sflag:s18] =	ssyncset.done $0x0  }
0x3db: {  	[sflag:s18] =	ssyncadd.s32 $0xFFFF8000  }
0x3dc: {  	[tilespmem:s3], [sflag:$0x1] =	stream.linear.gather [hbm4b:s24+s3], $0x8000, $0x38;
	[tilespmem:$0x10900] =	vst v63  }
0x3dd: {  	_ =	swait.ge [sflag:s23], $0x8000  }
0x3de: {  	[sflag:s23] =	ssyncset.done $0x0  }
0x3df: {  	[sflag:s23] =	ssyncadd.s32 $0xFFFF8000  }
0x3e0: {  	[hbm4b:s22+s3] =	stream.linear.scatter [tilespmem:s20], [sflag:$0x4], $0x8000, $0x38;
	[tilespmem:$0x10900] =	vst v63  }
0x3e1: {  	_ =	swait.ge [sflag:s19], $0x8000  }
0x3e2: {  	[sflag:s19] =	ssyncset.done $0x0  }
0x3e3: {  	[sflag:s19] =	ssyncadd.s32 $0xFFFF8000  }
0x3e4: {  	[tilespmem:s20], [sflag:$0x2] =	stream.linear.gather [hbm4b:s21+s3], $0x8000, $0x38;
	[tilespmem:$0x10900] =	vst v63  }
0x3e5: {  	_ =	swait.ge [sflag:s25], $0x8000  }
0x3e6: {  	[sflag:s25] =	ssyncset.done $0x0  }
0x3e7: {  	[sflag:s25] =	ssyncadd.s32 $0xFFFF8000  }
0x3e8: {  	[hbm4b:s17+s3] =	stream.linear.scatter [tilespmem:s3], [sflag:$0x3], $0x8000, $0x38;
	[tilespmem:$0x10900] =	vst v63  }
0x3e9: {  	_ =	swait.ge [sflag:s18], $0x8000  }
0x3ea: {  	[sflag:s18] =	ssyncset.done $0x0  }
0x3eb: {  	[sflag:s18] =	ssyncadd.s32 $0xFFFF8000  }
0x3ec: {  	[tilespmem:s3], [sflag:$0x1] =	stream.linear.gather [hbm4b:s16+s3], $0x8000, $0x38;
	[tilespmem:$0x10900] =	vst v63  }
0x3ed: {  	_ =	swait.ge [sflag:s23], $0x8000  }
0x3ee: {  	[sflag:s23] =	ssyncset.done $0x0  }
0x3ef: {  	[sflag:s23] =	ssyncadd.s32 $0xFFFF8000  }
0x3f0: {  	[hbm4b:s15+s3] =	stream.linear.scatter [tilespmem:s20], [sflag:$0x4], $0x8000, $0x38;
	[tilespmem:$0x10900] =	vst v63  }
0x3f1: {  	_ =	swait.ge [sflag:s19], $0x8000  }
0x3f2: {  	[sflag:s19] =	ssyncset.done $0x0  }
0x3f3: {  	[sflag:s19] =	ssyncadd.s32 $0xFFFF8000  }
0x3f4: {  	[tilespmem:s20], [sflag:$0x2] =	stream.linear.gather [hbm4b:s14+s3], $0x8000, $0x38;
	[tilespmem:$0x10900] =	vst v63  }
0x3f5: {  	_ =	swait.ge [sflag:s25], $0x8000  }
0x3f6: {  	[sflag:s25] =	ssyncset.done $0x0  }
0x3f7: {  	[sflag:s25] =	ssyncadd.s32 $0xFFFF8000  }
0x3f8: {  	[hbm4b:s13+s3] =	stream.linear.scatter [tilespmem:s3], [sflag:$0x3], $0x8000, $0x38;
	[tilespmem:$0x10900] =	vst v63  }
0x3f9: {  	_ =	swait.ge [sflag:s23], $0x8000  }
0x3fa: {  	[sflag:s23] =	ssyncset.done $0x0  }
0x3fb: {  	[sflag:s23] =	ssyncadd.s32 $0xFFFF8000  }
0x3fc: {  	[hbm4b:s12+s3] =	stream.linear.scatter [tilespmem:s20], [sflag:$0x4], $0x8000, $0x38;
	[tilespmem:$0x10900] =	vst v63  }
0x3fd: {  	_ =	swait.ge [sflag:s18], $0x8000  }
0x3fe: {  	[sflag:s18] =	ssyncset.done $0x0  }
0x3ff: {  	[sflag:s18] =	ssyncadd.s32 $0xFFFF8000  }
0x400: {  	_ =	swait.ge [sflag:s19], $0x8000  }
0x401: {  	[sflag:s19] =	ssyncset.done $0x0  }
0x402: {  	[sflag:s19] =	ssyncadd.s32 $0xFFFF8000  }
0x403: {  	v4 =	vld [tilespmem:$0x10800];
	_ =	sdelay $0x4  }
0x404: {  	v3 =	vadd.s32 v3, v4  }
0x405: {  	[tilespmem:$0x10880] =	vst v3  }
0x406: {  	[tilespmem:s6], [sflag:$0x5] =	stream.linear.gather [hbm4b:s11+s3], $0x800, $0x38;
	[tilespmem:$0x10900] =	vst v63  }
0x407: {  	_ =	swait.ge [sflag:s5], $0x800  }
0x408: {  	[sflag:s5] =	ssyncset.done $0x0  }
0x409: {  	[sflag:s5] =	ssyncadd.s32 $0xFFFFF800  }
0x40a: {  	[hbm4b:s2+s8] =	stream.indirect.scatter [tilespmem:s6], [sflag:$0x5], $0x80, s9, s8, $0xb8;
	[tilespmem:$0x10900] =	vst v63  }
0x40b: {  	_ =	swait.ge [sflag:s5], $0x800  }
0x40c: {  	[sflag:s5] =	ssyncset.done $0x0  }
0x40d: {  	[sflag:s5] =	ssyncadd.s32 $0xFFFFF800  }
0x40e: {  	v61 =	vld [tilespmem:$0x10800];
	_ =	sdelay $0x4  }
0x40f: {  	v2 =	vadd.s32 v2, v61  }
0x410: {  	[tilespmem:$0x10880] =	vst v2  }
0x411: {  	[tilespmem:s6], [sflag:$0x5] =	stream.linear.gather [hbm4b:s10+s3], $0x800, $0x38;
	[tilespmem:$0x10900] =	vst v63  }
0x412: {  	_ =	swait.ge [sflag:s5], $0x800  }
0x413: {  	[sflag:s5] =	ssyncset.done $0x0  }
0x414: {  	[sflag:s5] =	ssyncadd.s32 $0xFFFFF800  }
0x415: {  	[hbm4b:s2+s8] =	stream.indirect.scatter [tilespmem:s6], [sflag:$0x5], $0x80, s9, s8, $0xb8;
	[tilespmem:$0x10900] =	vst v63  }
0x416: {  	_ =	swait.ge [sflag:s5], $0x800  }
0x417: {  	[sflag:s5] =	ssyncset.done $0x0  }
0x418: {  	[sflag:s5] =	ssyncadd.s32 $0xFFFFF800  }
0x419: {  	v62 =	vld [tilespmem:$0x10800];
	_ =	sdelay $0x4  }
0x41a: {  	v1 =	vadd.s32 v1, v62  }
0x41b: {  	[tilespmem:$0x10880] =	vst v1  }
0x41c: {  	[tilespmem:s6], [sflag:$0x5] =	stream.linear.gather [hbm4b:s7+s3], $0x800, $0x38;
	[tilespmem:$0x10900] =	vst v63  }
0x41d: {  	_ =	swait.ge [sflag:s5], $0x800  }
0x41e: {  	[sflag:s5] =	ssyncset.done $0x0  }
0x41f: {  	[sflag:s5] =	ssyncadd.s32 $0xFFFFF800  }
0x420: {  	[hbm4b:s2+s8] =	stream.indirect.scatter [tilespmem:s6], [sflag:$0x5], $0x80, s9, s8, $0xb8;
	[tilespmem:$0x10900] =	vst v63  }
0x421: {  	_ =	swait.ge [sflag:s5], $0x800  }
0x422: {  	[sflag:s5] =	ssyncset.done $0x0  }
0x423: {  	[sflag:s5] =	ssyncadd.s32 $0xFFFFF800  }
0x424: {  	v63 =	vld [tilespmem:$0x10800];
	_ =	sdelay $0x4  }
0x425: {  	v0 =	vadd.s32 v0, v63  }
0x426: {  	[tilespmem:$0x10880] =	vst v0  }
0x427: {  	[tilespmem:s6], [sflag:$0x5] =	stream.linear.gather [hbm4b:s4+s3], $0x800, $0x38;
	[tilespmem:$0x10900] =	vst v63  }
0x428: {  	_ =	swait.ge [sflag:s5], $0x800  }
0x429: {  	[sflag:s5] =	ssyncset.done $0x0  }
0x42a: {  	[sflag:s5] =	ssyncadd.s32 $0xFFFFF800  }
0x42b: {  	[hbm4b:s2+s8] =	stream.indirect.scatter [tilespmem:s6], [sflag:$0x5], $0x80, s9, s8, $0xb8;
	[tilespmem:$0x10900] =	vst v63  }
0x42c: {  	_ =	swait.ge [sflag:s5], $0x800  }
0x42d: {  	[sflag:s5] =	ssyncset.done $0x0  }
0x42e: {  	[sflag:s5] =	ssyncadd.s32 $0xFFFFF800  }
0x42f: {  	_ =	sfence.sel $0x180000  }
0x430: {  	[bflag:$0x0] =	sbarrier.arrive $0xFFFF  }
0x431: {  	_ =	strace $0x90000047  }
0x432: {  	[bflag:$0x2] =	sbarrier.arrive $0xFFFF  }
0x433: {  	p0 =	sne.s32 s30, $0x0;
	s0 =	rddreg [dreg:$0x4]  }
0x434: {  	s0 =	sadd.s32 @!p0 $0x100000, s0  }
0x435: {  	[sflag:s0] =	ssyncadd.tile.s32 @!p0 $0x1;
	_ =	shalt  }
.LBB2_2:
.Ltmp3:
0x436: {  	(pc) =	sbr.rel .LBB2_5-.Ltmp3, $2  }
0x437: {  	_ =	sdelay $0x2  }
0x438: {  	s1 =	simm.s32 $0x10800;
	s30 =	stileid.u32  }
.Lfunc_end2:
_tile_overlayer_lowered:
.L_overlay_start_2:
0x439: {  	(tag) =	ssettag $0x2  }
0x43a: {  	s0 =	rddreg [dreg:$0x0];
	s2 =	stileid.u32  }
0x43b: {  	s1 =	rddreg [dreg:$0x1];
	p0 =	sne.s32 s2, $0x0  }
0x43c: {  	s3 =	rddreg [dreg:$0x2];
	[bflag:$0x3] =	sbarrier.arrive $0xFFFF;
	s2 =	simm.s32 @!p0 $0x1C07  }
0x43d: {  	[timem:s3], [sflag:s2] =	dma.local @!p0 [hbm:s0], s1  }
0x43e: {  	s0 =	simm.s32 @!p0 $0x7  }
0x43f: {  	_ =	swait.ge @!p0 [sflag:s0], s1  }
0x440: {  	s1 =	ssub.s32 @!p0 $0x0, s1;
	[sflag:s0] =	ssyncset.done @!p0 $0x0  }
0x441: {  	[sflag:s0] =	ssyncadd.s32 @!p0 s1  }
0x442: {  	[bflag:$0x3] =	sbarrier.arrive $0xFFFF  }
0x443: {  	_ =	shalt  }

</sc_bundles>
